<compile_context>
chip_gen: v7x
topology: tpu7x:2x2x1
jax: 0.10.2.dev20260603
libtpu: 0.0.44.dev20260713+nightly
codegen_flags: <defaults>
</compile_context>

<pallas_src>
import functools

import jax
import jax.numpy as jnp
from jax import lax
from jax.experimental import pallas as pl
from jax.experimental.pallas import tpu as pltpu
from jax.experimental.pallas import tpu_sc as plsc

_NC = 2
_NS = 16
_L = 16
_BB = 128
_Q = 256


@functools.lru_cache(maxsize=None)
def _make_gather(b, t, vocab, toff, tsub):
    thalf = tsub // 2
    nsu = thalf * 2
    nct = b // _BB
    mesh = plsc.VectorSubcoreMesh(core_axis_name="c", subcore_axis_name="s")

    @functools.partial(
        pl.kernel,
        mesh=mesh,
        compiler_params=pltpu.CompilerParams(needs_layout_passes=False),
        out_type=jax.ShapeDtypeStruct((tsub, nct, 4, 2, _BB, 128), jnp.float32),
        scratch_types=[
            pltpu.VMEM((32, _BB), jnp.int32),
            [pltpu.VMEM((_BB, 2, 128), jnp.float32) for _ in range(2)],
            [pltpu.VMEM((_BB,), jnp.int32) for _ in range(2)],
            [pltpu.SemaphoreType.DMA for _ in range(2)],
            [pltpu.SemaphoreType.DMA for _ in range(2)],
        ],
    )
    def gather(idxc_hbm, tq_hbm, mid_hbm, idx_v, inb, idxr, gsem, wsem):
        wid = lax.axis_index("s") * _NC + lax.axis_index("c")
        h = wid & 1
        ct = (wid >> 1) & 7
        tg = wid >> 4
        t0 = toff + thalf * tg
        base = lax.div(t0, 8) * 8
        pltpu.sync_copy(idxc_hbm.at[ct, pl.ds(pl.multiple_of(base, 8), 32)],
                        idx_v)

        def build_idx(su, p):
            tloc = t0 - base + lax.div(su, 2)
            qbase = (2 * h + p) * vocab
            for k in range(8):
                idxr[p][pl.ds(_L * k, _L)] = idx_v[tloc, pl.ds(_L * k, _L)] + qbase

        def issue_gather(p):
            pltpu.async_copy(tq_hbm.at[idxr[p]], inb[p], gsem[p])

        def wait_gather(p):
            pltpu.make_async_copy(tq_hbm.at[idxr[p]], inb[p], gsem[p]).wait()

        def wr_descs(su, p, s):
            tt = tg * thalf + lax.div(su, 2)
            return (inb[p].at[:, s, :], mid_hbm.at[tt, ct, 2 * h + p, s])

        def issue_writes(su, p):
            for s in range(2):
                src, dst = wr_descs(su, p, s)
                pltpu.async_copy(src, dst, wsem[p])

        def wait_writes(su, p):
            for s in range(2):
                src, dst = wr_descs(su, p, s)
                pltpu.make_async_copy(src, dst, wsem[p]).wait()

        build_idx(0, 0)
        issue_gather(0)
        build_idx(1, 1)
        issue_gather(1)

        @pl.loop(0, nsu, step=2)
        def _body(j0):
            for p in range(2):
                su = j0 + p
                wait_gather(p)
                issue_writes(su, p)

                @pl.when(su + 2 < nsu)
                def _():
                    wait_writes(su, p)
                    build_idx(su + 2, p)
                    issue_gather(p)

        for p in range(2):
            wait_writes(nsu - 2 + p, p)

    return gather


def _tc_transpose_body(mid_ref, o_ref):
    x = mid_ref[0, 0]
    xt = jnp.transpose(x, (0, 1, 3, 2))
    o_ref[0] = xt.reshape(-1, _BB)[:o_ref.shape[1]]


def _tc_transpose_alias_body(mid_ref, prev_ref, o_ref):
    del prev_ref
    _tc_transpose_body(mid_ref, o_ref)


@functools.lru_cache(maxsize=None)
def _make_tc_transpose(b, t, vocab, toff, tsub, aliased):
    nct = b // _BB
    mid_spec = pl.BlockSpec((1, 1, 4, 2, _BB, 128),
                            lambda tt, ct: (tt, ct, 0, 0, 0, 0))
    out_spec = pl.BlockSpec((1, vocab, _BB),
                            lambda tt, ct: (toff + tt, 0, ct))
    if aliased:
        return pl.pallas_call(
            _tc_transpose_alias_body,
            grid=(tsub, nct),
            in_specs=[mid_spec, pl.BlockSpec(memory_space=pl.ANY)],
            out_specs=out_spec,
            out_shape=jax.ShapeDtypeStruct((t, vocab, b), jnp.float32),
            input_output_aliases={1: 0},
        )
    return pl.pallas_call(
        _tc_transpose_body,
        grid=(tsub, nct),
        in_specs=[mid_spec],
        out_specs=out_spec,
        out_shape=jax.ShapeDtypeStruct((t, vocab, b), jnp.float32),
    )


def kernel(idx, table):
    b, t = idx.shape
    vocab = table.shape[1]
    vp = (vocab + 127) // 128 * 128
    idxc = (jnp.pad(idx.astype(jnp.int32).T, ((0, -t % 8), (0, 0)))
            .reshape(-1, b // _BB, _BB).transpose(1, 0, 2))
    tq = (jnp.pad(table, ((0, 0), (0, vp - vocab)))
          .reshape(vocab, 4, 2, 128).transpose(1, 0, 2, 3)
          .reshape(4 * vocab, 2, 128))
    nchain = 4
    step = t // nchain // 2 * 2
    sizes = [step] * (nchain - 1) + [t - step * (nchain - 1)]
    mids, offs, toff = [], [], 0
    for tsub in sizes:
        mids.append(_make_gather(b, t, vocab, toff, tsub)(idxc, tq))
        offs.append(toff)
        toff += tsub
    out3 = _make_tc_transpose(b, t, vocab, offs[0], sizes[0], False)(mids[0])
    for i in range(1, nchain):
        out3 = _make_tc_transpose(b, t, vocab, offs[i], sizes[i], True)(
            mids[i], out3)
    return jnp.transpose(out3, (2, 0, 1))

# --- scband reference (transcript-rebuilt; emitter-appended) ---
"""Pipeline reference for scband-bigram-language-model-ver1-14035953123650 (READ-ONLY COPY).

The authoritative reference and input builder live on the scoring server;
editing this copy changes nothing except your own understanding.
"""

import jax, jax.numpy as jnp
import numpy as np

VOCAB = 1000
B, T = 1024, 50

def setup_inputs(seed: int = 0) -> dict:
    key = jax.random.key(seed)
    k_idx, k_tab = jax.random.split(key)
    idx = jax.random.randint(k_idx, (B, T), 0, VOCAB, dtype=jnp.int64 if jax.config.jax_enable_x64 else jnp.int32)
    table = jax.random.normal(k_tab, (VOCAB, VOCAB), dtype=jnp.float32)
    return {"idx": idx, "table": table}

def reference(idx, table):
    # BigramLanguageModelVer1.forward with targets=None:
    # logits = token_embedding_table(idx); loss = None
    logits = jnp.take(table, idx, axis=0)  # [B, T, VOCAB]
    return logits

if __name__ == "__main__":
    import jax
    _d = setup_inputs()
    print(jax.jit(kernel)(*tuple(_d.values())))

</pallas_src>

<mosaic_0001>
#map = affine_map<(d0, d1) -> (0, 0, 0)>
#map1 = affine_map<(d0, d1) -> (0, 0, 0, 0, 0, 0)>
module attributes {stable_mosaic.version = 14 : i64} {
  func.func @gather(%arg0: i32, %arg1: i32, %arg2: memref<8x56x128xi32, #tpu.memory_space<hbm>>, %arg3: memref<4000x2x128xf32, #tpu.memory_space<hbm>>, %arg4: memref<12x8x4x2x128x128xf32, #tpu.memory_space<hbm>>, %arg5: memref<32x128xi32, #tpu.memory_space<vmem>>, %arg6: memref<128x2x128xf32, #tpu.memory_space<vmem>>, %arg7: memref<128x2x128xf32, #tpu.memory_space<vmem>>, %arg8: memref<128xi32, #tpu.memory_space<vmem>>, %arg9: memref<128xi32, #tpu.memory_space<vmem>>, %arg10: memref<!tpu.dma_semaphore, #tpu.memory_space<semaphore_mem>>, %arg11: memref<!tpu.dma_semaphore, #tpu.memory_space<semaphore_mem>>, %arg12: memref<!tpu.dma_semaphore, #tpu.memory_space<semaphore_mem>>, %arg13: memref<!tpu.dma_semaphore, #tpu.memory_space<semaphore_mem>>) attributes {dimension_semantics = [#tpu.dimension_semantics<core_parallel>, #tpu.dimension_semantics<subcore_parallel>], iteration_bounds = array<i64: 2, 16>, scalar_prefetch = 0 : i64, scratch_operands = 9 : i64, tpu.core_type = #tpu.core_type<sc_vector_subcore>, window_params = [{transform_indices = #map}, {transform_indices = #map}, {transform_indices = #map1}]} {
    %mul3A = arith.constant 2 : i32
    %mul3A_0 = arith.muli %arg1, %mul3A : i32
    %add3A = arith.addi %mul3A_0, %arg0 : i32
    %and3A = arith.constant 1 : i32
    %and3A_1 = arith.andi %add3A, %and3A : i32
    %shift_right_arithmetic3A = arith.constant 1 : i32
    %shift_right_arithmetic3A_2 = arith.shrsi %add3A, %shift_right_arithmetic3A : i32
    %and3A_3 = arith.constant 7 : i32
    %and3A_4 = arith.andi %shift_right_arithmetic3A_2, %and3A_3 : i32
    %shift_right_arithmetic3A_5 = arith.constant 4 : i32
    %shift_right_arithmetic3A_6 = arith.shrsi %add3A, %shift_right_arithmetic3A_5 : i32
    %mul3A_7 = arith.constant 6 : i32
    %mul3A_8 = arith.muli %mul3A_7, %shift_right_arithmetic3A_6 : i32
    %add3A_9 = arith.constant 12 : i32
    %add3A_10 = arith.addi %add3A_9, %mul3A_8 : i32
    %div3A = arith.constant 8 : i32
    %div3A_11 = arith.divsi %add3A_10, %div3A : i32
    %mul3A_12 = arith.constant 8 : i32
    %mul3A_13 = arith.muli %div3A_11, %mul3A_12 : i32
    %multiple_of3A = tpu.assume_multiple %mul3A_13, 8 : i32
    "tpu.region"() ({
      %run_scoped3A = tpu.sem_alloc : memref<!tpu.dma_semaphore, #tpu.memory_space<semaphore_mem>>
      %dma_start3A_267 = arith.constant 0 : i32
      %dma_start3A_268 = tpu.memref_slice %arg2[%and3A_4, %multiple_of3A, %dma_start3A_267] : memref<8x56x128xi32, #tpu.memory_space<hbm>> -> memref<1x32x128xi32, #tpu.memory_space<hbm>>
      %dma_start3A_269 = tpu.memref_squeeze %dma_start3A_268 : memref<1x32x128xi32, #tpu.memory_space<hbm>> -> memref<32x128xi32, #tpu.memory_space<hbm>>
      %dma_start3A_270 = arith.constant 0 : i32
      %dma_start3A_271 = tpu.memref_slice %arg2[%and3A_4, %multiple_of3A, %dma_start3A_270] : memref<8x56x128xi32, #tpu.memory_space<hbm>> -> memref<1x32x128xi32, #tpu.memory_space<hbm>>
      %dma_start3A_272 = tpu.memref_squeeze %dma_start3A_271 : memref<1x32x128xi32, #tpu.memory_space<hbm>> -> memref<32x128xi32, #tpu.memory_space<hbm>>
      tpu.enqueue_dma source(%dma_start3A_272 : memref<32x128xi32, #tpu.memory_space<hbm>>) target(%arg5 : memref<32x128xi32, #tpu.memory_space<vmem>>) target_semaphore(%run_scoped3A : memref<!tpu.dma_semaphore, #tpu.memory_space<semaphore_mem>>)
      %dma_wait3A_273 = arith.constant 0 : i32
      %dma_wait3A_274 = tpu.memref_slice %arg2[%and3A_4, %multiple_of3A, %dma_wait3A_273] : memref<8x56x128xi32, #tpu.memory_space<hbm>> -> memref<1x32x128xi32, #tpu.memory_space<hbm>>
      %dma_wait3A_275 = tpu.memref_squeeze %dma_wait3A_274 : memref<1x32x128xi32, #tpu.memory_space<hbm>> -> memref<32x128xi32, #tpu.memory_space<hbm>>
      %dma_wait3A_276 = arith.constant 0 : i32
      %dma_wait3A_277 = tpu.memref_slice %arg2[%and3A_4, %multiple_of3A, %dma_wait3A_276] : memref<8x56x128xi32, #tpu.memory_space<hbm>> -> memref<1x32x128xi32, #tpu.memory_space<hbm>>
      %dma_wait3A_278 = tpu.memref_squeeze %dma_wait3A_277 : memref<1x32x128xi32, #tpu.memory_space<hbm>> -> memref<32x128xi32, #tpu.memory_space<hbm>>
      tpu.wait_dma2 semaphore(%run_scoped3A : memref<!tpu.dma_semaphore, #tpu.memory_space<semaphore_mem>>) src(%dma_wait3A_278 : memref<32x128xi32, #tpu.memory_space<hbm>>) dst(%arg5 : memref<32x128xi32, #tpu.memory_space<vmem>>)
      tpu.yield
    }) : () -> ()
    %sub3A = arith.subi %add3A_10, %mul3A_13 : i32
    %div3A_14 = arith.constant 0 : i32
    %div3A_15 = arith.constant 2 : i32
    %div3A_16 = arith.divsi %div3A_14, %div3A_15 : i32
    %add3A_17 = arith.addi %sub3A, %div3A_16 : i32
    %mul3A_18 = arith.constant 2 : i32
    %mul3A_19 = arith.muli %mul3A_18, %and3A_1 : i32
    %add3A_20 = arith.constant 0 : i32
    %add3A_21 = arith.addi %mul3A_19, %add3A_20 : i32
    %mul3A_22 = arith.constant 1000 : i32
    %mul3A_23 = arith.muli %add3A_21, %mul3A_22 : i32
    %get3A = arith.index_cast %add3A_17 : i32 to index
    %get3A_24 = arith.constant 0 : index
    %get3A_25 = tpu.vector_load %arg5[%get3A, %get3A_24] {strides = array<i32>} : memref<32x128xi32, #tpu.memory_space<vmem>>, vector<16xi32>,
    %add3A_26 = vector.broadcast %mul3A_23 : i32 to vector<16xi32>
    %add3A_27 = arith.addi %get3A_25, %add3A_26 : vector<16xi32>
    %swap3A = arith.constant 0 : index
    %swap3A_28 = tpu.vector_load %arg8[%swap3A] {strides = array<i32>} : memref<128xi32, #tpu.memory_space<vmem>>, vector<16xi32>,
    tpu.vector_store %arg8[%swap3A], %add3A_27 {strides = array<i32>} : memref<128xi32, #tpu.memory_space<vmem>>, vector<16xi32>,
    %get3A_29 = arith.index_cast %add3A_17 : i32 to index
    %get3A_30 = arith.constant 16 : index
    %get3A_31 = tpu.vector_load %arg5[%get3A_29, %get3A_30] {strides = array<i32>} : memref<32x128xi32, #tpu.memory_space<vmem>>, vector<16xi32>,
    %add3A_32 = vector.broadcast %mul3A_23 : i32 to vector<16xi32>
    %add3A_33 = arith.addi %get3A_31, %add3A_32 : vector<16xi32>
    %swap3A_34 = arith.constant 16 : index
    %swap3A_35 = tpu.vector_load %arg8[%swap3A_34] {strides = array<i32>} : memref<128xi32, #tpu.memory_space<vmem>>, vector<16xi32>,
    tpu.vector_store %arg8[%swap3A_34], %add3A_33 {strides = array<i32>} : memref<128xi32, #tpu.memory_space<vmem>>, vector<16xi32>,
    %get3A_36 = arith.index_cast %add3A_17 : i32 to index
    %get3A_37 = arith.constant 32 : index
    %get3A_38 = tpu.vector_load %arg5[%get3A_36, %get3A_37] {strides = array<i32>} : memref<32x128xi32, #tpu.memory_space<vmem>>, vector<16xi32>,
    %add3A_39 = vector.broadcast %mul3A_23 : i32 to vector<16xi32>
    %add3A_40 = arith.addi %get3A_38, %add3A_39 : vector<16xi32>
    %swap3A_41 = arith.constant 32 : index
    %swap3A_42 = tpu.vector_load %arg8[%swap3A_41] {strides = array<i32>} : memref<128xi32, #tpu.memory_space<vmem>>, vector<16xi32>,
    tpu.vector_store %arg8[%swap3A_41], %add3A_40 {strides = array<i32>} : memref<128xi32, #tpu.memory_space<vmem>>, vector<16xi32>,
    %get3A_43 = arith.index_cast %add3A_17 : i32 to index
    %get3A_44 = arith.constant 48 : index
    %get3A_45 = tpu.vector_load %arg5[%get3A_43, %get3A_44] {strides = array<i32>} : memref<32x128xi32, #tpu.memory_space<vmem>>, vector<16xi32>,
    %add3A_46 = vector.broadcast %mul3A_23 : i32 to vector<16xi32>
    %add3A_47 = arith.addi %get3A_45, %add3A_46 : vector<16xi32>
    %swap3A_48 = arith.constant 48 : index
    %swap3A_49 = tpu.vector_load %arg8[%swap3A_48] {strides = array<i32>} : memref<128xi32, #tpu.memory_space<vmem>>, vector<16xi32>,
    tpu.vector_store %arg8[%swap3A_48], %add3A_47 {strides = array<i32>} : memref<128xi32, #tpu.memory_space<vmem>>, vector<16xi32>,
    %get3A_50 = arith.index_cast %add3A_17 : i32 to index
    %get3A_51 = arith.constant 64 : index
    %get3A_52 = tpu.vector_load %arg5[%get3A_50, %get3A_51] {strides = array<i32>} : memref<32x128xi32, #tpu.memory_space<vmem>>, vector<16xi32>,
    %add3A_53 = vector.broadcast %mul3A_23 : i32 to vector<16xi32>
    %add3A_54 = arith.addi %get3A_52, %add3A_53 : vector<16xi32>
    %swap3A_55 = arith.constant 64 : index
    %swap3A_56 = tpu.vector_load %arg8[%swap3A_55] {strides = array<i32>} : memref<128xi32, #tpu.memory_space<vmem>>, vector<16xi32>,
    tpu.vector_store %arg8[%swap3A_55], %add3A_54 {strides = array<i32>} : memref<128xi32, #tpu.memory_space<vmem>>, vector<16xi32>,
    %get3A_57 = arith.index_cast %add3A_17 : i32 to index
    %get3A_58 = arith.constant 80 : index
    %get3A_59 = tpu.vector_load %arg5[%get3A_57, %get3A_58] {strides = array<i32>} : memref<32x128xi32, #tpu.memory_space<vmem>>, vector<16xi32>,
    %add3A_60 = vector.broadcast %mul3A_23 : i32 to vector<16xi32>
    %add3A_61 = arith.addi %get3A_59, %add3A_60 : vector<16xi32>
    %swap3A_62 = arith.constant 80 : index
    %swap3A_63 = tpu.vector_load %arg8[%swap3A_62] {strides = array<i32>} : memref<128xi32, #tpu.memory_space<vmem>>, vector<16xi32>,
    tpu.vector_store %arg8[%swap3A_62], %add3A_61 {strides = array<i32>} : memref<128xi32, #tpu.memory_space<vmem>>, vector<16xi32>,
    %get3A_64 = arith.index_cast %add3A_17 : i32 to index
    %get3A_65 = arith.constant 96 : index
    %get3A_66 = tpu.vector_load %arg5[%get3A_64, %get3A_65] {strides = array<i32>} : memref<32x128xi32, #tpu.memory_space<vmem>>, vector<16xi32>,
    %add3A_67 = vector.broadcast %mul3A_23 : i32 to vector<16xi32>
    %add3A_68 = arith.addi %get3A_66, %add3A_67 : vector<16xi32>
    %swap3A_69 = arith.constant 96 : index
    %swap3A_70 = tpu.vector_load %arg8[%swap3A_69] {strides = array<i32>} : memref<128xi32, #tpu.memory_space<vmem>>, vector<16xi32>,
    tpu.vector_store %arg8[%swap3A_69], %add3A_68 {strides = array<i32>} : memref<128xi32, #tpu.memory_space<vmem>>, vector<16xi32>,
    %get3A_71 = arith.index_cast %add3A_17 : i32 to index
    %get3A_72 = arith.constant 112 : index
    %get3A_73 = tpu.vector_load %arg5[%get3A_71, %get3A_72] {strides = array<i32>} : memref<32x128xi32, #tpu.memory_space<vmem>>, vector<16xi32>,
    %add3A_74 = vector.broadcast %mul3A_23 : i32 to vector<16xi32>
    %add3A_75 = arith.addi %get3A_73, %add3A_74 : vector<16xi32>
    %swap3A_76 = arith.constant 112 : index
    %swap3A_77 = tpu.vector_load %arg8[%swap3A_76] {strides = array<i32>} : memref<128xi32, #tpu.memory_space<vmem>>, vector<16xi32>,
    tpu.vector_store %arg8[%swap3A_76], %add3A_75 {strides = array<i32>} : memref<128xi32, #tpu.memory_space<vmem>>, vector<16xi32>,
    %dma_start3A = arith.constant 0 : i32
    %dma_start3A_78 = arith.constant 0 : i32
    %dma_start3A_79 = arith.constant 0 : i32
    %dma_start3A_80 = tpu.memref_slice %arg3[%dma_start3A, %dma_start3A_78, %dma_start3A_79] : memref<4000x2x128xf32, #tpu.memory_space<hbm>> -> memref<4000x2x128xf32, #tpu.memory_space<hbm>>
    tpu.enqueue_indirect_dma source(%dma_start3A_80 : memref<4000x2x128xf32, #tpu.memory_space<hbm>>) target(%arg6 : memref<128x2x128xf32, #tpu.memory_space<vmem>>) offsets(%arg8 : memref<128xi32, #tpu.memory_space<vmem>>) semaphore(%arg10 : memref<!tpu.dma_semaphore, #tpu.memory_space<semaphore_mem>>)
    %sub3A_81 = arith.subi %add3A_10, %mul3A_13 : i32
    %div3A_82 = arith.constant 1 : i32
    %div3A_83 = arith.constant 2 : i32
    %div3A_84 = arith.divsi %div3A_82, %div3A_83 : i32
    %add3A_85 = arith.addi %sub3A_81, %div3A_84 : i32
    %mul3A_86 = arith.constant 2 : i32
    %mul3A_87 = arith.muli %mul3A_86, %and3A_1 : i32
    %add3A_88 = arith.constant 1 : i32
    %add3A_89 = arith.addi %mul3A_87, %add3A_88 : i32
    %mul3A_90 = arith.constant 1000 : i32
    %mul3A_91 = arith.muli %add3A_89, %mul3A_90 : i32
    %get3A_92 = arith.index_cast %add3A_85 : i32 to index
    %get3A_93 = arith.constant 0 : index
    %get3A_94 = tpu.vector_load %arg5[%get3A_92, %get3A_93] {strides = array<i32>} : memref<32x128xi32, #tpu.memory_space<vmem>>, vector<16xi32>,
    %add3A_95 = vector.broadcast %mul3A_91 : i32 to vector<16xi32>
    %add3A_96 = arith.addi %get3A_94, %add3A_95 : vector<16xi32>
    %swap3A_97 = arith.constant 0 : index
    %swap3A_98 = tpu.vector_load %arg9[%swap3A_97] {strides = array<i32>} : memref<128xi32, #tpu.memory_space<vmem>>, vector<16xi32>,
    tpu.vector_store %arg9[%swap3A_97], %add3A_96 {strides = array<i32>} : memref<128xi32, #tpu.memory_space<vmem>>, vector<16xi32>,
    %get3A_99 = arith.index_cast %add3A_85 : i32 to index
    %get3A_100 = arith.constant 16 : index
    %get3A_101 = tpu.vector_load %arg5[%get3A_99, %get3A_100] {strides = array<i32>} : memref<32x128xi32, #tpu.memory_space<vmem>>, vector<16xi32>,
    %add3A_102 = vector.broadcast %mul3A_91 : i32 to vector<16xi32>
    %add3A_103 = arith.addi %get3A_101, %add3A_102 : vector<16xi32>
    %swap3A_104 = arith.constant 16 : index
    %swap3A_105 = tpu.vector_load %arg9[%swap3A_104] {strides = array<i32>} : memref<128xi32, #tpu.memory_space<vmem>>, vector<16xi32>,
    tpu.vector_store %arg9[%swap3A_104], %add3A_103 {strides = array<i32>} : memref<128xi32, #tpu.memory_space<vmem>>, vector<16xi32>,
    %get3A_106 = arith.index_cast %add3A_85 : i32 to index
    %get3A_107 = arith.constant 32 : index
    %get3A_108 = tpu.vector_load %arg5[%get3A_106, %get3A_107] {strides = array<i32>} : memref<32x128xi32, #tpu.memory_space<vmem>>, vector<16xi32>,
    %add3A_109 = vector.broadcast %mul3A_91 : i32 to vector<16xi32>
    %add3A_110 = arith.addi %get3A_108, %add3A_109 : vector<16xi32>
    %swap3A_111 = arith.constant 32 : index
    %swap3A_112 = tpu.vector_load %arg9[%swap3A_111] {strides = array<i32>} : memref<128xi32, #tpu.memory_space<vmem>>, vector<16xi32>,
    tpu.vector_store %arg9[%swap3A_111], %add3A_110 {strides = array<i32>} : memref<128xi32, #tpu.memory_space<vmem>>, vector<16xi32>,
    %get3A_113 = arith.index_cast %add3A_85 : i32 to index
    %get3A_114 = arith.constant 48 : index
    %get3A_115 = tpu.vector_load %arg5[%get3A_113, %get3A_114] {strides = array<i32>} : memref<32x128xi32, #tpu.memory_space<vmem>>, vector<16xi32>,
    %add3A_116 = vector.broadcast %mul3A_91 : i32 to vector<16xi32>
    %add3A_117 = arith.addi %get3A_115, %add3A_116 : vector<16xi32>
    %swap3A_118 = arith.constant 48 : index
    %swap3A_119 = tpu.vector_load %arg9[%swap3A_118] {strides = array<i32>} : memref<128xi32, #tpu.memory_space<vmem>>, vector<16xi32>,
    tpu.vector_store %arg9[%swap3A_118], %add3A_117 {strides = array<i32>} : memref<128xi32, #tpu.memory_space<vmem>>, vector<16xi32>,
    %get3A_120 = arith.index_cast %add3A_85 : i32 to index
    %get3A_121 = arith.constant 64 : index
    %get3A_122 = tpu.vector_load %arg5[%get3A_120, %get3A_121] {strides = array<i32>} : memref<32x128xi32, #tpu.memory_space<vmem>>, vector<16xi32>,
    %add3A_123 = vector.broadcast %mul3A_91 : i32 to vector<16xi32>
    %add3A_124 = arith.addi %get3A_122, %add3A_123 : vector<16xi32>
    %swap3A_125 = arith.constant 64 : index
    %swap3A_126 = tpu.vector_load %arg9[%swap3A_125] {strides = array<i32>} : memref<128xi32, #tpu.memory_space<vmem>>, vector<16xi32>,
    tpu.vector_store %arg9[%swap3A_125], %add3A_124 {strides = array<i32>} : memref<128xi32, #tpu.memory_space<vmem>>, vector<16xi32>,
    %get3A_127 = arith.index_cast %add3A_85 : i32 to index
    %get3A_128 = arith.constant 80 : index
    %get3A_129 = tpu.vector_load %arg5[%get3A_127, %get3A_128] {strides = array<i32>} : memref<32x128xi32, #tpu.memory_space<vmem>>, vector<16xi32>,
    %add3A_130 = vector.broadcast %mul3A_91 : i32 to vector<16xi32>
    %add3A_131 = arith.addi %get3A_129, %add3A_130 : vector<16xi32>
    %swap3A_132 = arith.constant 80 : index
    %swap3A_133 = tpu.vector_load %arg9[%swap3A_132] {strides = array<i32>} : memref<128xi32, #tpu.memory_space<vmem>>, vector<16xi32>,
    tpu.vector_store %arg9[%swap3A_132], %add3A_131 {strides = array<i32>} : memref<128xi32, #tpu.memory_space<vmem>>, vector<16xi32>,
    %get3A_134 = arith.index_cast %add3A_85 : i32 to index
    %get3A_135 = arith.constant 96 : index
    %get3A_136 = tpu.vector_load %arg5[%get3A_134, %get3A_135] {strides = array<i32>} : memref<32x128xi32, #tpu.memory_space<vmem>>, vector<16xi32>,
    %add3A_137 = vector.broadcast %mul3A_91 : i32 to vector<16xi32>
    %add3A_138 = arith.addi %get3A_136, %add3A_137 : vector<16xi32>
    %swap3A_139 = arith.constant 96 : index
    %swap3A_140 = tpu.vector_load %arg9[%swap3A_139] {strides = array<i32>} : memref<128xi32, #tpu.memory_space<vmem>>, vector<16xi32>,
    tpu.vector_store %arg9[%swap3A_139], %add3A_138 {strides = array<i32>} : memref<128xi32, #tpu.memory_space<vmem>>, vector<16xi32>,
    %get3A_141 = arith.index_cast %add3A_85 : i32 to index
    %get3A_142 = arith.constant 112 : index
    %get3A_143 = tpu.vector_load %arg5[%get3A_141, %get3A_142] {strides = array<i32>} : memref<32x128xi32, #tpu.memory_space<vmem>>, vector<16xi32>,
    %add3A_144 = vector.broadcast %mul3A_91 : i32 to vector<16xi32>
    %add3A_145 = arith.addi %get3A_143, %add3A_144 : vector<16xi32>
    %swap3A_146 = arith.constant 112 : index
    %swap3A_147 = tpu.vector_load %arg9[%swap3A_146] {strides = array<i32>} : memref<128xi32, #tpu.memory_space<vmem>>, vector<16xi32>,
    tpu.vector_store %arg9[%swap3A_146], %add3A_145 {strides = array<i32>} : memref<128xi32, #tpu.memory_space<vmem>>, vector<16xi32>,
    %dma_start3A_148 = arith.constant 0 : i32
    %dma_start3A_149 = arith.constant 0 : i32
    %dma_start3A_150 = arith.constant 0 : i32
    %dma_start3A_151 = tpu.memref_slice %arg3[%dma_start3A_148, %dma_start3A_149, %dma_start3A_150] : memref<4000x2x128xf32, #tpu.memory_space<hbm>> -> memref<4000x2x128xf32, #tpu.memory_space<hbm>>
    tpu.enqueue_indirect_dma source(%dma_start3A_151 : memref<4000x2x128xf32, #tpu.memory_space<hbm>>) target(%arg7 : memref<128x2x128xf32, #tpu.memory_space<vmem>>) offsets(%arg9 : memref<128xi32, #tpu.memory_space<vmem>>) semaphore(%arg11 : memref<!tpu.dma_semaphore, #tpu.memory_space<semaphore_mem>>)
    %scan3A = arith.constant 0 : i32
    %scan3A_152 = arith.constant 6 : i32
    %scan3A_153 = arith.addi %scan3A, %scan3A_152 : i32
    %scan3A_154 = arith.constant 1 : i32
    scf.for %scan3A_267 = %scan3A to %scan3A_153 step %scan3A_154  : i32 {
      %mul3A_268 = arith.constant 2 : i32
      %mul3A_269 = arith.muli %scan3A_267, %mul3A_268 : i32
      %add3A_270 = arith.constant 0 : i32
      %add3A_271 = arith.addi %add3A_270, %mul3A_269 : i32
      %add3A_272 = arith.constant 0 : i32
      %add3A_273 = arith.addi %add3A_271, %add3A_272 : i32
      %dma_wait3A_274 = arith.constant 0 : i32
      %dma_wait3A_275 = arith.constant 0 : i32
      %dma_wait3A_276 = arith.constant 0 : i32
      %dma_wait3A_277 = tpu.memref_slice %arg3[%dma_wait3A_274, %dma_wait3A_275, %dma_wait3A_276] : memref<4000x2x128xf32, #tpu.memory_space<hbm>> -> memref<4000x2x128xf32, #tpu.memory_space<hbm>>
      tpu.wait_indirect_dma semaphore(%arg10 : memref<!tpu.dma_semaphore, #tpu.memory_space<semaphore_mem>>) src(%dma_wait3A_277 : memref<4000x2x128xf32, #tpu.memory_space<hbm>>) dst(%arg6 : memref<128x2x128xf32, #tpu.memory_space<vmem>>)
      %mul3A_278 = arith.constant 6 : i32
      %mul3A_279 = arith.muli %shift_right_arithmetic3A_6, %mul3A_278 : i32
      %div3A_280 = arith.constant 2 : i32
      %div3A_281 = arith.divsi %add3A_273, %div3A_280 : i32
      %add3A_282 = arith.addi %mul3A_279, %div3A_281 : i32
      %mul3A_283 = arith.constant 2 : i32
      %mul3A_284 = arith.muli %mul3A_283, %and3A_1 : i32
      %add3A_285 = arith.constant 0 : i32
      %add3A_286 = arith.addi %mul3A_284, %add3A_285 : i32
      %dma_start3A_287 = arith.constant 0 : i32
      %dma_start3A_288 = arith.constant 0 : i32
      %dma_start3A_289 = arith.constant 0 : i32
      %dma_start3A_290 = arith.constant 0 : i32
      %dma_start3A_291 = tpu.memref_slice %arg6[%dma_start3A_289, %dma_start3A_287, %dma_start3A_290] : memref<128x2x128xf32, #tpu.memory_space<vmem>> -> memref<128x1x128xf32, #tpu.memory_space<vmem>>
      %dma_start3A_292 = tpu.memref_squeeze %dma_start3A_291 : memref<128x1x128xf32, #tpu.memory_space<vmem>> -> memref<128x128xf32, #tpu.memory_space<vmem>>
      %dma_start3A_293 = arith.constant 0 : i32
      %dma_start3A_294 = arith.constant 0 : i32
      %dma_start3A_295 = tpu.memref_slice %arg4[%add3A_282, %and3A_4, %add3A_286, %dma_start3A_288, %dma_start3A_293, %dma_start3A_294] : memref<12x8x4x2x128x128xf32, #tpu.memory_space<hbm>> -> memref<1x1x1x1x128x128xf32, #tpu.memory_space<hbm>>
      %dma_start3A_296 = tpu.memref_squeeze %dma_start3A_295 : memref<1x1x1x1x128x128xf32, #tpu.memory_space<hbm>> -> memref<128x128xf32, #tpu.memory_space<hbm>>
      %dma_start3A_297 = arith.constant 0 : i32
      %dma_start3A_298 = arith.constant 0 : i32
      %dma_start3A_299 = tpu.memref_slice %arg4[%add3A_282, %and3A_4, %add3A_286, %dma_start3A_288, %dma_start3A_297, %dma_start3A_298] : memref<12x8x4x2x128x128xf32, #tpu.memory_space<hbm>> -> memref<1x1x1x1x128x128xf32, #tpu.memory_space<hbm>>
      %dma_start3A_300 = tpu.memref_squeeze %dma_start3A_299 : memref<1x1x1x1x128x128xf32, #tpu.memory_space<hbm>> -> memref<128x128xf32, #tpu.memory_space<hbm>>
      %dma_start3A_301 = arith.constant 0 : i32
      %dma_start3A_302 = arith.constant 0 : i32
      %dma_start3A_303 = tpu.memref_slice %arg6[%dma_start3A_301, %dma_start3A_287, %dma_start3A_302] : memref<128x2x128xf32, #tpu.memory_space<vmem>> -> memref<128x1x128xf32, #tpu.memory_space<vmem>>
      %dma_start3A_304 = tpu.memref_squeeze %dma_start3A_303 : memref<128x1x128xf32, #tpu.memory_space<vmem>> -> memref<128x128xf32, #tpu.memory_space<vmem>>
      tpu.enqueue_dma source(%dma_start3A_304 : memref<128x128xf32, #tpu.memory_space<vmem>>) target(%dma_start3A_300 : memref<128x128xf32, #tpu.memory_space<hbm>>) target_semaphore(%arg12 : memref<!tpu.dma_semaphore, #tpu.memory_space<semaphore_mem>>)
      %mul3A_305 = arith.constant 6 : i32
      %mul3A_306 = arith.muli %shift_right_arithmetic3A_6, %mul3A_305 : i32
      %div3A_307 = arith.constant 2 : i32
      %div3A_308 = arith.divsi %add3A_273, %div3A_307 : i32
      %add3A_309 = arith.addi %mul3A_306, %div3A_308 : i32
      %mul3A_310 = arith.constant 2 : i32
      %mul3A_311 = arith.muli %mul3A_310, %and3A_1 : i32
      %add3A_312 = arith.constant 0 : i32
      %add3A_313 = arith.addi %mul3A_311, %add3A_312 : i32
      %dma_start3A_314 = arith.constant 1 : i32
      %dma_start3A_315 = arith.constant 1 : i32
      %dma_start3A_316 = arith.constant 0 : i32
      %dma_start3A_317 = arith.constant 0 : i32
      %dma_start3A_318 = tpu.memref_slice %arg6[%dma_start3A_316, %dma_start3A_314, %dma_start3A_317] : memref<128x2x128xf32, #tpu.memory_space<vmem>> -> memref<128x1x128xf32, #tpu.memory_space<vmem>>
      %dma_start3A_319 = tpu.memref_squeeze %dma_start3A_318 : memref<128x1x128xf32, #tpu.memory_space<vmem>> -> memref<128x128xf32, #tpu.memory_space<vmem>>
      %dma_start3A_320 = arith.constant 0 : i32
      %dma_start3A_321 = arith.constant 0 : i32
      %dma_start3A_322 = tpu.memref_slice %arg4[%add3A_309, %and3A_4, %add3A_313, %dma_start3A_315, %dma_start3A_320, %dma_start3A_321] : memref<12x8x4x2x128x128xf32, #tpu.memory_space<hbm>> -> memref<1x1x1x1x128x128xf32, #tpu.memory_space<hbm>>
      %dma_start3A_323 = tpu.memref_squeeze %dma_start3A_322 : memref<1x1x1x1x128x128xf32, #tpu.memory_space<hbm>> -> memref<128x128xf32, #tpu.memory_space<hbm>>
      %dma_start3A_324 = arith.constant 0 : i32
      %dma_start3A_325 = arith.constant 0 : i32
      %dma_start3A_326 = tpu.memref_slice %arg4[%add3A_309, %and3A_4, %add3A_313, %dma_start3A_315, %dma_start3A_324, %dma_start3A_325] : memref<12x8x4x2x128x128xf32, #tpu.memory_space<hbm>> -> memref<1x1x1x1x128x128xf32, #tpu.memory_space<hbm>>
      %dma_start3A_327 = tpu.memref_squeeze %dma_start3A_326 : memref<1x1x1x1x128x128xf32, #tpu.memory_space<hbm>> -> memref<128x128xf32, #tpu.memory_space<hbm>>
      %dma_start3A_328 = arith.constant 0 : i32
      %dma_start3A_329 = arith.constant 0 : i32
      %dma_start3A_330 = tpu.memref_slice %arg6[%dma_start3A_328, %dma_start3A_314, %dma_start3A_329] : memref<128x2x128xf32, #tpu.memory_space<vmem>> -> memref<128x1x128xf32, #tpu.memory_space<vmem>>
      %dma_start3A_331 = tpu.memref_squeeze %dma_start3A_330 : memref<128x1x128xf32, #tpu.memory_space<vmem>> -> memref<128x128xf32, #tpu.memory_space<vmem>>
      tpu.enqueue_dma source(%dma_start3A_331 : memref<128x128xf32, #tpu.memory_space<vmem>>) target(%dma_start3A_327 : memref<128x128xf32, #tpu.memory_space<hbm>>) target_semaphore(%arg12 : memref<!tpu.dma_semaphore, #tpu.memory_space<semaphore_mem>>)
      %add3A_332 = arith.constant 2 : i32
      %add3A_333 = arith.addi %add3A_273, %add3A_332 : i32
      %lt3A = arith.constant 12 : i32
      %lt3A_334 = arith.cmpi slt, %add3A_333, %lt3A : i32
      %convert_element_type3A = arith.extui %lt3A_334 : i1 to i32
      %cond3A = arith.constant 0 : i32
      %cond3A_335 = arith.cmpi ne, %convert_element_type3A, %cond3A : i32
      scf.if %cond3A_335 {
        %mul3A_403 = arith.constant 6 : i32
        %mul3A_404 = arith.muli %shift_right_arithmetic3A_6, %mul3A_403 : i32
        %div3A_405 = arith.constant 2 : i32
        %div3A_406 = arith.divsi %add3A_273, %div3A_405 : i32
        %add3A_407 = arith.addi %mul3A_404, %div3A_406 : i32
        %mul3A_408 = arith.constant 2 : i32
        %mul3A_409 = arith.muli %mul3A_408, %and3A_1 : i32
        %add3A_410 = arith.constant 0 : i32
        %add3A_411 = arith.addi %mul3A_409, %add3A_410 : i32
        %dma_wait3A_412 = arith.constant 0 : i32
        %dma_wait3A_413 = arith.constant 0 : i32
        %dma_wait3A_414 = arith.constant 0 : i32
        %dma_wait3A_415 = arith.constant 0 : i32
        %dma_wait3A_416 = tpu.memref_slice %arg6[%dma_wait3A_414, %dma_wait3A_412, %dma_wait3A_415] : memref<128x2x128xf32, #tpu.memory_space<vmem>> -> memref<128x1x128xf32, #tpu.memory_space<vmem>>
        %dma_wait3A_417 = tpu.memref_squeeze %dma_wait3A_416 : memref<128x1x128xf32, #tpu.memory_space<vmem>> -> memref<128x128xf32, #tpu.memory_space<vmem>>
        %dma_wait3A_418 = arith.constant 0 : i32
        %dma_wait3A_419 = arith.constant 0 : i32
        %dma_wait3A_420 = tpu.memref_slice %arg4[%add3A_407, %and3A_4, %add3A_411, %dma_wait3A_413, %dma_wait3A_418, %dma_wait3A_419] : memref<12x8x4x2x128x128xf32, #tpu.memory_space<hbm>> -> memref<1x1x1x1x128x128xf32, #tpu.memory_space<hbm>>
        %dma_wait3A_421 = tpu.memref_squeeze %dma_wait3A_420 : memref<1x1x1x1x128x128xf32, #tpu.memory_space<hbm>> -> memref<128x128xf32, #tpu.memory_space<hbm>>
        %dma_wait3A_422 = arith.constant 0 : i32
        %dma_wait3A_423 = arith.constant 0 : i32
        %dma_wait3A_424 = tpu.memref_slice %arg4[%add3A_407, %and3A_4, %add3A_411, %dma_wait3A_413, %dma_wait3A_422, %dma_wait3A_423] : memref<12x8x4x2x128x128xf32, #tpu.memory_space<hbm>> -> memref<1x1x1x1x128x128xf32, #tpu.memory_space<hbm>>
        %dma_wait3A_425 = tpu.memref_squeeze %dma_wait3A_424 : memref<1x1x1x1x128x128xf32, #tpu.memory_space<hbm>> -> memref<128x128xf32, #tpu.memory_space<hbm>>
        %dma_wait3A_426 = arith.constant 0 : i32
        %dma_wait3A_427 = arith.constant 0 : i32
        %dma_wait3A_428 = tpu.memref_slice %arg6[%dma_wait3A_426, %dma_wait3A_412, %dma_wait3A_427] : memref<128x2x128xf32, #tpu.memory_space<vmem>> -> memref<128x1x128xf32, #tpu.memory_space<vmem>>
        %dma_wait3A_429 = tpu.memref_squeeze %dma_wait3A_428 : memref<128x1x128xf32, #tpu.memory_space<vmem>> -> memref<128x128xf32, #tpu.memory_space<vmem>>
        tpu.wait_dma2 semaphore(%arg12 : memref<!tpu.dma_semaphore, #tpu.memory_space<semaphore_mem>>) src(%dma_wait3A_429 : memref<128x128xf32, #tpu.memory_space<vmem>>) dst(%dma_wait3A_425 : memref<128x128xf32, #tpu.memory_space<hbm>>)
        %mul3A_430 = arith.constant 6 : i32
        %mul3A_431 = arith.muli %shift_right_arithmetic3A_6, %mul3A_430 : i32
        %div3A_432 = arith.constant 2 : i32
        %div3A_433 = arith.divsi %add3A_273, %div3A_432 : i32
        %add3A_434 = arith.addi %mul3A_431, %div3A_433 : i32
        %mul3A_435 = arith.constant 2 : i32
        %mul3A_436 = arith.muli %mul3A_435, %and3A_1 : i32
        %add3A_437 = arith.constant 0 : i32
        %add3A_438 = arith.addi %mul3A_436, %add3A_437 : i32
        %dma_wait3A_439 = arith.constant 1 : i32
        %dma_wait3A_440 = arith.constant 1 : i32
        %dma_wait3A_441 = arith.constant 0 : i32
        %dma_wait3A_442 = arith.constant 0 : i32
        %dma_wait3A_443 = tpu.memref_slice %arg6[%dma_wait3A_441, %dma_wait3A_439, %dma_wait3A_442] : memref<128x2x128xf32, #tpu.memory_space<vmem>> -> memref<128x1x128xf32, #tpu.memory_space<vmem>>
        %dma_wait3A_444 = tpu.memref_squeeze %dma_wait3A_443 : memref<128x1x128xf32, #tpu.memory_space<vmem>> -> memref<128x128xf32, #tpu.memory_space<vmem>>
        %dma_wait3A_445 = arith.constant 0 : i32
        %dma_wait3A_446 = arith.constant 0 : i32
        %dma_wait3A_447 = tpu.memref_slice %arg4[%add3A_434, %and3A_4, %add3A_438, %dma_wait3A_440, %dma_wait3A_445, %dma_wait3A_446] : memref<12x8x4x2x128x128xf32, #tpu.memory_space<hbm>> -> memref<1x1x1x1x128x128xf32, #tpu.memory_space<hbm>>
        %dma_wait3A_448 = tpu.memref_squeeze %dma_wait3A_447 : memref<1x1x1x1x128x128xf32, #tpu.memory_space<hbm>> -> memref<128x128xf32, #tpu.memory_space<hbm>>
        %dma_wait3A_449 = arith.constant 0 : i32
        %dma_wait3A_450 = arith.constant 0 : i32
        %dma_wait3A_451 = tpu.memref_slice %arg4[%add3A_434, %and3A_4, %add3A_438, %dma_wait3A_440, %dma_wait3A_449, %dma_wait3A_450] : memref<12x8x4x2x128x128xf32, #tpu.memory_space<hbm>> -> memref<1x1x1x1x128x128xf32, #tpu.memory_space<hbm>>
        %dma_wait3A_452 = tpu.memref_squeeze %dma_wait3A_451 : memref<1x1x1x1x128x128xf32, #tpu.memory_space<hbm>> -> memref<128x128xf32, #tpu.memory_space<hbm>>
        %dma_wait3A_453 = arith.constant 0 : i32
        %dma_wait3A_454 = arith.constant 0 : i32
        %dma_wait3A_455 = tpu.memref_slice %arg6[%dma_wait3A_453, %dma_wait3A_439, %dma_wait3A_454] : memref<128x2x128xf32, #tpu.memory_space<vmem>> -> memref<128x1x128xf32, #tpu.memory_space<vmem>>
        %dma_wait3A_456 = tpu.memref_squeeze %dma_wait3A_455 : memref<128x1x128xf32, #tpu.memory_space<vmem>> -> memref<128x128xf32, #tpu.memory_space<vmem>>
        tpu.wait_dma2 semaphore(%arg12 : memref<!tpu.dma_semaphore, #tpu.memory_space<semaphore_mem>>) src(%dma_wait3A_456 : memref<128x128xf32, #tpu.memory_space<vmem>>) dst(%dma_wait3A_452 : memref<128x128xf32, #tpu.memory_space<hbm>>)
        %add3A_457 = arith.constant 2 : i32
        %add3A_458 = arith.addi %add3A_273, %add3A_457 : i32
        %sub3A_459 = arith.subi %add3A_10, %mul3A_13 : i32
        %div3A_460 = arith.constant 2 : i32
        %div3A_461 = arith.divsi %add3A_458, %div3A_460 : i32
        %add3A_462 = arith.addi %sub3A_459, %div3A_461 : i32
        %mul3A_463 = arith.constant 2 : i32
        %mul3A_464 = arith.muli %mul3A_463, %and3A_1 : i32
        %add3A_465 = arith.constant 0 : i32
        %add3A_466 = arith.addi %mul3A_464, %add3A_465 : i32
        %mul3A_467 = arith.constant 1000 : i32
        %mul3A_468 = arith.muli %add3A_466, %mul3A_467 : i32
        %get3A_469 = arith.index_cast %add3A_462 : i32 to index
        %get3A_470 = arith.constant 0 : index
        %get3A_471 = tpu.vector_load %arg5[%get3A_469, %get3A_470] {strides = array<i32>} : memref<32x128xi32, #tpu.memory_space<vmem>>, vector<16xi32>,
        %add3A_472 = vector.broadcast %mul3A_468 : i32 to vector<16xi32>
        %add3A_473 = arith.addi %get3A_471, %add3A_472 : vector<16xi32>
        %swap3A_474 = arith.constant 0 : index
        %swap3A_475 = tpu.vector_load %arg8[%swap3A_474] {strides = array<i32>} : memref<128xi32, #tpu.memory_space<vmem>>, vector<16xi32>,
        tpu.vector_store %arg8[%swap3A_474], %add3A_473 {strides = array<i32>} : memref<128xi32, #tpu.memory_space<vmem>>, vector<16xi32>,
        %get3A_476 = arith.index_cast %add3A_462 : i32 to index
        %get3A_477 = arith.constant 16 : index
        %get3A_478 = tpu.vector_load %arg5[%get3A_476, %get3A_477] {strides = array<i32>} : memref<32x128xi32, #tpu.memory_space<vmem>>, vector<16xi32>,
        %add3A_479 = vector.broadcast %mul3A_468 : i32 to vector<16xi32>
        %add3A_480 = arith.addi %get3A_478, %add3A_479 : vector<16xi32>
        %swap3A_481 = arith.constant 16 : index
        %swap3A_482 = tpu.vector_load %arg8[%swap3A_481] {strides = array<i32>} : memref<128xi32, #tpu.memory_space<vmem>>, vector<16xi32>,
        tpu.vector_store %arg8[%swap3A_481], %add3A_480 {strides = array<i32>} : memref<128xi32, #tpu.memory_space<vmem>>, vector<16xi32>,
        %get3A_483 = arith.index_cast %add3A_462 : i32 to index
        %get3A_484 = arith.constant 32 : index
        %get3A_485 = tpu.vector_load %arg5[%get3A_483, %get3A_484] {strides = array<i32>} : memref<32x128xi32, #tpu.memory_space<vmem>>, vector<16xi32>,
        %add3A_486 = vector.broadcast %mul3A_468 : i32 to vector<16xi32>
        %add3A_487 = arith.addi %get3A_485, %add3A_486 : vector<16xi32>
        %swap3A_488 = arith.constant 32 : index
        %swap3A_489 = tpu.vector_load %arg8[%swap3A_488] {strides = array<i32>} : memref<128xi32, #tpu.memory_space<vmem>>, vector<16xi32>,
        tpu.vector_store %arg8[%swap3A_488], %add3A_487 {strides = array<i32>} : memref<128xi32, #tpu.memory_space<vmem>>, vector<16xi32>,
        %get3A_490 = arith.index_cast %add3A_462 : i32 to index
        %get3A_491 = arith.constant 48 : index
        %get3A_492 = tpu.vector_load %arg5[%get3A_490, %get3A_491] {strides = array<i32>} : memref<32x128xi32, #tpu.memory_space<vmem>>, vector<16xi32>,
        %add3A_493 = vector.broadcast %mul3A_468 : i32 to vector<16xi32>
        %add3A_494 = arith.addi %get3A_492, %add3A_493 : vector<16xi32>
        %swap3A_495 = arith.constant 48 : index
        %swap3A_496 = tpu.vector_load %arg8[%swap3A_495] {strides = array<i32>} : memref<128xi32, #tpu.memory_space<vmem>>, vector<16xi32>,
        tpu.vector_store %arg8[%swap3A_495], %add3A_494 {strides = array<i32>} : memref<128xi32, #tpu.memory_space<vmem>>, vector<16xi32>,
        %get3A_497 = arith.index_cast %add3A_462 : i32 to index
        %get3A_498 = arith.constant 64 : index
        %get3A_499 = tpu.vector_load %arg5[%get3A_497, %get3A_498] {strides = array<i32>} : memref<32x128xi32, #tpu.memory_space<vmem>>, vector<16xi32>,
        %add3A_500 = vector.broadcast %mul3A_468 : i32 to vector<16xi32>
        %add3A_501 = arith.addi %get3A_499, %add3A_500 : vector<16xi32>
        %swap3A_502 = arith.constant 64 : index
        %swap3A_503 = tpu.vector_load %arg8[%swap3A_502] {strides = array<i32>} : memref<128xi32, #tpu.memory_space<vmem>>, vector<16xi32>,
        tpu.vector_store %arg8[%swap3A_502], %add3A_501 {strides = array<i32>} : memref<128xi32, #tpu.memory_space<vmem>>, vector<16xi32>,
        %get3A_504 = arith.index_cast %add3A_462 : i32 to index
        %get3A_505 = arith.constant 80 : index
        %get3A_506 = tpu.vector_load %arg5[%get3A_504, %get3A_505] {strides = array<i32>} : memref<32x128xi32, #tpu.memory_space<vmem>>, vector<16xi32>,
        %add3A_507 = vector.broadcast %mul3A_468 : i32 to vector<16xi32>
        %add3A_508 = arith.addi %get3A_506, %add3A_507 : vector<16xi32>
        %swap3A_509 = arith.constant 80 : index
        %swap3A_510 = tpu.vector_load %arg8[%swap3A_509] {strides = array<i32>} : memref<128xi32, #tpu.memory_space<vmem>>, vector<16xi32>,
        tpu.vector_store %arg8[%swap3A_509], %add3A_508 {strides = array<i32>} : memref<128xi32, #tpu.memory_space<vmem>>, vector<16xi32>,
        %get3A_511 = arith.index_cast %add3A_462 : i32 to index
        %get3A_512 = arith.constant 96 : index
        %get3A_513 = tpu.vector_load %arg5[%get3A_511, %get3A_512] {strides = array<i32>} : memref<32x128xi32, #tpu.memory_space<vmem>>, vector<16xi32>,
        %add3A_514 = vector.broadcast %mul3A_468 : i32 to vector<16xi32>
        %add3A_515 = arith.addi %get3A_513, %add3A_514 : vector<16xi32>
        %swap3A_516 = arith.constant 96 : index
        %swap3A_517 = tpu.vector_load %arg8[%swap3A_516] {strides = array<i32>} : memref<128xi32, #tpu.memory_space<vmem>>, vector<16xi32>,
        tpu.vector_store %arg8[%swap3A_516], %add3A_515 {strides = array<i32>} : memref<128xi32, #tpu.memory_space<vmem>>, vector<16xi32>,
        %get3A_518 = arith.index_cast %add3A_462 : i32 to index
        %get3A_519 = arith.constant 112 : index
        %get3A_520 = tpu.vector_load %arg5[%get3A_518, %get3A_519] {strides = array<i32>} : memref<32x128xi32, #tpu.memory_space<vmem>>, vector<16xi32>,
        %add3A_521 = vector.broadcast %mul3A_468 : i32 to vector<16xi32>
        %add3A_522 = arith.addi %get3A_520, %add3A_521 : vector<16xi32>
        %swap3A_523 = arith.constant 112 : index
        %swap3A_524 = tpu.vector_load %arg8[%swap3A_523] {strides = array<i32>} : memref<128xi32, #tpu.memory_space<vmem>>, vector<16xi32>,
        tpu.vector_store %arg8[%swap3A_523], %add3A_522 {strides = array<i32>} : memref<128xi32, #tpu.memory_space<vmem>>, vector<16xi32>,
        %dma_start3A_525 = arith.constant 0 : i32
        %dma_start3A_526 = arith.constant 0 : i32
        %dma_start3A_527 = arith.constant 0 : i32
        %dma_start3A_528 = tpu.memref_slice %arg3[%dma_start3A_525, %dma_start3A_526, %dma_start3A_527] : memref<4000x2x128xf32, #tpu.memory_space<hbm>> -> memref<4000x2x128xf32, #tpu.memory_space<hbm>>
        tpu.enqueue_indirect_dma source(%dma_start3A_528 : memref<4000x2x128xf32, #tpu.memory_space<hbm>>) target(%arg6 : memref<128x2x128xf32, #tpu.memory_space<vmem>>) offsets(%arg8 : memref<128xi32, #tpu.memory_space<vmem>>) semaphore(%arg10 : memref<!tpu.dma_semaphore, #tpu.memory_space<semaphore_mem>>)
      } else {
      }
      %add3A_336 = arith.constant 1 : i32
      %add3A_337 = arith.addi %add3A_271, %add3A_336 : i32
      %dma_wait3A_338 = arith.constant 0 : i32
      %dma_wait3A_339 = arith.constant 0 : i32
      %dma_wait3A_340 = arith.constant 0 : i32
      %dma_wait3A_341 = tpu.memref_slice %arg3[%dma_wait3A_338, %dma_wait3A_339, %dma_wait3A_340] : memref<4000x2x128xf32, #tpu.memory_space<hbm>> -> memref<4000x2x128xf32, #tpu.memory_space<hbm>>
      tpu.wait_indirect_dma semaphore(%arg11 : memref<!tpu.dma_semaphore, #tpu.memory_space<semaphore_mem>>) src(%dma_wait3A_341 : memref<4000x2x128xf32, #tpu.memory_space<hbm>>) dst(%arg7 : memref<128x2x128xf32, #tpu.memory_space<vmem>>)
      %mul3A_342 = arith.constant 6 : i32
      %mul3A_343 = arith.muli %shift_right_arithmetic3A_6, %mul3A_342 : i32
      %div3A_344 = arith.constant 2 : i32
      %div3A_345 = arith.divsi %add3A_337, %div3A_344 : i32
      %add3A_346 = arith.addi %mul3A_343, %div3A_345 : i32
      %mul3A_347 = arith.constant 2 : i32
      %mul3A_348 = arith.muli %mul3A_347, %and3A_1 : i32
      %add3A_349 = arith.constant 1 : i32
      %add3A_350 = arith.addi %mul3A_348, %add3A_349 : i32
      %dma_start3A_351 = arith.constant 0 : i32
      %dma_start3A_352 = arith.constant 0 : i32
      %dma_start3A_353 = arith.constant 0 : i32
      %dma_start3A_354 = arith.constant 0 : i32
      %dma_start3A_355 = tpu.memref_slice %arg7[%dma_start3A_353, %dma_start3A_351, %dma_start3A_354] : memref<128x2x128xf32, #tpu.memory_space<vmem>> -> memref<128x1x128xf32, #tpu.memory_space<vmem>>
      %dma_start3A_356 = tpu.memref_squeeze %dma_start3A_355 : memref<128x1x128xf32, #tpu.memory_space<vmem>> -> memref<128x128xf32, #tpu.memory_space<vmem>>
      %dma_start3A_357 = arith.constant 0 : i32
      %dma_start3A_358 = arith.constant 0 : i32
      %dma_start3A_359 = tpu.memref_slice %arg4[%add3A_346, %and3A_4, %add3A_350, %dma_start3A_352, %dma_start3A_357, %dma_start3A_358] : memref<12x8x4x2x128x128xf32, #tpu.memory_space<hbm>> -> memref<1x1x1x1x128x128xf32, #tpu.memory_space<hbm>>
      %dma_start3A_360 = tpu.memref_squeeze %dma_start3A_359 : memref<1x1x1x1x128x128xf32, #tpu.memory_space<hbm>> -> memref<128x128xf32, #tpu.memory_space<hbm>>
      %dma_start3A_361 = arith.constant 0 : i32
      %dma_start3A_362 = arith.constant 0 : i32
      %dma_start3A_363 = tpu.memref_slice %arg4[%add3A_346, %and3A_4, %add3A_350, %dma_start3A_352, %dma_start3A_361, %dma_start3A_362] : memref<12x8x4x2x128x128xf32, #tpu.memory_space<hbm>> -> memref<1x1x1x1x128x128xf32, #tpu.memory_space<hbm>>
      %dma_start3A_364 = tpu.memref_squeeze %dma_start3A_363 : memref<1x1x1x1x128x128xf32, #tpu.memory_space<hbm>> -> memref<128x128xf32, #tpu.memory_space<hbm>>
      %dma_start3A_365 = arith.constant 0 : i32
      %dma_start3A_366 = arith.constant 0 : i32
      %dma_start3A_367 = tpu.memref_slice %arg7[%dma_start3A_365, %dma_start3A_351, %dma_start3A_366] : memref<128x2x128xf32, #tpu.memory_space<vmem>> -> memref<128x1x128xf32, #tpu.memory_space<vmem>>
      %dma_start3A_368 = tpu.memref_squeeze %dma_start3A_367 : memref<128x1x128xf32, #tpu.memory_space<vmem>> -> memref<128x128xf32, #tpu.memory_space<vmem>>
      tpu.enqueue_dma source(%dma_start3A_368 : memref<128x128xf32, #tpu.memory_space<vmem>>) target(%dma_start3A_364 : memref<128x128xf32, #tpu.memory_space<hbm>>) target_semaphore(%arg13 : memref<!tpu.dma_semaphore, #tpu.memory_space<semaphore_mem>>)
      %mul3A_369 = arith.constant 6 : i32
      %mul3A_370 = arith.muli %shift_right_arithmetic3A_6, %mul3A_369 : i32
      %div3A_371 = arith.constant 2 : i32
      %div3A_372 = arith.divsi %add3A_337, %div3A_371 : i32
      %add3A_373 = arith.addi %mul3A_370, %div3A_372 : i32
      %mul3A_374 = arith.constant 2 : i32
      %mul3A_375 = arith.muli %mul3A_374, %and3A_1 : i32
      %add3A_376 = arith.constant 1 : i32
      %add3A_377 = arith.addi %mul3A_375, %add3A_376 : i32
      %dma_start3A_378 = arith.constant 1 : i32
      %dma_start3A_379 = arith.constant 1 : i32
      %dma_start3A_380 = arith.constant 0 : i32
      %dma_start3A_381 = arith.constant 0 : i32
      %dma_start3A_382 = tpu.memref_slice %arg7[%dma_start3A_380, %dma_start3A_378, %dma_start3A_381] : memref<128x2x128xf32, #tpu.memory_space<vmem>> -> memref<128x1x128xf32, #tpu.memory_space<vmem>>
      %dma_start3A_383 = tpu.memref_squeeze %dma_start3A_382 : memref<128x1x128xf32, #tpu.memory_space<vmem>> -> memref<128x128xf32, #tpu.memory_space<vmem>>
      %dma_start3A_384 = arith.constant 0 : i32
      %dma_start3A_385 = arith.constant 0 : i32
      %dma_start3A_386 = tpu.memref_slice %arg4[%add3A_373, %and3A_4, %add3A_377, %dma_start3A_379, %dma_start3A_384, %dma_start3A_385] : memref<12x8x4x2x128x128xf32, #tpu.memory_space<hbm>> -> memref<1x1x1x1x128x128xf32, #tpu.memory_space<hbm>>
      %dma_start3A_387 = tpu.memref_squeeze %dma_start3A_386 : memref<1x1x1x1x128x128xf32, #tpu.memory_space<hbm>> -> memref<128x128xf32, #tpu.memory_space<hbm>>
      %dma_start3A_388 = arith.constant 0 : i32
      %dma_start3A_389 = arith.constant 0 : i32
      %dma_start3A_390 = tpu.memref_slice %arg4[%add3A_373, %and3A_4, %add3A_377, %dma_start3A_379, %dma_start3A_388, %dma_start3A_389] : memref<12x8x4x2x128x128xf32, #tpu.memory_space<hbm>> -> memref<1x1x1x1x128x128xf32, #tpu.memory_space<hbm>>
      %dma_start3A_391 = tpu.memref_squeeze %dma_start3A_390 : memref<1x1x1x1x128x128xf32, #tpu.memory_space<hbm>> -> memref<128x128xf32, #tpu.memory_space<hbm>>
      %dma_start3A_392 = arith.constant 0 : i32
      %dma_start3A_393 = arith.constant 0 : i32
      %dma_start3A_394 = tpu.memref_slice %arg7[%dma_start3A_392, %dma_start3A_378, %dma_start3A_393] : memref<128x2x128xf32, #tpu.memory_space<vmem>> -> memref<128x1x128xf32, #tpu.memory_space<vmem>>
      %dma_start3A_395 = tpu.memref_squeeze %dma_start3A_394 : memref<128x1x128xf32, #tpu.memory_space<vmem>> -> memref<128x128xf32, #tpu.memory_space<vmem>>
      tpu.enqueue_dma source(%dma_start3A_395 : memref<128x128xf32, #tpu.memory_space<vmem>>) target(%dma_start3A_391 : memref<128x128xf32, #tpu.memory_space<hbm>>) target_semaphore(%arg13 : memref<!tpu.dma_semaphore, #tpu.memory_space<semaphore_mem>>)
      %add3A_396 = arith.constant 2 : i32
      %add3A_397 = arith.addi %add3A_337, %add3A_396 : i32
      %lt3A_398 = arith.constant 12 : i32
      %lt3A_399 = arith.cmpi slt, %add3A_397, %lt3A_398 : i32
      %convert_element_type3A_400 = arith.extui %lt3A_399 : i1 to i32
      %cond3A_401 = arith.constant 0 : i32
      %cond3A_402 = arith.cmpi ne, %convert_element_type3A_400, %cond3A_401 : i32
      scf.if %cond3A_402 {
        %mul3A_403 = arith.constant 6 : i32
        %mul3A_404 = arith.muli %shift_right_arithmetic3A_6, %mul3A_403 : i32
        %div3A_405 = arith.constant 2 : i32
        %div3A_406 = arith.divsi %add3A_337, %div3A_405 : i32
        %add3A_407 = arith.addi %mul3A_404, %div3A_406 : i32
        %mul3A_408 = arith.constant 2 : i32
        %mul3A_409 = arith.muli %mul3A_408, %and3A_1 : i32
        %add3A_410 = arith.constant 1 : i32
        %add3A_411 = arith.addi %mul3A_409, %add3A_410 : i32
        %dma_wait3A_412 = arith.constant 0 : i32
        %dma_wait3A_413 = arith.constant 0 : i32
        %dma_wait3A_414 = arith.constant 0 : i32
        %dma_wait3A_415 = arith.constant 0 : i32
        %dma_wait3A_416 = tpu.memref_slice %arg7[%dma_wait3A_414, %dma_wait3A_412, %dma_wait3A_415] : memref<128x2x128xf32, #tpu.memory_space<vmem>> -> memref<128x1x128xf32, #tpu.memory_space<vmem>>
        %dma_wait3A_417 = tpu.memref_squeeze %dma_wait3A_416 : memref<128x1x128xf32, #tpu.memory_space<vmem>> -> memref<128x128xf32, #tpu.memory_space<vmem>>
        %dma_wait3A_418 = arith.constant 0 : i32
        %dma_wait3A_419 = arith.constant 0 : i32
        %dma_wait3A_420 = tpu.memref_slice %arg4[%add3A_407, %and3A_4, %add3A_411, %dma_wait3A_413, %dma_wait3A_418, %dma_wait3A_419] : memref<12x8x4x2x128x128xf32, #tpu.memory_space<hbm>> -> memref<1x1x1x1x128x128xf32, #tpu.memory_space<hbm>>
        %dma_wait3A_421 = tpu.memref_squeeze %dma_wait3A_420 : memref<1x1x1x1x128x128xf32, #tpu.memory_space<hbm>> -> memref<128x128xf32, #tpu.memory_space<hbm>>
        %dma_wait3A_422 = arith.constant 0 : i32
        %dma_wait3A_423 = arith.constant 0 : i32
        %dma_wait3A_424 = tpu.memref_slice %arg4[%add3A_407, %and3A_4, %add3A_411, %dma_wait3A_413, %dma_wait3A_422, %dma_wait3A_423] : memref<12x8x4x2x128x128xf32, #tpu.memory_space<hbm>> -> memref<1x1x1x1x128x128xf32, #tpu.memory_space<hbm>>
        %dma_wait3A_425 = tpu.memref_squeeze %dma_wait3A_424 : memref<1x1x1x1x128x128xf32, #tpu.memory_space<hbm>> -> memref<128x128xf32, #tpu.memory_space<hbm>>
        %dma_wait3A_426 = arith.constant 0 : i32
        %dma_wait3A_427 = arith.constant 0 : i32
        %dma_wait3A_428 = tpu.memref_slice %arg7[%dma_wait3A_426, %dma_wait3A_412, %dma_wait3A_427] : memref<128x2x128xf32, #tpu.memory_space<vmem>> -> memref<128x1x128xf32, #tpu.memory_space<vmem>>
        %dma_wait3A_429 = tpu.memref_squeeze %dma_wait3A_428 : memref<128x1x128xf32, #tpu.memory_space<vmem>> -> memref<128x128xf32, #tpu.memory_space<vmem>>
        tpu.wait_dma2 semaphore(%arg13 : memref<!tpu.dma_semaphore, #tpu.memory_space<semaphore_mem>>) src(%dma_wait3A_429 : memref<128x128xf32, #tpu.memory_space<vmem>>) dst(%dma_wait3A_425 : memref<128x128xf32, #tpu.memory_space<hbm>>)
        %mul3A_430 = arith.constant 6 : i32
        %mul3A_431 = arith.muli %shift_right_arithmetic3A_6, %mul3A_430 : i32
        %div3A_432 = arith.constant 2 : i32
        %div3A_433 = arith.divsi %add3A_337, %div3A_432 : i32
        %add3A_434 = arith.addi %mul3A_431, %div3A_433 : i32
        %mul3A_435 = arith.constant 2 : i32
        %mul3A_436 = arith.muli %mul3A_435, %and3A_1 : i32
        %add3A_437 = arith.constant 1 : i32
        %add3A_438 = arith.addi %mul3A_436, %add3A_437 : i32
        %dma_wait3A_439 = arith.constant 1 : i32
        %dma_wait3A_440 = arith.constant 1 : i32
        %dma_wait3A_441 = arith.constant 0 : i32
        %dma_wait3A_442 = arith.constant 0 : i32
        %dma_wait3A_443 = tpu.memref_slice %arg7[%dma_wait3A_441, %dma_wait3A_439, %dma_wait3A_442] : memref<128x2x128xf32, #tpu.memory_space<vmem>> -> memref<128x1x128xf32, #tpu.memory_space<vmem>>
        %dma_wait3A_444 = tpu.memref_squeeze %dma_wait3A_443 : memref<128x1x128xf32, #tpu.memory_space<vmem>> -> memref<128x128xf32, #tpu.memory_space<vmem>>
        %dma_wait3A_445 = arith.constant 0 : i32
        %dma_wait3A_446 = arith.constant 0 : i32
        %dma_wait3A_447 = tpu.memref_slice %arg4[%add3A_434, %and3A_4, %add3A_438, %dma_wait3A_440, %dma_wait3A_445, %dma_wait3A_446] : memref<12x8x4x2x128x128xf32, #tpu.memory_space<hbm>> -> memref<1x1x1x1x128x128xf32, #tpu.memory_space<hbm>>
        %dma_wait3A_448 = tpu.memref_squeeze %dma_wait3A_447 : memref<1x1x1x1x128x128xf32, #tpu.memory_space<hbm>> -> memref<128x128xf32, #tpu.memory_space<hbm>>
        %dma_wait3A_449 = arith.constant 0 : i32
        %dma_wait3A_450 = arith.constant 0 : i32
        %dma_wait3A_451 = tpu.memref_slice %arg4[%add3A_434, %and3A_4, %add3A_438, %dma_wait3A_440, %dma_wait3A_449, %dma_wait3A_450] : memref<12x8x4x2x128x128xf32, #tpu.memory_space<hbm>> -> memref<1x1x1x1x128x128xf32, #tpu.memory_space<hbm>>
        %dma_wait3A_452 = tpu.memref_squeeze %dma_wait3A_451 : memref<1x1x1x1x128x128xf32, #tpu.memory_space<hbm>> -> memref<128x128xf32, #tpu.memory_space<hbm>>
        %dma_wait3A_453 = arith.constant 0 : i32
        %dma_wait3A_454 = arith.constant 0 : i32
        %dma_wait3A_455 = tpu.memref_slice %arg7[%dma_wait3A_453, %dma_wait3A_439, %dma_wait3A_454] : memref<128x2x128xf32, #tpu.memory_space<vmem>> -> memref<128x1x128xf32, #tpu.memory_space<vmem>>
        %dma_wait3A_456 = tpu.memref_squeeze %dma_wait3A_455 : memref<128x1x128xf32, #tpu.memory_space<vmem>> -> memref<128x128xf32, #tpu.memory_space<vmem>>
        tpu.wait_dma2 semaphore(%arg13 : memref<!tpu.dma_semaphore, #tpu.memory_space<semaphore_mem>>) src(%dma_wait3A_456 : memref<128x128xf32, #tpu.memory_space<vmem>>) dst(%dma_wait3A_452 : memref<128x128xf32, #tpu.memory_space<hbm>>)
        %add3A_457 = arith.constant 2 : i32
        %add3A_458 = arith.addi %add3A_337, %add3A_457 : i32
        %sub3A_459 = arith.subi %add3A_10, %mul3A_13 : i32
        %div3A_460 = arith.constant 2 : i32
        %div3A_461 = arith.divsi %add3A_458, %div3A_460 : i32
        %add3A_462 = arith.addi %sub3A_459, %div3A_461 : i32
        %mul3A_463 = arith.constant 2 : i32
        %mul3A_464 = arith.muli %mul3A_463, %and3A_1 : i32
        %add3A_465 = arith.constant 1 : i32
        %add3A_466 = arith.addi %mul3A_464, %add3A_465 : i32
        %mul3A_467 = arith.constant 1000 : i32
        %mul3A_468 = arith.muli %add3A_466, %mul3A_467 : i32
        %get3A_469 = arith.index_cast %add3A_462 : i32 to index
        %get3A_470 = arith.constant 0 : index
        %get3A_471 = tpu.vector_load %arg5[%get3A_469, %get3A_470] {strides = array<i32>} : memref<32x128xi32, #tpu.memory_space<vmem>>, vector<16xi32>,
        %add3A_472 = vector.broadcast %mul3A_468 : i32 to vector<16xi32>
        %add3A_473 = arith.addi %get3A_471, %add3A_472 : vector<16xi32>
        %swap3A_474 = arith.constant 0 : index
        %swap3A_475 = tpu.vector_load %arg9[%swap3A_474] {strides = array<i32>} : memref<128xi32, #tpu.memory_space<vmem>>, vector<16xi32>,
        tpu.vector_store %arg9[%swap3A_474], %add3A_473 {strides = array<i32>} : memref<128xi32, #tpu.memory_space<vmem>>, vector<16xi32>,
        %get3A_476 = arith.index_cast %add3A_462 : i32 to index
        %get3A_477 = arith.constant 16 : index
        %get3A_478 = tpu.vector_load %arg5[%get3A_476, %get3A_477] {strides = array<i32>} : memref<32x128xi32, #tpu.memory_space<vmem>>, vector<16xi32>,
        %add3A_479 = vector.broadcast %mul3A_468 : i32 to vector<16xi32>
        %add3A_480 = arith.addi %get3A_478, %add3A_479 : vector<16xi32>
        %swap3A_481 = arith.constant 16 : index
        %swap3A_482 = tpu.vector_load %arg9[%swap3A_481] {strides = array<i32>} : memref<128xi32, #tpu.memory_space<vmem>>, vector<16xi32>,
        tpu.vector_store %arg9[%swap3A_481], %add3A_480 {strides = array<i32>} : memref<128xi32, #tpu.memory_space<vmem>>, vector<16xi32>,
        %get3A_483 = arith.index_cast %add3A_462 : i32 to index
        %get3A_484 = arith.constant 32 : index
        %get3A_485 = tpu.vector_load %arg5[%get3A_483, %get3A_484] {strides = array<i32>} : memref<32x128xi32, #tpu.memory_space<vmem>>, vector<16xi32>,
        %add3A_486 = vector.broadcast %mul3A_468 : i32 to vector<16xi32>
        %add3A_487 = arith.addi %get3A_485, %add3A_486 : vector<16xi32>
        %swap3A_488 = arith.constant 32 : index
        %swap3A_489 = tpu.vector_load %arg9[%swap3A_488] {strides = array<i32>} : memref<128xi32, #tpu.memory_space<vmem>>, vector<16xi32>,
        tpu.vector_store %arg9[%swap3A_488], %add3A_487 {strides = array<i32>} : memref<128xi32, #tpu.memory_space<vmem>>, vector<16xi32>,
        %get3A_490 = arith.index_cast %add3A_462 : i32 to index
        %get3A_491 = arith.constant 48 : index
        %get3A_492 = tpu.vector_load %arg5[%get3A_490, %get3A_491] {strides = array<i32>} : memref<32x128xi32, #tpu.memory_space<vmem>>, vector<16xi32>,
        %add3A_493 = vector.broadcast %mul3A_468 : i32 to vector<16xi32>
        %add3A_494 = arith.addi %get3A_492, %add3A_493 : vector<16xi32>
        %swap3A_495 = arith.constant 48 : index
        %swap3A_496 = tpu.vector_load %arg9[%swap3A_495] {strides = array<i32>} : memref<128xi32, #tpu.memory_space<vmem>>, vector<16xi32>,
        tpu.vector_store %arg9[%swap3A_495], %add3A_494 {strides = array<i32>} : memref<128xi32, #tpu.memory_space<vmem>>, vector<16xi32>,
        %get3A_497 = arith.index_cast %add3A_462 : i32 to index
        %get3A_498 = arith.constant 64 : index
        %get3A_499 = tpu.vector_load %arg5[%get3A_497, %get3A_498] {strides = array<i32>} : memref<32x128xi32, #tpu.memory_space<vmem>>, vector<16xi32>,
        %add3A_500 = vector.broadcast %mul3A_468 : i32 to vector<16xi32>
        %add3A_501 = arith.addi %get3A_499, %add3A_500 : vector<16xi32>
        %swap3A_502 = arith.constant 64 : index
        %swap3A_503 = tpu.vector_load %arg9[%swap3A_502] {strides = array<i32>} : memref<128xi32, #tpu.memory_space<vmem>>, vector<16xi32>,
        tpu.vector_store %arg9[%swap3A_502], %add3A_501 {strides = array<i32>} : memref<128xi32, #tpu.memory_space<vmem>>, vector<16xi32>,
        %get3A_504 = arith.index_cast %add3A_462 : i32 to index
        %get3A_505 = arith.constant 80 : index
        %get3A_506 = tpu.vector_load %arg5[%get3A_504, %get3A_505] {strides = array<i32>} : memref<32x128xi32, #tpu.memory_space<vmem>>, vector<16xi32>,
        %add3A_507 = vector.broadcast %mul3A_468 : i32 to vector<16xi32>
        %add3A_508 = arith.addi %get3A_506, %add3A_507 : vector<16xi32>
        %swap3A_509 = arith.constant 80 : index
        %swap3A_510 = tpu.vector_load %arg9[%swap3A_509] {strides = array<i32>} : memref<128xi32, #tpu.memory_space<vmem>>, vector<16xi32>,
        tpu.vector_store %arg9[%swap3A_509], %add3A_508 {strides = array<i32>} : memref<128xi32, #tpu.memory_space<vmem>>, vector<16xi32>,
        %get3A_511 = arith.index_cast %add3A_462 : i32 to index
        %get3A_512 = arith.constant 96 : index
        %get3A_513 = tpu.vector_load %arg5[%get3A_511, %get3A_512] {strides = array<i32>} : memref<32x128xi32, #tpu.memory_space<vmem>>, vector<16xi32>,
        %add3A_514 = vector.broadcast %mul3A_468 : i32 to vector<16xi32>
        %add3A_515 = arith.addi %get3A_513, %add3A_514 : vector<16xi32>
        %swap3A_516 = arith.constant 96 : index
        %swap3A_517 = tpu.vector_load %arg9[%swap3A_516] {strides = array<i32>} : memref<128xi32, #tpu.memory_space<vmem>>, vector<16xi32>,
        tpu.vector_store %arg9[%swap3A_516], %add3A_515 {strides = array<i32>} : memref<128xi32, #tpu.memory_space<vmem>>, vector<16xi32>,
        %get3A_518 = arith.index_cast %add3A_462 : i32 to index
        %get3A_519 = arith.constant 112 : index
        %get3A_520 = tpu.vector_load %arg5[%get3A_518, %get3A_519] {strides = array<i32>} : memref<32x128xi32, #tpu.memory_space<vmem>>, vector<16xi32>,
        %add3A_521 = vector.broadcast %mul3A_468 : i32 to vector<16xi32>
        %add3A_522 = arith.addi %get3A_520, %add3A_521 : vector<16xi32>
        %swap3A_523 = arith.constant 112 : index
        %swap3A_524 = tpu.vector_load %arg9[%swap3A_523] {strides = array<i32>} : memref<128xi32, #tpu.memory_space<vmem>>, vector<16xi32>,
        tpu.vector_store %arg9[%swap3A_523], %add3A_522 {strides = array<i32>} : memref<128xi32, #tpu.memory_space<vmem>>, vector<16xi32>,
        %dma_start3A_525 = arith.constant 0 : i32
        %dma_start3A_526 = arith.constant 0 : i32
        %dma_start3A_527 = arith.constant 0 : i32
        %dma_start3A_528 = tpu.memref_slice %arg3[%dma_start3A_525, %dma_start3A_526, %dma_start3A_527] : memref<4000x2x128xf32, #tpu.memory_space<hbm>> -> memref<4000x2x128xf32, #tpu.memory_space<hbm>>
        tpu.enqueue_indirect_dma source(%dma_start3A_528 : memref<4000x2x128xf32, #tpu.memory_space<hbm>>) target(%arg7 : memref<128x2x128xf32, #tpu.memory_space<vmem>>) offsets(%arg9 : memref<128xi32, #tpu.memory_space<vmem>>) semaphore(%arg11 : memref<!tpu.dma_semaphore, #tpu.memory_space<semaphore_mem>>)
      } else {
      }
    }
    %scan3A_155 = arith.constant 6 : i32
    %mul3A_156 = arith.constant 6 : i32
    %mul3A_157 = arith.muli %shift_right_arithmetic3A_6, %mul3A_156 : i32
    %div3A_158 = arith.constant 10 : i32
    %div3A_159 = arith.constant 2 : i32
    %div3A_160 = arith.divsi %div3A_158, %div3A_159 : i32
    %add3A_161 = arith.addi %mul3A_157, %div3A_160 : i32
    %mul3A_162 = arith.constant 2 : i32
    %mul3A_163 = arith.muli %mul3A_162, %and3A_1 : i32
    %add3A_164 = arith.constant 0 : i32
    %add3A_165 = arith.addi %mul3A_163, %add3A_164 : i32
    %dma_wait3A = arith.constant 0 : i32
    %dma_wait3A_166 = arith.constant 0 : i32
    %dma_wait3A_167 = arith.constant 0 : i32
    %dma_wait3A_168 = arith.constant 0 : i32
    %dma_wait3A_169 = tpu.memref_slice %arg6[%dma_wait3A_167, %dma_wait3A, %dma_wait3A_168] : memref<128x2x128xf32, #tpu.memory_space<vmem>> -> memref<128x1x128xf32, #tpu.memory_space<vmem>>
    %dma_wait3A_170 = tpu.memref_squeeze %dma_wait3A_169 : memref<128x1x128xf32, #tpu.memory_space<vmem>> -> memref<128x128xf32, #tpu.memory_space<vmem>>
    %dma_wait3A_171 = arith.constant 0 : i32
    %dma_wait3A_172 = arith.constant 0 : i32
    %dma_wait3A_173 = tpu.memref_slice %arg4[%add3A_161, %and3A_4, %add3A_165, %dma_wait3A_166, %dma_wait3A_171, %dma_wait3A_172] : memref<12x8x4x2x128x128xf32, #tpu.memory_space<hbm>> -> memref<1x1x1x1x128x128xf32, #tpu.memory_space<hbm>>
    %dma_wait3A_174 = tpu.memref_squeeze %dma_wait3A_173 : memref<1x1x1x1x128x128xf32, #tpu.memory_space<hbm>> -> memref<128x128xf32, #tpu.memory_space<hbm>>
    %dma_wait3A_175 = arith.constant 0 : i32
    %dma_wait3A_176 = arith.constant 0 : i32
    %dma_wait3A_177 = tpu.memref_slice %arg4[%add3A_161, %and3A_4, %add3A_165, %dma_wait3A_166, %dma_wait3A_175, %dma_wait3A_176] : memref<12x8x4x2x128x128xf32, #tpu.memory_space<hbm>> -> memref<1x1x1x1x128x128xf32, #tpu.memory_space<hbm>>
    %dma_wait3A_178 = tpu.memref_squeeze %dma_wait3A_177 : memref<1x1x1x1x128x128xf32, #tpu.memory_space<hbm>> -> memref<128x128xf32, #tpu.memory_space<hbm>>
    %dma_wait3A_179 = arith.constant 0 : i32
    %dma_wait3A_180 = arith.constant 0 : i32
    %dma_wait3A_181 = tpu.memref_slice %arg6[%dma_wait3A_179, %dma_wait3A, %dma_wait3A_180] : memref<128x2x128xf32, #tpu.memory_space<vmem>> -> memref<128x1x128xf32, #tpu.memory_space<vmem>>
    %dma_wait3A_182 = tpu.memref_squeeze %dma_wait3A_181 : memref<128x1x128xf32, #tpu.memory_space<vmem>> -> memref<128x128xf32, #tpu.memory_space<vmem>>
    tpu.wait_dma2 semaphore(%arg12 : memref<!tpu.dma_semaphore, #tpu.memory_space<semaphore_mem>>) src(%dma_wait3A_182 : memref<128x128xf32, #tpu.memory_space<vmem>>) dst(%dma_wait3A_178 : memref<128x128xf32, #tpu.memory_space<hbm>>)
    %mul3A_183 = arith.constant 6 : i32
    %mul3A_184 = arith.muli %shift_right_arithmetic3A_6, %mul3A_183 : i32
    %div3A_185 = arith.constant 10 : i32
    %div3A_186 = arith.constant 2 : i32
    %div3A_187 = arith.divsi %div3A_185, %div3A_186 : i32
    %add3A_188 = arith.addi %mul3A_184, %div3A_187 : i32
    %mul3A_189 = arith.constant 2 : i32
    %mul3A_190 = arith.muli %mul3A_189, %and3A_1 : i32
    %add3A_191 = arith.constant 0 : i32
    %add3A_192 = arith.addi %mul3A_190, %add3A_191 : i32
    %dma_wait3A_193 = arith.constant 1 : i32
    %dma_wait3A_194 = arith.constant 1 : i32
    %dma_wait3A_195 = arith.constant 0 : i32
    %dma_wait3A_196 = arith.constant 0 : i32
    %dma_wait3A_197 = tpu.memref_slice %arg6[%dma_wait3A_195, %dma_wait3A_193, %dma_wait3A_196] : memref<128x2x128xf32, #tpu.memory_space<vmem>> -> memref<128x1x128xf32, #tpu.memory_space<vmem>>
    %dma_wait3A_198 = tpu.memref_squeeze %dma_wait3A_197 : memref<128x1x128xf32, #tpu.memory_space<vmem>> -> memref<128x128xf32, #tpu.memory_space<vmem>>
    %dma_wait3A_199 = arith.constant 0 : i32
    %dma_wait3A_200 = arith.constant 0 : i32
    %dma_wait3A_201 = tpu.memref_slice %arg4[%add3A_188, %and3A_4, %add3A_192, %dma_wait3A_194, %dma_wait3A_199, %dma_wait3A_200] : memref<12x8x4x2x128x128xf32, #tpu.memory_space<hbm>> -> memref<1x1x1x1x128x128xf32, #tpu.memory_space<hbm>>
    %dma_wait3A_202 = tpu.memref_squeeze %dma_wait3A_201 : memref<1x1x1x1x128x128xf32, #tpu.memory_space<hbm>> -> memref<128x128xf32, #tpu.memory_space<hbm>>
    %dma_wait3A_203 = arith.constant 0 : i32
    %dma_wait3A_204 = arith.constant 0 : i32
    %dma_wait3A_205 = tpu.memref_slice %arg4[%add3A_188, %and3A_4, %add3A_192, %dma_wait3A_194, %dma_wait3A_203, %dma_wait3A_204] : memref<12x8x4x2x128x128xf32, #tpu.memory_space<hbm>> -> memref<1x1x1x1x128x128xf32, #tpu.memory_space<hbm>>
    %dma_wait3A_206 = tpu.memref_squeeze %dma_wait3A_205 : memref<1x1x1x1x128x128xf32, #tpu.memory_space<hbm>> -> memref<128x128xf32, #tpu.memory_space<hbm>>
    %dma_wait3A_207 = arith.constant 0 : i32
    %dma_wait3A_208 = arith.constant 0 : i32
    %dma_wait3A_209 = tpu.memref_slice %arg6[%dma_wait3A_207, %dma_wait3A_193, %dma_wait3A_208] : memref<128x2x128xf32, #tpu.memory_space<vmem>> -> memref<128x1x128xf32, #tpu.memory_space<vmem>>
    %dma_wait3A_210 = tpu.memref_squeeze %dma_wait3A_209 : memref<128x1x128xf32, #tpu.memory_space<vmem>> -> memref<128x128xf32, #tpu.memory_space<vmem>>
    tpu.wait_dma2 semaphore(%arg12 : memref<!tpu.dma_semaphore, #tpu.memory_space<semaphore_mem>>) src(%dma_wait3A_210 : memref<128x128xf32, #tpu.memory_space<vmem>>) dst(%dma_wait3A_206 : memref<128x128xf32, #tpu.memory_space<hbm>>)
    %mul3A_211 = arith.constant 6 : i32
    %mul3A_212 = arith.muli %shift_right_arithmetic3A_6, %mul3A_211 : i32
    %div3A_213 = arith.constant 11 : i32
    %div3A_214 = arith.constant 2 : i32
    %div3A_215 = arith.divsi %div3A_213, %div3A_214 : i32
    %add3A_216 = arith.addi %mul3A_212, %div3A_215 : i32
    %mul3A_217 = arith.constant 2 : i32
    %mul3A_218 = arith.muli %mul3A_217, %and3A_1 : i32
    %add3A_219 = arith.constant 1 : i32
    %add3A_220 = arith.addi %mul3A_218, %add3A_219 : i32
    %dma_wait3A_221 = arith.constant 0 : i32
    %dma_wait3A_222 = arith.constant 0 : i32
    %dma_wait3A_223 = arith.constant 0 : i32
    %dma_wait3A_224 = arith.constant 0 : i32
    %dma_wait3A_225 = tpu.memref_slice %arg7[%dma_wait3A_223, %dma_wait3A_221, %dma_wait3A_224] : memref<128x2x128xf32, #tpu.memory_space<vmem>> -> memref<128x1x128xf32, #tpu.memory_space<vmem>>
    %dma_wait3A_226 = tpu.memref_squeeze %dma_wait3A_225 : memref<128x1x128xf32, #tpu.memory_space<vmem>> -> memref<128x128xf32, #tpu.memory_space<vmem>>
    %dma_wait3A_227 = arith.constant 0 : i32
    %dma_wait3A_228 = arith.constant 0 : i32
    %dma_wait3A_229 = tpu.memref_slice %arg4[%add3A_216, %and3A_4, %add3A_220, %dma_wait3A_222, %dma_wait3A_227, %dma_wait3A_228] : memref<12x8x4x2x128x128xf32, #tpu.memory_space<hbm>> -> memref<1x1x1x1x128x128xf32, #tpu.memory_space<hbm>>
    %dma_wait3A_230 = tpu.memref_squeeze %dma_wait3A_229 : memref<1x1x1x1x128x128xf32, #tpu.memory_space<hbm>> -> memref<128x128xf32, #tpu.memory_space<hbm>>
    %dma_wait3A_231 = arith.constant 0 : i32
    %dma_wait3A_232 = arith.constant 0 : i32
    %dma_wait3A_233 = tpu.memref_slice %arg4[%add3A_216, %and3A_4, %add3A_220, %dma_wait3A_222, %dma_wait3A_231, %dma_wait3A_232] : memref<12x8x4x2x128x128xf32, #tpu.memory_space<hbm>> -> memref<1x1x1x1x128x128xf32, #tpu.memory_space<hbm>>
    %dma_wait3A_234 = tpu.memref_squeeze %dma_wait3A_233 : memref<1x1x1x1x128x128xf32, #tpu.memory_space<hbm>> -> memref<128x128xf32, #tpu.memory_space<hbm>>
    %dma_wait3A_235 = arith.constant 0 : i32
    %dma_wait3A_236 = arith.constant 0 : i32
    %dma_wait3A_237 = tpu.memref_slice %arg7[%dma_wait3A_235, %dma_wait3A_221, %dma_wait3A_236] : memref<128x2x128xf32, #tpu.memory_space<vmem>> -> memref<128x1x128xf32, #tpu.memory_space<vmem>>
    %dma_wait3A_238 = tpu.memref_squeeze %dma_wait3A_237 : memref<128x1x128xf32, #tpu.memory_space<vmem>> -> memref<128x128xf32, #tpu.memory_space<vmem>>
    tpu.wait_dma2 semaphore(%arg13 : memref<!tpu.dma_semaphore, #tpu.memory_space<semaphore_mem>>) src(%dma_wait3A_238 : memref<128x128xf32, #tpu.memory_space<vmem>>) dst(%dma_wait3A_234 : memref<128x128xf32, #tpu.memory_space<hbm>>)
    %mul3A_239 = arith.constant 6 : i32
    %mul3A_240 = arith.muli %shift_right_arithmetic3A_6, %mul3A_239 : i32
    %div3A_241 = arith.constant 11 : i32
    %div3A_242 = arith.constant 2 : i32
    %div3A_243 = arith.divsi %div3A_241, %div3A_242 : i32
    %add3A_244 = arith.addi %mul3A_240, %div3A_243 : i32
    %mul3A_245 = arith.constant 2 : i32
    %mul3A_246 = arith.muli %mul3A_245, %and3A_1 : i32
    %add3A_247 = arith.constant 1 : i32
    %add3A_248 = arith.addi %mul3A_246, %add3A_247 : i32
    %dma_wait3A_249 = arith.constant 1 : i32
    %dma_wait3A_250 = arith.constant 1 : i32
    %dma_wait3A_251 = arith.constant 0 : i32
    %dma_wait3A_252 = arith.constant 0 : i32
    %dma_wait3A_253 = tpu.memref_slice %arg7[%dma_wait3A_251, %dma_wait3A_249, %dma_wait3A_252] : memref<128x2x128xf32, #tpu.memory_space<vmem>> -> memref<128x1x128xf32, #tpu.memory_space<vmem>>
    %dma_wait3A_254 = tpu.memref_squeeze %dma_wait3A_253 : memref<128x1x128xf32, #tpu.memory_space<vmem>> -> memref<128x128xf32, #tpu.memory_space<vmem>>
    %dma_wait3A_255 = arith.constant 0 : i32
    %dma_wait3A_256 = arith.constant 0 : i32
    %dma_wait3A_257 = tpu.memref_slice %arg4[%add3A_244, %and3A_4, %add3A_248, %dma_wait3A_250, %dma_wait3A_255, %dma_wait3A_256] : memref<12x8x4x2x128x128xf32, #tpu.memory_space<hbm>> -> memref<1x1x1x1x128x128xf32, #tpu.memory_space<hbm>>
    %dma_wait3A_258 = tpu.memref_squeeze %dma_wait3A_257 : memref<1x1x1x1x128x128xf32, #tpu.memory_space<hbm>> -> memref<128x128xf32, #tpu.memory_space<hbm>>
    %dma_wait3A_259 = arith.constant 0 : i32
    %dma_wait3A_260 = arith.constant 0 : i32
    %dma_wait3A_261 = tpu.memref_slice %arg4[%add3A_244, %and3A_4, %add3A_248, %dma_wait3A_250, %dma_wait3A_259, %dma_wait3A_260] : memref<12x8x4x2x128x128xf32, #tpu.memory_space<hbm>> -> memref<1x1x1x1x128x128xf32, #tpu.memory_space<hbm>>
    %dma_wait3A_262 = tpu.memref_squeeze %dma_wait3A_261 : memref<1x1x1x1x128x128xf32, #tpu.memory_space<hbm>> -> memref<128x128xf32, #tpu.memory_space<hbm>>
    %dma_wait3A_263 = arith.constant 0 : i32
    %dma_wait3A_264 = arith.constant 0 : i32
    %dma_wait3A_265 = tpu.memref_slice %arg7[%dma_wait3A_263, %dma_wait3A_249, %dma_wait3A_264] : memref<128x2x128xf32, #tpu.memory_space<vmem>> -> memref<128x1x128xf32, #tpu.memory_space<vmem>>
    %dma_wait3A_266 = tpu.memref_squeeze %dma_wait3A_265 : memref<128x1x128xf32, #tpu.memory_space<vmem>> -> memref<128x128xf32, #tpu.memory_space<vmem>>
    tpu.wait_dma2 semaphore(%arg13 : memref<!tpu.dma_semaphore, #tpu.memory_space<semaphore_mem>>) src(%dma_wait3A_266 : memref<128x128xf32, #tpu.memory_space<vmem>>) dst(%dma_wait3A_262 : memref<128x128xf32, #tpu.memory_space<hbm>>)
    return
  }
}

#map = affine_map<(d0, d1) -> (0, 0, 0)>
#map1 = affine_map<(d0, d1) -> (0, 0, 0, 0, 0, 0)>
module attributes {stable_mosaic.version = 14 : i64} {
  func.func @gather(%arg0: i32, %arg1: i32, %arg2: memref<8x56x128xi32, #tpu.memory_space<hbm>>, %arg3: memref<4000x2x128xf32, #tpu.memory_space<hbm>>, %arg4: memref<12x8x4x2x128x128xf32, #tpu.memory_space<hbm>>, %arg5: memref<32x128xi32, #tpu.memory_space<vmem>>, %arg6: memref<128x2x128xf32, #tpu.memory_space<vmem>>, %arg7: memref<128x2x128xf32, #tpu.memory_space<vmem>>, %arg8: memref<128xi32, #tpu.memory_space<vmem>>, %arg9: memref<128xi32, #tpu.memory_space<vmem>>, %arg10: memref<!tpu.dma_semaphore, #tpu.memory_space<semaphore_mem>>, %arg11: memref<!tpu.dma_semaphore, #tpu.memory_space<semaphore_mem>>, %arg12: memref<!tpu.dma_semaphore, #tpu.memory_space<semaphore_mem>>, %arg13: memref<!tpu.dma_semaphore, #tpu.memory_space<semaphore_mem>>) attributes {dimension_semantics = [#tpu.dimension_semantics<core_parallel>, #tpu.dimension_semantics<subcore_parallel>], iteration_bounds = array<i64: 2, 16>, scalar_prefetch = 0 : i64, scratch_operands = 9 : i64, tpu.core_type = #tpu.core_type<sc_vector_subcore>, window_params = [{transform_indices = #map}, {transform_indices = #map}, {transform_indices = #map1}]} {
    %mul3A = arith.constant 2 : i32
    %mul3A_0 = arith.muli %arg1, %mul3A : i32
    %add3A = arith.addi %mul3A_0, %arg0 : i32
    %and3A = arith.constant 1 : i32
    %and3A_1 = arith.andi %add3A, %and3A : i32
    %shift_right_arithmetic3A = arith.constant 1 : i32
    %shift_right_arithmetic3A_2 = arith.shrsi %add3A, %shift_right_arithmetic3A : i32
    %and3A_3 = arith.constant 7 : i32
    %and3A_4 = arith.andi %shift_right_arithmetic3A_2, %and3A_3 : i32
    %shift_right_arithmetic3A_5 = arith.constant 4 : i32
    %shift_right_arithmetic3A_6 = arith.shrsi %add3A, %shift_right_arithmetic3A_5 : i32
    %mul3A_7 = arith.constant 6 : i32
    %mul3A_8 = arith.muli %mul3A_7, %shift_right_arithmetic3A_6 : i32
    %add3A_9 = arith.constant 24 : i32
    %add3A_10 = arith.addi %add3A_9, %mul3A_8 : i32
    %div3A = arith.constant 8 : i32
    %div3A_11 = arith.divsi %add3A_10, %div3A : i32
    %mul3A_12 = arith.constant 8 : i32
    %mul3A_13 = arith.muli %div3A_11, %mul3A_12 : i32
    %multiple_of3A = tpu.assume_multiple %mul3A_13, 8 : i32
    "tpu.region"() ({
      %run_scoped3A = tpu.sem_alloc : memref<!tpu.dma_semaphore, #tpu.memory_space<semaphore_mem>>
      %dma_start3A_267 = arith.constant 0 : i32
      %dma_start3A_268 = tpu.memref_slice %arg2[%and3A_4, %multiple_of3A, %dma_start3A_267] : memref<8x56x128xi32, #tpu.memory_space<hbm>> -> memref<1x32x128xi32, #tpu.memory_space<hbm>>
      %dma_start3A_269 = tpu.memref_squeeze %dma_start3A_268 : memref<1x32x128xi32, #tpu.memory_space<hbm>> -> memref<32x128xi32, #tpu.memory_space<hbm>>
      %dma_start3A_270 = arith.constant 0 : i32
      %dma_start3A_271 = tpu.memref_slice %arg2[%and3A_4, %multiple_of3A, %dma_start3A_270] : memref<8x56x128xi32, #tpu.memory_space<hbm>> -> memref<1x32x128xi32, #tpu.memory_space<hbm>>
      %dma_start3A_272 = tpu.memref_squeeze %dma_start3A_271 : memref<1x32x128xi32, #tpu.memory_space<hbm>> -> memref<32x128xi32, #tpu.memory_space<hbm>>
      tpu.enqueue_dma source(%dma_start3A_272 : memref<32x128xi32, #tpu.memory_space<hbm>>) target(%arg5 : memref<32x128xi32, #tpu.memory_space<vmem>>) target_semaphore(%run_scoped3A : memref<!tpu.dma_semaphore, #tpu.memory_space<semaphore_mem>>)
      %dma_wait3A_273 = arith.constant 0 : i32
      %dma_wait3A_274 = tpu.memref_slice %arg2[%and3A_4, %multiple_of3A, %dma_wait3A_273] : memref<8x56x128xi32, #tpu.memory_space<hbm>> -> memref<1x32x128xi32, #tpu.memory_space<hbm>>
      %dma_wait3A_275 = tpu.memref_squeeze %dma_wait3A_274 : memref<1x32x128xi32, #tpu.memory_space<hbm>> -> memref<32x128xi32, #tpu.memory_space<hbm>>
      %dma_wait3A_276 = arith.constant 0 : i32
      %dma_wait3A_277 = tpu.memref_slice %arg2[%and3A_4, %multiple_of3A, %dma_wait3A_276] : memref<8x56x128xi32, #tpu.memory_space<hbm>> -> memref<1x32x128xi32, #tpu.memory_space<hbm>>
      %dma_wait3A_278 = tpu.memref_squeeze %dma_wait3A_277 : memref<1x32x128xi32, #tpu.memory_space<hbm>> -> memref<32x128xi32, #tpu.memory_space<hbm>>
      tpu.wait_dma2 semaphore(%run_scoped3A : memref<!tpu.dma_semaphore, #tpu.memory_space<semaphore_mem>>) src(%dma_wait3A_278 : memref<32x128xi32, #tpu.memory_space<hbm>>) dst(%arg5 : memref<32x128xi32, #tpu.memory_space<vmem>>)
      tpu.yield
    }) : () -> ()
    %sub3A = arith.subi %add3A_10, %mul3A_13 : i32
    %div3A_14 = arith.constant 0 : i32
    %div3A_15 = arith.constant 2 : i32
    %div3A_16 = arith.divsi %div3A_14, %div3A_15 : i32
    %add3A_17 = arith.addi %sub3A, %div3A_16 : i32
    %mul3A_18 = arith.constant 2 : i32
    %mul3A_19 = arith.muli %mul3A_18, %and3A_1 : i32
    %add3A_20 = arith.constant 0 : i32
    %add3A_21 = arith.addi %mul3A_19, %add3A_20 : i32
    %mul3A_22 = arith.constant 1000 : i32
    %mul3A_23 = arith.muli %add3A_21, %mul3A_22 : i32
    %get3A = arith.index_cast %add3A_17 : i32 to index
    %get3A_24 = arith.constant 0 : index
    %get3A_25 = tpu.vector_load %arg5[%get3A, %get3A_24] {strides = array<i32>} : memref<32x128xi32, #tpu.memory_space<vmem>>, vector<16xi32>,
    %add3A_26 = vector.broadcast %mul3A_23 : i32 to vector<16xi32>
    %add3A_27 = arith.addi %get3A_25, %add3A_26 : vector<16xi32>
    %swap3A = arith.constant 0 : index
    %swap3A_28 = tpu.vector_load %arg8[%swap3A] {strides = array<i32>} : memref<128xi32, #tpu.memory_space<vmem>>, vector<16xi32>,
    tpu.vector_store %arg8[%swap3A], %add3A_27 {strides = array<i32>} : memref<128xi32, #tpu.memory_space<vmem>>, vector<16xi32>,
    %get3A_29 = arith.index_cast %add3A_17 : i32 to index
    %get3A_30 = arith.constant 16 : index
    %get3A_31 = tpu.vector_load %arg5[%get3A_29, %get3A_30] {strides = array<i32>} : memref<32x128xi32, #tpu.memory_space<vmem>>, vector<16xi32>,
    %add3A_32 = vector.broadcast %mul3A_23 : i32 to vector<16xi32>
    %add3A_33 = arith.addi %get3A_31, %add3A_32 : vector<16xi32>
    %swap3A_34 = arith.constant 16 : index
    %swap3A_35 = tpu.vector_load %arg8[%swap3A_34] {strides = array<i32>} : memref<128xi32, #tpu.memory_space<vmem>>, vector<16xi32>,
    tpu.vector_store %arg8[%swap3A_34], %add3A_33 {strides = array<i32>} : memref<128xi32, #tpu.memory_space<vmem>>, vector<16xi32>,
    %get3A_36 = arith.index_cast %add3A_17 : i32 to index
    %get3A_37 = arith.constant 32 : index
    %get3A_38 = tpu.vector_load %arg5[%get3A_36, %get3A_37] {strides = array<i32>} : memref<32x128xi32, #tpu.memory_space<vmem>>, vector<16xi32>,
    %add3A_39 = vector.broadcast %mul3A_23 : i32 to vector<16xi32>
    %add3A_40 = arith.addi %get3A_38, %add3A_39 : vector<16xi32>
    %swap3A_41 = arith.constant 32 : index
    %swap3A_42 = tpu.vector_load %arg8[%swap3A_41] {strides = array<i32>} : memref<128xi32, #tpu.memory_space<vmem>>, vector<16xi32>,
    tpu.vector_store %arg8[%swap3A_41], %add3A_40 {strides = array<i32>} : memref<128xi32, #tpu.memory_space<vmem>>, vector<16xi32>,
    %get3A_43 = arith.index_cast %add3A_17 : i32 to index
    %get3A_44 = arith.constant 48 : index
    %get3A_45 = tpu.vector_load %arg5[%get3A_43, %get3A_44] {strides = array<i32>} : memref<32x128xi32, #tpu.memory_space<vmem>>, vector<16xi32>,
    %add3A_46 = vector.broadcast %mul3A_23 : i32 to vector<16xi32>
    %add3A_47 = arith.addi %get3A_45, %add3A_46 : vector<16xi32>
    %swap3A_48 = arith.constant 48 : index
    %swap3A_49 = tpu.vector_load %arg8[%swap3A_48] {strides = array<i32>} : memref<128xi32, #tpu.memory_space<vmem>>, vector<16xi32>,
    tpu.vector_store %arg8[%swap3A_48], %add3A_47 {strides = array<i32>} : memref<128xi32, #tpu.memory_space<vmem>>, vector<16xi32>,
    %get3A_50 = arith.index_cast %add3A_17 : i32 to index
    %get3A_51 = arith.constant 64 : index
    %get3A_52 = tpu.vector_load %arg5[%get3A_50, %get3A_51] {strides = array<i32>} : memref<32x128xi32, #tpu.memory_space<vmem>>, vector<16xi32>,
    %add3A_53 = vector.broadcast %mul3A_23 : i32 to vector<16xi32>
    %add3A_54 = arith.addi %get3A_52, %add3A_53 : vector<16xi32>
    %swap3A_55 = arith.constant 64 : index
    %swap3A_56 = tpu.vector_load %arg8[%swap3A_55] {strides = array<i32>} : memref<128xi32, #tpu.memory_space<vmem>>, vector<16xi32>,
    tpu.vector_store %arg8[%swap3A_55], %add3A_54 {strides = array<i32>} : memref<128xi32, #tpu.memory_space<vmem>>, vector<16xi32>,
    %get3A_57 = arith.index_cast %add3A_17 : i32 to index
    %get3A_58 = arith.constant 80 : index
    %get3A_59 = tpu.vector_load %arg5[%get3A_57, %get3A_58] {strides = array<i32>} : memref<32x128xi32, #tpu.memory_space<vmem>>, vector<16xi32>,
    %add3A_60 = vector.broadcast %mul3A_23 : i32 to vector<16xi32>
    %add3A_61 = arith.addi %get3A_59, %add3A_60 : vector<16xi32>
    %swap3A_62 = arith.constant 80 : index
    %swap3A_63 = tpu.vector_load %arg8[%swap3A_62] {strides = array<i32>} : memref<128xi32, #tpu.memory_space<vmem>>, vector<16xi32>,
    tpu.vector_store %arg8[%swap3A_62], %add3A_61 {strides = array<i32>} : memref<128xi32, #tpu.memory_space<vmem>>, vector<16xi32>,
    %get3A_64 = arith.index_cast %add3A_17 : i32 to index
    %get3A_65 = arith.constant 96 : index
    %get3A_66 = tpu.vector_load %arg5[%get3A_64, %get3A_65] {strides = array<i32>} : memref<32x128xi32, #tpu.memory_space<vmem>>, vector<16xi32>,
    %add3A_67 = vector.broadcast %mul3A_23 : i32 to vector<16xi32>
    %add3A_68 = arith.addi %get3A_66, %add3A_67 : vector<16xi32>
    %swap3A_69 = arith.constant 96 : index
    %swap3A_70 = tpu.vector_load %arg8[%swap3A_69] {strides = array<i32>} : memref<128xi32, #tpu.memory_space<vmem>>, vector<16xi32>,
    tpu.vector_store %arg8[%swap3A_69], %add3A_68 {strides = array<i32>} : memref<128xi32, #tpu.memory_space<vmem>>, vector<16xi32>,
    %get3A_71 = arith.index_cast %add3A_17 : i32 to index
    %get3A_72 = arith.constant 112 : index
    %get3A_73 = tpu.vector_load %arg5[%get3A_71, %get3A_72] {strides = array<i32>} : memref<32x128xi32, #tpu.memory_space<vmem>>, vector<16xi32>,
    %add3A_74 = vector.broadcast %mul3A_23 : i32 to vector<16xi32>
    %add3A_75 = arith.addi %get3A_73, %add3A_74 : vector<16xi32>
    %swap3A_76 = arith.constant 112 : index
    %swap3A_77 = tpu.vector_load %arg8[%swap3A_76] {strides = array<i32>} : memref<128xi32, #tpu.memory_space<vmem>>, vector<16xi32>,
    tpu.vector_store %arg8[%swap3A_76], %add3A_75 {strides = array<i32>} : memref<128xi32, #tpu.memory_space<vmem>>, vector<16xi32>,
    %dma_start3A = arith.constant 0 : i32
    %dma_start3A_78 = arith.constant 0 : i32
    %dma_start3A_79 = arith.constant 0 : i32
    %dma_start3A_80 = tpu.memref_slice %arg3[%dma_start3A, %dma_start3A_78, %dma_start3A_79] : memref<4000x2x128xf32, #tpu.memory_space<hbm>> -> memref<4000x2x128xf32, #tpu.memory_space<hbm>>
    tpu.enqueue_indirect_dma source(%dma_start3A_80 : memref<4000x2x128xf32, #tpu.memory_space<hbm>>) target(%arg6 : memref<128x2x128xf32, #tpu.memory_space<vmem>>) offsets(%arg8 : memref<128xi32, #tpu.memory_space<vmem>>) semaphore(%arg10 : memref<!tpu.dma_semaphore, #tpu.memory_space<semaphore_mem>>)
    %sub3A_81 = arith.subi %add3A_10, %mul3A_13 : i32
    %div3A_82 = arith.constant 1 : i32
    %div3A_83 = arith.constant 2 : i32
    %div3A_84 = arith.divsi %div3A_82, %div3A_83 : i32
    %add3A_85 = arith.addi %sub3A_81, %div3A_84 : i32
    %mul3A_86 = arith.constant 2 : i32
    %mul3A_87 = arith.muli %mul3A_86, %and3A_1 : i32
    %add3A_88 = arith.constant 1 : i32
    %add3A_89 = arith.addi %mul3A_87, %add3A_88 : i32
    %mul3A_90 = arith.constant 1000 : i32
    %mul3A_91 = arith.muli %add3A_89, %mul3A_90 : i32
    %get3A_92 = arith.index_cast %add3A_85 : i32 to index
    %get3A_93 = arith.constant 0 : index
    %get3A_94 = tpu.vector_load %arg5[%get3A_92, %get3A_93] {strides = array<i32>} : memref<32x128xi32, #tpu.memory_space<vmem>>, vector<16xi32>,
    %add3A_95 = vector.broadcast %mul3A_91 : i32 to vector<16xi32>
    %add3A_96 = arith.addi %get3A_94, %add3A_95 : vector<16xi32>
    %swap3A_97 = arith.constant 0 : index
    %swap3A_98 = tpu.vector_load %arg9[%swap3A_97] {strides = array<i32>} : memref<128xi32, #tpu.memory_space<vmem>>, vector<16xi32>,
    tpu.vector_store %arg9[%swap3A_97], %add3A_96 {strides = array<i32>} : memref<128xi32, #tpu.memory_space<vmem>>, vector<16xi32>,
    %get3A_99 = arith.index_cast %add3A_85 : i32 to index
    %get3A_100 = arith.constant 16 : index
    %get3A_101 = tpu.vector_load %arg5[%get3A_99, %get3A_100] {strides = array<i32>} : memref<32x128xi32, #tpu.memory_space<vmem>>, vector<16xi32>,
    %add3A_102 = vector.broadcast %mul3A_91 : i32 to vector<16xi32>
    %add3A_103 = arith.addi %get3A_101, %add3A_102 : vector<16xi32>
    %swap3A_104 = arith.constant 16 : index
    %swap3A_105 = tpu.vector_load %arg9[%swap3A_104] {strides = array<i32>} : memref<128xi32, #tpu.memory_space<vmem>>, vector<16xi32>,
    tpu.vector_store %arg9[%swap3A_104], %add3A_103 {strides = array<i32>} : memref<128xi32, #tpu.memory_space<vmem>>, vector<16xi32>,
    %get3A_106 = arith.index_cast %add3A_85 : i32 to index
    %get3A_107 = arith.constant 32 : index
    %get3A_108 = tpu.vector_load %arg5[%get3A_106, %get3A_107] {strides = array<i32>} : memref<32x128xi32, #tpu.memory_space<vmem>>, vector<16xi32>,
    %add3A_109 = vector.broadcast %mul3A_91 : i32 to vector<16xi32>
    %add3A_110 = arith.addi %get3A_108, %add3A_109 : vector<16xi32>
    %swap3A_111 = arith.constant 32 : index
    %swap3A_112 = tpu.vector_load %arg9[%swap3A_111] {strides = array<i32>} : memref<128xi32, #tpu.memory_space<vmem>>, vector<16xi32>,
    tpu.vector_store %arg9[%swap3A_111], %add3A_110 {strides = array<i32>} : memref<128xi32, #tpu.memory_space<vmem>>, vector<16xi32>,
    %get3A_113 = arith.index_cast %add3A_85 : i32 to index
    %get3A_114 = arith.constant 48 : index
    %get3A_115 = tpu.vector_load %arg5[%get3A_113, %get3A_114] {strides = array<i32>} : memref<32x128xi32, #tpu.memory_space<vmem>>, vector<16xi32>,
    %add3A_116 = vector.broadcast %mul3A_91 : i32 to vector<16xi32>
    %add3A_117 = arith.addi %get3A_115, %add3A_116 : vector<16xi32>
    %swap3A_118 = arith.constant 48 : index
    %swap3A_119 = tpu.vector_load %arg9[%swap3A_118] {strides = array<i32>} : memref<128xi32, #tpu.memory_space<vmem>>, vector<16xi32>,
    tpu.vector_store %arg9[%swap3A_118], %add3A_117 {strides = array<i32>} : memref<128xi32, #tpu.memory_space<vmem>>, vector<16xi32>,
    %get3A_120 = arith.index_cast %add3A_85 : i32 to index
    %get3A_121 = arith.constant 64 : index
    %get3A_122 = tpu.vector_load %arg5[%get3A_120, %get3A_121] {strides = array<i32>} : memref<32x128xi32, #tpu.memory_space<vmem>>, vector<16xi32>,
    %add3A_123 = vector.broadcast %mul3A_91 : i32 to vector<16xi32>
    %add3A_124 = arith.addi %get3A_122, %add3A_123 : vector<16xi32>
    %swap3A_125 = arith.constant 64 : index
    %swap3A_126 = tpu.vector_load %arg9[%swap3A_125] {strides = array<i32>} : memref<128xi32, #tpu.memory_space<vmem>>, vector<16xi32>,
    tpu.vector_store %arg9[%swap3A_125], %add3A_124 {strides = array<i32>} : memref<128xi32, #tpu.memory_space<vmem>>, vector<16xi32>,
    %get3A_127 = arith.index_cast %add3A_85 : i32 to index
    %get3A_128 = arith.constant 80 : index
    %get3A_129 = tpu.vector_load %arg5[%get3A_127, %get3A_128] {strides = array<i32>} : memref<32x128xi32, #tpu.memory_space<vmem>>, vector<16xi32>,
    %add3A_130 = vector.broadcast %mul3A_91 : i32 to vector<16xi32>
    %add3A_131 = arith.addi %get3A_129, %add3A_130 : vector<16xi32>
    %swap3A_132 = arith.constant 80 : index
    %swap3A_133 = tpu.vector_load %arg9[%swap3A_132] {strides = array<i32>} : memref<128xi32, #tpu.memory_space<vmem>>, vector<16xi32>,
    tpu.vector_store %arg9[%swap3A_132], %add3A_131 {strides = array<i32>} : memref<128xi32, #tpu.memory_space<vmem>>, vector<16xi32>,
    %get3A_134 = arith.index_cast %add3A_85 : i32 to index
    %get3A_135 = arith.constant 96 : index
    %get3A_136 = tpu.vector_load %arg5[%get3A_134, %get3A_135] {strides = array<i32>} : memref<32x128xi32, #tpu.memory_space<vmem>>, vector<16xi32>,
    %add3A_137 = vector.broadcast %mul3A_91 : i32 to vector<16xi32>
    %add3A_138 = arith.addi %get3A_136, %add3A_137 : vector<16xi32>
    %swap3A_139 = arith.constant 96 : index
    %swap3A_140 = tpu.vector_load %arg9[%swap3A_139] {strides = array<i32>} : memref<128xi32, #tpu.memory_space<vmem>>, vector<16xi32>,
    tpu.vector_store %arg9[%swap3A_139], %add3A_138 {strides = array<i32>} : memref<128xi32, #tpu.memory_space<vmem>>, vector<16xi32>,
    %get3A_141 = arith.index_cast %add3A_85 : i32 to index
    %get3A_142 = arith.constant 112 : index
    %get3A_143 = tpu.vector_load %arg5[%get3A_141, %get3A_142] {strides = array<i32>} : memref<32x128xi32, #tpu.memory_space<vmem>>, vector<16xi32>,
    %add3A_144 = vector.broadcast %mul3A_91 : i32 to vector<16xi32>
    %add3A_145 = arith.addi %get3A_143, %add3A_144 : vector<16xi32>
    %swap3A_146 = arith.constant 112 : index
    %swap3A_147 = tpu.vector_load %arg9[%swap3A_146] {strides = array<i32>} : memref<128xi32, #tpu.memory_space<vmem>>, vector<16xi32>,
    tpu.vector_store %arg9[%swap3A_146], %add3A_145 {strides = array<i32>} : memref<128xi32, #tpu.memory_space<vmem>>, vector<16xi32>,
    %dma_start3A_148 = arith.constant 0 : i32
    %dma_start3A_149 = arith.constant 0 : i32
    %dma_start3A_150 = arith.constant 0 : i32
    %dma_start3A_151 = tpu.memref_slice %arg3[%dma_start3A_148, %dma_start3A_149, %dma_start3A_150] : memref<4000x2x128xf32, #tpu.memory_space<hbm>> -> memref<4000x2x128xf32, #tpu.memory_space<hbm>>
    tpu.enqueue_indirect_dma source(%dma_start3A_151 : memref<4000x2x128xf32, #tpu.memory_space<hbm>>) target(%arg7 : memref<128x2x128xf32, #tpu.memory_space<vmem>>) offsets(%arg9 : memref<128xi32, #tpu.memory_space<vmem>>) semaphore(%arg11 : memref<!tpu.dma_semaphore, #tpu.memory_space<semaphore_mem>>)
    %scan3A = arith.constant 0 : i32
    %scan3A_152 = arith.constant 6 : i32
    %scan3A_153 = arith.addi %scan3A, %scan3A_152 : i32
    %scan3A_154 = arith.constant 1 : i32
    scf.for %scan3A_267 = %scan3A to %scan3A_153 step %scan3A_154  : i32 {
      %mul3A_268 = arith.constant 2 : i32
      %mul3A_269 = arith.muli %scan3A_267, %mul3A_268 : i32
      %add3A_270 = arith.constant 0 : i32
      %add3A_271 = arith.addi %add3A_270, %mul3A_269 : i32
      %add3A_272 = arith.constant 0 : i32
      %add3A_273 = arith.addi %add3A_271, %add3A_272 : i32
      %dma_wait3A_274 = arith.constant 0 : i32
      %dma_wait3A_275 = arith.constant 0 : i32
      %dma_wait3A_276 = arith.constant 0 : i32
      %dma_wait3A_277 = tpu.memref_slice %arg3[%dma_wait3A_274, %dma_wait3A_275, %dma_wait3A_276] : memref<4000x2x128xf32, #tpu.memory_space<hbm>> -> memref<4000x2x128xf32, #tpu.memory_space<hbm>>
      tpu.wait_indirect_dma semaphore(%arg10 : memref<!tpu.dma_semaphore, #tpu.memory_space<semaphore_mem>>) src(%dma_wait3A_277 : memref<4000x2x128xf32, #tpu.memory_space<hbm>>) dst(%arg6 : memref<128x2x128xf32, #tpu.memory_space<vmem>>)
      %mul3A_278 = arith.constant 6 : i32
      %mul3A_279 = arith.muli %shift_right_arithmetic3A_6, %mul3A_278 : i32
      %div3A_280 = arith.constant 2 : i32
      %div3A_281 = arith.divsi %add3A_273, %div3A_280 : i32
      %add3A_282 = arith.addi %mul3A_279, %div3A_281 : i32
      %mul3A_283 = arith.constant 2 : i32
      %mul3A_284 = arith.muli %mul3A_283, %and3A_1 : i32
      %add3A_285 = arith.constant 0 : i32
      %add3A_286 = arith.addi %mul3A_284, %add3A_285 : i32
      %dma_start3A_287 = arith.constant 0 : i32
      %dma_start3A_288 = arith.constant 0 : i32
      %dma_start3A_289 = arith.constant 0 : i32
      %dma_start3A_290 = arith.constant 0 : i32
      %dma_start3A_291 = tpu.memref_slice %arg6[%dma_start3A_289, %dma_start3A_287, %dma_start3A_290] : memref<128x2x128xf32, #tpu.memory_space<vmem>> -> memref<128x1x128xf32, #tpu.memory_space<vmem>>
      %dma_start3A_292 = tpu.memref_squeeze %dma_start3A_291 : memref<128x1x128xf32, #tpu.memory_space<vmem>> -> memref<128x128xf32, #tpu.memory_space<vmem>>
      %dma_start3A_293 = arith.constant 0 : i32
      %dma_start3A_294 = arith.constant 0 : i32
      %dma_start3A_295 = tpu.memref_slice %arg4[%add3A_282, %and3A_4, %add3A_286, %dma_start3A_288, %dma_start3A_293, %dma_start3A_294] : memref<12x8x4x2x128x128xf32, #tpu.memory_space<hbm>> -> memref<1x1x1x1x128x128xf32, #tpu.memory_space<hbm>>
      %dma_start3A_296 = tpu.memref_squeeze %dma_start3A_295 : memref<1x1x1x1x128x128xf32, #tpu.memory_space<hbm>> -> memref<128x128xf32, #tpu.memory_space<hbm>>
      %dma_start3A_297 = arith.constant 0 : i32
      %dma_start3A_298 = arith.constant 0 : i32
      %dma_start3A_299 = tpu.memref_slice %arg4[%add3A_282, %and3A_4, %add3A_286, %dma_start3A_288, %dma_start3A_297, %dma_start3A_298] : memref<12x8x4x2x128x128xf32, #tpu.memory_space<hbm>> -> memref<1x1x1x1x128x128xf32, #tpu.memory_space<hbm>>
      %dma_start3A_300 = tpu.memref_squeeze %dma_start3A_299 : memref<1x1x1x1x128x128xf32, #tpu.memory_space<hbm>> -> memref<128x128xf32, #tpu.memory_space<hbm>>
      %dma_start3A_301 = arith.constant 0 : i32
      %dma_start3A_302 = arith.constant 0 : i32
      %dma_start3A_303 = tpu.memref_slice %arg6[%dma_start3A_301, %dma_start3A_287, %dma_start3A_302] : memref<128x2x128xf32, #tpu.memory_space<vmem>> -> memref<128x1x128xf32, #tpu.memory_space<vmem>>
      %dma_start3A_304 = tpu.memref_squeeze %dma_start3A_303 : memref<128x1x128xf32, #tpu.memory_space<vmem>> -> memref<128x128xf32, #tpu.memory_space<vmem>>
      tpu.enqueue_dma source(%dma_start3A_304 : memref<128x128xf32, #tpu.memory_space<vmem>>) target(%dma_start3A_300 : memref<128x128xf32, #tpu.memory_space<hbm>>) target_semaphore(%arg12 : memref<!tpu.dma_semaphore, #tpu.memory_space<semaphore_mem>>)
      %mul3A_305 = arith.constant 6 : i32
      %mul3A_306 = arith.muli %shift_right_arithmetic3A_6, %mul3A_305 : i32
      %div3A_307 = arith.constant 2 : i32
      %div3A_308 = arith.divsi %add3A_273, %div3A_307 : i32
      %add3A_309 = arith.addi %mul3A_306, %div3A_308 : i32
      %mul3A_310 = arith.constant 2 : i32
      %mul3A_311 = arith.muli %mul3A_310, %and3A_1 : i32
      %add3A_312 = arith.constant 0 : i32
      %add3A_313 = arith.addi %mul3A_311, %add3A_312 : i32
      %dma_start3A_314 = arith.constant 1 : i32
      %dma_start3A_315 = arith.constant 1 : i32
      %dma_start3A_316 = arith.constant 0 : i32
      %dma_start3A_317 = arith.constant 0 : i32
      %dma_start3A_318 = tpu.memref_slice %arg6[%dma_start3A_316, %dma_start3A_314, %dma_start3A_317] : memref<128x2x128xf32, #tpu.memory_space<vmem>> -> memref<128x1x128xf32, #tpu.memory_space<vmem>>
      %dma_start3A_319 = tpu.memref_squeeze %dma_start3A_318 : memref<128x1x128xf32, #tpu.memory_space<vmem>> -> memref<128x128xf32, #tpu.memory_space<vmem>>
      %dma_start3A_320 = arith.constant 0 : i32
      %dma_start3A_321 = arith.constant 0 : i32
      %dma_start3A_322 = tpu.memref_slice %arg4[%add3A_309, %and3A_4, %add3A_313, %dma_start3A_315, %dma_start3A_320, %dma_start3A_321] : memref<12x8x4x2x128x128xf32, #tpu.memory_space<hbm>> -> memref<1x1x1x1x128x128xf32, #tpu.memory_space<hbm>>
      %dma_start3A_323 = tpu.memref_squeeze %dma_start3A_322 : memref<1x1x1x1x128x128xf32, #tpu.memory_space<hbm>> -> memref<128x128xf32, #tpu.memory_space<hbm>>
      %dma_start3A_324 = arith.constant 0 : i32
      %dma_start3A_325 = arith.constant 0 : i32
      %dma_start3A_326 = tpu.memref_slice %arg4[%add3A_309, %and3A_4, %add3A_313, %dma_start3A_315, %dma_start3A_324, %dma_start3A_325] : memref<12x8x4x2x128x128xf32, #tpu.memory_space<hbm>> -> memref<1x1x1x1x128x128xf32, #tpu.memory_space<hbm>>
      %dma_start3A_327 = tpu.memref_squeeze %dma_start3A_326 : memref<1x1x1x1x128x128xf32, #tpu.memory_space<hbm>> -> memref<128x128xf32, #tpu.memory_space<hbm>>
      %dma_start3A_328 = arith.constant 0 : i32
      %dma_start3A_329 = arith.constant 0 : i32
      %dma_start3A_330 = tpu.memref_slice %arg6[%dma_start3A_328, %dma_start3A_314, %dma_start3A_329] : memref<128x2x128xf32, #tpu.memory_space<vmem>> -> memref<128x1x128xf32, #tpu.memory_space<vmem>>
      %dma_start3A_331 = tpu.memref_squeeze %dma_start3A_330 : memref<128x1x128xf32, #tpu.memory_space<vmem>> -> memref<128x128xf32, #tpu.memory_space<vmem>>
      tpu.enqueue_dma source(%dma_start3A_331 : memref<128x128xf32, #tpu.memory_space<vmem>>) target(%dma_start3A_327 : memref<128x128xf32, #tpu.memory_space<hbm>>) target_semaphore(%arg12 : memref<!tpu.dma_semaphore, #tpu.memory_space<semaphore_mem>>)
      %add3A_332 = arith.constant 2 : i32
      %add3A_333 = arith.addi %add3A_273, %add3A_332 : i32
      %lt3A = arith.constant 12 : i32
      %lt3A_334 = arith.cmpi slt, %add3A_333, %lt3A : i32
      %convert_element_type3A = arith.extui %lt3A_334 : i1 to i32
      %cond3A = arith.constant 0 : i32
      %cond3A_335 = arith.cmpi ne, %convert_element_type3A, %cond3A : i32
      scf.if %cond3A_335 {
        %mul3A_403 = arith.constant 6 : i32
        %mul3A_404 = arith.muli %shift_right_arithmetic3A_6, %mul3A_403 : i32
        %div3A_405 = arith.constant 2 : i32
        %div3A_406 = arith.divsi %add3A_273, %div3A_405 : i32
        %add3A_407 = arith.addi %mul3A_404, %div3A_406 : i32
        %mul3A_408 = arith.constant 2 : i32
        %mul3A_409 = arith.muli %mul3A_408, %and3A_1 : i32
        %add3A_410 = arith.constant 0 : i32
        %add3A_411 = arith.addi %mul3A_409, %add3A_410 : i32
        %dma_wait3A_412 = arith.constant 0 : i32
        %dma_wait3A_413 = arith.constant 0 : i32
        %dma_wait3A_414 = arith.constant 0 : i32
        %dma_wait3A_415 = arith.constant 0 : i32
        %dma_wait3A_416 = tpu.memref_slice %arg6[%dma_wait3A_414, %dma_wait3A_412, %dma_wait3A_415] : memref<128x2x128xf32, #tpu.memory_space<vmem>> -> memref<128x1x128xf32, #tpu.memory_space<vmem>>
        %dma_wait3A_417 = tpu.memref_squeeze %dma_wait3A_416 : memref<128x1x128xf32, #tpu.memory_space<vmem>> -> memref<128x128xf32, #tpu.memory_space<vmem>>
        %dma_wait3A_418 = arith.constant 0 : i32
        %dma_wait3A_419 = arith.constant 0 : i32
        %dma_wait3A_420 = tpu.memref_slice %arg4[%add3A_407, %and3A_4, %add3A_411, %dma_wait3A_413, %dma_wait3A_418, %dma_wait3A_419] : memref<12x8x4x2x128x128xf32, #tpu.memory_space<hbm>> -> memref<1x1x1x1x128x128xf32, #tpu.memory_space<hbm>>
        %dma_wait3A_421 = tpu.memref_squeeze %dma_wait3A_420 : memref<1x1x1x1x128x128xf32, #tpu.memory_space<hbm>> -> memref<128x128xf32, #tpu.memory_space<hbm>>
        %dma_wait3A_422 = arith.constant 0 : i32
        %dma_wait3A_423 = arith.constant 0 : i32
        %dma_wait3A_424 = tpu.memref_slice %arg4[%add3A_407, %and3A_4, %add3A_411, %dma_wait3A_413, %dma_wait3A_422, %dma_wait3A_423] : memref<12x8x4x2x128x128xf32, #tpu.memory_space<hbm>> -> memref<1x1x1x1x128x128xf32, #tpu.memory_space<hbm>>
        %dma_wait3A_425 = tpu.memref_squeeze %dma_wait3A_424 : memref<1x1x1x1x128x128xf32, #tpu.memory_space<hbm>> -> memref<128x128xf32, #tpu.memory_space<hbm>>
        %dma_wait3A_426 = arith.constant 0 : i32
        %dma_wait3A_427 = arith.constant 0 : i32
        %dma_wait3A_428 = tpu.memref_slice %arg6[%dma_wait3A_426, %dma_wait3A_412, %dma_wait3A_427] : memref<128x2x128xf32, #tpu.memory_space<vmem>> -> memref<128x1x128xf32, #tpu.memory_space<vmem>>
        %dma_wait3A_429 = tpu.memref_squeeze %dma_wait3A_428 : memref<128x1x128xf32, #tpu.memory_space<vmem>> -> memref<128x128xf32, #tpu.memory_space<vmem>>
        tpu.wait_dma2 semaphore(%arg12 : memref<!tpu.dma_semaphore, #tpu.memory_space<semaphore_mem>>) src(%dma_wait3A_429 : memref<128x128xf32, #tpu.memory_space<vmem>>) dst(%dma_wait3A_425 : memref<128x128xf32, #tpu.memory_space<hbm>>)
        %mul3A_430 = arith.constant 6 : i32
        %mul3A_431 = arith.muli %shift_right_arithmetic3A_6, %mul3A_430 : i32
        %div3A_432 = arith.constant 2 : i32
        %div3A_433 = arith.divsi %add3A_273, %div3A_432 : i32
        %add3A_434 = arith.addi %mul3A_431, %div3A_433 : i32
        %mul3A_435 = arith.constant 2 : i32
        %mul3A_436 = arith.muli %mul3A_435, %and3A_1 : i32
        %add3A_437 = arith.constant 0 : i32
        %add3A_438 = arith.addi %mul3A_436, %add3A_437 : i32
        %dma_wait3A_439 = arith.constant 1 : i32
        %dma_wait3A_440 = arith.constant 1 : i32
        %dma_wait3A_441 = arith.constant 0 : i32
        %dma_wait3A_442 = arith.constant 0 : i32
        %dma_wait3A_443 = tpu.memref_slice %arg6[%dma_wait3A_441, %dma_wait3A_439, %dma_wait3A_442] : memref<128x2x128xf32, #tpu.memory_space<vmem>> -> memref<128x1x128xf32, #tpu.memory_space<vmem>>
        %dma_wait3A_444 = tpu.memref_squeeze %dma_wait3A_443 : memref<128x1x128xf32, #tpu.memory_space<vmem>> -> memref<128x128xf32, #tpu.memory_space<vmem>>
        %dma_wait3A_445 = arith.constant 0 : i32
        %dma_wait3A_446 = arith.constant 0 : i32
        %dma_wait3A_447 = tpu.memref_slice %arg4[%add3A_434, %and3A_4, %add3A_438, %dma_wait3A_440, %dma_wait3A_445, %dma_wait3A_446] : memref<12x8x4x2x128x128xf32, #tpu.memory_space<hbm>> -> memref<1x1x1x1x128x128xf32, #tpu.memory_space<hbm>>
        %dma_wait3A_448 = tpu.memref_squeeze %dma_wait3A_447 : memref<1x1x1x1x128x128xf32, #tpu.memory_space<hbm>> -> memref<128x128xf32, #tpu.memory_space<hbm>>
        %dma_wait3A_449 = arith.constant 0 : i32
        %dma_wait3A_450 = arith.constant 0 : i32
        %dma_wait3A_451 = tpu.memref_slice %arg4[%add3A_434, %and3A_4, %add3A_438, %dma_wait3A_440, %dma_wait3A_449, %dma_wait3A_450] : memref<12x8x4x2x128x128xf32, #tpu.memory_space<hbm>> -> memref<1x1x1x1x128x128xf32, #tpu.memory_space<hbm>>
        %dma_wait3A_452 = tpu.memref_squeeze %dma_wait3A_451 : memref<1x1x1x1x128x128xf32, #tpu.memory_space<hbm>> -> memref<128x128xf32, #tpu.memory_space<hbm>>
        %dma_wait3A_453 = arith.constant 0 : i32
        %dma_wait3A_454 = arith.constant 0 : i32
        %dma_wait3A_455 = tpu.memref_slice %arg6[%dma_wait3A_453, %dma_wait3A_439, %dma_wait3A_454] : memref<128x2x128xf32, #tpu.memory_space<vmem>> -> memref<128x1x128xf32, #tpu.memory_space<vmem>>
        %dma_wait3A_456 = tpu.memref_squeeze %dma_wait3A_455 : memref<128x1x128xf32, #tpu.memory_space<vmem>> -> memref<128x128xf32, #tpu.memory_space<vmem>>
        tpu.wait_dma2 semaphore(%arg12 : memref<!tpu.dma_semaphore, #tpu.memory_space<semaphore_mem>>) src(%dma_wait3A_456 : memref<128x128xf32, #tpu.memory_space<vmem>>) dst(%dma_wait3A_452 : memref<128x128xf32, #tpu.memory_space<hbm>>)
        %add3A_457 = arith.constant 2 : i32
        %add3A_458 = arith.addi %add3A_273, %add3A_457 : i32
        %sub3A_459 = arith.subi %add3A_10, %mul3A_13 : i32
        %div3A_460 = arith.constant 2 : i32
        %div3A_461 = arith.divsi %add3A_458, %div3A_460 : i32
        %add3A_462 = arith.addi %sub3A_459, %div3A_461 : i32
        %mul3A_463 = arith.constant 2 : i32
        %mul3A_464 = arith.muli %mul3A_463, %and3A_1 : i32
        %add3A_465 = arith.constant 0 : i32
        %add3A_466 = arith.addi %mul3A_464, %add3A_465 : i32
        %mul3A_467 = arith.constant 1000 : i32
        %mul3A_468 = arith.muli %add3A_466, %mul3A_467 : i32
        %get3A_469 = arith.index_cast %add3A_462 : i32 to index
        %get3A_470 = arith.constant 0 : index
        %get3A_471 = tpu.vector_load %arg5[%get3A_469, %get3A_470] {strides = array<i32>} : memref<32x128xi32, #tpu.memory_space<vmem>>, vector<16xi32>,
        %add3A_472 = vector.broadcast %mul3A_468 : i32 to vector<16xi32>
        %add3A_473 = arith.addi %get3A_471, %add3A_472 : vector<16xi32>
        %swap3A_474 = arith.constant 0 : index
        %swap3A_475 = tpu.vector_load %arg8[%swap3A_474] {strides = array<i32>} : memref<128xi32, #tpu.memory_space<vmem>>, vector<16xi32>,
        tpu.vector_store %arg8[%swap3A_474], %add3A_473 {strides = array<i32>} : memref<128xi32, #tpu.memory_space<vmem>>, vector<16xi32>,
        %get3A_476 = arith.index_cast %add3A_462 : i32 to index
        %get3A_477 = arith.constant 16 : index
        %get3A_478 = tpu.vector_load %arg5[%get3A_476, %get3A_477] {strides = array<i32>} : memref<32x128xi32, #tpu.memory_space<vmem>>, vector<16xi32>,
        %add3A_479 = vector.broadcast %mul3A_468 : i32 to vector<16xi32>
        %add3A_480 = arith.addi %get3A_478, %add3A_479 : vector<16xi32>
        %swap3A_481 = arith.constant 16 : index
        %swap3A_482 = tpu.vector_load %arg8[%swap3A_481] {strides = array<i32>} : memref<128xi32, #tpu.memory_space<vmem>>, vector<16xi32>,
        tpu.vector_store %arg8[%swap3A_481], %add3A_480 {strides = array<i32>} : memref<128xi32, #tpu.memory_space<vmem>>, vector<16xi32>,
        %get3A_483 = arith.index_cast %add3A_462 : i32 to index
        %get3A_484 = arith.constant 32 : index
        %get3A_485 = tpu.vector_load %arg5[%get3A_483, %get3A_484] {strides = array<i32>} : memref<32x128xi32, #tpu.memory_space<vmem>>, vector<16xi32>,
        %add3A_486 = vector.broadcast %mul3A_468 : i32 to vector<16xi32>
        %add3A_487 = arith.addi %get3A_485, %add3A_486 : vector<16xi32>
        %swap3A_488 = arith.constant 32 : index
        %swap3A_489 = tpu.vector_load %arg8[%swap3A_488] {strides = array<i32>} : memref<128xi32, #tpu.memory_space<vmem>>, vector<16xi32>,
        tpu.vector_store %arg8[%swap3A_488], %add3A_487 {strides = array<i32>} : memref<128xi32, #tpu.memory_space<vmem>>, vector<16xi32>,
        %get3A_490 = arith.index_cast %add3A_462 : i32 to index
        %get3A_491 = arith.constant 48 : index
        %get3A_492 = tpu.vector_load %arg5[%get3A_490, %get3A_491] {strides = array<i32>} : memref<32x128xi32, #tpu.memory_space<vmem>>, vector<16xi32>,
        %add3A_493 = vector.broadcast %mul3A_468 : i32 to vector<16xi32>
        %add3A_494 = arith.addi %get3A_492, %add3A_493 : vector<16xi32>
        %swap3A_495 = arith.constant 48 : index
        %swap3A_496 = tpu.vector_load %arg8[%swap3A_495] {strides = array<i32>} : memref<128xi32, #tpu.memory_space<vmem>>, vector<16xi32>,
        tpu.vector_store %arg8[%swap3A_495], %add3A_494 {strides = array<i32>} : memref<128xi32, #tpu.memory_space<vmem>>, vector<16xi32>,
        %get3A_497 = arith.index_cast %add3A_462 : i32 to index
        %get3A_498 = arith.constant 64 : index
        %get3A_499 = tpu.vector_load %arg5[%get3A_497, %get3A_498] {strides = array<i32>} : memref<32x128xi32, #tpu.memory_space<vmem>>, vector<16xi32>,
        %add3A_500 = vector.broadcast %mul3A_468 : i32 to vector<16xi32>
        %add3A_501 = arith.addi %get3A_499, %add3A_500 : vector<16xi32>
        %swap3A_502 = arith.constant 64 : index
        %swap3A_503 = tpu.vector_load %arg8[%swap3A_502] {strides = array<i32>} : memref<128xi32, #tpu.memory_space<vmem>>, vector<16xi32>,
        tpu.vector_store %arg8[%swap3A_502], %add3A_501 {strides = array<i32>} : memref<128xi32, #tpu.memory_space<vmem>>, vector<16xi32>,
        %get3A_504 = arith.index_cast %add3A_462 : i32 to index
        %get3A_505 = arith.constant 80 : index
        %get3A_506 = tpu.vector_load %arg5[%get3A_504, %get3A_505] {strides = array<i32>} : memref<32x128xi32, #tpu.memory_space<vmem>>, vector<16xi32>,
        %add3A_507 = vector.broadcast %mul3A_468 : i32 to vector<16xi32>
        %add3A_508 = arith.addi %get3A_506, %add3A_507 : vector<16xi32>
        %swap3A_509 = arith.constant 80 : index
        %swap3A_510 = tpu.vector_load %arg8[%swap3A_509] {strides = array<i32>} : memref<128xi32, #tpu.memory_space<vmem>>, vector<16xi32>,
        tpu.vector_store %arg8[%swap3A_509], %add3A_508 {strides = array<i32>} : memref<128xi32, #tpu.memory_space<vmem>>, vector<16xi32>,
        %get3A_511 = arith.index_cast %add3A_462 : i32 to index
        %get3A_512 = arith.constant 96 : index
        %get3A_513 = tpu.vector_load %arg5[%get3A_511, %get3A_512] {strides = array<i32>} : memref<32x128xi32, #tpu.memory_space<vmem>>, vector<16xi32>,
        %add3A_514 = vector.broadcast %mul3A_468 : i32 to vector<16xi32>
        %add3A_515 = arith.addi %get3A_513, %add3A_514 : vector<16xi32>
        %swap3A_516 = arith.constant 96 : index
        %swap3A_517 = tpu.vector_load %arg8[%swap3A_516] {strides = array<i32>} : memref<128xi32, #tpu.memory_space<vmem>>, vector<16xi32>,
        tpu.vector_store %arg8[%swap3A_516], %add3A_515 {strides = array<i32>} : memref<128xi32, #tpu.memory_space<vmem>>, vector<16xi32>,
        %get3A_518 = arith.index_cast %add3A_462 : i32 to index
        %get3A_519 = arith.constant 112 : index
        %get3A_520 = tpu.vector_load %arg5[%get3A_518, %get3A_519] {strides = array<i32>} : memref<32x128xi32, #tpu.memory_space<vmem>>, vector<16xi32>,
        %add3A_521 = vector.broadcast %mul3A_468 : i32 to vector<16xi32>
        %add3A_522 = arith.addi %get3A_520, %add3A_521 : vector<16xi32>
        %swap3A_523 = arith.constant 112 : index
        %swap3A_524 = tpu.vector_load %arg8[%swap3A_523] {strides = array<i32>} : memref<128xi32, #tpu.memory_space<vmem>>, vector<16xi32>,
        tpu.vector_store %arg8[%swap3A_523], %add3A_522 {strides = array<i32>} : memref<128xi32, #tpu.memory_space<vmem>>, vector<16xi32>,
        %dma_start3A_525 = arith.constant 0 : i32
        %dma_start3A_526 = arith.constant 0 : i32
        %dma_start3A_527 = arith.constant 0 : i32
        %dma_start3A_528 = tpu.memref_slice %arg3[%dma_start3A_525, %dma_start3A_526, %dma_start3A_527] : memref<4000x2x128xf32, #tpu.memory_space<hbm>> -> memref<4000x2x128xf32, #tpu.memory_space<hbm>>
        tpu.enqueue_indirect_dma source(%dma_start3A_528 : memref<4000x2x128xf32, #tpu.memory_space<hbm>>) target(%arg6 : memref<128x2x128xf32, #tpu.memory_space<vmem>>) offsets(%arg8 : memref<128xi32, #tpu.memory_space<vmem>>) semaphore(%arg10 : memref<!tpu.dma_semaphore, #tpu.memory_space<semaphore_mem>>)
      } else {
      }
      %add3A_336 = arith.constant 1 : i32
      %add3A_337 = arith.addi %add3A_271, %add3A_336 : i32
      %dma_wait3A_338 = arith.constant 0 : i32
      %dma_wait3A_339 = arith.constant 0 : i32
      %dma_wait3A_340 = arith.constant 0 : i32
      %dma_wait3A_341 = tpu.memref_slice %arg3[%dma_wait3A_338, %dma_wait3A_339, %dma_wait3A_340] : memref<4000x2x128xf32, #tpu.memory_space<hbm>> -> memref<4000x2x128xf32, #tpu.memory_space<hbm>>
      tpu.wait_indirect_dma semaphore(%arg11 : memref<!tpu.dma_semaphore, #tpu.memory_space<semaphore_mem>>) src(%dma_wait3A_341 : memref<4000x2x128xf32, #tpu.memory_space<hbm>>) dst(%arg7 : memref<128x2x128xf32, #tpu.memory_space<vmem>>)
      %mul3A_342 = arith.constant 6 : i32
      %mul3A_343 = arith.muli %shift_right_arithmetic3A_6, %mul3A_342 : i32
      %div3A_344 = arith.constant 2 : i32
      %div3A_345 = arith.divsi %add3A_337, %div3A_344 : i32
      %add3A_346 = arith.addi %mul3A_343, %div3A_345 : i32
      %mul3A_347 = arith.constant 2 : i32
      %mul3A_348 = arith.muli %mul3A_347, %and3A_1 : i32
      %add3A_349 = arith.constant 1 : i32
      %add3A_350 = arith.addi %mul3A_348, %add3A_349 : i32
      %dma_start3A_351 = arith.constant 0 : i32
      %dma_start3A_352 = arith.constant 0 : i32
      %dma_start3A_353 = arith.constant 0 : i32
      %dma_start3A_354 = arith.constant 0 : i32
      %dma_start3A_355 = tpu.memref_slice %arg7[%dma_start3A_353, %dma_start3A_351, %dma_start3A_354] : memref<128x2x128xf32, #tpu.memory_space<vmem>> -> memref<128x1x128xf32, #tpu.memory_space<vmem>>
      %dma_start3A_356 = tpu.memref_squeeze %dma_start3A_355 : memref<128x1x128xf32, #tpu.memory_space<vmem>> -> memref<128x128xf32, #tpu.memory_space<vmem>>
      %dma_start3A_357 = arith.constant 0 : i32
      %dma_start3A_358 = arith.constant 0 : i32
      %dma_start3A_359 = tpu.memref_slice %arg4[%add3A_346, %and3A_4, %add3A_350, %dma_start3A_352, %dma_start3A_357, %dma_start3A_358] : memref<12x8x4x2x128x128xf32, #tpu.memory_space<hbm>> -> memref<1x1x1x1x128x128xf32, #tpu.memory_space<hbm>>
      %dma_start3A_360 = tpu.memref_squeeze %dma_start3A_359 : memref<1x1x1x1x128x128xf32, #tpu.memory_space<hbm>> -> memref<128x128xf32, #tpu.memory_space<hbm>>
      %dma_start3A_361 = arith.constant 0 : i32
      %dma_start3A_362 = arith.constant 0 : i32
      %dma_start3A_363 = tpu.memref_slice %arg4[%add3A_346, %and3A_4, %add3A_350, %dma_start3A_352, %dma_start3A_361, %dma_start3A_362] : memref<12x8x4x2x128x128xf32, #tpu.memory_space<hbm>> -> memref<1x1x1x1x128x128xf32, #tpu.memory_space<hbm>>
      %dma_start3A_364 = tpu.memref_squeeze %dma_start3A_363 : memref<1x1x1x1x128x128xf32, #tpu.memory_space<hbm>> -> memref<128x128xf32, #tpu.memory_space<hbm>>
      %dma_start3A_365 = arith.constant 0 : i32
      %dma_start3A_366 = arith.constant 0 : i32
      %dma_start3A_367 = tpu.memref_slice %arg7[%dma_start3A_365, %dma_start3A_351, %dma_start3A_366] : memref<128x2x128xf32, #tpu.memory_space<vmem>> -> memref<128x1x128xf32, #tpu.memory_space<vmem>>
      %dma_start3A_368 = tpu.memref_squeeze %dma_start3A_367 : memref<128x1x128xf32, #tpu.memory_space<vmem>> -> memref<128x128xf32, #tpu.memory_space<vmem>>
      tpu.enqueue_dma source(%dma_start3A_368 : memref<128x128xf32, #tpu.memory_space<vmem>>) target(%dma_start3A_364 : memref<128x128xf32, #tpu.memory_space<hbm>>) target_semaphore(%arg13 : memref<!tpu.dma_semaphore, #tpu.memory_space<semaphore_mem>>)
      %mul3A_369 = arith.constant 6 : i32
      %mul3A_370 = arith.muli %shift_right_arithmetic3A_6, %mul3A_369 : i32
      %div3A_371 = arith.constant 2 : i32
      %div3A_372 = arith.divsi %add3A_337, %div3A_371 : i32
      %add3A_373 = arith.addi %mul3A_370, %div3A_372 : i32
      %mul3A_374 = arith.constant 2 : i32
      %mul3A_375 = arith.muli %mul3A_374, %and3A_1 : i32
      %add3A_376 = arith.constant 1 : i32
      %add3A_377 = arith.addi %mul3A_375, %add3A_376 : i32
      %dma_start3A_378 = arith.constant 1 : i32
      %dma_start3A_379 = arith.constant 1 : i32
      %dma_start3A_380 = arith.constant 0 : i32
      %dma_start3A_381 = arith.constant 0 : i32
      %dma_start3A_382 = tpu.memref_slice %arg7[%dma_start3A_380, %dma_start3A_378, %dma_start3A_381] : memref<128x2x128xf32, #tpu.memory_space<vmem>> -> memref<128x1x128xf32, #tpu.memory_space<vmem>>
      %dma_start3A_383 = tpu.memref_squeeze %dma_start3A_382 : memref<128x1x128xf32, #tpu.memory_space<vmem>> -> memref<128x128xf32, #tpu.memory_space<vmem>>
      %dma_start3A_384 = arith.constant 0 : i32
      %dma_start3A_385 = arith.constant 0 : i32
      %dma_start3A_386 = tpu.memref_slice %arg4[%add3A_373, %and3A_4, %add3A_377, %dma_start3A_379, %dma_start3A_384, %dma_start3A_385] : memref<12x8x4x2x128x128xf32, #tpu.memory_space<hbm>> -> memref<1x1x1x1x128x128xf32, #tpu.memory_space<hbm>>
      %dma_start3A_387 = tpu.memref_squeeze %dma_start3A_386 : memref<1x1x1x1x128x128xf32, #tpu.memory_space<hbm>> -> memref<128x128xf32, #tpu.memory_space<hbm>>
      %dma_start3A_388 = arith.constant 0 : i32
      %dma_start3A_389 = arith.constant 0 : i32
      %dma_start3A_390 = tpu.memref_slice %arg4[%add3A_373, %and3A_4, %add3A_377, %dma_start3A_379, %dma_start3A_388, %dma_start3A_389] : memref<12x8x4x2x128x128xf32, #tpu.memory_space<hbm>> -> memref<1x1x1x1x128x128xf32, #tpu.memory_space<hbm>>
      %dma_start3A_391 = tpu.memref_squeeze %dma_start3A_390 : memref<1x1x1x1x128x128xf32, #tpu.memory_space<hbm>> -> memref<128x128xf32, #tpu.memory_space<hbm>>
      %dma_start3A_392 = arith.constant 0 : i32
      %dma_start3A_393 = arith.constant 0 : i32
      %dma_start3A_394 = tpu.memref_slice %arg7[%dma_start3A_392, %dma_start3A_378, %dma_start3A_393] : memref<128x2x128xf32, #tpu.memory_space<vmem>> -> memref<128x1x128xf32, #tpu.memory_space<vmem>>
      %dma_start3A_395 = tpu.memref_squeeze %dma_start3A_394 : memref<128x1x128xf32, #tpu.memory_space<vmem>> -> memref<128x128xf32, #tpu.memory_space<vmem>>
      tpu.enqueue_dma source(%dma_start3A_395 : memref<128x128xf32, #tpu.memory_space<vmem>>) target(%dma_start3A_391 : memref<128x128xf32, #tpu.memory_space<hbm>>) target_semaphore(%arg13 : memref<!tpu.dma_semaphore, #tpu.memory_space<semaphore_mem>>)
      %add3A_396 = arith.constant 2 : i32
      %add3A_397 = arith.addi %add3A_337, %add3A_396 : i32
      %lt3A_398 = arith.constant 12 : i32
      %lt3A_399 = arith.cmpi slt, %add3A_397, %lt3A_398 : i32
      %convert_element_type3A_400 = arith.extui %lt3A_399 : i1 to i32
      %cond3A_401 = arith.constant 0 : i32
      %cond3A_402 = arith.cmpi ne, %convert_element_type3A_400, %cond3A_401 : i32
      scf.if %cond3A_402 {
        %mul3A_403 = arith.constant 6 : i32
        %mul3A_404 = arith.muli %shift_right_arithmetic3A_6, %mul3A_403 : i32
        %div3A_405 = arith.constant 2 : i32
        %div3A_406 = arith.divsi %add3A_337, %div3A_405 : i32
        %add3A_407 = arith.addi %mul3A_404, %div3A_406 : i32
        %mul3A_408 = arith.constant 2 : i32
        %mul3A_409 = arith.muli %mul3A_408, %and3A_1 : i32
        %add3A_410 = arith.constant 1 : i32
        %add3A_411 = arith.addi %mul3A_409, %add3A_410 : i32
        %dma_wait3A_412 = arith.constant 0 : i32
        %dma_wait3A_413 = arith.constant 0 : i32
        %dma_wait3A_414 = arith.constant 0 : i32
        %dma_wait3A_415 = arith.constant 0 : i32
        %dma_wait3A_416 = tpu.memref_slice %arg7[%dma_wait3A_414, %dma_wait3A_412, %dma_wait3A_415] : memref<128x2x128xf32, #tpu.memory_space<vmem>> -> memref<128x1x128xf32, #tpu.memory_space<vmem>>
        %dma_wait3A_417 = tpu.memref_squeeze %dma_wait3A_416 : memref<128x1x128xf32, #tpu.memory_space<vmem>> -> memref<128x128xf32, #tpu.memory_space<vmem>>
        %dma_wait3A_418 = arith.constant 0 : i32
        %dma_wait3A_419 = arith.constant 0 : i32
        %dma_wait3A_420 = tpu.memref_slice %arg4[%add3A_407, %and3A_4, %add3A_411, %dma_wait3A_413, %dma_wait3A_418, %dma_wait3A_419] : memref<12x8x4x2x128x128xf32, #tpu.memory_space<hbm>> -> memref<1x1x1x1x128x128xf32, #tpu.memory_space<hbm>>
        %dma_wait3A_421 = tpu.memref_squeeze %dma_wait3A_420 : memref<1x1x1x1x128x128xf32, #tpu.memory_space<hbm>> -> memref<128x128xf32, #tpu.memory_space<hbm>>
        %dma_wait3A_422 = arith.constant 0 : i32
        %dma_wait3A_423 = arith.constant 0 : i32
        %dma_wait3A_424 = tpu.memref_slice %arg4[%add3A_407, %and3A_4, %add3A_411, %dma_wait3A_413, %dma_wait3A_422, %dma_wait3A_423] : memref<12x8x4x2x128x128xf32, #tpu.memory_space<hbm>> -> memref<1x1x1x1x128x128xf32, #tpu.memory_space<hbm>>
        %dma_wait3A_425 = tpu.memref_squeeze %dma_wait3A_424 : memref<1x1x1x1x128x128xf32, #tpu.memory_space<hbm>> -> memref<128x128xf32, #tpu.memory_space<hbm>>
        %dma_wait3A_426 = arith.constant 0 : i32
        %dma_wait3A_427 = arith.constant 0 : i32
        %dma_wait3A_428 = tpu.memref_slice %arg7[%dma_wait3A_426, %dma_wait3A_412, %dma_wait3A_427] : memref<128x2x128xf32, #tpu.memory_space<vmem>> -> memref<128x1x128xf32, #tpu.memory_space<vmem>>
        %dma_wait3A_429 = tpu.memref_squeeze %dma_wait3A_428 : memref<128x1x128xf32, #tpu.memory_space<vmem>> -> memref<128x128xf32, #tpu.memory_space<vmem>>
        tpu.wait_dma2 semaphore(%arg13 : memref<!tpu.dma_semaphore, #tpu.memory_space<semaphore_mem>>) src(%dma_wait3A_429 : memref<128x128xf32, #tpu.memory_space<vmem>>) dst(%dma_wait3A_425 : memref<128x128xf32, #tpu.memory_space<hbm>>)
        %mul3A_430 = arith.constant 6 : i32
        %mul3A_431 = arith.muli %shift_right_arithmetic3A_6, %mul3A_430 : i32
        %div3A_432 = arith.constant 2 : i32
        %div3A_433 = arith.divsi %add3A_337, %div3A_432 : i32
        %add3A_434 = arith.addi %mul3A_431, %div3A_433 : i32
        %mul3A_435 = arith.constant 2 : i32
        %mul3A_436 = arith.muli %mul3A_435, %and3A_1 : i32
        %add3A_437 = arith.constant 1 : i32
        %add3A_438 = arith.addi %mul3A_436, %add3A_437 : i32
        %dma_wait3A_439 = arith.constant 1 : i32
        %dma_wait3A_440 = arith.constant 1 : i32
        %dma_wait3A_441 = arith.constant 0 : i32
        %dma_wait3A_442 = arith.constant 0 : i32
        %dma_wait3A_443 = tpu.memref_slice %arg7[%dma_wait3A_441, %dma_wait3A_439, %dma_wait3A_442] : memref<128x2x128xf32, #tpu.memory_space<vmem>> -> memref<128x1x128xf32, #tpu.memory_space<vmem>>
        %dma_wait3A_444 = tpu.memref_squeeze %dma_wait3A_443 : memref<128x1x128xf32, #tpu.memory_space<vmem>> -> memref<128x128xf32, #tpu.memory_space<vmem>>
        %dma_wait3A_445 = arith.constant 0 : i32
        %dma_wait3A_446 = arith.constant 0 : i32
        %dma_wait3A_447 = tpu.memref_slice %arg4[%add3A_434, %and3A_4, %add3A_438, %dma_wait3A_440, %dma_wait3A_445, %dma_wait3A_446] : memref<12x8x4x2x128x128xf32, #tpu.memory_space<hbm>> -> memref<1x1x1x1x128x128xf32, #tpu.memory_space<hbm>>
        %dma_wait3A_448 = tpu.memref_squeeze %dma_wait3A_447 : memref<1x1x1x1x128x128xf32, #tpu.memory_space<hbm>> -> memref<128x128xf32, #tpu.memory_space<hbm>>
        %dma_wait3A_449 = arith.constant 0 : i32
        %dma_wait3A_450 = arith.constant 0 : i32
        %dma_wait3A_451 = tpu.memref_slice %arg4[%add3A_434, %and3A_4, %add3A_438, %dma_wait3A_440, %dma_wait3A_449, %dma_wait3A_450] : memref<12x8x4x2x128x128xf32, #tpu.memory_space<hbm>> -> memref<1x1x1x1x128x128xf32, #tpu.memory_space<hbm>>
        %dma_wait3A_452 = tpu.memref_squeeze %dma_wait3A_451 : memref<1x1x1x1x128x128xf32, #tpu.memory_space<hbm>> -> memref<128x128xf32, #tpu.memory_space<hbm>>
        %dma_wait3A_453 = arith.constant 0 : i32
        %dma_wait3A_454 = arith.constant 0 : i32
        %dma_wait3A_455 = tpu.memref_slice %arg7[%dma_wait3A_453, %dma_wait3A_439, %dma_wait3A_454] : memref<128x2x128xf32, #tpu.memory_space<vmem>> -> memref<128x1x128xf32, #tpu.memory_space<vmem>>
        %dma_wait3A_456 = tpu.memref_squeeze %dma_wait3A_455 : memref<128x1x128xf32, #tpu.memory_space<vmem>> -> memref<128x128xf32, #tpu.memory_space<vmem>>
        tpu.wait_dma2 semaphore(%arg13 : memref<!tpu.dma_semaphore, #tpu.memory_space<semaphore_mem>>) src(%dma_wait3A_456 : memref<128x128xf32, #tpu.memory_space<vmem>>) dst(%dma_wait3A_452 : memref<128x128xf32, #tpu.memory_space<hbm>>)
        %add3A_457 = arith.constant 2 : i32
        %add3A_458 = arith.addi %add3A_337, %add3A_457 : i32
        %sub3A_459 = arith.subi %add3A_10, %mul3A_13 : i32
        %div3A_460 = arith.constant 2 : i32
        %div3A_461 = arith.divsi %add3A_458, %div3A_460 : i32
        %add3A_462 = arith.addi %sub3A_459, %div3A_461 : i32
        %mul3A_463 = arith.constant 2 : i32
        %mul3A_464 = arith.muli %mul3A_463, %and3A_1 : i32
        %add3A_465 = arith.constant 1 : i32
        %add3A_466 = arith.addi %mul3A_464, %add3A_465 : i32
        %mul3A_467 = arith.constant 1000 : i32
        %mul3A_468 = arith.muli %add3A_466, %mul3A_467 : i32
        %get3A_469 = arith.index_cast %add3A_462 : i32 to index
        %get3A_470 = arith.constant 0 : index
        %get3A_471 = tpu.vector_load %arg5[%get3A_469, %get3A_470] {strides = array<i32>} : memref<32x128xi32, #tpu.memory_space<vmem>>, vector<16xi32>,
        %add3A_472 = vector.broadcast %mul3A_468 : i32 to vector<16xi32>
        %add3A_473 = arith.addi %get3A_471, %add3A_472 : vector<16xi32>
        %swap3A_474 = arith.constant 0 : index
        %swap3A_475 = tpu.vector_load %arg9[%swap3A_474] {strides = array<i32>} : memref<128xi32, #tpu.memory_space<vmem>>, vector<16xi32>,
        tpu.vector_store %arg9[%swap3A_474], %add3A_473 {strides = array<i32>} : memref<128xi32, #tpu.memory_space<vmem>>, vector<16xi32>,
        %get3A_476 = arith.index_cast %add3A_462 : i32 to index
        %get3A_477 = arith.constant 16 : index
        %get3A_478 = tpu.vector_load %arg5[%get3A_476, %get3A_477] {strides = array<i32>} : memref<32x128xi32, #tpu.memory_space<vmem>>, vector<16xi32>,
        %add3A_479 = vector.broadcast %mul3A_468 : i32 to vector<16xi32>
        %add3A_480 = arith.addi %get3A_478, %add3A_479 : vector<16xi32>
        %swap3A_481 = arith.constant 16 : index
        %swap3A_482 = tpu.vector_load %arg9[%swap3A_481] {strides = array<i32>} : memref<128xi32, #tpu.memory_space<vmem>>, vector<16xi32>,
        tpu.vector_store %arg9[%swap3A_481], %add3A_480 {strides = array<i32>} : memref<128xi32, #tpu.memory_space<vmem>>, vector<16xi32>,
        %get3A_483 = arith.index_cast %add3A_462 : i32 to index
        %get3A_484 = arith.constant 32 : index
        %get3A_485 = tpu.vector_load %arg5[%get3A_483, %get3A_484] {strides = array<i32>} : memref<32x128xi32, #tpu.memory_space<vmem>>, vector<16xi32>,
        %add3A_486 = vector.broadcast %mul3A_468 : i32 to vector<16xi32>
        %add3A_487 = arith.addi %get3A_485, %add3A_486 : vector<16xi32>
        %swap3A_488 = arith.constant 32 : index
        %swap3A_489 = tpu.vector_load %arg9[%swap3A_488] {strides = array<i32>} : memref<128xi32, #tpu.memory_space<vmem>>, vector<16xi32>,
        tpu.vector_store %arg9[%swap3A_488], %add3A_487 {strides = array<i32>} : memref<128xi32, #tpu.memory_space<vmem>>, vector<16xi32>,
        %get3A_490 = arith.index_cast %add3A_462 : i32 to index
        %get3A_491 = arith.constant 48 : index
        %get3A_492 = tpu.vector_load %arg5[%get3A_490, %get3A_491] {strides = array<i32>} : memref<32x128xi32, #tpu.memory_space<vmem>>, vector<16xi32>,
        %add3A_493 = vector.broadcast %mul3A_468 : i32 to vector<16xi32>
        %add3A_494 = arith.addi %get3A_492, %add3A_493 : vector<16xi32>
        %swap3A_495 = arith.constant 48 : index
        %swap3A_496 = tpu.vector_load %arg9[%swap3A_495] {strides = array<i32>} : memref<128xi32, #tpu.memory_space<vmem>>, vector<16xi32>,
        tpu.vector_store %arg9[%swap3A_495], %add3A_494 {strides = array<i32>} : memref<128xi32, #tpu.memory_space<vmem>>, vector<16xi32>,
        %get3A_497 = arith.index_cast %add3A_462 : i32 to index
        %get3A_498 = arith.constant 64 : index
        %get3A_499 = tpu.vector_load %arg5[%get3A_497, %get3A_498] {strides = array<i32>} : memref<32x128xi32, #tpu.memory_space<vmem>>, vector<16xi32>,
        %add3A_500 = vector.broadcast %mul3A_468 : i32 to vector<16xi32>
        %add3A_501 = arith.addi %get3A_499, %add3A_500 : vector<16xi32>
        %swap3A_502 = arith.constant 64 : index
        %swap3A_503 = tpu.vector_load %arg9[%swap3A_502] {strides = array<i32>} : memref<128xi32, #tpu.memory_space<vmem>>, vector<16xi32>,
        tpu.vector_store %arg9[%swap3A_502], %add3A_501 {strides = array<i32>} : memref<128xi32, #tpu.memory_space<vmem>>, vector<16xi32>,
        %get3A_504 = arith.index_cast %add3A_462 : i32 to index
        %get3A_505 = arith.constant 80 : index
        %get3A_506 = tpu.vector_load %arg5[%get3A_504, %get3A_505] {strides = array<i32>} : memref<32x128xi32, #tpu.memory_space<vmem>>, vector<16xi32>,
        %add3A_507 = vector.broadcast %mul3A_468 : i32 to vector<16xi32>
        %add3A_508 = arith.addi %get3A_506, %add3A_507 : vector<16xi32>
        %swap3A_509 = arith.constant 80 : index
        %swap3A_510 = tpu.vector_load %arg9[%swap3A_509] {strides = array<i32>} : memref<128xi32, #tpu.memory_space<vmem>>, vector<16xi32>,
        tpu.vector_store %arg9[%swap3A_509], %add3A_508 {strides = array<i32>} : memref<128xi32, #tpu.memory_space<vmem>>, vector<16xi32>,
        %get3A_511 = arith.index_cast %add3A_462 : i32 to index
        %get3A_512 = arith.constant 96 : index
        %get3A_513 = tpu.vector_load %arg5[%get3A_511, %get3A_512] {strides = array<i32>} : memref<32x128xi32, #tpu.memory_space<vmem>>, vector<16xi32>,
        %add3A_514 = vector.broadcast %mul3A_468 : i32 to vector<16xi32>
        %add3A_515 = arith.addi %get3A_513, %add3A_514 : vector<16xi32>
        %swap3A_516 = arith.constant 96 : index
        %swap3A_517 = tpu.vector_load %arg9[%swap3A_516] {strides = array<i32>} : memref<128xi32, #tpu.memory_space<vmem>>, vector<16xi32>,
        tpu.vector_store %arg9[%swap3A_516], %add3A_515 {strides = array<i32>} : memref<128xi32, #tpu.memory_space<vmem>>, vector<16xi32>,
        %get3A_518 = arith.index_cast %add3A_462 : i32 to index
        %get3A_519 = arith.constant 112 : index
        %get3A_520 = tpu.vector_load %arg5[%get3A_518, %get3A_519] {strides = array<i32>} : memref<32x128xi32, #tpu.memory_space<vmem>>, vector<16xi32>,
        %add3A_521 = vector.broadcast %mul3A_468 : i32 to vector<16xi32>
        %add3A_522 = arith.addi %get3A_520, %add3A_521 : vector<16xi32>
        %swap3A_523 = arith.constant 112 : index
        %swap3A_524 = tpu.vector_load %arg9[%swap3A_523] {strides = array<i32>} : memref<128xi32, #tpu.memory_space<vmem>>, vector<16xi32>,
        tpu.vector_store %arg9[%swap3A_523], %add3A_522 {strides = array<i32>} : memref<128xi32, #tpu.memory_space<vmem>>, vector<16xi32>,
        %dma_start3A_525 = arith.constant 0 : i32
        %dma_start3A_526 = arith.constant 0 : i32
        %dma_start3A_527 = arith.constant 0 : i32
        %dma_start3A_528 = tpu.memref_slice %arg3[%dma_start3A_525, %dma_start3A_526, %dma_start3A_527] : memref<4000x2x128xf32, #tpu.memory_space<hbm>> -> memref<4000x2x128xf32, #tpu.memory_space<hbm>>
        tpu.enqueue_indirect_dma source(%dma_start3A_528 : memref<4000x2x128xf32, #tpu.memory_space<hbm>>) target(%arg7 : memref<128x2x128xf32, #tpu.memory_space<vmem>>) offsets(%arg9 : memref<128xi32, #tpu.memory_space<vmem>>) semaphore(%arg11 : memref<!tpu.dma_semaphore, #tpu.memory_space<semaphore_mem>>)
      } else {
      }
    }
    %scan3A_155 = arith.constant 6 : i32
    %mul3A_156 = arith.constant 6 : i32
    %mul3A_157 = arith.muli %shift_right_arithmetic3A_6, %mul3A_156 : i32
    %div3A_158 = arith.constant 10 : i32
    %div3A_159 = arith.constant 2 : i32
    %div3A_160 = arith.divsi %div3A_158, %div3A_159 : i32
    %add3A_161 = arith.addi %mul3A_157, %div3A_160 : i32
    %mul3A_162 = arith.constant 2 : i32
    %mul3A_163 = arith.muli %mul3A_162, %and3A_1 : i32
    %add3A_164 = arith.constant 0 : i32
    %add3A_165 = arith.addi %mul3A_163, %add3A_164 : i32
    %dma_wait3A = arith.constant 0 : i32
    %dma_wait3A_166 = arith.constant 0 : i32
    %dma_wait3A_167 = arith.constant 0 : i32
    %dma_wait3A_168 = arith.constant 0 : i32
    %dma_wait3A_169 = tpu.memref_slice %arg6[%dma_wait3A_167, %dma_wait3A, %dma_wait3A_168] : memref<128x2x128xf32, #tpu.memory_space<vmem>> -> memref<128x1x128xf32, #tpu.memory_space<vmem>>
    %dma_wait3A_170 = tpu.memref_squeeze %dma_wait3A_169 : memref<128x1x128xf32, #tpu.memory_space<vmem>> -> memref<128x128xf32, #tpu.memory_space<vmem>>
    %dma_wait3A_171 = arith.constant 0 : i32
    %dma_wait3A_172 = arith.constant 0 : i32
    %dma_wait3A_173 = tpu.memref_slice %arg4[%add3A_161, %and3A_4, %add3A_165, %dma_wait3A_166, %dma_wait3A_171, %dma_wait3A_172] : memref<12x8x4x2x128x128xf32, #tpu.memory_space<hbm>> -> memref<1x1x1x1x128x128xf32, #tpu.memory_space<hbm>>
    %dma_wait3A_174 = tpu.memref_squeeze %dma_wait3A_173 : memref<1x1x1x1x128x128xf32, #tpu.memory_space<hbm>> -> memref<128x128xf32, #tpu.memory_space<hbm>>
    %dma_wait3A_175 = arith.constant 0 : i32
    %dma_wait3A_176 = arith.constant 0 : i32
    %dma_wait3A_177 = tpu.memref_slice %arg4[%add3A_161, %and3A_4, %add3A_165, %dma_wait3A_166, %dma_wait3A_175, %dma_wait3A_176] : memref<12x8x4x2x128x128xf32, #tpu.memory_space<hbm>> -> memref<1x1x1x1x128x128xf32, #tpu.memory_space<hbm>>
    %dma_wait3A_178 = tpu.memref_squeeze %dma_wait3A_177 : memref<1x1x1x1x128x128xf32, #tpu.memory_space<hbm>> -> memref<128x128xf32, #tpu.memory_space<hbm>>
    %dma_wait3A_179 = arith.constant 0 : i32
    %dma_wait3A_180 = arith.constant 0 : i32
    %dma_wait3A_181 = tpu.memref_slice %arg6[%dma_wait3A_179, %dma_wait3A, %dma_wait3A_180] : memref<128x2x128xf32, #tpu.memory_space<vmem>> -> memref<128x1x128xf32, #tpu.memory_space<vmem>>
    %dma_wait3A_182 = tpu.memref_squeeze %dma_wait3A_181 : memref<128x1x128xf32, #tpu.memory_space<vmem>> -> memref<128x128xf32, #tpu.memory_space<vmem>>
    tpu.wait_dma2 semaphore(%arg12 : memref<!tpu.dma_semaphore, #tpu.memory_space<semaphore_mem>>) src(%dma_wait3A_182 : memref<128x128xf32, #tpu.memory_space<vmem>>) dst(%dma_wait3A_178 : memref<128x128xf32, #tpu.memory_space<hbm>>)
    %mul3A_183 = arith.constant 6 : i32
    %mul3A_184 = arith.muli %shift_right_arithmetic3A_6, %mul3A_183 : i32
    %div3A_185 = arith.constant 10 : i32
    %div3A_186 = arith.constant 2 : i32
    %div3A_187 = arith.divsi %div3A_185, %div3A_186 : i32
    %add3A_188 = arith.addi %mul3A_184, %div3A_187 : i32
    %mul3A_189 = arith.constant 2 : i32
    %mul3A_190 = arith.muli %mul3A_189, %and3A_1 : i32
    %add3A_191 = arith.constant 0 : i32
    %add3A_192 = arith.addi %mul3A_190, %add3A_191 : i32
    %dma_wait3A_193 = arith.constant 1 : i32
    %dma_wait3A_194 = arith.constant 1 : i32
    %dma_wait3A_195 = arith.constant 0 : i32
    %dma_wait3A_196 = arith.constant 0 : i32
    %dma_wait3A_197 = tpu.memref_slice %arg6[%dma_wait3A_195, %dma_wait3A_193, %dma_wait3A_196] : memref<128x2x128xf32, #tpu.memory_space<vmem>> -> memref<128x1x128xf32, #tpu.memory_space<vmem>>
    %dma_wait3A_198 = tpu.memref_squeeze %dma_wait3A_197 : memref<128x1x128xf32, #tpu.memory_space<vmem>> -> memref<128x128xf32, #tpu.memory_space<vmem>>
    %dma_wait3A_199 = arith.constant 0 : i32
    %dma_wait3A_200 = arith.constant 0 : i32
    %dma_wait3A_201 = tpu.memref_slice %arg4[%add3A_188, %and3A_4, %add3A_192, %dma_wait3A_194, %dma_wait3A_199, %dma_wait3A_200] : memref<12x8x4x2x128x128xf32, #tpu.memory_space<hbm>> -> memref<1x1x1x1x128x128xf32, #tpu.memory_space<hbm>>
    %dma_wait3A_202 = tpu.memref_squeeze %dma_wait3A_201 : memref<1x1x1x1x128x128xf32, #tpu.memory_space<hbm>> -> memref<128x128xf32, #tpu.memory_space<hbm>>
    %dma_wait3A_203 = arith.constant 0 : i32
    %dma_wait3A_204 = arith.constant 0 : i32
    %dma_wait3A_205 = tpu.memref_slice %arg4[%add3A_188, %and3A_4, %add3A_192, %dma_wait3A_194, %dma_wait3A_203, %dma_wait3A_204] : memref<12x8x4x2x128x128xf32, #tpu.memory_space<hbm>> -> memref<1x1x1x1x128x128xf32, #tpu.memory_space<hbm>>
    %dma_wait3A_206 = tpu.memref_squeeze %dma_wait3A_205 : memref<1x1x1x1x128x128xf32, #tpu.memory_space<hbm>> -> memref<128x128xf32, #tpu.memory_space<hbm>>
    %dma_wait3A_207 = arith.constant 0 : i32
    %dma_wait3A_208 = arith.constant 0 : i32
    %dma_wait3A_209 = tpu.memref_slice %arg6[%dma_wait3A_207, %dma_wait3A_193, %dma_wait3A_208] : memref<128x2x128xf32, #tpu.memory_space<vmem>> -> memref<128x1x128xf32, #tpu.memory_space<vmem>>
    %dma_wait3A_210 = tpu.memref_squeeze %dma_wait3A_209 : memref<128x1x128xf32, #tpu.memory_space<vmem>> -> memref<128x128xf32, #tpu.memory_space<vmem>>
    tpu.wait_dma2 semaphore(%arg12 : memref<!tpu.dma_semaphore, #tpu.memory_space<semaphore_mem>>) src(%dma_wait3A_210 : memref<128x128xf32, #tpu.memory_space<vmem>>) dst(%dma_wait3A_206 : memref<128x128xf32, #tpu.memory_space<hbm>>)
    %mul3A_211 = arith.constant 6 : i32
    %mul3A_212 = arith.muli %shift_right_arithmetic3A_6, %mul3A_211 : i32
    %div3A_213 = arith.constant 11 : i32
    %div3A_214 = arith.constant 2 : i32
    %div3A_215 = arith.divsi %div3A_213, %div3A_214 : i32
    %add3A_216 = arith.addi %mul3A_212, %div3A_215 : i32
    %mul3A_217 = arith.constant 2 : i32
    %mul3A_218 = arith.muli %mul3A_217, %and3A_1 : i32
    %add3A_219 = arith.constant 1 : i32
    %add3A_220 = arith.addi %mul3A_218, %add3A_219 : i32
    %dma_wait3A_221 = arith.constant 0 : i32
    %dma_wait3A_222 = arith.constant 0 : i32
    %dma_wait3A_223 = arith.constant 0 : i32
    %dma_wait3A_224 = arith.constant 0 : i32
    %dma_wait3A_225 = tpu.memref_slice %arg7[%dma_wait3A_223, %dma_wait3A_221, %dma_wait3A_224] : memref<128x2x128xf32, #tpu.memory_space<vmem>> -> memref<128x1x128xf32, #tpu.memory_space<vmem>>
    %dma_wait3A_226 = tpu.memref_squeeze %dma_wait3A_225 : memref<128x1x128xf32, #tpu.memory_space<vmem>> -> memref<128x128xf32, #tpu.memory_space<vmem>>
    %dma_wait3A_227 = arith.constant 0 : i32
    %dma_wait3A_228 = arith.constant 0 : i32
    %dma_wait3A_229 = tpu.memref_slice %arg4[%add3A_216, %and3A_4, %add3A_220, %dma_wait3A_222, %dma_wait3A_227, %dma_wait3A_228] : memref<12x8x4x2x128x128xf32, #tpu.memory_space<hbm>> -> memref<1x1x1x1x128x128xf32, #tpu.memory_space<hbm>>
    %dma_wait3A_230 = tpu.memref_squeeze %dma_wait3A_229 : memref<1x1x1x1x128x128xf32, #tpu.memory_space<hbm>> -> memref<128x128xf32, #tpu.memory_space<hbm>>
    %dma_wait3A_231 = arith.constant 0 : i32
    %dma_wait3A_232 = arith.constant 0 : i32
    %dma_wait3A_233 = tpu.memref_slice %arg4[%add3A_216, %and3A_4, %add3A_220, %dma_wait3A_222, %dma_wait3A_231, %dma_wait3A_232] : memref<12x8x4x2x128x128xf32, #tpu.memory_space<hbm>> -> memref<1x1x1x1x128x128xf32, #tpu.memory_space<hbm>>
    %dma_wait3A_234 = tpu.memref_squeeze %dma_wait3A_233 : memref<1x1x1x1x128x128xf32, #tpu.memory_space<hbm>> -> memref<128x128xf32, #tpu.memory_space<hbm>>
    %dma_wait3A_235 = arith.constant 0 : i32
    %dma_wait3A_236 = arith.constant 0 : i32
    %dma_wait3A_237 = tpu.memref_slice %arg7[%dma_wait3A_235, %dma_wait3A_221, %dma_wait3A_236] : memref<128x2x128xf32, #tpu.memory_space<vmem>> -> memref<128x1x128xf32, #tpu.memory_space<vmem>>
    %dma_wait3A_238 = tpu.memref_squeeze %dma_wait3A_237 : memref<128x1x128xf32, #tpu.memory_space<vmem>> -> memref<128x128xf32, #tpu.memory_space<vmem>>
    tpu.wait_dma2 semaphore(%arg13 : memref<!tpu.dma_semaphore, #tpu.memory_space<semaphore_mem>>) src(%dma_wait3A_238 : memref<128x128xf32, #tpu.memory_space<vmem>>) dst(%dma_wait3A_234 : memref<128x128xf32, #tpu.memory_space<hbm>>)
    %mul3A_239 = arith.constant 6 : i32
    %mul3A_240 = arith.muli %shift_right_arithmetic3A_6, %mul3A_239 : i32
    %div3A_241 = arith.constant 11 : i32
    %div3A_242 = arith.constant 2 : i32
    %div3A_243 = arith.divsi %div3A_241, %div3A_242 : i32
    %add3A_244 = arith.addi %mul3A_240, %div3A_243 : i32
    %mul3A_245 = arith.constant 2 : i32
    %mul3A_246 = arith.muli %mul3A_245, %and3A_1 : i32
    %add3A_247 = arith.constant 1 : i32
    %add3A_248 = arith.addi %mul3A_246, %add3A_247 : i32
    %dma_wait3A_249 = arith.constant 1 : i32
    %dma_wait3A_250 = arith.constant 1 : i32
    %dma_wait3A_251 = arith.constant 0 : i32
    %dma_wait3A_252 = arith.constant 0 : i32
    %dma_wait3A_253 = tpu.memref_slice %arg7[%dma_wait3A_251, %dma_wait3A_249, %dma_wait3A_252] : memref<128x2x128xf32, #tpu.memory_space<vmem>> -> memref<128x1x128xf32, #tpu.memory_space<vmem>>
    %dma_wait3A_254 = tpu.memref_squeeze %dma_wait3A_253 : memref<128x1x128xf32, #tpu.memory_space<vmem>> -> memref<128x128xf32, #tpu.memory_space<vmem>>
    %dma_wait3A_255 = arith.constant 0 : i32
    %dma_wait3A_256 = arith.constant 0 : i32
    %dma_wait3A_257 = tpu.memref_slice %arg4[%add3A_244, %and3A_4, %add3A_248, %dma_wait3A_250, %dma_wait3A_255, %dma_wait3A_256] : memref<12x8x4x2x128x128xf32, #tpu.memory_space<hbm>> -> memref<1x1x1x1x128x128xf32, #tpu.memory_space<hbm>>
    %dma_wait3A_258 = tpu.memref_squeeze %dma_wait3A_257 : memref<1x1x1x1x128x128xf32, #tpu.memory_space<hbm>> -> memref<128x128xf32, #tpu.memory_space<hbm>>
    %dma_wait3A_259 = arith.constant 0 : i32
    %dma_wait3A_260 = arith.constant 0 : i32
    %dma_wait3A_261 = tpu.memref_slice %arg4[%add3A_244, %and3A_4, %add3A_248, %dma_wait3A_250, %dma_wait3A_259, %dma_wait3A_260] : memref<12x8x4x2x128x128xf32, #tpu.memory_space<hbm>> -> memref<1x1x1x1x128x128xf32, #tpu.memory_space<hbm>>
    %dma_wait3A_262 = tpu.memref_squeeze %dma_wait3A_261 : memref<1x1x1x1x128x128xf32, #tpu.memory_space<hbm>> -> memref<128x128xf32, #tpu.memory_space<hbm>>
    %dma_wait3A_263 = arith.constant 0 : i32
    %dma_wait3A_264 = arith.constant 0 : i32
    %dma_wait3A_265 = tpu.memref_slice %arg7[%dma_wait3A_263, %dma_wait3A_249, %dma_wait3A_264] : memref<128x2x128xf32, #tpu.memory_space<vmem>> -> memref<128x1x128xf32, #tpu.memory_space<vmem>>
    %dma_wait3A_266 = tpu.memref_squeeze %dma_wait3A_265 : memref<128x1x128xf32, #tpu.memory_space<vmem>> -> memref<128x128xf32, #tpu.memory_space<vmem>>
    tpu.wait_dma2 semaphore(%arg13 : memref<!tpu.dma_semaphore, #tpu.memory_space<semaphore_mem>>) src(%dma_wait3A_266 : memref<128x128xf32, #tpu.memory_space<vmem>>) dst(%dma_wait3A_262 : memref<128x128xf32, #tpu.memory_space<hbm>>)
    return
  }
}

#map = affine_map<(d0, d1) -> (0, 0, 0)>
#map1 = affine_map<(d0, d1) -> (0, 0, 0, 0, 0, 0)>
module attributes {stable_mosaic.version = 14 : i64} {
  func.func @gather(%arg0: i32, %arg1: i32, %arg2: memref<8x56x128xi32, #tpu.memory_space<hbm>>, %arg3: memref<4000x2x128xf32, #tpu.memory_space<hbm>>, %arg4: memref<12x8x4x2x128x128xf32, #tpu.memory_space<hbm>>, %arg5: memref<32x128xi32, #tpu.memory_space<vmem>>, %arg6: memref<128x2x128xf32, #tpu.memory_space<vmem>>, %arg7: memref<128x2x128xf32, #tpu.memory_space<vmem>>, %arg8: memref<128xi32, #tpu.memory_space<vmem>>, %arg9: memref<128xi32, #tpu.memory_space<vmem>>, %arg10: memref<!tpu.dma_semaphore, #tpu.memory_space<semaphore_mem>>, %arg11: memref<!tpu.dma_semaphore, #tpu.memory_space<semaphore_mem>>, %arg12: memref<!tpu.dma_semaphore, #tpu.memory_space<semaphore_mem>>, %arg13: memref<!tpu.dma_semaphore, #tpu.memory_space<semaphore_mem>>) attributes {dimension_semantics = [#tpu.dimension_semantics<core_parallel>, #tpu.dimension_semantics<subcore_parallel>], iteration_bounds = array<i64: 2, 16>, scalar_prefetch = 0 : i64, scratch_operands = 9 : i64, tpu.core_type = #tpu.core_type<sc_vector_subcore>, window_params = [{transform_indices = #map}, {transform_indices = #map}, {transform_indices = #map1}]} {
    %mul3A = arith.constant 2 : i32
    %mul3A_0 = arith.muli %arg1, %mul3A : i32
    %add3A = arith.addi %mul3A_0, %arg0 : i32
    %and3A = arith.constant 1 : i32
    %and3A_1 = arith.andi %add3A, %and3A : i32
    %shift_right_arithmetic3A = arith.constant 1 : i32
    %shift_right_arithmetic3A_2 = arith.shrsi %add3A, %shift_right_arithmetic3A : i32
    %and3A_3 = arith.constant 7 : i32
    %and3A_4 = arith.andi %shift_right_arithmetic3A_2, %and3A_3 : i32
    %shift_right_arithmetic3A_5 = arith.constant 4 : i32
    %shift_right_arithmetic3A_6 = arith.shrsi %add3A, %shift_right_arithmetic3A_5 : i32
    %mul3A_7 = arith.constant 6 : i32
    %mul3A_8 = arith.muli %mul3A_7, %shift_right_arithmetic3A_6 : i32
    %add3A_9 = arith.constant 0 : i32
    %add3A_10 = arith.addi %add3A_9, %mul3A_8 : i32
    %div3A = arith.constant 8 : i32
    %div3A_11 = arith.divsi %add3A_10, %div3A : i32
    %mul3A_12 = arith.constant 8 : i32
    %mul3A_13 = arith.muli %div3A_11, %mul3A_12 : i32
    %multiple_of3A = tpu.assume_multiple %mul3A_13, 8 : i32
    "tpu.region"() ({
      %run_scoped3A = tpu.sem_alloc : memref<!tpu.dma_semaphore, #tpu.memory_space<semaphore_mem>>
      %dma_start3A_267 = arith.constant 0 : i32
      %dma_start3A_268 = tpu.memref_slice %arg2[%and3A_4, %multiple_of3A, %dma_start3A_267] : memref<8x56x128xi32, #tpu.memory_space<hbm>> -> memref<1x32x128xi32, #tpu.memory_space<hbm>>
      %dma_start3A_269 = tpu.memref_squeeze %dma_start3A_268 : memref<1x32x128xi32, #tpu.memory_space<hbm>> -> memref<32x128xi32, #tpu.memory_space<hbm>>
      %dma_start3A_270 = arith.constant 0 : i32
      %dma_start3A_271 = tpu.memref_slice %arg2[%and3A_4, %multiple_of3A, %dma_start3A_270] : memref<8x56x128xi32, #tpu.memory_space<hbm>> -> memref<1x32x128xi32, #tpu.memory_space<hbm>>
      %dma_start3A_272 = tpu.memref_squeeze %dma_start3A_271 : memref<1x32x128xi32, #tpu.memory_space<hbm>> -> memref<32x128xi32, #tpu.memory_space<hbm>>
      tpu.enqueue_dma source(%dma_start3A_272 : memref<32x128xi32, #tpu.memory_space<hbm>>) target(%arg5 : memref<32x128xi32, #tpu.memory_space<vmem>>) target_semaphore(%run_scoped3A : memref<!tpu.dma_semaphore, #tpu.memory_space<semaphore_mem>>)
      %dma_wait3A_273 = arith.constant 0 : i32
      %dma_wait3A_274 = tpu.memref_slice %arg2[%and3A_4, %multiple_of3A, %dma_wait3A_273] : memref<8x56x128xi32, #tpu.memory_space<hbm>> -> memref<1x32x128xi32, #tpu.memory_space<hbm>>
      %dma_wait3A_275 = tpu.memref_squeeze %dma_wait3A_274 : memref<1x32x128xi32, #tpu.memory_space<hbm>> -> memref<32x128xi32, #tpu.memory_space<hbm>>
      %dma_wait3A_276 = arith.constant 0 : i32
      %dma_wait3A_277 = tpu.memref_slice %arg2[%and3A_4, %multiple_of3A, %dma_wait3A_276] : memref<8x56x128xi32, #tpu.memory_space<hbm>> -> memref<1x32x128xi32, #tpu.memory_space<hbm>>
      %dma_wait3A_278 = tpu.memref_squeeze %dma_wait3A_277 : memref<1x32x128xi32, #tpu.memory_space<hbm>> -> memref<32x128xi32, #tpu.memory_space<hbm>>
      tpu.wait_dma2 semaphore(%run_scoped3A : memref<!tpu.dma_semaphore, #tpu.memory_space<semaphore_mem>>) src(%dma_wait3A_278 : memref<32x128xi32, #tpu.memory_space<hbm>>) dst(%arg5 : memref<32x128xi32, #tpu.memory_space<vmem>>)
      tpu.yield
    }) : () -> ()
    %sub3A = arith.subi %add3A_10, %mul3A_13 : i32
    %div3A_14 = arith.constant 0 : i32
    %div3A_15 = arith.constant 2 : i32
    %div3A_16 = arith.divsi %div3A_14, %div3A_15 : i32
    %add3A_17 = arith.addi %sub3A, %div3A_16 : i32
    %mul3A_18 = arith.constant 2 : i32
    %mul3A_19 = arith.muli %mul3A_18, %and3A_1 : i32
    %add3A_20 = arith.constant 0 : i32
    %add3A_21 = arith.addi %mul3A_19, %add3A_20 : i32
    %mul3A_22 = arith.constant 1000 : i32
    %mul3A_23 = arith.muli %add3A_21, %mul3A_22 : i32
    %get3A = arith.index_cast %add3A_17 : i32 to index
    %get3A_24 = arith.constant 0 : index
    %get3A_25 = tpu.vector_load %arg5[%get3A, %get3A_24] {strides = array<i32>} : memref<32x128xi32, #tpu.memory_space<vmem>>, vector<16xi32>,
    %add3A_26 = vector.broadcast %mul3A_23 : i32 to vector<16xi32>
    %add3A_27 = arith.addi %get3A_25, %add3A_26 : vector<16xi32>
    %swap3A = arith.constant 0 : index
    %swap3A_28 = tpu.vector_load %arg8[%swap3A] {strides = array<i32>} : memref<128xi32, #tpu.memory_space<vmem>>, vector<16xi32>,
    tpu.vector_store %arg8[%swap3A], %add3A_27 {strides = array<i32>} : memref<128xi32, #tpu.memory_space<vmem>>, vector<16xi32>,
    %get3A_29 = arith.index_cast %add3A_17 : i32 to index
    %get3A_30 = arith.constant 16 : index
    %get3A_31 = tpu.vector_load %arg5[%get3A_29, %get3A_30] {strides = array<i32>} : memref<32x128xi32, #tpu.memory_space<vmem>>, vector<16xi32>,
    %add3A_32 = vector.broadcast %mul3A_23 : i32 to vector<16xi32>
    %add3A_33 = arith.addi %get3A_31, %add3A_32 : vector<16xi32>
    %swap3A_34 = arith.constant 16 : index
    %swap3A_35 = tpu.vector_load %arg8[%swap3A_34] {strides = array<i32>} : memref<128xi32, #tpu.memory_space<vmem>>, vector<16xi32>,
    tpu.vector_store %arg8[%swap3A_34], %add3A_33 {strides = array<i32>} : memref<128xi32, #tpu.memory_space<vmem>>, vector<16xi32>,
    %get3A_36 = arith.index_cast %add3A_17 : i32 to index
    %get3A_37 = arith.constant 32 : index
    %get3A_38 = tpu.vector_load %arg5[%get3A_36, %get3A_37] {strides = array<i32>} : memref<32x128xi32, #tpu.memory_space<vmem>>, vector<16xi32>,
    %add3A_39 = vector.broadcast %mul3A_23 : i32 to vector<16xi32>
    %add3A_40 = arith.addi %get3A_38, %add3A_39 : vector<16xi32>
    %swap3A_41 = arith.constant 32 : index
    %swap3A_42 = tpu.vector_load %arg8[%swap3A_41] {strides = array<i32>} : memref<128xi32, #tpu.memory_space<vmem>>, vector<16xi32>,
    tpu.vector_store %arg8[%swap3A_41], %add3A_40 {strides = array<i32>} : memref<128xi32, #tpu.memory_space<vmem>>, vector<16xi32>,
    %get3A_43 = arith.index_cast %add3A_17 : i32 to index
    %get3A_44 = arith.constant 48 : index
    %get3A_45 = tpu.vector_load %arg5[%get3A_43, %get3A_44] {strides = array<i32>} : memref<32x128xi32, #tpu.memory_space<vmem>>, vector<16xi32>,
    %add3A_46 = vector.broadcast %mul3A_23 : i32 to vector<16xi32>
    %add3A_47 = arith.addi %get3A_45, %add3A_46 : vector<16xi32>
    %swap3A_48 = arith.constant 48 : index
    %swap3A_49 = tpu.vector_load %arg8[%swap3A_48] {strides = array<i32>} : memref<128xi32, #tpu.memory_space<vmem>>, vector<16xi32>,
    tpu.vector_store %arg8[%swap3A_48], %add3A_47 {strides = array<i32>} : memref<128xi32, #tpu.memory_space<vmem>>, vector<16xi32>,
    %get3A_50 = arith.index_cast %add3A_17 : i32 to index
    %get3A_51 = arith.constant 64 : index
    %get3A_52 = tpu.vector_load %arg5[%get3A_50, %get3A_51] {strides = array<i32>} : memref<32x128xi32, #tpu.memory_space<vmem>>, vector<16xi32>,
    %add3A_53 = vector.broadcast %mul3A_23 : i32 to vector<16xi32>
    %add3A_54 = arith.addi %get3A_52, %add3A_53 : vector<16xi32>
    %swap3A_55 = arith.constant 64 : index
    %swap3A_56 = tpu.vector_load %arg8[%swap3A_55] {strides = array<i32>} : memref<128xi32, #tpu.memory_space<vmem>>, vector<16xi32>,
    tpu.vector_store %arg8[%swap3A_55], %add3A_54 {strides = array<i32>} : memref<128xi32, #tpu.memory_space<vmem>>, vector<16xi32>,
    %get3A_57 = arith.index_cast %add3A_17 : i32 to index
    %get3A_58 = arith.constant 80 : index
    %get3A_59 = tpu.vector_load %arg5[%get3A_57, %get3A_58] {strides = array<i32>} : memref<32x128xi32, #tpu.memory_space<vmem>>, vector<16xi32>,
    %add3A_60 = vector.broadcast %mul3A_23 : i32 to vector<16xi32>
    %add3A_61 = arith.addi %get3A_59, %add3A_60 : vector<16xi32>
    %swap3A_62 = arith.constant 80 : index
    %swap3A_63 = tpu.vector_load %arg8[%swap3A_62] {strides = array<i32>} : memref<128xi32, #tpu.memory_space<vmem>>, vector<16xi32>,
    tpu.vector_store %arg8[%swap3A_62], %add3A_61 {strides = array<i32>} : memref<128xi32, #tpu.memory_space<vmem>>, vector<16xi32>,
    %get3A_64 = arith.index_cast %add3A_17 : i32 to index
    %get3A_65 = arith.constant 96 : index
    %get3A_66 = tpu.vector_load %arg5[%get3A_64, %get3A_65] {strides = array<i32>} : memref<32x128xi32, #tpu.memory_space<vmem>>, vector<16xi32>,
    %add3A_67 = vector.broadcast %mul3A_23 : i32 to vector<16xi32>
    %add3A_68 = arith.addi %get3A_66, %add3A_67 : vector<16xi32>
    %swap3A_69 = arith.constant 96 : index
    %swap3A_70 = tpu.vector_load %arg8[%swap3A_69] {strides = array<i32>} : memref<128xi32, #tpu.memory_space<vmem>>, vector<16xi32>,
    tpu.vector_store %arg8[%swap3A_69], %add3A_68 {strides = array<i32>} : memref<128xi32, #tpu.memory_space<vmem>>, vector<16xi32>,
    %get3A_71 = arith.index_cast %add3A_17 : i32 to index
    %get3A_72 = arith.constant 112 : index
    %get3A_73 = tpu.vector_load %arg5[%get3A_71, %get3A_72] {strides = array<i32>} : memref<32x128xi32, #tpu.memory_space<vmem>>, vector<16xi32>,
    %add3A_74 = vector.broadcast %mul3A_23 : i32 to vector<16xi32>
    %add3A_75 = arith.addi %get3A_73, %add3A_74 : vector<16xi32>
    %swap3A_76 = arith.constant 112 : index
    %swap3A_77 = tpu.vector_load %arg8[%swap3A_76] {strides = array<i32>} : memref<128xi32, #tpu.memory_space<vmem>>, vector<16xi32>,
    tpu.vector_store %arg8[%swap3A_76], %add3A_75 {strides = array<i32>} : memref<128xi32, #tpu.memory_space<vmem>>, vector<16xi32>,
    %dma_start3A = arith.constant 0 : i32
    %dma_start3A_78 = arith.constant 0 : i32
    %dma_start3A_79 = arith.constant 0 : i32
    %dma_start3A_80 = tpu.memref_slice %arg3[%dma_start3A, %dma_start3A_78, %dma_start3A_79] : memref<4000x2x128xf32, #tpu.memory_space<hbm>> -> memref<4000x2x128xf32, #tpu.memory_space<hbm>>
    tpu.enqueue_indirect_dma source(%dma_start3A_80 : memref<4000x2x128xf32, #tpu.memory_space<hbm>>) target(%arg6 : memref<128x2x128xf32, #tpu.memory_space<vmem>>) offsets(%arg8 : memref<128xi32, #tpu.memory_space<vmem>>) semaphore(%arg10 : memref<!tpu.dma_semaphore, #tpu.memory_space<semaphore_mem>>)
    %sub3A_81 = arith.subi %add3A_10, %mul3A_13 : i32
    %div3A_82 = arith.constant 1 : i32
    %div3A_83 = arith.constant 2 : i32
    %div3A_84 = arith.divsi %div3A_82, %div3A_83 : i32
    %add3A_85 = arith.addi %sub3A_81, %div3A_84 : i32
    %mul3A_86 = arith.constant 2 : i32
    %mul3A_87 = arith.muli %mul3A_86, %and3A_1 : i32
    %add3A_88 = arith.constant 1 : i32
    %add3A_89 = arith.addi %mul3A_87, %add3A_88 : i32
    %mul3A_90 = arith.constant 1000 : i32
    %mul3A_91 = arith.muli %add3A_89, %mul3A_90 : i32
    %get3A_92 = arith.index_cast %add3A_85 : i32 to index
    %get3A_93 = arith.constant 0 : index
    %get3A_94 = tpu.vector_load %arg5[%get3A_92, %get3A_93] {strides = array<i32>} : memref<32x128xi32, #tpu.memory_space<vmem>>, vector<16xi32>,
    %add3A_95 = vector.broadcast %mul3A_91 : i32 to vector<16xi32>
    %add3A_96 = arith.addi %get3A_94, %add3A_95 : vector<16xi32>
    %swap3A_97 = arith.constant 0 : index
    %swap3A_98 = tpu.vector_load %arg9[%swap3A_97] {strides = array<i32>} : memref<128xi32, #tpu.memory_space<vmem>>, vector<16xi32>,
    tpu.vector_store %arg9[%swap3A_97], %add3A_96 {strides = array<i32>} : memref<128xi32, #tpu.memory_space<vmem>>, vector<16xi32>,
    %get3A_99 = arith.index_cast %add3A_85 : i32 to index
    %get3A_100 = arith.constant 16 : index
    %get3A_101 = tpu.vector_load %arg5[%get3A_99, %get3A_100] {strides = array<i32>} : memref<32x128xi32, #tpu.memory_space<vmem>>, vector<16xi32>,
    %add3A_102 = vector.broadcast %mul3A_91 : i32 to vector<16xi32>
    %add3A_103 = arith.addi %get3A_101, %add3A_102 : vector<16xi32>
    %swap3A_104 = arith.constant 16 : index
    %swap3A_105 = tpu.vector_load %arg9[%swap3A_104] {strides = array<i32>} : memref<128xi32, #tpu.memory_space<vmem>>, vector<16xi32>,
    tpu.vector_store %arg9[%swap3A_104], %add3A_103 {strides = array<i32>} : memref<128xi32, #tpu.memory_space<vmem>>, vector<16xi32>,
    %get3A_106 = arith.index_cast %add3A_85 : i32 to index
    %get3A_107 = arith.constant 32 : index
    %get3A_108 = tpu.vector_load %arg5[%get3A_106, %get3A_107] {strides = array<i32>} : memref<32x128xi32, #tpu.memory_space<vmem>>, vector<16xi32>,
    %add3A_109 = vector.broadcast %mul3A_91 : i32 to vector<16xi32>
    %add3A_110 = arith.addi %get3A_108, %add3A_109 : vector<16xi32>
    %swap3A_111 = arith.constant 32 : index
    %swap3A_112 = tpu.vector_load %arg9[%swap3A_111] {strides = array<i32>} : memref<128xi32, #tpu.memory_space<vmem>>, vector<16xi32>,
    tpu.vector_store %arg9[%swap3A_111], %add3A_110 {strides = array<i32>} : memref<128xi32, #tpu.memory_space<vmem>>, vector<16xi32>,
    %get3A_113 = arith.index_cast %add3A_85 : i32 to index
    %get3A_114 = arith.constant 48 : index
    %get3A_115 = tpu.vector_load %arg5[%get3A_113, %get3A_114] {strides = array<i32>} : memref<32x128xi32, #tpu.memory_space<vmem>>, vector<16xi32>,
    %add3A_116 = vector.broadcast %mul3A_91 : i32 to vector<16xi32>
    %add3A_117 = arith.addi %get3A_115, %add3A_116 : vector<16xi32>
    %swap3A_118 = arith.constant 48 : index
    %swap3A_119 = tpu.vector_load %arg9[%swap3A_118] {strides = array<i32>} : memref<128xi32, #tpu.memory_space<vmem>>, vector<16xi32>,
    tpu.vector_store %arg9[%swap3A_118], %add3A_117 {strides = array<i32>} : memref<128xi32, #tpu.memory_space<vmem>>, vector<16xi32>,
    %get3A_120 = arith.index_cast %add3A_85 : i32 to index
    %get3A_121 = arith.constant 64 : index
    %get3A_122 = tpu.vector_load %arg5[%get3A_120, %get3A_121] {strides = array<i32>} : memref<32x128xi32, #tpu.memory_space<vmem>>, vector<16xi32>,
    %add3A_123 = vector.broadcast %mul3A_91 : i32 to vector<16xi32>
    %add3A_124 = arith.addi %get3A_122, %add3A_123 : vector<16xi32>
    %swap3A_125 = arith.constant 64 : index
    %swap3A_126 = tpu.vector_load %arg9[%swap3A_125] {strides = array<i32>} : memref<128xi32, #tpu.memory_space<vmem>>, vector<16xi32>,
    tpu.vector_store %arg9[%swap3A_125], %add3A_124 {strides = array<i32>} : memref<128xi32, #tpu.memory_space<vmem>>, vector<16xi32>,
    %get3A_127 = arith.index_cast %add3A_85 : i32 to index
    %get3A_128 = arith.constant 80 : index
    %get3A_129 = tpu.vector_load %arg5[%get3A_127, %get3A_128] {strides = array<i32>} : memref<32x128xi32, #tpu.memory_space<vmem>>, vector<16xi32>,
    %add3A_130 = vector.broadcast %mul3A_91 : i32 to vector<16xi32>
    %add3A_131 = arith.addi %get3A_129, %add3A_130 : vector<16xi32>
    %swap3A_132 = arith.constant 80 : index
    %swap3A_133 = tpu.vector_load %arg9[%swap3A_132] {strides = array<i32>} : memref<128xi32, #tpu.memory_space<vmem>>, vector<16xi32>,
    tpu.vector_store %arg9[%swap3A_132], %add3A_131 {strides = array<i32>} : memref<128xi32, #tpu.memory_space<vmem>>, vector<16xi32>,
    %get3A_134 = arith.index_cast %add3A_85 : i32 to index
    %get3A_135 = arith.constant 96 : index
    %get3A_136 = tpu.vector_load %arg5[%get3A_134, %get3A_135] {strides = array<i32>} : memref<32x128xi32, #tpu.memory_space<vmem>>, vector<16xi32>,
    %add3A_137 = vector.broadcast %mul3A_91 : i32 to vector<16xi32>
    %add3A_138 = arith.addi %get3A_136, %add3A_137 : vector<16xi32>
    %swap3A_139 = arith.constant 96 : index
    %swap3A_140 = tpu.vector_load %arg9[%swap3A_139] {strides = array<i32>} : memref<128xi32, #tpu.memory_space<vmem>>, vector<16xi32>,
    tpu.vector_store %arg9[%swap3A_139], %add3A_138 {strides = array<i32>} : memref<128xi32, #tpu.memory_space<vmem>>, vector<16xi32>,
    %get3A_141 = arith.index_cast %add3A_85 : i32 to index
    %get3A_142 = arith.constant 112 : index
    %get3A_143 = tpu.vector_load %arg5[%get3A_141, %get3A_142] {strides = array<i32>} : memref<32x128xi32, #tpu.memory_space<vmem>>, vector<16xi32>,
    %add3A_144 = vector.broadcast %mul3A_91 : i32 to vector<16xi32>
    %add3A_145 = arith.addi %get3A_143, %add3A_144 : vector<16xi32>
    %swap3A_146 = arith.constant 112 : index
    %swap3A_147 = tpu.vector_load %arg9[%swap3A_146] {strides = array<i32>} : memref<128xi32, #tpu.memory_space<vmem>>, vector<16xi32>,
    tpu.vector_store %arg9[%swap3A_146], %add3A_145 {strides = array<i32>} : memref<128xi32, #tpu.memory_space<vmem>>, vector<16xi32>,
    %dma_start3A_148 = arith.constant 0 : i32
    %dma_start3A_149 = arith.constant 0 : i32
    %dma_start3A_150 = arith.constant 0 : i32
    %dma_start3A_151 = tpu.memref_slice %arg3[%dma_start3A_148, %dma_start3A_149, %dma_start3A_150] : memref<4000x2x128xf32, #tpu.memory_space<hbm>> -> memref<4000x2x128xf32, #tpu.memory_space<hbm>>
    tpu.enqueue_indirect_dma source(%dma_start3A_151 : memref<4000x2x128xf32, #tpu.memory_space<hbm>>) target(%arg7 : memref<128x2x128xf32, #tpu.memory_space<vmem>>) offsets(%arg9 : memref<128xi32, #tpu.memory_space<vmem>>) semaphore(%arg11 : memref<!tpu.dma_semaphore, #tpu.memory_space<semaphore_mem>>)
    %scan3A = arith.constant 0 : i32
    %scan3A_152 = arith.constant 6 : i32
    %scan3A_153 = arith.addi %scan3A, %scan3A_152 : i32
    %scan3A_154 = arith.constant 1 : i32
    scf.for %scan3A_267 = %scan3A to %scan3A_153 step %scan3A_154  : i32 {
      %mul3A_268 = arith.constant 2 : i32
      %mul3A_269 = arith.muli %scan3A_267, %mul3A_268 : i32
      %add3A_270 = arith.constant 0 : i32
      %add3A_271 = arith.addi %add3A_270, %mul3A_269 : i32
      %add3A_272 = arith.constant 0 : i32
      %add3A_273 = arith.addi %add3A_271, %add3A_272 : i32
      %dma_wait3A_274 = arith.constant 0 : i32
      %dma_wait3A_275 = arith.constant 0 : i32
      %dma_wait3A_276 = arith.constant 0 : i32
      %dma_wait3A_277 = tpu.memref_slice %arg3[%dma_wait3A_274, %dma_wait3A_275, %dma_wait3A_276] : memref<4000x2x128xf32, #tpu.memory_space<hbm>> -> memref<4000x2x128xf32, #tpu.memory_space<hbm>>
      tpu.wait_indirect_dma semaphore(%arg10 : memref<!tpu.dma_semaphore, #tpu.memory_space<semaphore_mem>>) src(%dma_wait3A_277 : memref<4000x2x128xf32, #tpu.memory_space<hbm>>) dst(%arg6 : memref<128x2x128xf32, #tpu.memory_space<vmem>>)
      %mul3A_278 = arith.constant 6 : i32
      %mul3A_279 = arith.muli %shift_right_arithmetic3A_6, %mul3A_278 : i32
      %div3A_280 = arith.constant 2 : i32
      %div3A_281 = arith.divsi %add3A_273, %div3A_280 : i32
      %add3A_282 = arith.addi %mul3A_279, %div3A_281 : i32
      %mul3A_283 = arith.constant 2 : i32
      %mul3A_284 = arith.muli %mul3A_283, %and3A_1 : i32
      %add3A_285 = arith.constant 0 : i32
      %add3A_286 = arith.addi %mul3A_284, %add3A_285 : i32
      %dma_start3A_287 = arith.constant 0 : i32
      %dma_start3A_288 = arith.constant 0 : i32
      %dma_start3A_289 = arith.constant 0 : i32
      %dma_start3A_290 = arith.constant 0 : i32
      %dma_start3A_291 = tpu.memref_slice %arg6[%dma_start3A_289, %dma_start3A_287, %dma_start3A_290] : memref<128x2x128xf32, #tpu.memory_space<vmem>> -> memref<128x1x128xf32, #tpu.memory_space<vmem>>
      %dma_start3A_292 = tpu.memref_squeeze %dma_start3A_291 : memref<128x1x128xf32, #tpu.memory_space<vmem>> -> memref<128x128xf32, #tpu.memory_space<vmem>>
      %dma_start3A_293 = arith.constant 0 : i32
      %dma_start3A_294 = arith.constant 0 : i32
      %dma_start3A_295 = tpu.memref_slice %arg4[%add3A_282, %and3A_4, %add3A_286, %dma_start3A_288, %dma_start3A_293, %dma_start3A_294] : memref<12x8x4x2x128x128xf32, #tpu.memory_space<hbm>> -> memref<1x1x1x1x128x128xf32, #tpu.memory_space<hbm>>
      %dma_start3A_296 = tpu.memref_squeeze %dma_start3A_295 : memref<1x1x1x1x128x128xf32, #tpu.memory_space<hbm>> -> memref<128x128xf32, #tpu.memory_space<hbm>>
      %dma_start3A_297 = arith.constant 0 : i32
      %dma_start3A_298 = arith.constant 0 : i32
      %dma_start3A_299 = tpu.memref_slice %arg4[%add3A_282, %and3A_4, %add3A_286, %dma_start3A_288, %dma_start3A_297, %dma_start3A_298] : memref<12x8x4x2x128x128xf32, #tpu.memory_space<hbm>> -> memref<1x1x1x1x128x128xf32, #tpu.memory_space<hbm>>
      %dma_start3A_300 = tpu.memref_squeeze %dma_start3A_299 : memref<1x1x1x1x128x128xf32, #tpu.memory_space<hbm>> -> memref<128x128xf32, #tpu.memory_space<hbm>>
      %dma_start3A_301 = arith.constant 0 : i32
      %dma_start3A_302 = arith.constant 0 : i32
      %dma_start3A_303 = tpu.memref_slice %arg6[%dma_start3A_301, %dma_start3A_287, %dma_start3A_302] : memref<128x2x128xf32, #tpu.memory_space<vmem>> -> memref<128x1x128xf32, #tpu.memory_space<vmem>>
      %dma_start3A_304 = tpu.memref_squeeze %dma_start3A_303 : memref<128x1x128xf32, #tpu.memory_space<vmem>> -> memref<128x128xf32, #tpu.memory_space<vmem>>
      tpu.enqueue_dma source(%dma_start3A_304 : memref<128x128xf32, #tpu.memory_space<vmem>>) target(%dma_start3A_300 : memref<128x128xf32, #tpu.memory_space<hbm>>) target_semaphore(%arg12 : memref<!tpu.dma_semaphore, #tpu.memory_space<semaphore_mem>>)
      %mul3A_305 = arith.constant 6 : i32
      %mul3A_306 = arith.muli %shift_right_arithmetic3A_6, %mul3A_305 : i32
      %div3A_307 = arith.constant 2 : i32
      %div3A_308 = arith.divsi %add3A_273, %div3A_307 : i32
      %add3A_309 = arith.addi %mul3A_306, %div3A_308 : i32
      %mul3A_310 = arith.constant 2 : i32
      %mul3A_311 = arith.muli %mul3A_310, %and3A_1 : i32
      %add3A_312 = arith.constant 0 : i32
      %add3A_313 = arith.addi %mul3A_311, %add3A_312 : i32
      %dma_start3A_314 = arith.constant 1 : i32
      %dma_start3A_315 = arith.constant 1 : i32
      %dma_start3A_316 = arith.constant 0 : i32
      %dma_start3A_317 = arith.constant 0 : i32
      %dma_start3A_318 = tpu.memref_slice %arg6[%dma_start3A_316, %dma_start3A_314, %dma_start3A_317] : memref<128x2x128xf32, #tpu.memory_space<vmem>> -> memref<128x1x128xf32, #tpu.memory_space<vmem>>
      %dma_start3A_319 = tpu.memref_squeeze %dma_start3A_318 : memref<128x1x128xf32, #tpu.memory_space<vmem>> -> memref<128x128xf32, #tpu.memory_space<vmem>>
      %dma_start3A_320 = arith.constant 0 : i32
      %dma_start3A_321 = arith.constant 0 : i32
      %dma_start3A_322 = tpu.memref_slice %arg4[%add3A_309, %and3A_4, %add3A_313, %dma_start3A_315, %dma_start3A_320, %dma_start3A_321] : memref<12x8x4x2x128x128xf32, #tpu.memory_space<hbm>> -> memref<1x1x1x1x128x128xf32, #tpu.memory_space<hbm>>
      %dma_start3A_323 = tpu.memref_squeeze %dma_start3A_322 : memref<1x1x1x1x128x128xf32, #tpu.memory_space<hbm>> -> memref<128x128xf32, #tpu.memory_space<hbm>>
      %dma_start3A_324 = arith.constant 0 : i32
      %dma_start3A_325 = arith.constant 0 : i32
      %dma_start3A_326 = tpu.memref_slice %arg4[%add3A_309, %and3A_4, %add3A_313, %dma_start3A_315, %dma_start3A_324, %dma_start3A_325] : memref<12x8x4x2x128x128xf32, #tpu.memory_space<hbm>> -> memref<1x1x1x1x128x128xf32, #tpu.memory_space<hbm>>
      %dma_start3A_327 = tpu.memref_squeeze %dma_start3A_326 : memref<1x1x1x1x128x128xf32, #tpu.memory_space<hbm>> -> memref<128x128xf32, #tpu.memory_space<hbm>>
      %dma_start3A_328 = arith.constant 0 : i32
      %dma_start3A_329 = arith.constant 0 : i32
      %dma_start3A_330 = tpu.memref_slice %arg6[%dma_start3A_328, %dma_start3A_314, %dma_start3A_329] : memref<128x2x128xf32, #tpu.memory_space<vmem>> -> memref<128x1x128xf32, #tpu.memory_space<vmem>>
      %dma_start3A_331 = tpu.memref_squeeze %dma_start3A_330 : memref<128x1x128xf32, #tpu.memory_space<vmem>> -> memref<128x128xf32, #tpu.memory_space<vmem>>
      tpu.enqueue_dma source(%dma_start3A_331 : memref<128x128xf32, #tpu.memory_space<vmem>>) target(%dma_start3A_327 : memref<128x128xf32, #tpu.memory_space<hbm>>) target_semaphore(%arg12 : memref<!tpu.dma_semaphore, #tpu.memory_space<semaphore_mem>>)
      %add3A_332 = arith.constant 2 : i32
      %add3A_333 = arith.addi %add3A_273, %add3A_332 : i32
      %lt3A = arith.constant 12 : i32
      %lt3A_334 = arith.cmpi slt, %add3A_333, %lt3A : i32
      %convert_element_type3A = arith.extui %lt3A_334 : i1 to i32
      %cond3A = arith.constant 0 : i32
      %cond3A_335 = arith.cmpi ne, %convert_element_type3A, %cond3A : i32
      scf.if %cond3A_335 {
        %mul3A_403 = arith.constant 6 : i32
        %mul3A_404 = arith.muli %shift_right_arithmetic3A_6, %mul3A_403 : i32
        %div3A_405 = arith.constant 2 : i32
        %div3A_406 = arith.divsi %add3A_273, %div3A_405 : i32
        %add3A_407 = arith.addi %mul3A_404, %div3A_406 : i32
        %mul3A_408 = arith.constant 2 : i32
        %mul3A_409 = arith.muli %mul3A_408, %and3A_1 : i32
        %add3A_410 = arith.constant 0 : i32
        %add3A_411 = arith.addi %mul3A_409, %add3A_410 : i32
        %dma_wait3A_412 = arith.constant 0 : i32
        %dma_wait3A_413 = arith.constant 0 : i32
        %dma_wait3A_414 = arith.constant 0 : i32
        %dma_wait3A_415 = arith.constant 0 : i32
        %dma_wait3A_416 = tpu.memref_slice %arg6[%dma_wait3A_414, %dma_wait3A_412, %dma_wait3A_415] : memref<128x2x128xf32, #tpu.memory_space<vmem>> -> memref<128x1x128xf32, #tpu.memory_space<vmem>>
        %dma_wait3A_417 = tpu.memref_squeeze %dma_wait3A_416 : memref<128x1x128xf32, #tpu.memory_space<vmem>> -> memref<128x128xf32, #tpu.memory_space<vmem>>
        %dma_wait3A_418 = arith.constant 0 : i32
        %dma_wait3A_419 = arith.constant 0 : i32
        %dma_wait3A_420 = tpu.memref_slice %arg4[%add3A_407, %and3A_4, %add3A_411, %dma_wait3A_413, %dma_wait3A_418, %dma_wait3A_419] : memref<12x8x4x2x128x128xf32, #tpu.memory_space<hbm>> -> memref<1x1x1x1x128x128xf32, #tpu.memory_space<hbm>>
        %dma_wait3A_421 = tpu.memref_squeeze %dma_wait3A_420 : memref<1x1x1x1x128x128xf32, #tpu.memory_space<hbm>> -> memref<128x128xf32, #tpu.memory_space<hbm>>
        %dma_wait3A_422 = arith.constant 0 : i32
        %dma_wait3A_423 = arith.constant 0 : i32
        %dma_wait3A_424 = tpu.memref_slice %arg4[%add3A_407, %and3A_4, %add3A_411, %dma_wait3A_413, %dma_wait3A_422, %dma_wait3A_423] : memref<12x8x4x2x128x128xf32, #tpu.memory_space<hbm>> -> memref<1x1x1x1x128x128xf32, #tpu.memory_space<hbm>>
        %dma_wait3A_425 = tpu.memref_squeeze %dma_wait3A_424 : memref<1x1x1x1x128x128xf32, #tpu.memory_space<hbm>> -> memref<128x128xf32, #tpu.memory_space<hbm>>
        %dma_wait3A_426 = arith.constant 0 : i32
        %dma_wait3A_427 = arith.constant 0 : i32
        %dma_wait3A_428 = tpu.memref_slice %arg6[%dma_wait3A_426, %dma_wait3A_412, %dma_wait3A_427] : memref<128x2x128xf32, #tpu.memory_space<vmem>> -> memref<128x1x128xf32, #tpu.memory_space<vmem>>
        %dma_wait3A_429 = tpu.memref_squeeze %dma_wait3A_428 : memref<128x1x128xf32, #tpu.memory_space<vmem>> -> memref<128x128xf32, #tpu.memory_space<vmem>>
        tpu.wait_dma2 semaphore(%arg12 : memref<!tpu.dma_semaphore, #tpu.memory_space<semaphore_mem>>) src(%dma_wait3A_429 : memref<128x128xf32, #tpu.memory_space<vmem>>) dst(%dma_wait3A_425 : memref<128x128xf32, #tpu.memory_space<hbm>>)
        %mul3A_430 = arith.constant 6 : i32
        %mul3A_431 = arith.muli %shift_right_arithmetic3A_6, %mul3A_430 : i32
        %div3A_432 = arith.constant 2 : i32
        %div3A_433 = arith.divsi %add3A_273, %div3A_432 : i32
        %add3A_434 = arith.addi %mul3A_431, %div3A_433 : i32
        %mul3A_435 = arith.constant 2 : i32
        %mul3A_436 = arith.muli %mul3A_435, %and3A_1 : i32
        %add3A_437 = arith.constant 0 : i32
        %add3A_438 = arith.addi %mul3A_436, %add3A_437 : i32
        %dma_wait3A_439 = arith.constant 1 : i32
        %dma_wait3A_440 = arith.constant 1 : i32
        %dma_wait3A_441 = arith.constant 0 : i32
        %dma_wait3A_442 = arith.constant 0 : i32
        %dma_wait3A_443 = tpu.memref_slice %arg6[%dma_wait3A_441, %dma_wait3A_439, %dma_wait3A_442] : memref<128x2x128xf32, #tpu.memory_space<vmem>> -> memref<128x1x128xf32, #tpu.memory_space<vmem>>
        %dma_wait3A_444 = tpu.memref_squeeze %dma_wait3A_443 : memref<128x1x128xf32, #tpu.memory_space<vmem>> -> memref<128x128xf32, #tpu.memory_space<vmem>>
        %dma_wait3A_445 = arith.constant 0 : i32
        %dma_wait3A_446 = arith.constant 0 : i32
        %dma_wait3A_447 = tpu.memref_slice %arg4[%add3A_434, %and3A_4, %add3A_438, %dma_wait3A_440, %dma_wait3A_445, %dma_wait3A_446] : memref<12x8x4x2x128x128xf32, #tpu.memory_space<hbm>> -> memref<1x1x1x1x128x128xf32, #tpu.memory_space<hbm>>
        %dma_wait3A_448 = tpu.memref_squeeze %dma_wait3A_447 : memref<1x1x1x1x128x128xf32, #tpu.memory_space<hbm>> -> memref<128x128xf32, #tpu.memory_space<hbm>>
        %dma_wait3A_449 = arith.constant 0 : i32
        %dma_wait3A_450 = arith.constant 0 : i32
        %dma_wait3A_451 = tpu.memref_slice %arg4[%add3A_434, %and3A_4, %add3A_438, %dma_wait3A_440, %dma_wait3A_449, %dma_wait3A_450] : memref<12x8x4x2x128x128xf32, #tpu.memory_space<hbm>> -> memref<1x1x1x1x128x128xf32, #tpu.memory_space<hbm>>
        %dma_wait3A_452 = tpu.memref_squeeze %dma_wait3A_451 : memref<1x1x1x1x128x128xf32, #tpu.memory_space<hbm>> -> memref<128x128xf32, #tpu.memory_space<hbm>>
        %dma_wait3A_453 = arith.constant 0 : i32
        %dma_wait3A_454 = arith.constant 0 : i32
        %dma_wait3A_455 = tpu.memref_slice %arg6[%dma_wait3A_453, %dma_wait3A_439, %dma_wait3A_454] : memref<128x2x128xf32, #tpu.memory_space<vmem>> -> memref<128x1x128xf32, #tpu.memory_space<vmem>>
        %dma_wait3A_456 = tpu.memref_squeeze %dma_wait3A_455 : memref<128x1x128xf32, #tpu.memory_space<vmem>> -> memref<128x128xf32, #tpu.memory_space<vmem>>
        tpu.wait_dma2 semaphore(%arg12 : memref<!tpu.dma_semaphore, #tpu.memory_space<semaphore_mem>>) src(%dma_wait3A_456 : memref<128x128xf32, #tpu.memory_space<vmem>>) dst(%dma_wait3A_452 : memref<128x128xf32, #tpu.memory_space<hbm>>)
        %add3A_457 = arith.constant 2 : i32
        %add3A_458 = arith.addi %add3A_273, %add3A_457 : i32
        %sub3A_459 = arith.subi %add3A_10, %mul3A_13 : i32
        %div3A_460 = arith.constant 2 : i32
        %div3A_461 = arith.divsi %add3A_458, %div3A_460 : i32
        %add3A_462 = arith.addi %sub3A_459, %div3A_461 : i32
        %mul3A_463 = arith.constant 2 : i32
        %mul3A_464 = arith.muli %mul3A_463, %and3A_1 : i32
        %add3A_465 = arith.constant 0 : i32
        %add3A_466 = arith.addi %mul3A_464, %add3A_465 : i32
        %mul3A_467 = arith.constant 1000 : i32
        %mul3A_468 = arith.muli %add3A_466, %mul3A_467 : i32
        %get3A_469 = arith.index_cast %add3A_462 : i32 to index
        %get3A_470 = arith.constant 0 : index
        %get3A_471 = tpu.vector_load %arg5[%get3A_469, %get3A_470] {strides = array<i32>} : memref<32x128xi32, #tpu.memory_space<vmem>>, vector<16xi32>,
        %add3A_472 = vector.broadcast %mul3A_468 : i32 to vector<16xi32>
        %add3A_473 = arith.addi %get3A_471, %add3A_472 : vector<16xi32>
        %swap3A_474 = arith.constant 0 : index
        %swap3A_475 = tpu.vector_load %arg8[%swap3A_474] {strides = array<i32>} : memref<128xi32, #tpu.memory_space<vmem>>, vector<16xi32>,
        tpu.vector_store %arg8[%swap3A_474], %add3A_473 {strides = array<i32>} : memref<128xi32, #tpu.memory_space<vmem>>, vector<16xi32>,
        %get3A_476 = arith.index_cast %add3A_462 : i32 to index
        %get3A_477 = arith.constant 16 : index
        %get3A_478 = tpu.vector_load %arg5[%get3A_476, %get3A_477] {strides = array<i32>} : memref<32x128xi32, #tpu.memory_space<vmem>>, vector<16xi32>,
        %add3A_479 = vector.broadcast %mul3A_468 : i32 to vector<16xi32>
        %add3A_480 = arith.addi %get3A_478, %add3A_479 : vector<16xi32>
        %swap3A_481 = arith.constant 16 : index
        %swap3A_482 = tpu.vector_load %arg8[%swap3A_481] {strides = array<i32>} : memref<128xi32, #tpu.memory_space<vmem>>, vector<16xi32>,
        tpu.vector_store %arg8[%swap3A_481], %add3A_480 {strides = array<i32>} : memref<128xi32, #tpu.memory_space<vmem>>, vector<16xi32>,
        %get3A_483 = arith.index_cast %add3A_462 : i32 to index
        %get3A_484 = arith.constant 32 : index
        %get3A_485 = tpu.vector_load %arg5[%get3A_483, %get3A_484] {strides = array<i32>} : memref<32x128xi32, #tpu.memory_space<vmem>>, vector<16xi32>,
        %add3A_486 = vector.broadcast %mul3A_468 : i32 to vector<16xi32>
        %add3A_487 = arith.addi %get3A_485, %add3A_486 : vector<16xi32>
        %swap3A_488 = arith.constant 32 : index
        %swap3A_489 = tpu.vector_load %arg8[%swap3A_488] {strides = array<i32>} : memref<128xi32, #tpu.memory_space<vmem>>, vector<16xi32>,
        tpu.vector_store %arg8[%swap3A_488], %add3A_487 {strides = array<i32>} : memref<128xi32, #tpu.memory_space<vmem>>, vector<16xi32>,
        %get3A_490 = arith.index_cast %add3A_462 : i32 to index
        %get3A_491 = arith.constant 48 : index
        %get3A_492 = tpu.vector_load %arg5[%get3A_490, %get3A_491] {strides = array<i32>} : memref<32x128xi32, #tpu.memory_space<vmem>>, vector<16xi32>,
        %add3A_493 = vector.broadcast %mul3A_468 : i32 to vector<16xi32>
        %add3A_494 = arith.addi %get3A_492, %add3A_493 : vector<16xi32>
        %swap3A_495 = arith.constant 48 : index
        %swap3A_496 = tpu.vector_load %arg8[%swap3A_495] {strides = array<i32>} : memref<128xi32, #tpu.memory_space<vmem>>, vector<16xi32>,
        tpu.vector_store %arg8[%swap3A_495], %add3A_494 {strides = array<i32>} : memref<128xi32, #tpu.memory_space<vmem>>, vector<16xi32>,
        %get3A_497 = arith.index_cast %add3A_462 : i32 to index
        %get3A_498 = arith.constant 64 : index
        %get3A_499 = tpu.vector_load %arg5[%get3A_497, %get3A_498] {strides = array<i32>} : memref<32x128xi32, #tpu.memory_space<vmem>>, vector<16xi32>,
        %add3A_500 = vector.broadcast %mul3A_468 : i32 to vector<16xi32>
        %add3A_501 = arith.addi %get3A_499, %add3A_500 : vector<16xi32>
        %swap3A_502 = arith.constant 64 : index
        %swap3A_503 = tpu.vector_load %arg8[%swap3A_502] {strides = array<i32>} : memref<128xi32, #tpu.memory_space<vmem>>, vector<16xi32>,
        tpu.vector_store %arg8[%swap3A_502], %add3A_501 {strides = array<i32>} : memref<128xi32, #tpu.memory_space<vmem>>, vector<16xi32>,
        %get3A_504 = arith.index_cast %add3A_462 : i32 to index
        %get3A_505 = arith.constant 80 : index
        %get3A_506 = tpu.vector_load %arg5[%get3A_504, %get3A_505] {strides = array<i32>} : memref<32x128xi32, #tpu.memory_space<vmem>>, vector<16xi32>,
        %add3A_507 = vector.broadcast %mul3A_468 : i32 to vector<16xi32>
        %add3A_508 = arith.addi %get3A_506, %add3A_507 : vector<16xi32>
        %swap3A_509 = arith.constant 80 : index
        %swap3A_510 = tpu.vector_load %arg8[%swap3A_509] {strides = array<i32>} : memref<128xi32, #tpu.memory_space<vmem>>, vector<16xi32>,
        tpu.vector_store %arg8[%swap3A_509], %add3A_508 {strides = array<i32>} : memref<128xi32, #tpu.memory_space<vmem>>, vector<16xi32>,
        %get3A_511 = arith.index_cast %add3A_462 : i32 to index
        %get3A_512 = arith.constant 96 : index
        %get3A_513 = tpu.vector_load %arg5[%get3A_511, %get3A_512] {strides = array<i32>} : memref<32x128xi32, #tpu.memory_space<vmem>>, vector<16xi32>,
        %add3A_514 = vector.broadcast %mul3A_468 : i32 to vector<16xi32>
        %add3A_515 = arith.addi %get3A_513, %add3A_514 : vector<16xi32>
        %swap3A_516 = arith.constant 96 : index
        %swap3A_517 = tpu.vector_load %arg8[%swap3A_516] {strides = array<i32>} : memref<128xi32, #tpu.memory_space<vmem>>, vector<16xi32>,
        tpu.vector_store %arg8[%swap3A_516], %add3A_515 {strides = array<i32>} : memref<128xi32, #tpu.memory_space<vmem>>, vector<16xi32>,
        %get3A_518 = arith.index_cast %add3A_462 : i32 to index
        %get3A_519 = arith.constant 112 : index
        %get3A_520 = tpu.vector_load %arg5[%get3A_518, %get3A_519] {strides = array<i32>} : memref<32x128xi32, #tpu.memory_space<vmem>>, vector<16xi32>,
        %add3A_521 = vector.broadcast %mul3A_468 : i32 to vector<16xi32>
        %add3A_522 = arith.addi %get3A_520, %add3A_521 : vector<16xi32>
        %swap3A_523 = arith.constant 112 : index
        %swap3A_524 = tpu.vector_load %arg8[%swap3A_523] {strides = array<i32>} : memref<128xi32, #tpu.memory_space<vmem>>, vector<16xi32>,
        tpu.vector_store %arg8[%swap3A_523], %add3A_522 {strides = array<i32>} : memref<128xi32, #tpu.memory_space<vmem>>, vector<16xi32>,
        %dma_start3A_525 = arith.constant 0 : i32
        %dma_start3A_526 = arith.constant 0 : i32
        %dma_start3A_527 = arith.constant 0 : i32
        %dma_start3A_528 = tpu.memref_slice %arg3[%dma_start3A_525, %dma_start3A_526, %dma_start3A_527] : memref<4000x2x128xf32, #tpu.memory_space<hbm>> -> memref<4000x2x128xf32, #tpu.memory_space<hbm>>
        tpu.enqueue_indirect_dma source(%dma_start3A_528 : memref<4000x2x128xf32, #tpu.memory_space<hbm>>) target(%arg6 : memref<128x2x128xf32, #tpu.memory_space<vmem>>) offsets(%arg8 : memref<128xi32, #tpu.memory_space<vmem>>) semaphore(%arg10 : memref<!tpu.dma_semaphore, #tpu.memory_space<semaphore_mem>>)
      } else {
      }
      %add3A_336 = arith.constant 1 : i32
      %add3A_337 = arith.addi %add3A_271, %add3A_336 : i32
      %dma_wait3A_338 = arith.constant 0 : i32
      %dma_wait3A_339 = arith.constant 0 : i32
      %dma_wait3A_340 = arith.constant 0 : i32
      %dma_wait3A_341 = tpu.memref_slice %arg3[%dma_wait3A_338, %dma_wait3A_339, %dma_wait3A_340] : memref<4000x2x128xf32, #tpu.memory_space<hbm>> -> memref<4000x2x128xf32, #tpu.memory_space<hbm>>
      tpu.wait_indirect_dma semaphore(%arg11 : memref<!tpu.dma_semaphore, #tpu.memory_space<semaphore_mem>>) src(%dma_wait3A_341 : memref<4000x2x128xf32, #tpu.memory_space<hbm>>) dst(%arg7 : memref<128x2x128xf32, #tpu.memory_space<vmem>>)
      %mul3A_342 = arith.constant 6 : i32
      %mul3A_343 = arith.muli %shift_right_arithmetic3A_6, %mul3A_342 : i32
      %div3A_344 = arith.constant 2 : i32
      %div3A_345 = arith.divsi %add3A_337, %div3A_344 : i32
      %add3A_346 = arith.addi %mul3A_343, %div3A_345 : i32
      %mul3A_347 = arith.constant 2 : i32
      %mul3A_348 = arith.muli %mul3A_347, %and3A_1 : i32
      %add3A_349 = arith.constant 1 : i32
      %add3A_350 = arith.addi %mul3A_348, %add3A_349 : i32
      %dma_start3A_351 = arith.constant 0 : i32
      %dma_start3A_352 = arith.constant 0 : i32
      %dma_start3A_353 = arith.constant 0 : i32
      %dma_start3A_354 = arith.constant 0 : i32
      %dma_start3A_355 = tpu.memref_slice %arg7[%dma_start3A_353, %dma_start3A_351, %dma_start3A_354] : memref<128x2x128xf32, #tpu.memory_space<vmem>> -> memref<128x1x128xf32, #tpu.memory_space<vmem>>
      %dma_start3A_356 = tpu.memref_squeeze %dma_start3A_355 : memref<128x1x128xf32, #tpu.memory_space<vmem>> -> memref<128x128xf32, #tpu.memory_space<vmem>>
      %dma_start3A_357 = arith.constant 0 : i32
      %dma_start3A_358 = arith.constant 0 : i32
      %dma_start3A_359 = tpu.memref_slice %arg4[%add3A_346, %and3A_4, %add3A_350, %dma_start3A_352, %dma_start3A_357, %dma_start3A_358] : memref<12x8x4x2x128x128xf32, #tpu.memory_space<hbm>> -> memref<1x1x1x1x128x128xf32, #tpu.memory_space<hbm>>
      %dma_start3A_360 = tpu.memref_squeeze %dma_start3A_359 : memref<1x1x1x1x128x128xf32, #tpu.memory_space<hbm>> -> memref<128x128xf32, #tpu.memory_space<hbm>>
      %dma_start3A_361 = arith.constant 0 : i32
      %dma_start3A_362 = arith.constant 0 : i32
      %dma_start3A_363 = tpu.memref_slice %arg4[%add3A_346, %and3A_4, %add3A_350, %dma_start3A_352, %dma_start3A_361, %dma_start3A_362] : memref<12x8x4x2x128x128xf32, #tpu.memory_space<hbm>> -> memref<1x1x1x1x128x128xf32, #tpu.memory_space<hbm>>
      %dma_start3A_364 = tpu.memref_squeeze %dma_start3A_363 : memref<1x1x1x1x128x128xf32, #tpu.memory_space<hbm>> -> memref<128x128xf32, #tpu.memory_space<hbm>>
      %dma_start3A_365 = arith.constant 0 : i32
      %dma_start3A_366 = arith.constant 0 : i32
      %dma_start3A_367 = tpu.memref_slice %arg7[%dma_start3A_365, %dma_start3A_351, %dma_start3A_366] : memref<128x2x128xf32, #tpu.memory_space<vmem>> -> memref<128x1x128xf32, #tpu.memory_space<vmem>>
      %dma_start3A_368 = tpu.memref_squeeze %dma_start3A_367 : memref<128x1x128xf32, #tpu.memory_space<vmem>> -> memref<128x128xf32, #tpu.memory_space<vmem>>
      tpu.enqueue_dma source(%dma_start3A_368 : memref<128x128xf32, #tpu.memory_space<vmem>>) target(%dma_start3A_364 : memref<128x128xf32, #tpu.memory_space<hbm>>) target_semaphore(%arg13 : memref<!tpu.dma_semaphore, #tpu.memory_space<semaphore_mem>>)
      %mul3A_369 = arith.constant 6 : i32
      %mul3A_370 = arith.muli %shift_right_arithmetic3A_6, %mul3A_369 : i32
      %div3A_371 = arith.constant 2 : i32
      %div3A_372 = arith.divsi %add3A_337, %div3A_371 : i32
      %add3A_373 = arith.addi %mul3A_370, %div3A_372 : i32
      %mul3A_374 = arith.constant 2 : i32
      %mul3A_375 = arith.muli %mul3A_374, %and3A_1 : i32
      %add3A_376 = arith.constant 1 : i32
      %add3A_377 = arith.addi %mul3A_375, %add3A_376 : i32
      %dma_start3A_378 = arith.constant 1 : i32
      %dma_start3A_379 = arith.constant 1 : i32
      %dma_start3A_380 = arith.constant 0 : i32
      %dma_start3A_381 = arith.constant 0 : i32
      %dma_start3A_382 = tpu.memref_slice %arg7[%dma_start3A_380, %dma_start3A_378, %dma_start3A_381] : memref<128x2x128xf32, #tpu.memory_space<vmem>> -> memref<128x1x128xf32, #tpu.memory_space<vmem>>
      %dma_start3A_383 = tpu.memref_squeeze %dma_start3A_382 : memref<128x1x128xf32, #tpu.memory_space<vmem>> -> memref<128x128xf32, #tpu.memory_space<vmem>>
      %dma_start3A_384 = arith.constant 0 : i32
      %dma_start3A_385 = arith.constant 0 : i32
      %dma_start3A_386 = tpu.memref_slice %arg4[%add3A_373, %and3A_4, %add3A_377, %dma_start3A_379, %dma_start3A_384, %dma_start3A_385] : memref<12x8x4x2x128x128xf32, #tpu.memory_space<hbm>> -> memref<1x1x1x1x128x128xf32, #tpu.memory_space<hbm>>
      %dma_start3A_387 = tpu.memref_squeeze %dma_start3A_386 : memref<1x1x1x1x128x128xf32, #tpu.memory_space<hbm>> -> memref<128x128xf32, #tpu.memory_space<hbm>>
      %dma_start3A_388 = arith.constant 0 : i32
      %dma_start3A_389 = arith.constant 0 : i32
      %dma_start3A_390 = tpu.memref_slice %arg4[%add3A_373, %and3A_4, %add3A_377, %dma_start3A_379, %dma_start3A_388, %dma_start3A_389] : memref<12x8x4x2x128x128xf32, #tpu.memory_space<hbm>> -> memref<1x1x1x1x128x128xf32, #tpu.memory_space<hbm>>
      %dma_start3A_391 = tpu.memref_squeeze %dma_start3A_390 : memref<1x1x1x1x128x128xf32, #tpu.memory_space<hbm>> -> memref<128x128xf32, #tpu.memory_space<hbm>>
      %dma_start3A_392 = arith.constant 0 : i32
      %dma_start3A_393 = arith.constant 0 : i32
      %dma_start3A_394 = tpu.memref_slice %arg7[%dma_start3A_392, %dma_start3A_378, %dma_start3A_393] : memref<128x2x128xf32, #tpu.memory_space<vmem>> -> memref<128x1x128xf32, #tpu.memory_space<vmem>>
      %dma_start3A_395 = tpu.memref_squeeze %dma_start3A_394 : memref<128x1x128xf32, #tpu.memory_space<vmem>> -> memref<128x128xf32, #tpu.memory_space<vmem>>
      tpu.enqueue_dma source(%dma_start3A_395 : memref<128x128xf32, #tpu.memory_space<vmem>>) target(%dma_start3A_391 : memref<128x128xf32, #tpu.memory_space<hbm>>) target_semaphore(%arg13 : memref<!tpu.dma_semaphore, #tpu.memory_space<semaphore_mem>>)
      %add3A_396 = arith.constant 2 : i32
      %add3A_397 = arith.addi %add3A_337, %add3A_396 : i32
      %lt3A_398 = arith.constant 12 : i32
      %lt3A_399 = arith.cmpi slt, %add3A_397, %lt3A_398 : i32
      %convert_element_type3A_400 = arith.extui %lt3A_399 : i1 to i32
      %cond3A_401 = arith.constant 0 : i32
      %cond3A_402 = arith.cmpi ne, %convert_element_type3A_400, %cond3A_401 : i32
      scf.if %cond3A_402 {
        %mul3A_403 = arith.constant 6 : i32
        %mul3A_404 = arith.muli %shift_right_arithmetic3A_6, %mul3A_403 : i32
        %div3A_405 = arith.constant 2 : i32
        %div3A_406 = arith.divsi %add3A_337, %div3A_405 : i32
        %add3A_407 = arith.addi %mul3A_404, %div3A_406 : i32
        %mul3A_408 = arith.constant 2 : i32
        %mul3A_409 = arith.muli %mul3A_408, %and3A_1 : i32
        %add3A_410 = arith.constant 1 : i32
        %add3A_411 = arith.addi %mul3A_409, %add3A_410 : i32
        %dma_wait3A_412 = arith.constant 0 : i32
        %dma_wait3A_413 = arith.constant 0 : i32
        %dma_wait3A_414 = arith.constant 0 : i32
        %dma_wait3A_415 = arith.constant 0 : i32
        %dma_wait3A_416 = tpu.memref_slice %arg7[%dma_wait3A_414, %dma_wait3A_412, %dma_wait3A_415] : memref<128x2x128xf32, #tpu.memory_space<vmem>> -> memref<128x1x128xf32, #tpu.memory_space<vmem>>
        %dma_wait3A_417 = tpu.memref_squeeze %dma_wait3A_416 : memref<128x1x128xf32, #tpu.memory_space<vmem>> -> memref<128x128xf32, #tpu.memory_space<vmem>>
        %dma_wait3A_418 = arith.constant 0 : i32
        %dma_wait3A_419 = arith.constant 0 : i32
        %dma_wait3A_420 = tpu.memref_slice %arg4[%add3A_407, %and3A_4, %add3A_411, %dma_wait3A_413, %dma_wait3A_418, %dma_wait3A_419] : memref<12x8x4x2x128x128xf32, #tpu.memory_space<hbm>> -> memref<1x1x1x1x128x128xf32, #tpu.memory_space<hbm>>
        %dma_wait3A_421 = tpu.memref_squeeze %dma_wait3A_420 : memref<1x1x1x1x128x128xf32, #tpu.memory_space<hbm>> -> memref<128x128xf32, #tpu.memory_space<hbm>>
        %dma_wait3A_422 = arith.constant 0 : i32
        %dma_wait3A_423 = arith.constant 0 : i32
        %dma_wait3A_424 = tpu.memref_slice %arg4[%add3A_407, %and3A_4, %add3A_411, %dma_wait3A_413, %dma_wait3A_422, %dma_wait3A_423] : memref<12x8x4x2x128x128xf32, #tpu.memory_space<hbm>> -> memref<1x1x1x1x128x128xf32, #tpu.memory_space<hbm>>
        %dma_wait3A_425 = tpu.memref_squeeze %dma_wait3A_424 : memref<1x1x1x1x128x128xf32, #tpu.memory_space<hbm>> -> memref<128x128xf32, #tpu.memory_space<hbm>>
        %dma_wait3A_426 = arith.constant 0 : i32
        %dma_wait3A_427 = arith.constant 0 : i32
        %dma_wait3A_428 = tpu.memref_slice %arg7[%dma_wait3A_426, %dma_wait3A_412, %dma_wait3A_427] : memref<128x2x128xf32, #tpu.memory_space<vmem>> -> memref<128x1x128xf32, #tpu.memory_space<vmem>>
        %dma_wait3A_429 = tpu.memref_squeeze %dma_wait3A_428 : memref<128x1x128xf32, #tpu.memory_space<vmem>> -> memref<128x128xf32, #tpu.memory_space<vmem>>
        tpu.wait_dma2 semaphore(%arg13 : memref<!tpu.dma_semaphore, #tpu.memory_space<semaphore_mem>>) src(%dma_wait3A_429 : memref<128x128xf32, #tpu.memory_space<vmem>>) dst(%dma_wait3A_425 : memref<128x128xf32, #tpu.memory_space<hbm>>)
        %mul3A_430 = arith.constant 6 : i32
        %mul3A_431 = arith.muli %shift_right_arithmetic3A_6, %mul3A_430 : i32
        %div3A_432 = arith.constant 2 : i32
        %div3A_433 = arith.divsi %add3A_337, %div3A_432 : i32
        %add3A_434 = arith.addi %mul3A_431, %div3A_433 : i32
        %mul3A_435 = arith.constant 2 : i32
        %mul3A_436 = arith.muli %mul3A_435, %and3A_1 : i32
        %add3A_437 = arith.constant 1 : i32
        %add3A_438 = arith.addi %mul3A_436, %add3A_437 : i32
        %dma_wait3A_439 = arith.constant 1 : i32
        %dma_wait3A_440 = arith.constant 1 : i32
        %dma_wait3A_441 = arith.constant 0 : i32
        %dma_wait3A_442 = arith.constant 0 : i32
        %dma_wait3A_443 = tpu.memref_slice %arg7[%dma_wait3A_441, %dma_wait3A_439, %dma_wait3A_442] : memref<128x2x128xf32, #tpu.memory_space<vmem>> -> memref<128x1x128xf32, #tpu.memory_space<vmem>>
        %dma_wait3A_444 = tpu.memref_squeeze %dma_wait3A_443 : memref<128x1x128xf32, #tpu.memory_space<vmem>> -> memref<128x128xf32, #tpu.memory_space<vmem>>
        %dma_wait3A_445 = arith.constant 0 : i32
        %dma_wait3A_446 = arith.constant 0 : i32
        %dma_wait3A_447 = tpu.memref_slice %arg4[%add3A_434, %and3A_4, %add3A_438, %dma_wait3A_440, %dma_wait3A_445, %dma_wait3A_446] : memref<12x8x4x2x128x128xf32, #tpu.memory_space<hbm>> -> memref<1x1x1x1x128x128xf32, #tpu.memory_space<hbm>>
        %dma_wait3A_448 = tpu.memref_squeeze %dma_wait3A_447 : memref<1x1x1x1x128x128xf32, #tpu.memory_space<hbm>> -> memref<128x128xf32, #tpu.memory_space<hbm>>
        %dma_wait3A_449 = arith.constant 0 : i32
        %dma_wait3A_450 = arith.constant 0 : i32
        %dma_wait3A_451 = tpu.memref_slice %arg4[%add3A_434, %and3A_4, %add3A_438, %dma_wait3A_440, %dma_wait3A_449, %dma_wait3A_450] : memref<12x8x4x2x128x128xf32, #tpu.memory_space<hbm>> -> memref<1x1x1x1x128x128xf32, #tpu.memory_space<hbm>>
        %dma_wait3A_452 = tpu.memref_squeeze %dma_wait3A_451 : memref<1x1x1x1x128x128xf32, #tpu.memory_space<hbm>> -> memref<128x128xf32, #tpu.memory_space<hbm>>
        %dma_wait3A_453 = arith.constant 0 : i32
        %dma_wait3A_454 = arith.constant 0 : i32
        %dma_wait3A_455 = tpu.memref_slice %arg7[%dma_wait3A_453, %dma_wait3A_439, %dma_wait3A_454] : memref<128x2x128xf32, #tpu.memory_space<vmem>> -> memref<128x1x128xf32, #tpu.memory_space<vmem>>
        %dma_wait3A_456 = tpu.memref_squeeze %dma_wait3A_455 : memref<128x1x128xf32, #tpu.memory_space<vmem>> -> memref<128x128xf32, #tpu.memory_space<vmem>>
        tpu.wait_dma2 semaphore(%arg13 : memref<!tpu.dma_semaphore, #tpu.memory_space<semaphore_mem>>) src(%dma_wait3A_456 : memref<128x128xf32, #tpu.memory_space<vmem>>) dst(%dma_wait3A_452 : memref<128x128xf32, #tpu.memory_space<hbm>>)
        %add3A_457 = arith.constant 2 : i32
        %add3A_458 = arith.addi %add3A_337, %add3A_457 : i32
        %sub3A_459 = arith.subi %add3A_10, %mul3A_13 : i32
        %div3A_460 = arith.constant 2 : i32
        %div3A_461 = arith.divsi %add3A_458, %div3A_460 : i32
        %add3A_462 = arith.addi %sub3A_459, %div3A_461 : i32
        %mul3A_463 = arith.constant 2 : i32
        %mul3A_464 = arith.muli %mul3A_463, %and3A_1 : i32
        %add3A_465 = arith.constant 1 : i32
        %add3A_466 = arith.addi %mul3A_464, %add3A_465 : i32
        %mul3A_467 = arith.constant 1000 : i32
        %mul3A_468 = arith.muli %add3A_466, %mul3A_467 : i32
        %get3A_469 = arith.index_cast %add3A_462 : i32 to index
        %get3A_470 = arith.constant 0 : index
        %get3A_471 = tpu.vector_load %arg5[%get3A_469, %get3A_470] {strides = array<i32>} : memref<32x128xi32, #tpu.memory_space<vmem>>, vector<16xi32>,
        %add3A_472 = vector.broadcast %mul3A_468 : i32 to vector<16xi32>
        %add3A_473 = arith.addi %get3A_471, %add3A_472 : vector<16xi32>
        %swap3A_474 = arith.constant 0 : index
        %swap3A_475 = tpu.vector_load %arg9[%swap3A_474] {strides = array<i32>} : memref<128xi32, #tpu.memory_space<vmem>>, vector<16xi32>,
        tpu.vector_store %arg9[%swap3A_474], %add3A_473 {strides = array<i32>} : memref<128xi32, #tpu.memory_space<vmem>>, vector<16xi32>,
        %get3A_476 = arith.index_cast %add3A_462 : i32 to index
        %get3A_477 = arith.constant 16 : index
        %get3A_478 = tpu.vector_load %arg5[%get3A_476, %get3A_477] {strides = array<i32>} : memref<32x128xi32, #tpu.memory_space<vmem>>, vector<16xi32>,
        %add3A_479 = vector.broadcast %mul3A_468 : i32 to vector<16xi32>
        %add3A_480 = arith.addi %get3A_478, %add3A_479 : vector<16xi32>
        %swap3A_481 = arith.constant 16 : index
        %swap3A_482 = tpu.vector_load %arg9[%swap3A_481] {strides = array<i32>} : memref<128xi32, #tpu.memory_space<vmem>>, vector<16xi32>,
        tpu.vector_store %arg9[%swap3A_481], %add3A_480 {strides = array<i32>} : memref<128xi32, #tpu.memory_space<vmem>>, vector<16xi32>,
        %get3A_483 = arith.index_cast %add3A_462 : i32 to index
        %get3A_484 = arith.constant 32 : index
        %get3A_485 = tpu.vector_load %arg5[%get3A_483, %get3A_484] {strides = array<i32>} : memref<32x128xi32, #tpu.memory_space<vmem>>, vector<16xi32>,
        %add3A_486 = vector.broadcast %mul3A_468 : i32 to vector<16xi32>
        %add3A_487 = arith.addi %get3A_485, %add3A_486 : vector<16xi32>
        %swap3A_488 = arith.constant 32 : index
        %swap3A_489 = tpu.vector_load %arg9[%swap3A_488] {strides = array<i32>} : memref<128xi32, #tpu.memory_space<vmem>>, vector<16xi32>,
        tpu.vector_store %arg9[%swap3A_488], %add3A_487 {strides = array<i32>} : memref<128xi32, #tpu.memory_space<vmem>>, vector<16xi32>,
        %get3A_490 = arith.index_cast %add3A_462 : i32 to index
        %get3A_491 = arith.constant 48 : index
        %get3A_492 = tpu.vector_load %arg5[%get3A_490, %get3A_491] {strides = array<i32>} : memref<32x128xi32, #tpu.memory_space<vmem>>, vector<16xi32>,
        %add3A_493 = vector.broadcast %mul3A_468 : i32 to vector<16xi32>
        %add3A_494 = arith.addi %get3A_492, %add3A_493 : vector<16xi32>
        %swap3A_495 = arith.constant 48 : index
        %swap3A_496 = tpu.vector_load %arg9[%swap3A_495] {strides = array<i32>} : memref<128xi32, #tpu.memory_space<vmem>>, vector<16xi32>,
        tpu.vector_store %arg9[%swap3A_495], %add3A_494 {strides = array<i32>} : memref<128xi32, #tpu.memory_space<vmem>>, vector<16xi32>,
        %get3A_497 = arith.index_cast %add3A_462 : i32 to index
        %get3A_498 = arith.constant 64 : index
        %get3A_499 = tpu.vector_load %arg5[%get3A_497, %get3A_498] {strides = array<i32>} : memref<32x128xi32, #tpu.memory_space<vmem>>, vector<16xi32>,
        %add3A_500 = vector.broadcast %mul3A_468 : i32 to vector<16xi32>
        %add3A_501 = arith.addi %get3A_499, %add3A_500 : vector<16xi32>
        %swap3A_502 = arith.constant 64 : index
        %swap3A_503 = tpu.vector_load %arg9[%swap3A_502] {strides = array<i32>} : memref<128xi32, #tpu.memory_space<vmem>>, vector<16xi32>,
        tpu.vector_store %arg9[%swap3A_502], %add3A_501 {strides = array<i32>} : memref<128xi32, #tpu.memory_space<vmem>>, vector<16xi32>,
        %get3A_504 = arith.index_cast %add3A_462 : i32 to index
        %get3A_505 = arith.constant 80 : index
        %get3A_506 = tpu.vector_load %arg5[%get3A_504, %get3A_505] {strides = array<i32>} : memref<32x128xi32, #tpu.memory_space<vmem>>, vector<16xi32>,
        %add3A_507 = vector.broadcast %mul3A_468 : i32 to vector<16xi32>
        %add3A_508 = arith.addi %get3A_506, %add3A_507 : vector<16xi32>
        %swap3A_509 = arith.constant 80 : index
        %swap3A_510 = tpu.vector_load %arg9[%swap3A_509] {strides = array<i32>} : memref<128xi32, #tpu.memory_space<vmem>>, vector<16xi32>,
        tpu.vector_store %arg9[%swap3A_509], %add3A_508 {strides = array<i32>} : memref<128xi32, #tpu.memory_space<vmem>>, vector<16xi32>,
        %get3A_511 = arith.index_cast %add3A_462 : i32 to index
        %get3A_512 = arith.constant 96 : index
        %get3A_513 = tpu.vector_load %arg5[%get3A_511, %get3A_512] {strides = array<i32>} : memref<32x128xi32, #tpu.memory_space<vmem>>, vector<16xi32>,
        %add3A_514 = vector.broadcast %mul3A_468 : i32 to vector<16xi32>
        %add3A_515 = arith.addi %get3A_513, %add3A_514 : vector<16xi32>
        %swap3A_516 = arith.constant 96 : index
        %swap3A_517 = tpu.vector_load %arg9[%swap3A_516] {strides = array<i32>} : memref<128xi32, #tpu.memory_space<vmem>>, vector<16xi32>,
        tpu.vector_store %arg9[%swap3A_516], %add3A_515 {strides = array<i32>} : memref<128xi32, #tpu.memory_space<vmem>>, vector<16xi32>,
        %get3A_518 = arith.index_cast %add3A_462 : i32 to index
        %get3A_519 = arith.constant 112 : index
        %get3A_520 = tpu.vector_load %arg5[%get3A_518, %get3A_519] {strides = array<i32>} : memref<32x128xi32, #tpu.memory_space<vmem>>, vector<16xi32>,
        %add3A_521 = vector.broadcast %mul3A_468 : i32 to vector<16xi32>
        %add3A_522 = arith.addi %get3A_520, %add3A_521 : vector<16xi32>
        %swap3A_523 = arith.constant 112 : index
        %swap3A_524 = tpu.vector_load %arg9[%swap3A_523] {strides = array<i32>} : memref<128xi32, #tpu.memory_space<vmem>>, vector<16xi32>,
        tpu.vector_store %arg9[%swap3A_523], %add3A_522 {strides = array<i32>} : memref<128xi32, #tpu.memory_space<vmem>>, vector<16xi32>,
        %dma_start3A_525 = arith.constant 0 : i32
        %dma_start3A_526 = arith.constant 0 : i32
        %dma_start3A_527 = arith.constant 0 : i32
        %dma_start3A_528 = tpu.memref_slice %arg3[%dma_start3A_525, %dma_start3A_526, %dma_start3A_527] : memref<4000x2x128xf32, #tpu.memory_space<hbm>> -> memref<4000x2x128xf32, #tpu.memory_space<hbm>>
        tpu.enqueue_indirect_dma source(%dma_start3A_528 : memref<4000x2x128xf32, #tpu.memory_space<hbm>>) target(%arg7 : memref<128x2x128xf32, #tpu.memory_space<vmem>>) offsets(%arg9 : memref<128xi32, #tpu.memory_space<vmem>>) semaphore(%arg11 : memref<!tpu.dma_semaphore, #tpu.memory_space<semaphore_mem>>)
      } else {
      }
    }
    %scan3A_155 = arith.constant 6 : i32
    %mul3A_156 = arith.constant 6 : i32
    %mul3A_157 = arith.muli %shift_right_arithmetic3A_6, %mul3A_156 : i32
    %div3A_158 = arith.constant 10 : i32
    %div3A_159 = arith.constant 2 : i32
    %div3A_160 = arith.divsi %div3A_158, %div3A_159 : i32
    %add3A_161 = arith.addi %mul3A_157, %div3A_160 : i32
    %mul3A_162 = arith.constant 2 : i32
    %mul3A_163 = arith.muli %mul3A_162, %and3A_1 : i32
    %add3A_164 = arith.constant 0 : i32
    %add3A_165 = arith.addi %mul3A_163, %add3A_164 : i32
    %dma_wait3A = arith.constant 0 : i32
    %dma_wait3A_166 = arith.constant 0 : i32
    %dma_wait3A_167 = arith.constant 0 : i32
    %dma_wait3A_168 = arith.constant 0 : i32
    %dma_wait3A_169 = tpu.memref_slice %arg6[%dma_wait3A_167, %dma_wait3A, %dma_wait3A_168] : memref<128x2x128xf32, #tpu.memory_space<vmem>> -> memref<128x1x128xf32, #tpu.memory_space<vmem>>
    %dma_wait3A_170 = tpu.memref_squeeze %dma_wait3A_169 : memref<128x1x128xf32, #tpu.memory_space<vmem>> -> memref<128x128xf32, #tpu.memory_space<vmem>>
    %dma_wait3A_171 = arith.constant 0 : i32
    %dma_wait3A_172 = arith.constant 0 : i32
    %dma_wait3A_173 = tpu.memref_slice %arg4[%add3A_161, %and3A_4, %add3A_165, %dma_wait3A_166, %dma_wait3A_171, %dma_wait3A_172] : memref<12x8x4x2x128x128xf32, #tpu.memory_space<hbm>> -> memref<1x1x1x1x128x128xf32, #tpu.memory_space<hbm>>
    %dma_wait3A_174 = tpu.memref_squeeze %dma_wait3A_173 : memref<1x1x1x1x128x128xf32, #tpu.memory_space<hbm>> -> memref<128x128xf32, #tpu.memory_space<hbm>>
    %dma_wait3A_175 = arith.constant 0 : i32
    %dma_wait3A_176 = arith.constant 0 : i32
    %dma_wait3A_177 = tpu.memref_slice %arg4[%add3A_161, %and3A_4, %add3A_165, %dma_wait3A_166, %dma_wait3A_175, %dma_wait3A_176] : memref<12x8x4x2x128x128xf32, #tpu.memory_space<hbm>> -> memref<1x1x1x1x128x128xf32, #tpu.memory_space<hbm>>
    %dma_wait3A_178 = tpu.memref_squeeze %dma_wait3A_177 : memref<1x1x1x1x128x128xf32, #tpu.memory_space<hbm>> -> memref<128x128xf32, #tpu.memory_space<hbm>>
    %dma_wait3A_179 = arith.constant 0 : i32
    %dma_wait3A_180 = arith.constant 0 : i32
    %dma_wait3A_181 = tpu.memref_slice %arg6[%dma_wait3A_179, %dma_wait3A, %dma_wait3A_180] : memref<128x2x128xf32, #tpu.memory_space<vmem>> -> memref<128x1x128xf32, #tpu.memory_space<vmem>>
    %dma_wait3A_182 = tpu.memref_squeeze %dma_wait3A_181 : memref<128x1x128xf32, #tpu.memory_space<vmem>> -> memref<128x128xf32, #tpu.memory_space<vmem>>
    tpu.wait_dma2 semaphore(%arg12 : memref<!tpu.dma_semaphore, #tpu.memory_space<semaphore_mem>>) src(%dma_wait3A_182 : memref<128x128xf32, #tpu.memory_space<vmem>>) dst(%dma_wait3A_178 : memref<128x128xf32, #tpu.memory_space<hbm>>)
    %mul3A_183 = arith.constant 6 : i32
    %mul3A_184 = arith.muli %shift_right_arithmetic3A_6, %mul3A_183 : i32
    %div3A_185 = arith.constant 10 : i32
    %div3A_186 = arith.constant 2 : i32
    %div3A_187 = arith.divsi %div3A_185, %div3A_186 : i32
    %add3A_188 = arith.addi %mul3A_184, %div3A_187 : i32
    %mul3A_189 = arith.constant 2 : i32
    %mul3A_190 = arith.muli %mul3A_189, %and3A_1 : i32
    %add3A_191 = arith.constant 0 : i32
    %add3A_192 = arith.addi %mul3A_190, %add3A_191 : i32
    %dma_wait3A_193 = arith.constant 1 : i32
    %dma_wait3A_194 = arith.constant 1 : i32
    %dma_wait3A_195 = arith.constant 0 : i32
    %dma_wait3A_196 = arith.constant 0 : i32
    %dma_wait3A_197 = tpu.memref_slice %arg6[%dma_wait3A_195, %dma_wait3A_193, %dma_wait3A_196] : memref<128x2x128xf32, #tpu.memory_space<vmem>> -> memref<128x1x128xf32, #tpu.memory_space<vmem>>
    %dma_wait3A_198 = tpu.memref_squeeze %dma_wait3A_197 : memref<128x1x128xf32, #tpu.memory_space<vmem>> -> memref<128x128xf32, #tpu.memory_space<vmem>>
    %dma_wait3A_199 = arith.constant 0 : i32
    %dma_wait3A_200 = arith.constant 0 : i32
    %dma_wait3A_201 = tpu.memref_slice %arg4[%add3A_188, %and3A_4, %add3A_192, %dma_wait3A_194, %dma_wait3A_199, %dma_wait3A_200] : memref<12x8x4x2x128x128xf32, #tpu.memory_space<hbm>> -> memref<1x1x1x1x128x128xf32, #tpu.memory_space<hbm>>
    %dma_wait3A_202 = tpu.memref_squeeze %dma_wait3A_201 : memref<1x1x1x1x128x128xf32, #tpu.memory_space<hbm>> -> memref<128x128xf32, #tpu.memory_space<hbm>>
    %dma_wait3A_203 = arith.constant 0 : i32
    %dma_wait3A_204 = arith.constant 0 : i32
    %dma_wait3A_205 = tpu.memref_slice %arg4[%add3A_188, %and3A_4, %add3A_192, %dma_wait3A_194, %dma_wait3A_203, %dma_wait3A_204] : memref<12x8x4x2x128x128xf32, #tpu.memory_space<hbm>> -> memref<1x1x1x1x128x128xf32, #tpu.memory_space<hbm>>
    %dma_wait3A_206 = tpu.memref_squeeze %dma_wait3A_205 : memref<1x1x1x1x128x128xf32, #tpu.memory_space<hbm>> -> memref<128x128xf32, #tpu.memory_space<hbm>>
    %dma_wait3A_207 = arith.constant 0 : i32
    %dma_wait3A_208 = arith.constant 0 : i32
    %dma_wait3A_209 = tpu.memref_slice %arg6[%dma_wait3A_207, %dma_wait3A_193, %dma_wait3A_208] : memref<128x2x128xf32, #tpu.memory_space<vmem>> -> memref<128x1x128xf32, #tpu.memory_space<vmem>>
    %dma_wait3A_210 = tpu.memref_squeeze %dma_wait3A_209 : memref<128x1x128xf32, #tpu.memory_space<vmem>> -> memref<128x128xf32, #tpu.memory_space<vmem>>
    tpu.wait_dma2 semaphore(%arg12 : memref<!tpu.dma_semaphore, #tpu.memory_space<semaphore_mem>>) src(%dma_wait3A_210 : memref<128x128xf32, #tpu.memory_space<vmem>>) dst(%dma_wait3A_206 : memref<128x128xf32, #tpu.memory_space<hbm>>)
    %mul3A_211 = arith.constant 6 : i32
    %mul3A_212 = arith.muli %shift_right_arithmetic3A_6, %mul3A_211 : i32
    %div3A_213 = arith.constant 11 : i32
    %div3A_214 = arith.constant 2 : i32
    %div3A_215 = arith.divsi %div3A_213, %div3A_214 : i32
    %add3A_216 = arith.addi %mul3A_212, %div3A_215 : i32
    %mul3A_217 = arith.constant 2 : i32
    %mul3A_218 = arith.muli %mul3A_217, %and3A_1 : i32
    %add3A_219 = arith.constant 1 : i32
    %add3A_220 = arith.addi %mul3A_218, %add3A_219 : i32
    %dma_wait3A_221 = arith.constant 0 : i32
    %dma_wait3A_222 = arith.constant 0 : i32
    %dma_wait3A_223 = arith.constant 0 : i32
    %dma_wait3A_224 = arith.constant 0 : i32
    %dma_wait3A_225 = tpu.memref_slice %arg7[%dma_wait3A_223, %dma_wait3A_221, %dma_wait3A_224] : memref<128x2x128xf32, #tpu.memory_space<vmem>> -> memref<128x1x128xf32, #tpu.memory_space<vmem>>
    %dma_wait3A_226 = tpu.memref_squeeze %dma_wait3A_225 : memref<128x1x128xf32, #tpu.memory_space<vmem>> -> memref<128x128xf32, #tpu.memory_space<vmem>>
    %dma_wait3A_227 = arith.constant 0 : i32
    %dma_wait3A_228 = arith.constant 0 : i32
    %dma_wait3A_229 = tpu.memref_slice %arg4[%add3A_216, %and3A_4, %add3A_220, %dma_wait3A_222, %dma_wait3A_227, %dma_wait3A_228] : memref<12x8x4x2x128x128xf32, #tpu.memory_space<hbm>> -> memref<1x1x1x1x128x128xf32, #tpu.memory_space<hbm>>
    %dma_wait3A_230 = tpu.memref_squeeze %dma_wait3A_229 : memref<1x1x1x1x128x128xf32, #tpu.memory_space<hbm>> -> memref<128x128xf32, #tpu.memory_space<hbm>>
    %dma_wait3A_231 = arith.constant 0 : i32
    %dma_wait3A_232 = arith.constant 0 : i32
    %dma_wait3A_233 = tpu.memref_slice %arg4[%add3A_216, %and3A_4, %add3A_220, %dma_wait3A_222, %dma_wait3A_231, %dma_wait3A_232] : memref<12x8x4x2x128x128xf32, #tpu.memory_space<hbm>> -> memref<1x1x1x1x128x128xf32, #tpu.memory_space<hbm>>
    %dma_wait3A_234 = tpu.memref_squeeze %dma_wait3A_233 : memref<1x1x1x1x128x128xf32, #tpu.memory_space<hbm>> -> memref<128x128xf32, #tpu.memory_space<hbm>>
    %dma_wait3A_235 = arith.constant 0 : i32
    %dma_wait3A_236 = arith.constant 0 : i32
    %dma_wait3A_237 = tpu.memref_slice %arg7[%dma_wait3A_235, %dma_wait3A_221, %dma_wait3A_236] : memref<128x2x128xf32, #tpu.memory_space<vmem>> -> memref<128x1x128xf32, #tpu.memory_space<vmem>>
    %dma_wait3A_238 = tpu.memref_squeeze %dma_wait3A_237 : memref<128x1x128xf32, #tpu.memory_space<vmem>> -> memref<128x128xf32, #tpu.memory_space<vmem>>
    tpu.wait_dma2 semaphore(%arg13 : memref<!tpu.dma_semaphore, #tpu.memory_space<semaphore_mem>>) src(%dma_wait3A_238 : memref<128x128xf32, #tpu.memory_space<vmem>>) dst(%dma_wait3A_234 : memref<128x128xf32, #tpu.memory_space<hbm>>)
    %mul3A_239 = arith.constant 6 : i32
    %mul3A_240 = arith.muli %shift_right_arithmetic3A_6, %mul3A_239 : i32
    %div3A_241 = arith.constant 11 : i32
    %div3A_242 = arith.constant 2 : i32
    %div3A_243 = arith.divsi %div3A_241, %div3A_242 : i32
    %add3A_244 = arith.addi %mul3A_240, %div3A_243 : i32
    %mul3A_245 = arith.constant 2 : i32
    %mul3A_246 = arith.muli %mul3A_245, %and3A_1 : i32
    %add3A_247 = arith.constant 1 : i32
    %add3A_248 = arith.addi %mul3A_246, %add3A_247 : i32
    %dma_wait3A_249 = arith.constant 1 : i32
    %dma_wait3A_250 = arith.constant 1 : i32
    %dma_wait3A_251 = arith.constant 0 : i32
    %dma_wait3A_252 = arith.constant 0 : i32
    %dma_wait3A_253 = tpu.memref_slice %arg7[%dma_wait3A_251, %dma_wait3A_249, %dma_wait3A_252] : memref<128x2x128xf32, #tpu.memory_space<vmem>> -> memref<128x1x128xf32, #tpu.memory_space<vmem>>
    %dma_wait3A_254 = tpu.memref_squeeze %dma_wait3A_253 : memref<128x1x128xf32, #tpu.memory_space<vmem>> -> memref<128x128xf32, #tpu.memory_space<vmem>>
    %dma_wait3A_255 = arith.constant 0 : i32
    %dma_wait3A_256 = arith.constant 0 : i32
    %dma_wait3A_257 = tpu.memref_slice %arg4[%add3A_244, %and3A_4, %add3A_248, %dma_wait3A_250, %dma_wait3A_255, %dma_wait3A_256] : memref<12x8x4x2x128x128xf32, #tpu.memory_space<hbm>> -> memref<1x1x1x1x128x128xf32, #tpu.memory_space<hbm>>
    %dma_wait3A_258 = tpu.memref_squeeze %dma_wait3A_257 : memref<1x1x1x1x128x128xf32, #tpu.memory_space<hbm>> -> memref<128x128xf32, #tpu.memory_space<hbm>>
    %dma_wait3A_259 = arith.constant 0 : i32
    %dma_wait3A_260 = arith.constant 0 : i32
    %dma_wait3A_261 = tpu.memref_slice %arg4[%add3A_244, %and3A_4, %add3A_248, %dma_wait3A_250, %dma_wait3A_259, %dma_wait3A_260] : memref<12x8x4x2x128x128xf32, #tpu.memory_space<hbm>> -> memref<1x1x1x1x128x128xf32, #tpu.memory_space<hbm>>
    %dma_wait3A_262 = tpu.memref_squeeze %dma_wait3A_261 : memref<1x1x1x1x128x128xf32, #tpu.memory_space<hbm>> -> memref<128x128xf32, #tpu.memory_space<hbm>>
    %dma_wait3A_263 = arith.constant 0 : i32
    %dma_wait3A_264 = arith.constant 0 : i32
    %dma_wait3A_265 = tpu.memref_slice %arg7[%dma_wait3A_263, %dma_wait3A_249, %dma_wait3A_264] : memref<128x2x128xf32, #tpu.memory_space<vmem>> -> memref<128x1x128xf32, #tpu.memory_space<vmem>>
    %dma_wait3A_266 = tpu.memref_squeeze %dma_wait3A_265 : memref<128x1x128xf32, #tpu.memory_space<vmem>> -> memref<128x128xf32, #tpu.memory_space<vmem>>
    tpu.wait_dma2 semaphore(%arg13 : memref<!tpu.dma_semaphore, #tpu.memory_space<semaphore_mem>>) src(%dma_wait3A_266 : memref<128x128xf32, #tpu.memory_space<vmem>>) dst(%dma_wait3A_262 : memref<128x128xf32, #tpu.memory_space<hbm>>)
    return
  }
}

#map = affine_map<(d0, d1) -> (0, 0, 0)>
#map1 = affine_map<(d0, d1) -> (0, 0, 0, 0, 0, 0)>
module attributes {stable_mosaic.version = 14 : i64} {
  func.func @gather(%arg0: i32, %arg1: i32, %arg2: memref<8x56x128xi32, #tpu.memory_space<hbm>>, %arg3: memref<4000x2x128xf32, #tpu.memory_space<hbm>>, %arg4: memref<14x8x4x2x128x128xf32, #tpu.memory_space<hbm>>, %arg5: memref<32x128xi32, #tpu.memory_space<vmem>>, %arg6: memref<128x2x128xf32, #tpu.memory_space<vmem>>, %arg7: memref<128x2x128xf32, #tpu.memory_space<vmem>>, %arg8: memref<128xi32, #tpu.memory_space<vmem>>, %arg9: memref<128xi32, #tpu.memory_space<vmem>>, %arg10: memref<!tpu.dma_semaphore, #tpu.memory_space<semaphore_mem>>, %arg11: memref<!tpu.dma_semaphore, #tpu.memory_space<semaphore_mem>>, %arg12: memref<!tpu.dma_semaphore, #tpu.memory_space<semaphore_mem>>, %arg13: memref<!tpu.dma_semaphore, #tpu.memory_space<semaphore_mem>>) attributes {dimension_semantics = [#tpu.dimension_semantics<core_parallel>, #tpu.dimension_semantics<subcore_parallel>], iteration_bounds = array<i64: 2, 16>, scalar_prefetch = 0 : i64, scratch_operands = 9 : i64, tpu.core_type = #tpu.core_type<sc_vector_subcore>, window_params = [{transform_indices = #map}, {transform_indices = #map}, {transform_indices = #map1}]} {
    %mul3A = arith.constant 2 : i32
    %mul3A_0 = arith.muli %arg1, %mul3A : i32
    %add3A = arith.addi %mul3A_0, %arg0 : i32
    %and3A = arith.constant 1 : i32
    %and3A_1 = arith.andi %add3A, %and3A : i32
    %shift_right_arithmetic3A = arith.constant 1 : i32
    %shift_right_arithmetic3A_2 = arith.shrsi %add3A, %shift_right_arithmetic3A : i32
    %and3A_3 = arith.constant 7 : i32
    %and3A_4 = arith.andi %shift_right_arithmetic3A_2, %and3A_3 : i32
    %shift_right_arithmetic3A_5 = arith.constant 4 : i32
    %shift_right_arithmetic3A_6 = arith.shrsi %add3A, %shift_right_arithmetic3A_5 : i32
    %mul3A_7 = arith.constant 7 : i32
    %mul3A_8 = arith.muli %mul3A_7, %shift_right_arithmetic3A_6 : i32
    %add3A_9 = arith.constant 36 : i32
    %add3A_10 = arith.addi %add3A_9, %mul3A_8 : i32
    %div3A = arith.constant 8 : i32
    %div3A_11 = arith.divsi %add3A_10, %div3A : i32
    %mul3A_12 = arith.constant 8 : i32
    %mul3A_13 = arith.muli %div3A_11, %mul3A_12 : i32
    %multiple_of3A = tpu.assume_multiple %mul3A_13, 8 : i32
    "tpu.region"() ({
      %run_scoped3A = tpu.sem_alloc : memref<!tpu.dma_semaphore, #tpu.memory_space<semaphore_mem>>
      %dma_start3A_267 = arith.constant 0 : i32
      %dma_start3A_268 = tpu.memref_slice %arg2[%and3A_4, %multiple_of3A, %dma_start3A_267] : memref<8x56x128xi32, #tpu.memory_space<hbm>> -> memref<1x32x128xi32, #tpu.memory_space<hbm>>
      %dma_start3A_269 = tpu.memref_squeeze %dma_start3A_268 : memref<1x32x128xi32, #tpu.memory_space<hbm>> -> memref<32x128xi32, #tpu.memory_space<hbm>>
      %dma_start3A_270 = arith.constant 0 : i32
      %dma_start3A_271 = tpu.memref_slice %arg2[%and3A_4, %multiple_of3A, %dma_start3A_270] : memref<8x56x128xi32, #tpu.memory_space<hbm>> -> memref<1x32x128xi32, #tpu.memory_space<hbm>>
      %dma_start3A_272 = tpu.memref_squeeze %dma_start3A_271 : memref<1x32x128xi32, #tpu.memory_space<hbm>> -> memref<32x128xi32, #tpu.memory_space<hbm>>
      tpu.enqueue_dma source(%dma_start3A_272 : memref<32x128xi32, #tpu.memory_space<hbm>>) target(%arg5 : memref<32x128xi32, #tpu.memory_space<vmem>>) target_semaphore(%run_scoped3A : memref<!tpu.dma_semaphore, #tpu.memory_space<semaphore_mem>>)
      %dma_wait3A_273 = arith.constant 0 : i32
      %dma_wait3A_274 = tpu.memref_slice %arg2[%and3A_4, %multiple_of3A, %dma_wait3A_273] : memref<8x56x128xi32, #tpu.memory_space<hbm>> -> memref<1x32x128xi32, #tpu.memory_space<hbm>>
      %dma_wait3A_275 = tpu.memref_squeeze %dma_wait3A_274 : memref<1x32x128xi32, #tpu.memory_space<hbm>> -> memref<32x128xi32, #tpu.memory_space<hbm>>
      %dma_wait3A_276 = arith.constant 0 : i32
      %dma_wait3A_277 = tpu.memref_slice %arg2[%and3A_4, %multiple_of3A, %dma_wait3A_276] : memref<8x56x128xi32, #tpu.memory_space<hbm>> -> memref<1x32x128xi32, #tpu.memory_space<hbm>>
      %dma_wait3A_278 = tpu.memref_squeeze %dma_wait3A_277 : memref<1x32x128xi32, #tpu.memory_space<hbm>> -> memref<32x128xi32, #tpu.memory_space<hbm>>
      tpu.wait_dma2 semaphore(%run_scoped3A : memref<!tpu.dma_semaphore, #tpu.memory_space<semaphore_mem>>) src(%dma_wait3A_278 : memref<32x128xi32, #tpu.memory_space<hbm>>) dst(%arg5 : memref<32x128xi32, #tpu.memory_space<vmem>>)
      tpu.yield
    }) : () -> ()
    %sub3A = arith.subi %add3A_10, %mul3A_13 : i32
    %div3A_14 = arith.constant 0 : i32
    %div3A_15 = arith.constant 2 : i32
    %div3A_16 = arith.divsi %div3A_14, %div3A_15 : i32
    %add3A_17 = arith.addi %sub3A, %div3A_16 : i32
    %mul3A_18 = arith.constant 2 : i32
    %mul3A_19 = arith.muli %mul3A_18, %and3A_1 : i32
    %add3A_20 = arith.constant 0 : i32
    %add3A_21 = arith.addi %mul3A_19, %add3A_20 : i32
    %mul3A_22 = arith.constant 1000 : i32
    %mul3A_23 = arith.muli %add3A_21, %mul3A_22 : i32
    %get3A = arith.index_cast %add3A_17 : i32 to index
    %get3A_24 = arith.constant 0 : index
    %get3A_25 = tpu.vector_load %arg5[%get3A, %get3A_24] {strides = array<i32>} : memref<32x128xi32, #tpu.memory_space<vmem>>, vector<16xi32>,
    %add3A_26 = vector.broadcast %mul3A_23 : i32 to vector<16xi32>
    %add3A_27 = arith.addi %get3A_25, %add3A_26 : vector<16xi32>
    %swap3A = arith.constant 0 : index
    %swap3A_28 = tpu.vector_load %arg8[%swap3A] {strides = array<i32>} : memref<128xi32, #tpu.memory_space<vmem>>, vector<16xi32>,
    tpu.vector_store %arg8[%swap3A], %add3A_27 {strides = array<i32>} : memref<128xi32, #tpu.memory_space<vmem>>, vector<16xi32>,
    %get3A_29 = arith.index_cast %add3A_17 : i32 to index
    %get3A_30 = arith.constant 16 : index
    %get3A_31 = tpu.vector_load %arg5[%get3A_29, %get3A_30] {strides = array<i32>} : memref<32x128xi32, #tpu.memory_space<vmem>>, vector<16xi32>,
    %add3A_32 = vector.broadcast %mul3A_23 : i32 to vector<16xi32>
    %add3A_33 = arith.addi %get3A_31, %add3A_32 : vector<16xi32>
    %swap3A_34 = arith.constant 16 : index
    %swap3A_35 = tpu.vector_load %arg8[%swap3A_34] {strides = array<i32>} : memref<128xi32, #tpu.memory_space<vmem>>, vector<16xi32>,
    tpu.vector_store %arg8[%swap3A_34], %add3A_33 {strides = array<i32>} : memref<128xi32, #tpu.memory_space<vmem>>, vector<16xi32>,
    %get3A_36 = arith.index_cast %add3A_17 : i32 to index
    %get3A_37 = arith.constant 32 : index
    %get3A_38 = tpu.vector_load %arg5[%get3A_36, %get3A_37] {strides = array<i32>} : memref<32x128xi32, #tpu.memory_space<vmem>>, vector<16xi32>,
    %add3A_39 = vector.broadcast %mul3A_23 : i32 to vector<16xi32>
    %add3A_40 = arith.addi %get3A_38, %add3A_39 : vector<16xi32>
    %swap3A_41 = arith.constant 32 : index
    %swap3A_42 = tpu.vector_load %arg8[%swap3A_41] {strides = array<i32>} : memref<128xi32, #tpu.memory_space<vmem>>, vector<16xi32>,
    tpu.vector_store %arg8[%swap3A_41], %add3A_40 {strides = array<i32>} : memref<128xi32, #tpu.memory_space<vmem>>, vector<16xi32>,
    %get3A_43 = arith.index_cast %add3A_17 : i32 to index
    %get3A_44 = arith.constant 48 : index
    %get3A_45 = tpu.vector_load %arg5[%get3A_43, %get3A_44] {strides = array<i32>} : memref<32x128xi32, #tpu.memory_space<vmem>>, vector<16xi32>,
    %add3A_46 = vector.broadcast %mul3A_23 : i32 to vector<16xi32>
    %add3A_47 = arith.addi %get3A_45, %add3A_46 : vector<16xi32>
    %swap3A_48 = arith.constant 48 : index
    %swap3A_49 = tpu.vector_load %arg8[%swap3A_48] {strides = array<i32>} : memref<128xi32, #tpu.memory_space<vmem>>, vector<16xi32>,
    tpu.vector_store %arg8[%swap3A_48], %add3A_47 {strides = array<i32>} : memref<128xi32, #tpu.memory_space<vmem>>, vector<16xi32>,
    %get3A_50 = arith.index_cast %add3A_17 : i32 to index
    %get3A_51 = arith.constant 64 : index
    %get3A_52 = tpu.vector_load %arg5[%get3A_50, %get3A_51] {strides = array<i32>} : memref<32x128xi32, #tpu.memory_space<vmem>>, vector<16xi32>,
    %add3A_53 = vector.broadcast %mul3A_23 : i32 to vector<16xi32>
    %add3A_54 = arith.addi %get3A_52, %add3A_53 : vector<16xi32>
    %swap3A_55 = arith.constant 64 : index
    %swap3A_56 = tpu.vector_load %arg8[%swap3A_55] {strides = array<i32>} : memref<128xi32, #tpu.memory_space<vmem>>, vector<16xi32>,
    tpu.vector_store %arg8[%swap3A_55], %add3A_54 {strides = array<i32>} : memref<128xi32, #tpu.memory_space<vmem>>, vector<16xi32>,
    %get3A_57 = arith.index_cast %add3A_17 : i32 to index
    %get3A_58 = arith.constant 80 : index
    %get3A_59 = tpu.vector_load %arg5[%get3A_57, %get3A_58] {strides = array<i32>} : memref<32x128xi32, #tpu.memory_space<vmem>>, vector<16xi32>,
    %add3A_60 = vector.broadcast %mul3A_23 : i32 to vector<16xi32>
    %add3A_61 = arith.addi %get3A_59, %add3A_60 : vector<16xi32>
    %swap3A_62 = arith.constant 80 : index
    %swap3A_63 = tpu.vector_load %arg8[%swap3A_62] {strides = array<i32>} : memref<128xi32, #tpu.memory_space<vmem>>, vector<16xi32>,
    tpu.vector_store %arg8[%swap3A_62], %add3A_61 {strides = array<i32>} : memref<128xi32, #tpu.memory_space<vmem>>, vector<16xi32>,
    %get3A_64 = arith.index_cast %add3A_17 : i32 to index
    %get3A_65 = arith.constant 96 : index
    %get3A_66 = tpu.vector_load %arg5[%get3A_64, %get3A_65] {strides = array<i32>} : memref<32x128xi32, #tpu.memory_space<vmem>>, vector<16xi32>,
    %add3A_67 = vector.broadcast %mul3A_23 : i32 to vector<16xi32>
    %add3A_68 = arith.addi %get3A_66, %add3A_67 : vector<16xi32>
    %swap3A_69 = arith.constant 96 : index
    %swap3A_70 = tpu.vector_load %arg8[%swap3A_69] {strides = array<i32>} : memref<128xi32, #tpu.memory_space<vmem>>, vector<16xi32>,
    tpu.vector_store %arg8[%swap3A_69], %add3A_68 {strides = array<i32>} : memref<128xi32, #tpu.memory_space<vmem>>, vector<16xi32>,
    %get3A_71 = arith.index_cast %add3A_17 : i32 to index
    %get3A_72 = arith.constant 112 : index
    %get3A_73 = tpu.vector_load %arg5[%get3A_71, %get3A_72] {strides = array<i32>} : memref<32x128xi32, #tpu.memory_space<vmem>>, vector<16xi32>,
    %add3A_74 = vector.broadcast %mul3A_23 : i32 to vector<16xi32>
    %add3A_75 = arith.addi %get3A_73, %add3A_74 : vector<16xi32>
    %swap3A_76 = arith.constant 112 : index
    %swap3A_77 = tpu.vector_load %arg8[%swap3A_76] {strides = array<i32>} : memref<128xi32, #tpu.memory_space<vmem>>, vector<16xi32>,
    tpu.vector_store %arg8[%swap3A_76], %add3A_75 {strides = array<i32>} : memref<128xi32, #tpu.memory_space<vmem>>, vector<16xi32>,
    %dma_start3A = arith.constant 0 : i32
    %dma_start3A_78 = arith.constant 0 : i32
    %dma_start3A_79 = arith.constant 0 : i32
    %dma_start3A_80 = tpu.memref_slice %arg3[%dma_start3A, %dma_start3A_78, %dma_start3A_79] : memref<4000x2x128xf32, #tpu.memory_space<hbm>> -> memref<4000x2x128xf32, #tpu.memory_space<hbm>>
    tpu.enqueue_indirect_dma source(%dma_start3A_80 : memref<4000x2x128xf32, #tpu.memory_space<hbm>>) target(%arg6 : memref<128x2x128xf32, #tpu.memory_space<vmem>>) offsets(%arg8 : memref<128xi32, #tpu.memory_space<vmem>>) semaphore(%arg10 : memref<!tpu.dma_semaphore, #tpu.memory_space<semaphore_mem>>)
    %sub3A_81 = arith.subi %add3A_10, %mul3A_13 : i32
    %div3A_82 = arith.constant 1 : i32
    %div3A_83 = arith.constant 2 : i32
    %div3A_84 = arith.divsi %div3A_82, %div3A_83 : i32
    %add3A_85 = arith.addi %sub3A_81, %div3A_84 : i32
    %mul3A_86 = arith.constant 2 : i32
    %mul3A_87 = arith.muli %mul3A_86, %and3A_1 : i32
    %add3A_88 = arith.constant 1 : i32
    %add3A_89 = arith.addi %mul3A_87, %add3A_88 : i32
    %mul3A_90 = arith.constant 1000 : i32
    %mul3A_91 = arith.muli %add3A_89, %mul3A_90 : i32
    %get3A_92 = arith.index_cast %add3A_85 : i32 to index
    %get3A_93 = arith.constant 0 : index
    %get3A_94 = tpu.vector_load %arg5[%get3A_92, %get3A_93] {strides = array<i32>} : memref<32x128xi32, #tpu.memory_space<vmem>>, vector<16xi32>,
    %add3A_95 = vector.broadcast %mul3A_91 : i32 to vector<16xi32>
    %add3A_96 = arith.addi %get3A_94, %add3A_95 : vector<16xi32>
    %swap3A_97 = arith.constant 0 : index
    %swap3A_98 = tpu.vector_load %arg9[%swap3A_97] {strides = array<i32>} : memref<128xi32, #tpu.memory_space<vmem>>, vector<16xi32>,
    tpu.vector_store %arg9[%swap3A_97], %add3A_96 {strides = array<i32>} : memref<128xi32, #tpu.memory_space<vmem>>, vector<16xi32>,
    %get3A_99 = arith.index_cast %add3A_85 : i32 to index
    %get3A_100 = arith.constant 16 : index
    %get3A_101 = tpu.vector_load %arg5[%get3A_99, %get3A_100] {strides = array<i32>} : memref<32x128xi32, #tpu.memory_space<vmem>>, vector<16xi32>,
    %add3A_102 = vector.broadcast %mul3A_91 : i32 to vector<16xi32>
    %add3A_103 = arith.addi %get3A_101, %add3A_102 : vector<16xi32>
    %swap3A_104 = arith.constant 16 : index
    %swap3A_105 = tpu.vector_load %arg9[%swap3A_104] {strides = array<i32>} : memref<128xi32, #tpu.memory_space<vmem>>, vector<16xi32>,
    tpu.vector_store %arg9[%swap3A_104], %add3A_103 {strides = array<i32>} : memref<128xi32, #tpu.memory_space<vmem>>, vector<16xi32>,
    %get3A_106 = arith.index_cast %add3A_85 : i32 to index
    %get3A_107 = arith.constant 32 : index
    %get3A_108 = tpu.vector_load %arg5[%get3A_106, %get3A_107] {strides = array<i32>} : memref<32x128xi32, #tpu.memory_space<vmem>>, vector<16xi32>,
    %add3A_109 = vector.broadcast %mul3A_91 : i32 to vector<16xi32>
    %add3A_110 = arith.addi %get3A_108, %add3A_109 : vector<16xi32>
    %swap3A_111 = arith.constant 32 : index
    %swap3A_112 = tpu.vector_load %arg9[%swap3A_111] {strides = array<i32>} : memref<128xi32, #tpu.memory_space<vmem>>, vector<16xi32>,
    tpu.vector_store %arg9[%swap3A_111], %add3A_110 {strides = array<i32>} : memref<128xi32, #tpu.memory_space<vmem>>, vector<16xi32>,
    %get3A_113 = arith.index_cast %add3A_85 : i32 to index
    %get3A_114 = arith.constant 48 : index
    %get3A_115 = tpu.vector_load %arg5[%get3A_113, %get3A_114] {strides = array<i32>} : memref<32x128xi32, #tpu.memory_space<vmem>>, vector<16xi32>,
    %add3A_116 = vector.broadcast %mul3A_91 : i32 to vector<16xi32>
    %add3A_117 = arith.addi %get3A_115, %add3A_116 : vector<16xi32>
    %swap3A_118 = arith.constant 48 : index
    %swap3A_119 = tpu.vector_load %arg9[%swap3A_118] {strides = array<i32>} : memref<128xi32, #tpu.memory_space<vmem>>, vector<16xi32>,
    tpu.vector_store %arg9[%swap3A_118], %add3A_117 {strides = array<i32>} : memref<128xi32, #tpu.memory_space<vmem>>, vector<16xi32>,
    %get3A_120 = arith.index_cast %add3A_85 : i32 to index
    %get3A_121 = arith.constant 64 : index
    %get3A_122 = tpu.vector_load %arg5[%get3A_120, %get3A_121] {strides = array<i32>} : memref<32x128xi32, #tpu.memory_space<vmem>>, vector<16xi32>,
    %add3A_123 = vector.broadcast %mul3A_91 : i32 to vector<16xi32>
    %add3A_124 = arith.addi %get3A_122, %add3A_123 : vector<16xi32>
    %swap3A_125 = arith.constant 64 : index
    %swap3A_126 = tpu.vector_load %arg9[%swap3A_125] {strides = array<i32>} : memref<128xi32, #tpu.memory_space<vmem>>, vector<16xi32>,
    tpu.vector_store %arg9[%swap3A_125], %add3A_124 {strides = array<i32>} : memref<128xi32, #tpu.memory_space<vmem>>, vector<16xi32>,
    %get3A_127 = arith.index_cast %add3A_85 : i32 to index
    %get3A_128 = arith.constant 80 : index
    %get3A_129 = tpu.vector_load %arg5[%get3A_127, %get3A_128] {strides = array<i32>} : memref<32x128xi32, #tpu.memory_space<vmem>>, vector<16xi32>,
    %add3A_130 = vector.broadcast %mul3A_91 : i32 to vector<16xi32>
    %add3A_131 = arith.addi %get3A_129, %add3A_130 : vector<16xi32>
    %swap3A_132 = arith.constant 80 : index
    %swap3A_133 = tpu.vector_load %arg9[%swap3A_132] {strides = array<i32>} : memref<128xi32, #tpu.memory_space<vmem>>, vector<16xi32>,
    tpu.vector_store %arg9[%swap3A_132], %add3A_131 {strides = array<i32>} : memref<128xi32, #tpu.memory_space<vmem>>, vector<16xi32>,
    %get3A_134 = arith.index_cast %add3A_85 : i32 to index
    %get3A_135 = arith.constant 96 : index
    %get3A_136 = tpu.vector_load %arg5[%get3A_134, %get3A_135] {strides = array<i32>} : memref<32x128xi32, #tpu.memory_space<vmem>>, vector<16xi32>,
    %add3A_137 = vector.broadcast %mul3A_91 : i32 to vector<16xi32>
    %add3A_138 = arith.addi %get3A_136, %add3A_137 : vector<16xi32>
    %swap3A_139 = arith.constant 96 : index
    %swap3A_140 = tpu.vector_load %arg9[%swap3A_139] {strides = array<i32>} : memref<128xi32, #tpu.memory_space<vmem>>, vector<16xi32>,
    tpu.vector_store %arg9[%swap3A_139], %add3A_138 {strides = array<i32>} : memref<128xi32, #tpu.memory_space<vmem>>, vector<16xi32>,
    %get3A_141 = arith.index_cast %add3A_85 : i32 to index
    %get3A_142 = arith.constant 112 : index
    %get3A_143 = tpu.vector_load %arg5[%get3A_141, %get3A_142] {strides = array<i32>} : memref<32x128xi32, #tpu.memory_space<vmem>>, vector<16xi32>,
    %add3A_144 = vector.broadcast %mul3A_91 : i32 to vector<16xi32>
    %add3A_145 = arith.addi %get3A_143, %add3A_144 : vector<16xi32>
    %swap3A_146 = arith.constant 112 : index
    %swap3A_147 = tpu.vector_load %arg9[%swap3A_146] {strides = array<i32>} : memref<128xi32, #tpu.memory_space<vmem>>, vector<16xi32>,
    tpu.vector_store %arg9[%swap3A_146], %add3A_145 {strides = array<i32>} : memref<128xi32, #tpu.memory_space<vmem>>, vector<16xi32>,
    %dma_start3A_148 = arith.constant 0 : i32
    %dma_start3A_149 = arith.constant 0 : i32
    %dma_start3A_150 = arith.constant 0 : i32
    %dma_start3A_151 = tpu.memref_slice %arg3[%dma_start3A_148, %dma_start3A_149, %dma_start3A_150] : memref<4000x2x128xf32, #tpu.memory_space<hbm>> -> memref<4000x2x128xf32, #tpu.memory_space<hbm>>
    tpu.enqueue_indirect_dma source(%dma_start3A_151 : memref<4000x2x128xf32, #tpu.memory_space<hbm>>) target(%arg7 : memref<128x2x128xf32, #tpu.memory_space<vmem>>) offsets(%arg9 : memref<128xi32, #tpu.memory_space<vmem>>) semaphore(%arg11 : memref<!tpu.dma_semaphore, #tpu.memory_space<semaphore_mem>>)
    %scan3A = arith.constant 0 : i32
    %scan3A_152 = arith.constant 7 : i32
    %scan3A_153 = arith.addi %scan3A, %scan3A_152 : i32
    %scan3A_154 = arith.constant 1 : i32
    scf.for %scan3A_267 = %scan3A to %scan3A_153 step %scan3A_154  : i32 {
      %mul3A_268 = arith.constant 2 : i32
      %mul3A_269 = arith.muli %scan3A_267, %mul3A_268 : i32
      %add3A_270 = arith.constant 0 : i32
      %add3A_271 = arith.addi %add3A_270, %mul3A_269 : i32
      %add3A_272 = arith.constant 0 : i32
      %add3A_273 = arith.addi %add3A_271, %add3A_272 : i32
      %dma_wait3A_274 = arith.constant 0 : i32
      %dma_wait3A_275 = arith.constant 0 : i32
      %dma_wait3A_276 = arith.constant 0 : i32
      %dma_wait3A_277 = tpu.memref_slice %arg3[%dma_wait3A_274, %dma_wait3A_275, %dma_wait3A_276] : memref<4000x2x128xf32, #tpu.memory_space<hbm>> -> memref<4000x2x128xf32, #tpu.memory_space<hbm>>
      tpu.wait_indirect_dma semaphore(%arg10 : memref<!tpu.dma_semaphore, #tpu.memory_space<semaphore_mem>>) src(%dma_wait3A_277 : memref<4000x2x128xf32, #tpu.memory_space<hbm>>) dst(%arg6 : memref<128x2x128xf32, #tpu.memory_space<vmem>>)
      %mul3A_278 = arith.constant 7 : i32
      %mul3A_279 = arith.muli %shift_right_arithmetic3A_6, %mul3A_278 : i32
      %div3A_280 = arith.constant 2 : i32
      %div3A_281 = arith.divsi %add3A_273, %div3A_280 : i32
      %add3A_282 = arith.addi %mul3A_279, %div3A_281 : i32
      %mul3A_283 = arith.constant 2 : i32
      %mul3A_284 = arith.muli %mul3A_283, %and3A_1 : i32
      %add3A_285 = arith.constant 0 : i32
      %add3A_286 = arith.addi %mul3A_284, %add3A_285 : i32
      %dma_start3A_287 = arith.constant 0 : i32
      %dma_start3A_288 = arith.constant 0 : i32
      %dma_start3A_289 = arith.constant 0 : i32
      %dma_start3A_290 = arith.constant 0 : i32
      %dma_start3A_291 = tpu.memref_slice %arg6[%dma_start3A_289, %dma_start3A_287, %dma_start3A_290] : memref<128x2x128xf32, #tpu.memory_space<vmem>> -> memref<128x1x128xf32, #tpu.memory_space<vmem>>
      %dma_start3A_292 = tpu.memref_squeeze %dma_start3A_291 : memref<128x1x128xf32, #tpu.memory_space<vmem>> -> memref<128x128xf32, #tpu.memory_space<vmem>>
      %dma_start3A_293 = arith.constant 0 : i32
      %dma_start3A_294 = arith.constant 0 : i32
      %dma_start3A_295 = tpu.memref_slice %arg4[%add3A_282, %and3A_4, %add3A_286, %dma_start3A_288, %dma_start3A_293, %dma_start3A_294] : memref<14x8x4x2x128x128xf32, #tpu.memory_space<hbm>> -> memref<1x1x1x1x128x128xf32, #tpu.memory_space<hbm>>
      %dma_start3A_296 = tpu.memref_squeeze %dma_start3A_295 : memref<1x1x1x1x128x128xf32, #tpu.memory_space<hbm>> -> memref<128x128xf32, #tpu.memory_space<hbm>>
      %dma_start3A_297 = arith.constant 0 : i32
      %dma_start3A_298 = arith.constant 0 : i32
      %dma_start3A_299 = tpu.memref_slice %arg4[%add3A_282, %and3A_4, %add3A_286, %dma_start3A_288, %dma_start3A_297, %dma_start3A_298] : memref<14x8x4x2x128x128xf32, #tpu.memory_space<hbm>> -> memref<1x1x1x1x128x128xf32, #tpu.memory_space<hbm>>
      %dma_start3A_300 = tpu.memref_squeeze %dma_start3A_299 : memref<1x1x1x1x128x128xf32, #tpu.memory_space<hbm>> -> memref<128x128xf32, #tpu.memory_space<hbm>>
      %dma_start3A_301 = arith.constant 0 : i32
      %dma_start3A_302 = arith.constant 0 : i32
      %dma_start3A_303 = tpu.memref_slice %arg6[%dma_start3A_301, %dma_start3A_287, %dma_start3A_302] : memref<128x2x128xf32, #tpu.memory_space<vmem>> -> memref<128x1x128xf32, #tpu.memory_space<vmem>>
      %dma_start3A_304 = tpu.memref_squeeze %dma_start3A_303 : memref<128x1x128xf32, #tpu.memory_space<vmem>> -> memref<128x128xf32, #tpu.memory_space<vmem>>
      tpu.enqueue_dma source(%dma_start3A_304 : memref<128x128xf32, #tpu.memory_space<vmem>>) target(%dma_start3A_300 : memref<128x128xf32, #tpu.memory_space<hbm>>) target_semaphore(%arg12 : memref<!tpu.dma_semaphore, #tpu.memory_space<semaphore_mem>>)
      %mul3A_305 = arith.constant 7 : i32
      %mul3A_306 = arith.muli %shift_right_arithmetic3A_6, %mul3A_305 : i32
      %div3A_307 = arith.constant 2 : i32
      %div3A_308 = arith.divsi %add3A_273, %div3A_307 : i32
      %add3A_309 = arith.addi %mul3A_306, %div3A_308 : i32
      %mul3A_310 = arith.constant 2 : i32
      %mul3A_311 = arith.muli %mul3A_310, %and3A_1 : i32
      %add3A_312 = arith.constant 0 : i32
      %add3A_313 = arith.addi %mul3A_311, %add3A_312 : i32
      %dma_start3A_314 = arith.constant 1 : i32
      %dma_start3A_315 = arith.constant 1 : i32
      %dma_start3A_316 = arith.constant 0 : i32
      %dma_start3A_317 = arith.constant 0 : i32
      %dma_start3A_318 = tpu.memref_slice %arg6[%dma_start3A_316, %dma_start3A_314, %dma_start3A_317] : memref<128x2x128xf32, #tpu.memory_space<vmem>> -> memref<128x1x128xf32, #tpu.memory_space<vmem>>
      %dma_start3A_319 = tpu.memref_squeeze %dma_start3A_318 : memref<128x1x128xf32, #tpu.memory_space<vmem>> -> memref<128x128xf32, #tpu.memory_space<vmem>>
      %dma_start3A_320 = arith.constant 0 : i32
      %dma_start3A_321 = arith.constant 0 : i32
      %dma_start3A_322 = tpu.memref_slice %arg4[%add3A_309, %and3A_4, %add3A_313, %dma_start3A_315, %dma_start3A_320, %dma_start3A_321] : memref<14x8x4x2x128x128xf32, #tpu.memory_space<hbm>> -> memref<1x1x1x1x128x128xf32, #tpu.memory_space<hbm>>
      %dma_start3A_323 = tpu.memref_squeeze %dma_start3A_322 : memref<1x1x1x1x128x128xf32, #tpu.memory_space<hbm>> -> memref<128x128xf32, #tpu.memory_space<hbm>>
      %dma_start3A_324 = arith.constant 0 : i32
      %dma_start3A_325 = arith.constant 0 : i32
      %dma_start3A_326 = tpu.memref_slice %arg4[%add3A_309, %and3A_4, %add3A_313, %dma_start3A_315, %dma_start3A_324, %dma_start3A_325] : memref<14x8x4x2x128x128xf32, #tpu.memory_space<hbm>> -> memref<1x1x1x1x128x128xf32, #tpu.memory_space<hbm>>
      %dma_start3A_327 = tpu.memref_squeeze %dma_start3A_326 : memref<1x1x1x1x128x128xf32, #tpu.memory_space<hbm>> -> memref<128x128xf32, #tpu.memory_space<hbm>>
      %dma_start3A_328 = arith.constant 0 : i32
      %dma_start3A_329 = arith.constant 0 : i32
      %dma_start3A_330 = tpu.memref_slice %arg6[%dma_start3A_328, %dma_start3A_314, %dma_start3A_329] : memref<128x2x128xf32, #tpu.memory_space<vmem>> -> memref<128x1x128xf32, #tpu.memory_space<vmem>>
      %dma_start3A_331 = tpu.memref_squeeze %dma_start3A_330 : memref<128x1x128xf32, #tpu.memory_space<vmem>> -> memref<128x128xf32, #tpu.memory_space<vmem>>
      tpu.enqueue_dma source(%dma_start3A_331 : memref<128x128xf32, #tpu.memory_space<vmem>>) target(%dma_start3A_327 : memref<128x128xf32, #tpu.memory_space<hbm>>) target_semaphore(%arg12 : memref<!tpu.dma_semaphore, #tpu.memory_space<semaphore_mem>>)
      %add3A_332 = arith.constant 2 : i32
      %add3A_333 = arith.addi %add3A_273, %add3A_332 : i32
      %lt3A = arith.constant 14 : i32
      %lt3A_334 = arith.cmpi slt, %add3A_333, %lt3A : i32
      %convert_element_type3A = arith.extui %lt3A_334 : i1 to i32
      %cond3A = arith.constant 0 : i32
      %cond3A_335 = arith.cmpi ne, %convert_element_type3A, %cond3A : i32
      scf.if %cond3A_335 {
        %mul3A_403 = arith.constant 7 : i32
        %mul3A_404 = arith.muli %shift_right_arithmetic3A_6, %mul3A_403 : i32
        %div3A_405 = arith.constant 2 : i32
        %div3A_406 = arith.divsi %add3A_273, %div3A_405 : i32
        %add3A_407 = arith.addi %mul3A_404, %div3A_406 : i32
        %mul3A_408 = arith.constant 2 : i32
        %mul3A_409 = arith.muli %mul3A_408, %and3A_1 : i32
        %add3A_410 = arith.constant 0 : i32
        %add3A_411 = arith.addi %mul3A_409, %add3A_410 : i32
        %dma_wait3A_412 = arith.constant 0 : i32
        %dma_wait3A_413 = arith.constant 0 : i32
        %dma_wait3A_414 = arith.constant 0 : i32
        %dma_wait3A_415 = arith.constant 0 : i32
        %dma_wait3A_416 = tpu.memref_slice %arg6[%dma_wait3A_414, %dma_wait3A_412, %dma_wait3A_415] : memref<128x2x128xf32, #tpu.memory_space<vmem>> -> memref<128x1x128xf32, #tpu.memory_space<vmem>>
        %dma_wait3A_417 = tpu.memref_squeeze %dma_wait3A_416 : memref<128x1x128xf32, #tpu.memory_space<vmem>> -> memref<128x128xf32, #tpu.memory_space<vmem>>
        %dma_wait3A_418 = arith.constant 0 : i32
        %dma_wait3A_419 = arith.constant 0 : i32
        %dma_wait3A_420 = tpu.memref_slice %arg4[%add3A_407, %and3A_4, %add3A_411, %dma_wait3A_413, %dma_wait3A_418, %dma_wait3A_419] : memref<14x8x4x2x128x128xf32, #tpu.memory_space<hbm>> -> memref<1x1x1x1x128x128xf32, #tpu.memory_space<hbm>>
        %dma_wait3A_421 = tpu.memref_squeeze %dma_wait3A_420 : memref<1x1x1x1x128x128xf32, #tpu.memory_space<hbm>> -> memref<128x128xf32, #tpu.memory_space<hbm>>
        %dma_wait3A_422 = arith.constant 0 : i32
        %dma_wait3A_423 = arith.constant 0 : i32
        %dma_wait3A_424 = tpu.memref_slice %arg4[%add3A_407, %and3A_4, %add3A_411, %dma_wait3A_413, %dma_wait3A_422, %dma_wait3A_423] : memref<14x8x4x2x128x128xf32, #tpu.memory_space<hbm>> -> memref<1x1x1x1x128x128xf32, #tpu.memory_space<hbm>>
        %dma_wait3A_425 = tpu.memref_squeeze %dma_wait3A_424 : memref<1x1x1x1x128x128xf32, #tpu.memory_space<hbm>> -> memref<128x128xf32, #tpu.memory_space<hbm>>
        %dma_wait3A_426 = arith.constant 0 : i32
        %dma_wait3A_427 = arith.constant 0 : i32
        %dma_wait3A_428 = tpu.memref_slice %arg6[%dma_wait3A_426, %dma_wait3A_412, %dma_wait3A_427] : memref<128x2x128xf32, #tpu.memory_space<vmem>> -> memref<128x1x128xf32, #tpu.memory_space<vmem>>
        %dma_wait3A_429 = tpu.memref_squeeze %dma_wait3A_428 : memref<128x1x128xf32, #tpu.memory_space<vmem>> -> memref<128x128xf32, #tpu.memory_space<vmem>>
        tpu.wait_dma2 semaphore(%arg12 : memref<!tpu.dma_semaphore, #tpu.memory_space<semaphore_mem>>) src(%dma_wait3A_429 : memref<128x128xf32, #tpu.memory_space<vmem>>) dst(%dma_wait3A_425 : memref<128x128xf32, #tpu.memory_space<hbm>>)
        %mul3A_430 = arith.constant 7 : i32
        %mul3A_431 = arith.muli %shift_right_arithmetic3A_6, %mul3A_430 : i32
        %div3A_432 = arith.constant 2 : i32
        %div3A_433 = arith.divsi %add3A_273, %div3A_432 : i32
        %add3A_434 = arith.addi %mul3A_431, %div3A_433 : i32
        %mul3A_435 = arith.constant 2 : i32
        %mul3A_436 = arith.muli %mul3A_435, %and3A_1 : i32
        %add3A_437 = arith.constant 0 : i32
        %add3A_438 = arith.addi %mul3A_436, %add3A_437 : i32
        %dma_wait3A_439 = arith.constant 1 : i32
        %dma_wait3A_440 = arith.constant 1 : i32
        %dma_wait3A_441 = arith.constant 0 : i32
        %dma_wait3A_442 = arith.constant 0 : i32
        %dma_wait3A_443 = tpu.memref_slice %arg6[%dma_wait3A_441, %dma_wait3A_439, %dma_wait3A_442] : memref<128x2x128xf32, #tpu.memory_space<vmem>> -> memref<128x1x128xf32, #tpu.memory_space<vmem>>
        %dma_wait3A_444 = tpu.memref_squeeze %dma_wait3A_443 : memref<128x1x128xf32, #tpu.memory_space<vmem>> -> memref<128x128xf32, #tpu.memory_space<vmem>>
        %dma_wait3A_445 = arith.constant 0 : i32
        %dma_wait3A_446 = arith.constant 0 : i32
        %dma_wait3A_447 = tpu.memref_slice %arg4[%add3A_434, %and3A_4, %add3A_438, %dma_wait3A_440, %dma_wait3A_445, %dma_wait3A_446] : memref<14x8x4x2x128x128xf32, #tpu.memory_space<hbm>> -> memref<1x1x1x1x128x128xf32, #tpu.memory_space<hbm>>
        %dma_wait3A_448 = tpu.memref_squeeze %dma_wait3A_447 : memref<1x1x1x1x128x128xf32, #tpu.memory_space<hbm>> -> memref<128x128xf32, #tpu.memory_space<hbm>>
        %dma_wait3A_449 = arith.constant 0 : i32
        %dma_wait3A_450 = arith.constant 0 : i32
        %dma_wait3A_451 = tpu.memref_slice %arg4[%add3A_434, %and3A_4, %add3A_438, %dma_wait3A_440, %dma_wait3A_449, %dma_wait3A_450] : memref<14x8x4x2x128x128xf32, #tpu.memory_space<hbm>> -> memref<1x1x1x1x128x128xf32, #tpu.memory_space<hbm>>
        %dma_wait3A_452 = tpu.memref_squeeze %dma_wait3A_451 : memref<1x1x1x1x128x128xf32, #tpu.memory_space<hbm>> -> memref<128x128xf32, #tpu.memory_space<hbm>>
        %dma_wait3A_453 = arith.constant 0 : i32
        %dma_wait3A_454 = arith.constant 0 : i32
        %dma_wait3A_455 = tpu.memref_slice %arg6[%dma_wait3A_453, %dma_wait3A_439, %dma_wait3A_454] : memref<128x2x128xf32, #tpu.memory_space<vmem>> -> memref<128x1x128xf32, #tpu.memory_space<vmem>>
        %dma_wait3A_456 = tpu.memref_squeeze %dma_wait3A_455 : memref<128x1x128xf32, #tpu.memory_space<vmem>> -> memref<128x128xf32, #tpu.memory_space<vmem>>
        tpu.wait_dma2 semaphore(%arg12 : memref<!tpu.dma_semaphore, #tpu.memory_space<semaphore_mem>>) src(%dma_wait3A_456 : memref<128x128xf32, #tpu.memory_space<vmem>>) dst(%dma_wait3A_452 : memref<128x128xf32, #tpu.memory_space<hbm>>)
        %add3A_457 = arith.constant 2 : i32
        %add3A_458 = arith.addi %add3A_273, %add3A_457 : i32
        %sub3A_459 = arith.subi %add3A_10, %mul3A_13 : i32
        %div3A_460 = arith.constant 2 : i32
        %div3A_461 = arith.divsi %add3A_458, %div3A_460 : i32
        %add3A_462 = arith.addi %sub3A_459, %div3A_461 : i32
        %mul3A_463 = arith.constant 2 : i32
        %mul3A_464 = arith.muli %mul3A_463, %and3A_1 : i32
        %add3A_465 = arith.constant 0 : i32
        %add3A_466 = arith.addi %mul3A_464, %add3A_465 : i32
        %mul3A_467 = arith.constant 1000 : i32
        %mul3A_468 = arith.muli %add3A_466, %mul3A_467 : i32
        %get3A_469 = arith.index_cast %add3A_462 : i32 to index
        %get3A_470 = arith.constant 0 : index
        %get3A_471 = tpu.vector_load %arg5[%get3A_469, %get3A_470] {strides = array<i32>} : memref<32x128xi32, #tpu.memory_space<vmem>>, vector<16xi32>,
        %add3A_472 = vector.broadcast %mul3A_468 : i32 to vector<16xi32>
        %add3A_473 = arith.addi %get3A_471, %add3A_472 : vector<16xi32>
        %swap3A_474 = arith.constant 0 : index
        %swap3A_475 = tpu.vector_load %arg8[%swap3A_474] {strides = array<i32>} : memref<128xi32, #tpu.memory_space<vmem>>, vector<16xi32>,
        tpu.vector_store %arg8[%swap3A_474], %add3A_473 {strides = array<i32>} : memref<128xi32, #tpu.memory_space<vmem>>, vector<16xi32>,
        %get3A_476 = arith.index_cast %add3A_462 : i32 to index
        %get3A_477 = arith.constant 16 : index
        %get3A_478 = tpu.vector_load %arg5[%get3A_476, %get3A_477] {strides = array<i32>} : memref<32x128xi32, #tpu.memory_space<vmem>>, vector<16xi32>,
        %add3A_479 = vector.broadcast %mul3A_468 : i32 to vector<16xi32>
        %add3A_480 = arith.addi %get3A_478, %add3A_479 : vector<16xi32>
        %swap3A_481 = arith.constant 16 : index
        %swap3A_482 = tpu.vector_load %arg8[%swap3A_481] {strides = array<i32>} : memref<128xi32, #tpu.memory_space<vmem>>, vector<16xi32>,
        tpu.vector_store %arg8[%swap3A_481], %add3A_480 {strides = array<i32>} : memref<128xi32, #tpu.memory_space<vmem>>, vector<16xi32>,
        %get3A_483 = arith.index_cast %add3A_462 : i32 to index
        %get3A_484 = arith.constant 32 : index
        %get3A_485 = tpu.vector_load %arg5[%get3A_483, %get3A_484] {strides = array<i32>} : memref<32x128xi32, #tpu.memory_space<vmem>>, vector<16xi32>,
        %add3A_486 = vector.broadcast %mul3A_468 : i32 to vector<16xi32>
        %add3A_487 = arith.addi %get3A_485, %add3A_486 : vector<16xi32>
        %swap3A_488 = arith.constant 32 : index
        %swap3A_489 = tpu.vector_load %arg8[%swap3A_488] {strides = array<i32>} : memref<128xi32, #tpu.memory_space<vmem>>, vector<16xi32>,
        tpu.vector_store %arg8[%swap3A_488], %add3A_487 {strides = array<i32>} : memref<128xi32, #tpu.memory_space<vmem>>, vector<16xi32>,
        %get3A_490 = arith.index_cast %add3A_462 : i32 to index
        %get3A_491 = arith.constant 48 : index
        %get3A_492 = tpu.vector_load %arg5[%get3A_490, %get3A_491] {strides = array<i32>} : memref<32x128xi32, #tpu.memory_space<vmem>>, vector<16xi32>,
        %add3A_493 = vector.broadcast %mul3A_468 : i32 to vector<16xi32>
        %add3A_494 = arith.addi %get3A_492, %add3A_493 : vector<16xi32>
        %swap3A_495 = arith.constant 48 : index
        %swap3A_496 = tpu.vector_load %arg8[%swap3A_495] {strides = array<i32>} : memref<128xi32, #tpu.memory_space<vmem>>, vector<16xi32>,
        tpu.vector_store %arg8[%swap3A_495], %add3A_494 {strides = array<i32>} : memref<128xi32, #tpu.memory_space<vmem>>, vector<16xi32>,
        %get3A_497 = arith.index_cast %add3A_462 : i32 to index
        %get3A_498 = arith.constant 64 : index
        %get3A_499 = tpu.vector_load %arg5[%get3A_497, %get3A_498] {strides = array<i32>} : memref<32x128xi32, #tpu.memory_space<vmem>>, vector<16xi32>,
        %add3A_500 = vector.broadcast %mul3A_468 : i32 to vector<16xi32>
        %add3A_501 = arith.addi %get3A_499, %add3A_500 : vector<16xi32>
        %swap3A_502 = arith.constant 64 : index
        %swap3A_503 = tpu.vector_load %arg8[%swap3A_502] {strides = array<i32>} : memref<128xi32, #tpu.memory_space<vmem>>, vector<16xi32>,
        tpu.vector_store %arg8[%swap3A_502], %add3A_501 {strides = array<i32>} : memref<128xi32, #tpu.memory_space<vmem>>, vector<16xi32>,
        %get3A_504 = arith.index_cast %add3A_462 : i32 to index
        %get3A_505 = arith.constant 80 : index
        %get3A_506 = tpu.vector_load %arg5[%get3A_504, %get3A_505] {strides = array<i32>} : memref<32x128xi32, #tpu.memory_space<vmem>>, vector<16xi32>,
        %add3A_507 = vector.broadcast %mul3A_468 : i32 to vector<16xi32>
        %add3A_508 = arith.addi %get3A_506, %add3A_507 : vector<16xi32>
        %swap3A_509 = arith.constant 80 : index
        %swap3A_510 = tpu.vector_load %arg8[%swap3A_509] {strides = array<i32>} : memref<128xi32, #tpu.memory_space<vmem>>, vector<16xi32>,
        tpu.vector_store %arg8[%swap3A_509], %add3A_508 {strides = array<i32>} : memref<128xi32, #tpu.memory_space<vmem>>, vector<16xi32>,
        %get3A_511 = arith.index_cast %add3A_462 : i32 to index
        %get3A_512 = arith.constant 96 : index
        %get3A_513 = tpu.vector_load %arg5[%get3A_511, %get3A_512] {strides = array<i32>} : memref<32x128xi32, #tpu.memory_space<vmem>>, vector<16xi32>,
        %add3A_514 = vector.broadcast %mul3A_468 : i32 to vector<16xi32>
        %add3A_515 = arith.addi %get3A_513, %add3A_514 : vector<16xi32>
        %swap3A_516 = arith.constant 96 : index
        %swap3A_517 = tpu.vector_load %arg8[%swap3A_516] {strides = array<i32>} : memref<128xi32, #tpu.memory_space<vmem>>, vector<16xi32>,
        tpu.vector_store %arg8[%swap3A_516], %add3A_515 {strides = array<i32>} : memref<128xi32, #tpu.memory_space<vmem>>, vector<16xi32>,
        %get3A_518 = arith.index_cast %add3A_462 : i32 to index
        %get3A_519 = arith.constant 112 : index
        %get3A_520 = tpu.vector_load %arg5[%get3A_518, %get3A_519] {strides = array<i32>} : memref<32x128xi32, #tpu.memory_space<vmem>>, vector<16xi32>,
        %add3A_521 = vector.broadcast %mul3A_468 : i32 to vector<16xi32>
        %add3A_522 = arith.addi %get3A_520, %add3A_521 : vector<16xi32>
        %swap3A_523 = arith.constant 112 : index
        %swap3A_524 = tpu.vector_load %arg8[%swap3A_523] {strides = array<i32>} : memref<128xi32, #tpu.memory_space<vmem>>, vector<16xi32>,
        tpu.vector_store %arg8[%swap3A_523], %add3A_522 {strides = array<i32>} : memref<128xi32, #tpu.memory_space<vmem>>, vector<16xi32>,
        %dma_start3A_525 = arith.constant 0 : i32
        %dma_start3A_526 = arith.constant 0 : i32
        %dma_start3A_527 = arith.constant 0 : i32
        %dma_start3A_528 = tpu.memref_slice %arg3[%dma_start3A_525, %dma_start3A_526, %dma_start3A_527] : memref<4000x2x128xf32, #tpu.memory_space<hbm>> -> memref<4000x2x128xf32, #tpu.memory_space<hbm>>
        tpu.enqueue_indirect_dma source(%dma_start3A_528 : memref<4000x2x128xf32, #tpu.memory_space<hbm>>) target(%arg6 : memref<128x2x128xf32, #tpu.memory_space<vmem>>) offsets(%arg8 : memref<128xi32, #tpu.memory_space<vmem>>) semaphore(%arg10 : memref<!tpu.dma_semaphore, #tpu.memory_space<semaphore_mem>>)
      } else {
      }
      %add3A_336 = arith.constant 1 : i32
      %add3A_337 = arith.addi %add3A_271, %add3A_336 : i32
      %dma_wait3A_338 = arith.constant 0 : i32
      %dma_wait3A_339 = arith.constant 0 : i32
      %dma_wait3A_340 = arith.constant 0 : i32
      %dma_wait3A_341 = tpu.memref_slice %arg3[%dma_wait3A_338, %dma_wait3A_339, %dma_wait3A_340] : memref<4000x2x128xf32, #tpu.memory_space<hbm>> -> memref<4000x2x128xf32, #tpu.memory_space<hbm>>
      tpu.wait_indirect_dma semaphore(%arg11 : memref<!tpu.dma_semaphore, #tpu.memory_space<semaphore_mem>>) src(%dma_wait3A_341 : memref<4000x2x128xf32, #tpu.memory_space<hbm>>) dst(%arg7 : memref<128x2x128xf32, #tpu.memory_space<vmem>>)
      %mul3A_342 = arith.constant 7 : i32
      %mul3A_343 = arith.muli %shift_right_arithmetic3A_6, %mul3A_342 : i32
      %div3A_344 = arith.constant 2 : i32
      %div3A_345 = arith.divsi %add3A_337, %div3A_344 : i32
      %add3A_346 = arith.addi %mul3A_343, %div3A_345 : i32
      %mul3A_347 = arith.constant 2 : i32
      %mul3A_348 = arith.muli %mul3A_347, %and3A_1 : i32
      %add3A_349 = arith.constant 1 : i32
      %add3A_350 = arith.addi %mul3A_348, %add3A_349 : i32
      %dma_start3A_351 = arith.constant 0 : i32
      %dma_start3A_352 = arith.constant 0 : i32
      %dma_start3A_353 = arith.constant 0 : i32
      %dma_start3A_354 = arith.constant 0 : i32
      %dma_start3A_355 = tpu.memref_slice %arg7[%dma_start3A_353, %dma_start3A_351, %dma_start3A_354] : memref<128x2x128xf32, #tpu.memory_space<vmem>> -> memref<128x1x128xf32, #tpu.memory_space<vmem>>
      %dma_start3A_356 = tpu.memref_squeeze %dma_start3A_355 : memref<128x1x128xf32, #tpu.memory_space<vmem>> -> memref<128x128xf32, #tpu.memory_space<vmem>>
      %dma_start3A_357 = arith.constant 0 : i32
      %dma_start3A_358 = arith.constant 0 : i32
      %dma_start3A_359 = tpu.memref_slice %arg4[%add3A_346, %and3A_4, %add3A_350, %dma_start3A_352, %dma_start3A_357, %dma_start3A_358] : memref<14x8x4x2x128x128xf32, #tpu.memory_space<hbm>> -> memref<1x1x1x1x128x128xf32, #tpu.memory_space<hbm>>
      %dma_start3A_360 = tpu.memref_squeeze %dma_start3A_359 : memref<1x1x1x1x128x128xf32, #tpu.memory_space<hbm>> -> memref<128x128xf32, #tpu.memory_space<hbm>>
      %dma_start3A_361 = arith.constant 0 : i32
      %dma_start3A_362 = arith.constant 0 : i32
      %dma_start3A_363 = tpu.memref_slice %arg4[%add3A_346, %and3A_4, %add3A_350, %dma_start3A_352, %dma_start3A_361, %dma_start3A_362] : memref<14x8x4x2x128x128xf32, #tpu.memory_space<hbm>> -> memref<1x1x1x1x128x128xf32, #tpu.memory_space<hbm>>
      %dma_start3A_364 = tpu.memref_squeeze %dma_start3A_363 : memref<1x1x1x1x128x128xf32, #tpu.memory_space<hbm>> -> memref<128x128xf32, #tpu.memory_space<hbm>>
      %dma_start3A_365 = arith.constant 0 : i32
      %dma_start3A_366 = arith.constant 0 : i32
      %dma_start3A_367 = tpu.memref_slice %arg7[%dma_start3A_365, %dma_start3A_351, %dma_start3A_366] : memref<128x2x128xf32, #tpu.memory_space<vmem>> -> memref<128x1x128xf32, #tpu.memory_space<vmem>>
      %dma_start3A_368 = tpu.memref_squeeze %dma_start3A_367 : memref<128x1x128xf32, #tpu.memory_space<vmem>> -> memref<128x128xf32, #tpu.memory_space<vmem>>
      tpu.enqueue_dma source(%dma_start3A_368 : memref<128x128xf32, #tpu.memory_space<vmem>>) target(%dma_start3A_364 : memref<128x128xf32, #tpu.memory_space<hbm>>) target_semaphore(%arg13 : memref<!tpu.dma_semaphore, #tpu.memory_space<semaphore_mem>>)
      %mul3A_369 = arith.constant 7 : i32
      %mul3A_370 = arith.muli %shift_right_arithmetic3A_6, %mul3A_369 : i32
      %div3A_371 = arith.constant 2 : i32
      %div3A_372 = arith.divsi %add3A_337, %div3A_371 : i32
      %add3A_373 = arith.addi %mul3A_370, %div3A_372 : i32
      %mul3A_374 = arith.constant 2 : i32
      %mul3A_375 = arith.muli %mul3A_374, %and3A_1 : i32
      %add3A_376 = arith.constant 1 : i32
      %add3A_377 = arith.addi %mul3A_375, %add3A_376 : i32
      %dma_start3A_378 = arith.constant 1 : i32
      %dma_start3A_379 = arith.constant 1 : i32
      %dma_start3A_380 = arith.constant 0 : i32
      %dma_start3A_381 = arith.constant 0 : i32
      %dma_start3A_382 = tpu.memref_slice %arg7[%dma_start3A_380, %dma_start3A_378, %dma_start3A_381] : memref<128x2x128xf32, #tpu.memory_space<vmem>> -> memref<128x1x128xf32, #tpu.memory_space<vmem>>
      %dma_start3A_383 = tpu.memref_squeeze %dma_start3A_382 : memref<128x1x128xf32, #tpu.memory_space<vmem>> -> memref<128x128xf32, #tpu.memory_space<vmem>>
      %dma_start3A_384 = arith.constant 0 : i32
      %dma_start3A_385 = arith.constant 0 : i32
      %dma_start3A_386 = tpu.memref_slice %arg4[%add3A_373, %and3A_4, %add3A_377, %dma_start3A_379, %dma_start3A_384, %dma_start3A_385] : memref<14x8x4x2x128x128xf32, #tpu.memory_space<hbm>> -> memref<1x1x1x1x128x128xf32, #tpu.memory_space<hbm>>
      %dma_start3A_387 = tpu.memref_squeeze %dma_start3A_386 : memref<1x1x1x1x128x128xf32, #tpu.memory_space<hbm>> -> memref<128x128xf32, #tpu.memory_space<hbm>>
      %dma_start3A_388 = arith.constant 0 : i32
      %dma_start3A_389 = arith.constant 0 : i32
      %dma_start3A_390 = tpu.memref_slice %arg4[%add3A_373, %and3A_4, %add3A_377, %dma_start3A_379, %dma_start3A_388, %dma_start3A_389] : memref<14x8x4x2x128x128xf32, #tpu.memory_space<hbm>> -> memref<1x1x1x1x128x128xf32, #tpu.memory_space<hbm>>
      %dma_start3A_391 = tpu.memref_squeeze %dma_start3A_390 : memref<1x1x1x1x128x128xf32, #tpu.memory_space<hbm>> -> memref<128x128xf32, #tpu.memory_space<hbm>>
      %dma_start3A_392 = arith.constant 0 : i32
      %dma_start3A_393 = arith.constant 0 : i32
      %dma_start3A_394 = tpu.memref_slice %arg7[%dma_start3A_392, %dma_start3A_378, %dma_start3A_393] : memref<128x2x128xf32, #tpu.memory_space<vmem>> -> memref<128x1x128xf32, #tpu.memory_space<vmem>>
      %dma_start3A_395 = tpu.memref_squeeze %dma_start3A_394 : memref<128x1x128xf32, #tpu.memory_space<vmem>> -> memref<128x128xf32, #tpu.memory_space<vmem>>
      tpu.enqueue_dma source(%dma_start3A_395 : memref<128x128xf32, #tpu.memory_space<vmem>>) target(%dma_start3A_391 : memref<128x128xf32, #tpu.memory_space<hbm>>) target_semaphore(%arg13 : memref<!tpu.dma_semaphore, #tpu.memory_space<semaphore_mem>>)
      %add3A_396 = arith.constant 2 : i32
      %add3A_397 = arith.addi %add3A_337, %add3A_396 : i32
      %lt3A_398 = arith.constant 14 : i32
      %lt3A_399 = arith.cmpi slt, %add3A_397, %lt3A_398 : i32
      %convert_element_type3A_400 = arith.extui %lt3A_399 : i1 to i32
      %cond3A_401 = arith.constant 0 : i32
      %cond3A_402 = arith.cmpi ne, %convert_element_type3A_400, %cond3A_401 : i32
      scf.if %cond3A_402 {
        %mul3A_403 = arith.constant 7 : i32
        %mul3A_404 = arith.muli %shift_right_arithmetic3A_6, %mul3A_403 : i32
        %div3A_405 = arith.constant 2 : i32
        %div3A_406 = arith.divsi %add3A_337, %div3A_405 : i32
        %add3A_407 = arith.addi %mul3A_404, %div3A_406 : i32
        %mul3A_408 = arith.constant 2 : i32
        %mul3A_409 = arith.muli %mul3A_408, %and3A_1 : i32
        %add3A_410 = arith.constant 1 : i32
        %add3A_411 = arith.addi %mul3A_409, %add3A_410 : i32
        %dma_wait3A_412 = arith.constant 0 : i32
        %dma_wait3A_413 = arith.constant 0 : i32
        %dma_wait3A_414 = arith.constant 0 : i32
        %dma_wait3A_415 = arith.constant 0 : i32
        %dma_wait3A_416 = tpu.memref_slice %arg7[%dma_wait3A_414, %dma_wait3A_412, %dma_wait3A_415] : memref<128x2x128xf32, #tpu.memory_space<vmem>> -> memref<128x1x128xf32, #tpu.memory_space<vmem>>
        %dma_wait3A_417 = tpu.memref_squeeze %dma_wait3A_416 : memref<128x1x128xf32, #tpu.memory_space<vmem>> -> memref<128x128xf32, #tpu.memory_space<vmem>>
        %dma_wait3A_418 = arith.constant 0 : i32
        %dma_wait3A_419 = arith.constant 0 : i32
        %dma_wait3A_420 = tpu.memref_slice %arg4[%add3A_407, %and3A_4, %add3A_411, %dma_wait3A_413, %dma_wait3A_418, %dma_wait3A_419] : memref<14x8x4x2x128x128xf32, #tpu.memory_space<hbm>> -> memref<1x1x1x1x128x128xf32, #tpu.memory_space<hbm>>
        %dma_wait3A_421 = tpu.memref_squeeze %dma_wait3A_420 : memref<1x1x1x1x128x128xf32, #tpu.memory_space<hbm>> -> memref<128x128xf32, #tpu.memory_space<hbm>>
        %dma_wait3A_422 = arith.constant 0 : i32
        %dma_wait3A_423 = arith.constant 0 : i32
        %dma_wait3A_424 = tpu.memref_slice %arg4[%add3A_407, %and3A_4, %add3A_411, %dma_wait3A_413, %dma_wait3A_422, %dma_wait3A_423] : memref<14x8x4x2x128x128xf32, #tpu.memory_space<hbm>> -> memref<1x1x1x1x128x128xf32, #tpu.memory_space<hbm>>
        %dma_wait3A_425 = tpu.memref_squeeze %dma_wait3A_424 : memref<1x1x1x1x128x128xf32, #tpu.memory_space<hbm>> -> memref<128x128xf32, #tpu.memory_space<hbm>>
        %dma_wait3A_426 = arith.constant 0 : i32
        %dma_wait3A_427 = arith.constant 0 : i32
        %dma_wait3A_428 = tpu.memref_slice %arg7[%dma_wait3A_426, %dma_wait3A_412, %dma_wait3A_427] : memref<128x2x128xf32, #tpu.memory_space<vmem>> -> memref<128x1x128xf32, #tpu.memory_space<vmem>>
        %dma_wait3A_429 = tpu.memref_squeeze %dma_wait3A_428 : memref<128x1x128xf32, #tpu.memory_space<vmem>> -> memref<128x128xf32, #tpu.memory_space<vmem>>
        tpu.wait_dma2 semaphore(%arg13 : memref<!tpu.dma_semaphore, #tpu.memory_space<semaphore_mem>>) src(%dma_wait3A_429 : memref<128x128xf32, #tpu.memory_space<vmem>>) dst(%dma_wait3A_425 : memref<128x128xf32, #tpu.memory_space<hbm>>)
        %mul3A_430 = arith.constant 7 : i32
        %mul3A_431 = arith.muli %shift_right_arithmetic3A_6, %mul3A_430 : i32
        %div3A_432 = arith.constant 2 : i32
        %div3A_433 = arith.divsi %add3A_337, %div3A_432 : i32
        %add3A_434 = arith.addi %mul3A_431, %div3A_433 : i32
        %mul3A_435 = arith.constant 2 : i32
        %mul3A_436 = arith.muli %mul3A_435, %and3A_1 : i32
        %add3A_437 = arith.constant 1 : i32
        %add3A_438 = arith.addi %mul3A_436, %add3A_437 : i32
        %dma_wait3A_439 = arith.constant 1 : i32
        %dma_wait3A_440 = arith.constant 1 : i32
        %dma_wait3A_441 = arith.constant 0 : i32
        %dma_wait3A_442 = arith.constant 0 : i32
        %dma_wait3A_443 = tpu.memref_slice %arg7[%dma_wait3A_441, %dma_wait3A_439, %dma_wait3A_442] : memref<128x2x128xf32, #tpu.memory_space<vmem>> -> memref<128x1x128xf32, #tpu.memory_space<vmem>>
        %dma_wait3A_444 = tpu.memref_squeeze %dma_wait3A_443 : memref<128x1x128xf32, #tpu.memory_space<vmem>> -> memref<128x128xf32, #tpu.memory_space<vmem>>
        %dma_wait3A_445 = arith.constant 0 : i32
        %dma_wait3A_446 = arith.constant 0 : i32
        %dma_wait3A_447 = tpu.memref_slice %arg4[%add3A_434, %and3A_4, %add3A_438, %dma_wait3A_440, %dma_wait3A_445, %dma_wait3A_446] : memref<14x8x4x2x128x128xf32, #tpu.memory_space<hbm>> -> memref<1x1x1x1x128x128xf32, #tpu.memory_space<hbm>>
        %dma_wait3A_448 = tpu.memref_squeeze %dma_wait3A_447 : memref<1x1x1x1x128x128xf32, #tpu.memory_space<hbm>> -> memref<128x128xf32, #tpu.memory_space<hbm>>
        %dma_wait3A_449 = arith.constant 0 : i32
        %dma_wait3A_450 = arith.constant 0 : i32
        %dma_wait3A_451 = tpu.memref_slice %arg4[%add3A_434, %and3A_4, %add3A_438, %dma_wait3A_440, %dma_wait3A_449, %dma_wait3A_450] : memref<14x8x4x2x128x128xf32, #tpu.memory_space<hbm>> -> memref<1x1x1x1x128x128xf32, #tpu.memory_space<hbm>>
        %dma_wait3A_452 = tpu.memref_squeeze %dma_wait3A_451 : memref<1x1x1x1x128x128xf32, #tpu.memory_space<hbm>> -> memref<128x128xf32, #tpu.memory_space<hbm>>
        %dma_wait3A_453 = arith.constant 0 : i32
        %dma_wait3A_454 = arith.constant 0 : i32
        %dma_wait3A_455 = tpu.memref_slice %arg7[%dma_wait3A_453, %dma_wait3A_439, %dma_wait3A_454] : memref<128x2x128xf32, #tpu.memory_space<vmem>> -> memref<128x1x128xf32, #tpu.memory_space<vmem>>
        %dma_wait3A_456 = tpu.memref_squeeze %dma_wait3A_455 : memref<128x1x128xf32, #tpu.memory_space<vmem>> -> memref<128x128xf32, #tpu.memory_space<vmem>>
        tpu.wait_dma2 semaphore(%arg13 : memref<!tpu.dma_semaphore, #tpu.memory_space<semaphore_mem>>) src(%dma_wait3A_456 : memref<128x128xf32, #tpu.memory_space<vmem>>) dst(%dma_wait3A_452 : memref<128x128xf32, #tpu.memory_space<hbm>>)
        %add3A_457 = arith.constant 2 : i32
        %add3A_458 = arith.addi %add3A_337, %add3A_457 : i32
        %sub3A_459 = arith.subi %add3A_10, %mul3A_13 : i32
        %div3A_460 = arith.constant 2 : i32
        %div3A_461 = arith.divsi %add3A_458, %div3A_460 : i32
        %add3A_462 = arith.addi %sub3A_459, %div3A_461 : i32
        %mul3A_463 = arith.constant 2 : i32
        %mul3A_464 = arith.muli %mul3A_463, %and3A_1 : i32
        %add3A_465 = arith.constant 1 : i32
        %add3A_466 = arith.addi %mul3A_464, %add3A_465 : i32
        %mul3A_467 = arith.constant 1000 : i32
        %mul3A_468 = arith.muli %add3A_466, %mul3A_467 : i32
        %get3A_469 = arith.index_cast %add3A_462 : i32 to index
        %get3A_470 = arith.constant 0 : index
        %get3A_471 = tpu.vector_load %arg5[%get3A_469, %get3A_470] {strides = array<i32>} : memref<32x128xi32, #tpu.memory_space<vmem>>, vector<16xi32>,
        %add3A_472 = vector.broadcast %mul3A_468 : i32 to vector<16xi32>
        %add3A_473 = arith.addi %get3A_471, %add3A_472 : vector<16xi32>
        %swap3A_474 = arith.constant 0 : index
        %swap3A_475 = tpu.vector_load %arg9[%swap3A_474] {strides = array<i32>} : memref<128xi32, #tpu.memory_space<vmem>>, vector<16xi32>,
        tpu.vector_store %arg9[%swap3A_474], %add3A_473 {strides = array<i32>} : memref<128xi32, #tpu.memory_space<vmem>>, vector<16xi32>,
        %get3A_476 = arith.index_cast %add3A_462 : i32 to index
        %get3A_477 = arith.constant 16 : index
        %get3A_478 = tpu.vector_load %arg5[%get3A_476, %get3A_477] {strides = array<i32>} : memref<32x128xi32, #tpu.memory_space<vmem>>, vector<16xi32>,
        %add3A_479 = vector.broadcast %mul3A_468 : i32 to vector<16xi32>
        %add3A_480 = arith.addi %get3A_478, %add3A_479 : vector<16xi32>
        %swap3A_481 = arith.constant 16 : index
        %swap3A_482 = tpu.vector_load %arg9[%swap3A_481] {strides = array<i32>} : memref<128xi32, #tpu.memory_space<vmem>>, vector<16xi32>,
        tpu.vector_store %arg9[%swap3A_481], %add3A_480 {strides = array<i32>} : memref<128xi32, #tpu.memory_space<vmem>>, vector<16xi32>,
        %get3A_483 = arith.index_cast %add3A_462 : i32 to index
        %get3A_484 = arith.constant 32 : index
        %get3A_485 = tpu.vector_load %arg5[%get3A_483, %get3A_484] {strides = array<i32>} : memref<32x128xi32, #tpu.memory_space<vmem>>, vector<16xi32>,
        %add3A_486 = vector.broadcast %mul3A_468 : i32 to vector<16xi32>
        %add3A_487 = arith.addi %get3A_485, %add3A_486 : vector<16xi32>
        %swap3A_488 = arith.constant 32 : index
        %swap3A_489 = tpu.vector_load %arg9[%swap3A_488] {strides = array<i32>} : memref<128xi32, #tpu.memory_space<vmem>>, vector<16xi32>,
        tpu.vector_store %arg9[%swap3A_488], %add3A_487 {strides = array<i32>} : memref<128xi32, #tpu.memory_space<vmem>>, vector<16xi32>,
        %get3A_490 = arith.index_cast %add3A_462 : i32 to index
        %get3A_491 = arith.constant 48 : index
        %get3A_492 = tpu.vector_load %arg5[%get3A_490, %get3A_491] {strides = array<i32>} : memref<32x128xi32, #tpu.memory_space<vmem>>, vector<16xi32>,
        %add3A_493 = vector.broadcast %mul3A_468 : i32 to vector<16xi32>
        %add3A_494 = arith.addi %get3A_492, %add3A_493 : vector<16xi32>
        %swap3A_495 = arith.constant 48 : index
        %swap3A_496 = tpu.vector_load %arg9[%swap3A_495] {strides = array<i32>} : memref<128xi32, #tpu.memory_space<vmem>>, vector<16xi32>,
        tpu.vector_store %arg9[%swap3A_495], %add3A_494 {strides = array<i32>} : memref<128xi32, #tpu.memory_space<vmem>>, vector<16xi32>,
        %get3A_497 = arith.index_cast %add3A_462 : i32 to index
        %get3A_498 = arith.constant 64 : index
        %get3A_499 = tpu.vector_load %arg5[%get3A_497, %get3A_498] {strides = array<i32>} : memref<32x128xi32, #tpu.memory_space<vmem>>, vector<16xi32>,
        %add3A_500 = vector.broadcast %mul3A_468 : i32 to vector<16xi32>
        %add3A_501 = arith.addi %get3A_499, %add3A_500 : vector<16xi32>
        %swap3A_502 = arith.constant 64 : index
        %swap3A_503 = tpu.vector_load %arg9[%swap3A_502] {strides = array<i32>} : memref<128xi32, #tpu.memory_space<vmem>>, vector<16xi32>,
        tpu.vector_store %arg9[%swap3A_502], %add3A_501 {strides = array<i32>} : memref<128xi32, #tpu.memory_space<vmem>>, vector<16xi32>,
        %get3A_504 = arith.index_cast %add3A_462 : i32 to index
        %get3A_505 = arith.constant 80 : index
        %get3A_506 = tpu.vector_load %arg5[%get3A_504, %get3A_505] {strides = array<i32>} : memref<32x128xi32, #tpu.memory_space<vmem>>, vector<16xi32>,
        %add3A_507 = vector.broadcast %mul3A_468 : i32 to vector<16xi32>
        %add3A_508 = arith.addi %get3A_506, %add3A_507 : vector<16xi32>
        %swap3A_509 = arith.constant 80 : index
        %swap3A_510 = tpu.vector_load %arg9[%swap3A_509] {strides = array<i32>} : memref<128xi32, #tpu.memory_space<vmem>>, vector<16xi32>,
        tpu.vector_store %arg9[%swap3A_509], %add3A_508 {strides = array<i32>} : memref<128xi32, #tpu.memory_space<vmem>>, vector<16xi32>,
        %get3A_511 = arith.index_cast %add3A_462 : i32 to index
        %get3A_512 = arith.constant 96 : index
        %get3A_513 = tpu.vector_load %arg5[%get3A_511, %get3A_512] {strides = array<i32>} : memref<32x128xi32, #tpu.memory_space<vmem>>, vector<16xi32>,
        %add3A_514 = vector.broadcast %mul3A_468 : i32 to vector<16xi32>
        %add3A_515 = arith.addi %get3A_513, %add3A_514 : vector<16xi32>
        %swap3A_516 = arith.constant 96 : index
        %swap3A_517 = tpu.vector_load %arg9[%swap3A_516] {strides = array<i32>} : memref<128xi32, #tpu.memory_space<vmem>>, vector<16xi32>,
        tpu.vector_store %arg9[%swap3A_516], %add3A_515 {strides = array<i32>} : memref<128xi32, #tpu.memory_space<vmem>>, vector<16xi32>,
        %get3A_518 = arith.index_cast %add3A_462 : i32 to index
        %get3A_519 = arith.constant 112 : index
        %get3A_520 = tpu.vector_load %arg5[%get3A_518, %get3A_519] {strides = array<i32>} : memref<32x128xi32, #tpu.memory_space<vmem>>, vector<16xi32>,
        %add3A_521 = vector.broadcast %mul3A_468 : i32 to vector<16xi32>
        %add3A_522 = arith.addi %get3A_520, %add3A_521 : vector<16xi32>
        %swap3A_523 = arith.constant 112 : index
        %swap3A_524 = tpu.vector_load %arg9[%swap3A_523] {strides = array<i32>} : memref<128xi32, #tpu.memory_space<vmem>>, vector<16xi32>,
        tpu.vector_store %arg9[%swap3A_523], %add3A_522 {strides = array<i32>} : memref<128xi32, #tpu.memory_space<vmem>>, vector<16xi32>,
        %dma_start3A_525 = arith.constant 0 : i32
        %dma_start3A_526 = arith.constant 0 : i32
        %dma_start3A_527 = arith.constant 0 : i32
        %dma_start3A_528 = tpu.memref_slice %arg3[%dma_start3A_525, %dma_start3A_526, %dma_start3A_527] : memref<4000x2x128xf32, #tpu.memory_space<hbm>> -> memref<4000x2x128xf32, #tpu.memory_space<hbm>>
        tpu.enqueue_indirect_dma source(%dma_start3A_528 : memref<4000x2x128xf32, #tpu.memory_space<hbm>>) target(%arg7 : memref<128x2x128xf32, #tpu.memory_space<vmem>>) offsets(%arg9 : memref<128xi32, #tpu.memory_space<vmem>>) semaphore(%arg11 : memref<!tpu.dma_semaphore, #tpu.memory_space<semaphore_mem>>)
      } else {
      }
    }
    %scan3A_155 = arith.constant 7 : i32
    %mul3A_156 = arith.constant 7 : i32
    %mul3A_157 = arith.muli %shift_right_arithmetic3A_6, %mul3A_156 : i32
    %div3A_158 = arith.constant 12 : i32
    %div3A_159 = arith.constant 2 : i32
    %div3A_160 = arith.divsi %div3A_158, %div3A_159 : i32
    %add3A_161 = arith.addi %mul3A_157, %div3A_160 : i32
    %mul3A_162 = arith.constant 2 : i32
    %mul3A_163 = arith.muli %mul3A_162, %and3A_1 : i32
    %add3A_164 = arith.constant 0 : i32
    %add3A_165 = arith.addi %mul3A_163, %add3A_164 : i32
    %dma_wait3A = arith.constant 0 : i32
    %dma_wait3A_166 = arith.constant 0 : i32
    %dma_wait3A_167 = arith.constant 0 : i32
    %dma_wait3A_168 = arith.constant 0 : i32
    %dma_wait3A_169 = tpu.memref_slice %arg6[%dma_wait3A_167, %dma_wait3A, %dma_wait3A_168] : memref<128x2x128xf32, #tpu.memory_space<vmem>> -> memref<128x1x128xf32, #tpu.memory_space<vmem>>
    %dma_wait3A_170 = tpu.memref_squeeze %dma_wait3A_169 : memref<128x1x128xf32, #tpu.memory_space<vmem>> -> memref<128x128xf32, #tpu.memory_space<vmem>>
    %dma_wait3A_171 = arith.constant 0 : i32
    %dma_wait3A_172 = arith.constant 0 : i32
    %dma_wait3A_173 = tpu.memref_slice %arg4[%add3A_161, %and3A_4, %add3A_165, %dma_wait3A_166, %dma_wait3A_171, %dma_wait3A_172] : memref<14x8x4x2x128x128xf32, #tpu.memory_space<hbm>> -> memref<1x1x1x1x128x128xf32, #tpu.memory_space<hbm>>
    %dma_wait3A_174 = tpu.memref_squeeze %dma_wait3A_173 : memref<1x1x1x1x128x128xf32, #tpu.memory_space<hbm>> -> memref<128x128xf32, #tpu.memory_space<hbm>>
    %dma_wait3A_175 = arith.constant 0 : i32
    %dma_wait3A_176 = arith.constant 0 : i32
    %dma_wait3A_177 = tpu.memref_slice %arg4[%add3A_161, %and3A_4, %add3A_165, %dma_wait3A_166, %dma_wait3A_175, %dma_wait3A_176] : memref<14x8x4x2x128x128xf32, #tpu.memory_space<hbm>> -> memref<1x1x1x1x128x128xf32, #tpu.memory_space<hbm>>
    %dma_wait3A_178 = tpu.memref_squeeze %dma_wait3A_177 : memref<1x1x1x1x128x128xf32, #tpu.memory_space<hbm>> -> memref<128x128xf32, #tpu.memory_space<hbm>>
    %dma_wait3A_179 = arith.constant 0 : i32
    %dma_wait3A_180 = arith.constant 0 : i32
    %dma_wait3A_181 = tpu.memref_slice %arg6[%dma_wait3A_179, %dma_wait3A, %dma_wait3A_180] : memref<128x2x128xf32, #tpu.memory_space<vmem>> -> memref<128x1x128xf32, #tpu.memory_space<vmem>>
    %dma_wait3A_182 = tpu.memref_squeeze %dma_wait3A_181 : memref<128x1x128xf32, #tpu.memory_space<vmem>> -> memref<128x128xf32, #tpu.memory_space<vmem>>
    tpu.wait_dma2 semaphore(%arg12 : memref<!tpu.dma_semaphore, #tpu.memory_space<semaphore_mem>>) src(%dma_wait3A_182 : memref<128x128xf32, #tpu.memory_space<vmem>>) dst(%dma_wait3A_178 : memref<128x128xf32, #tpu.memory_space<hbm>>)
    %mul3A_183 = arith.constant 7 : i32
    %mul3A_184 = arith.muli %shift_right_arithmetic3A_6, %mul3A_183 : i32
    %div3A_185 = arith.constant 12 : i32
    %div3A_186 = arith.constant 2 : i32
    %div3A_187 = arith.divsi %div3A_185, %div3A_186 : i32
    %add3A_188 = arith.addi %mul3A_184, %div3A_187 : i32
    %mul3A_189 = arith.constant 2 : i32
    %mul3A_190 = arith.muli %mul3A_189, %and3A_1 : i32
    %add3A_191 = arith.constant 0 : i32
    %add3A_192 = arith.addi %mul3A_190, %add3A_191 : i32
    %dma_wait3A_193 = arith.constant 1 : i32
    %dma_wait3A_194 = arith.constant 1 : i32
    %dma_wait3A_195 = arith.constant 0 : i32
    %dma_wait3A_196 = arith.constant 0 : i32
    %dma_wait3A_197 = tpu.memref_slice %arg6[%dma_wait3A_195, %dma_wait3A_193, %dma_wait3A_196] : memref<128x2x128xf32, #tpu.memory_space<vmem>> -> memref<128x1x128xf32, #tpu.memory_space<vmem>>
    %dma_wait3A_198 = tpu.memref_squeeze %dma_wait3A_197 : memref<128x1x128xf32, #tpu.memory_space<vmem>> -> memref<128x128xf32, #tpu.memory_space<vmem>>
    %dma_wait3A_199 = arith.constant 0 : i32
    %dma_wait3A_200 = arith.constant 0 : i32
    %dma_wait3A_201 = tpu.memref_slice %arg4[%add3A_188, %and3A_4, %add3A_192, %dma_wait3A_194, %dma_wait3A_199, %dma_wait3A_200] : memref<14x8x4x2x128x128xf32, #tpu.memory_space<hbm>> -> memref<1x1x1x1x128x128xf32, #tpu.memory_space<hbm>>
    %dma_wait3A_202 = tpu.memref_squeeze %dma_wait3A_201 : memref<1x1x1x1x128x128xf32, #tpu.memory_space<hbm>> -> memref<128x128xf32, #tpu.memory_space<hbm>>
    %dma_wait3A_203 = arith.constant 0 : i32
    %dma_wait3A_204 = arith.constant 0 : i32
    %dma_wait3A_205 = tpu.memref_slice %arg4[%add3A_188, %and3A_4, %add3A_192, %dma_wait3A_194, %dma_wait3A_203, %dma_wait3A_204] : memref<14x8x4x2x128x128xf32, #tpu.memory_space<hbm>> -> memref<1x1x1x1x128x128xf32, #tpu.memory_space<hbm>>
    %dma_wait3A_206 = tpu.memref_squeeze %dma_wait3A_205 : memref<1x1x1x1x128x128xf32, #tpu.memory_space<hbm>> -> memref<128x128xf32, #tpu.memory_space<hbm>>
    %dma_wait3A_207 = arith.constant 0 : i32
    %dma_wait3A_208 = arith.constant 0 : i32
    %dma_wait3A_209 = tpu.memref_slice %arg6[%dma_wait3A_207, %dma_wait3A_193, %dma_wait3A_208] : memref<128x2x128xf32, #tpu.memory_space<vmem>> -> memref<128x1x128xf32, #tpu.memory_space<vmem>>
    %dma_wait3A_210 = tpu.memref_squeeze %dma_wait3A_209 : memref<128x1x128xf32, #tpu.memory_space<vmem>> -> memref<128x128xf32, #tpu.memory_space<vmem>>
    tpu.wait_dma2 semaphore(%arg12 : memref<!tpu.dma_semaphore, #tpu.memory_space<semaphore_mem>>) src(%dma_wait3A_210 : memref<128x128xf32, #tpu.memory_space<vmem>>) dst(%dma_wait3A_206 : memref<128x128xf32, #tpu.memory_space<hbm>>)
    %mul3A_211 = arith.constant 7 : i32
    %mul3A_212 = arith.muli %shift_right_arithmetic3A_6, %mul3A_211 : i32
    %div3A_213 = arith.constant 13 : i32
    %div3A_214 = arith.constant 2 : i32
    %div3A_215 = arith.divsi %div3A_213, %div3A_214 : i32
    %add3A_216 = arith.addi %mul3A_212, %div3A_215 : i32
    %mul3A_217 = arith.constant 2 : i32
    %mul3A_218 = arith.muli %mul3A_217, %and3A_1 : i32
    %add3A_219 = arith.constant 1 : i32
    %add3A_220 = arith.addi %mul3A_218, %add3A_219 : i32
    %dma_wait3A_221 = arith.constant 0 : i32
    %dma_wait3A_222 = arith.constant 0 : i32
    %dma_wait3A_223 = arith.constant 0 : i32
    %dma_wait3A_224 = arith.constant 0 : i32
    %dma_wait3A_225 = tpu.memref_slice %arg7[%dma_wait3A_223, %dma_wait3A_221, %dma_wait3A_224] : memref<128x2x128xf32, #tpu.memory_space<vmem>> -> memref<128x1x128xf32, #tpu.memory_space<vmem>>
    %dma_wait3A_226 = tpu.memref_squeeze %dma_wait3A_225 : memref<128x1x128xf32, #tpu.memory_space<vmem>> -> memref<128x128xf32, #tpu.memory_space<vmem>>
    %dma_wait3A_227 = arith.constant 0 : i32
    %dma_wait3A_228 = arith.constant 0 : i32
    %dma_wait3A_229 = tpu.memref_slice %arg4[%add3A_216, %and3A_4, %add3A_220, %dma_wait3A_222, %dma_wait3A_227, %dma_wait3A_228] : memref<14x8x4x2x128x128xf32, #tpu.memory_space<hbm>> -> memref<1x1x1x1x128x128xf32, #tpu.memory_space<hbm>>
    %dma_wait3A_230 = tpu.memref_squeeze %dma_wait3A_229 : memref<1x1x1x1x128x128xf32, #tpu.memory_space<hbm>> -> memref<128x128xf32, #tpu.memory_space<hbm>>
    %dma_wait3A_231 = arith.constant 0 : i32
    %dma_wait3A_232 = arith.constant 0 : i32
    %dma_wait3A_233 = tpu.memref_slice %arg4[%add3A_216, %and3A_4, %add3A_220, %dma_wait3A_222, %dma_wait3A_231, %dma_wait3A_232] : memref<14x8x4x2x128x128xf32, #tpu.memory_space<hbm>> -> memref<1x1x1x1x128x128xf32, #tpu.memory_space<hbm>>
    %dma_wait3A_234 = tpu.memref_squeeze %dma_wait3A_233 : memref<1x1x1x1x128x128xf32, #tpu.memory_space<hbm>> -> memref<128x128xf32, #tpu.memory_space<hbm>>
    %dma_wait3A_235 = arith.constant 0 : i32
    %dma_wait3A_236 = arith.constant 0 : i32
    %dma_wait3A_237 = tpu.memref_slice %arg7[%dma_wait3A_235, %dma_wait3A_221, %dma_wait3A_236] : memref<128x2x128xf32, #tpu.memory_space<vmem>> -> memref<128x1x128xf32, #tpu.memory_space<vmem>>
    %dma_wait3A_238 = tpu.memref_squeeze %dma_wait3A_237 : memref<128x1x128xf32, #tpu.memory_space<vmem>> -> memref<128x128xf32, #tpu.memory_space<vmem>>
    tpu.wait_dma2 semaphore(%arg13 : memref<!tpu.dma_semaphore, #tpu.memory_space<semaphore_mem>>) src(%dma_wait3A_238 : memref<128x128xf32, #tpu.memory_space<vmem>>) dst(%dma_wait3A_234 : memref<128x128xf32, #tpu.memory_space<hbm>>)
    %mul3A_239 = arith.constant 7 : i32
    %mul3A_240 = arith.muli %shift_right_arithmetic3A_6, %mul3A_239 : i32
    %div3A_241 = arith.constant 13 : i32
    %div3A_242 = arith.constant 2 : i32
    %div3A_243 = arith.divsi %div3A_241, %div3A_242 : i32
    %add3A_244 = arith.addi %mul3A_240, %div3A_243 : i32
    %mul3A_245 = arith.constant 2 : i32
    %mul3A_246 = arith.muli %mul3A_245, %and3A_1 : i32
    %add3A_247 = arith.constant 1 : i32
    %add3A_248 = arith.addi %mul3A_246, %add3A_247 : i32
    %dma_wait3A_249 = arith.constant 1 : i32
    %dma_wait3A_250 = arith.constant 1 : i32
    %dma_wait3A_251 = arith.constant 0 : i32
    %dma_wait3A_252 = arith.constant 0 : i32
    %dma_wait3A_253 = tpu.memref_slice %arg7[%dma_wait3A_251, %dma_wait3A_249, %dma_wait3A_252] : memref<128x2x128xf32, #tpu.memory_space<vmem>> -> memref<128x1x128xf32, #tpu.memory_space<vmem>>
    %dma_wait3A_254 = tpu.memref_squeeze %dma_wait3A_253 : memref<128x1x128xf32, #tpu.memory_space<vmem>> -> memref<128x128xf32, #tpu.memory_space<vmem>>
    %dma_wait3A_255 = arith.constant 0 : i32
    %dma_wait3A_256 = arith.constant 0 : i32
    %dma_wait3A_257 = tpu.memref_slice %arg4[%add3A_244, %and3A_4, %add3A_248, %dma_wait3A_250, %dma_wait3A_255, %dma_wait3A_256] : memref<14x8x4x2x128x128xf32, #tpu.memory_space<hbm>> -> memref<1x1x1x1x128x128xf32, #tpu.memory_space<hbm>>
    %dma_wait3A_258 = tpu.memref_squeeze %dma_wait3A_257 : memref<1x1x1x1x128x128xf32, #tpu.memory_space<hbm>> -> memref<128x128xf32, #tpu.memory_space<hbm>>
    %dma_wait3A_259 = arith.constant 0 : i32
    %dma_wait3A_260 = arith.constant 0 : i32
    %dma_wait3A_261 = tpu.memref_slice %arg4[%add3A_244, %and3A_4, %add3A_248, %dma_wait3A_250, %dma_wait3A_259, %dma_wait3A_260] : memref<14x8x4x2x128x128xf32, #tpu.memory_space<hbm>> -> memref<1x1x1x1x128x128xf32, #tpu.memory_space<hbm>>
    %dma_wait3A_262 = tpu.memref_squeeze %dma_wait3A_261 : memref<1x1x1x1x128x128xf32, #tpu.memory_space<hbm>> -> memref<128x128xf32, #tpu.memory_space<hbm>>
    %dma_wait3A_263 = arith.constant 0 : i32
    %dma_wait3A_264 = arith.constant 0 : i32
    %dma_wait3A_265 = tpu.memref_slice %arg7[%dma_wait3A_263, %dma_wait3A_249, %dma_wait3A_264] : memref<128x2x128xf32, #tpu.memory_space<vmem>> -> memref<128x1x128xf32, #tpu.memory_space<vmem>>
    %dma_wait3A_266 = tpu.memref_squeeze %dma_wait3A_265 : memref<128x1x128xf32, #tpu.memory_space<vmem>> -> memref<128x128xf32, #tpu.memory_space<vmem>>
    tpu.wait_dma2 semaphore(%arg13 : memref<!tpu.dma_semaphore, #tpu.memory_space<semaphore_mem>>) src(%dma_wait3A_266 : memref<128x128xf32, #tpu.memory_space<vmem>>) dst(%dma_wait3A_262 : memref<128x128xf32, #tpu.memory_space<hbm>>)
    return
  }
}

module attributes {stable_mosaic.version = 14 : i64} {
  func.func @_tc_transpose_body(%arg0: i32, %arg1: i32, %arg2: memref<1x1x4x2x128x128xf32, #tpu.memory_space<vmem>>, %arg3: memref<1x1000x128xf32, #tpu.memory_space<vmem>>) attributes {dimension_semantics = [#tpu.dimension_semantics<arbitrary>, #tpu.dimension_semantics<arbitrary>], iteration_bounds = array<i64: 12, 8>, scalar_prefetch = 0 : i64, scratch_operands = 0 : i64, tpu.core_type = #tpu.core_type<tc>, window_params = [{transform_indices = @transform_0, window_bounds = array<i64: 1, 1, 4, 2, 128, 128>}, {transform_indices = @transform_1, window_bounds = array<i64: 1, 1000, 128>}]} {
    %get3A = arith.constant 0 : index
    %get3A_0 = arith.constant 0 : index
    %get3A_1 = arith.constant 0 : index
    %get3A_2 = arith.constant 0 : index
    %get3A_3 = arith.constant 0 : index
    %get3A_4 = arith.constant 0 : index
    %get3A_5 = vector.load %arg2[%get3A, %get3A_0, %get3A_1, %get3A_2, %get3A_3, %get3A_4] : memref<1x1x4x2x128x128xf32, #tpu.memory_space<vmem>>, vector<1x1x4x2x128x128xf32>
    %get3A_6 = vector.shape_cast %get3A_5 : vector<1x1x4x2x128x128xf32> to vector<4x2x128x128xf32>
    %transpose3A = tpu.transpose %get3A_6, [0, 1, 3, 2] : vector<4x2x128x128xf32> -> vector<4x2x128x128xf32>
    %reshape3A = vector.shape_cast %transpose3A : vector<4x2x128x128xf32> to vector<1024x128xf32>
    %slice3A = vector.extract_strided_slice %reshape3A {offsets = [0, 0], sizes = [1000, 128], strides = [1, 1]} : vector<1024x128xf32> to vector<1000x128xf32>
    %swap3A = arith.constant 0 : index
    %swap3A_7 = arith.constant 0 : index
    %swap3A_8 = arith.constant 0 : index
    %swap3A_9 = vector.load %arg3[%swap3A, %swap3A_7, %swap3A_8] : memref<1x1000x128xf32, #tpu.memory_space<vmem>>, vector<1x1000x128xf32>
    %swap3A_10 = vector.shape_cast %swap3A_9 : vector<1x1000x128xf32> to vector<1000x128xf32>
    %swap3A_11 = vector.shape_cast %slice3A : vector<1000x128xf32> to vector<1x1000x128xf32>
    tpu.vector_store %arg3[%swap3A, %swap3A_7, %swap3A_8], %swap3A_11 {strides = array<i32>} : memref<1x1000x128xf32, #tpu.memory_space<vmem>>, vector<1x1000x128xf32>,
    return
  }
  func.func @transform_0(%arg0: i32, %arg1: i32) -> (i32, i32, i32, i32, i32, i32) {
    %c0_i32 = arith.constant 0 : i32
    %c0_i32_0 = arith.constant 0 : i32
    %c0_i32_1 = arith.constant 0 : i32
    %c0_i32_2 = arith.constant 0 : i32
    %c0_i32_3 = arith.constant 0 : i32
    return %arg0, %arg1, %c0_i32, %c0_i32_0, %c0_i32_1, %c0_i32_2 : i32, i32, i32, i32, i32, i32
  }
  func.func @transform_1(%arg0: i32, %arg1: i32) -> (i32, i32, i32) {
    %add3A = arith.constant 0 : i32
    %add3A_0 = arith.addi %add3A, %arg0 : i32
    %c0_i32 = arith.constant 0 : i32
    %c0_i32_1 = arith.constant 0 : i32
    return %add3A_0, %c0_i32, %arg1 : i32, i32, i32
  }
}

module attributes {stable_mosaic.version = 14 : i64} {
  func.func @_tc_transpose_alias_body(%arg0: i32, %arg1: i32, %arg2: memref<1x1x4x2x128x128xf32, #tpu.memory_space<vmem>>, %arg3: memref<50x1000x1024xf32, #tpu.memory_space<any>>, %arg4: memref<1x1000x128xf32, #tpu.memory_space<vmem>>) attributes {dimension_semantics = [#tpu.dimension_semantics<arbitrary>, #tpu.dimension_semantics<arbitrary>], iteration_bounds = array<i64: 12, 8>, scalar_prefetch = 0 : i64, scratch_operands = 0 : i64, tpu.core_type = #tpu.core_type<tc>, window_params = [{transform_indices = @transform_0, window_bounds = array<i64: 1, 1, 4, 2, 128, 128>}, {}, {transform_indices = @transform_2, window_bounds = array<i64: 1, 1000, 128>}]} {
    %get3A = arith.constant 0 : index
    %get3A_0 = arith.constant 0 : index
    %get3A_1 = arith.constant 0 : index
    %get3A_2 = arith.constant 0 : index
    %get3A_3 = arith.constant 0 : index
    %get3A_4 = arith.constant 0 : index
    %get3A_5 = vector.load %arg2[%get3A, %get3A_0, %get3A_1, %get3A_2, %get3A_3, %get3A_4] : memref<1x1x4x2x128x128xf32, #tpu.memory_space<vmem>>, vector<1x1x4x2x128x128xf32>
    %get3A_6 = vector.shape_cast %get3A_5 : vector<1x1x4x2x128x128xf32> to vector<4x2x128x128xf32>
    %transpose3A = tpu.transpose %get3A_6, [0, 1, 3, 2] : vector<4x2x128x128xf32> -> vector<4x2x128x128xf32>
    %reshape3A = vector.shape_cast %transpose3A : vector<4x2x128x128xf32> to vector<1024x128xf32>
    %slice3A = vector.extract_strided_slice %reshape3A {offsets = [0, 0], sizes = [1000, 128], strides = [1, 1]} : vector<1024x128xf32> to vector<1000x128xf32>
    %swap3A = arith.constant 0 : index
    %swap3A_7 = arith.constant 0 : index
    %swap3A_8 = arith.constant 0 : index
    %swap3A_9 = vector.load %arg4[%swap3A, %swap3A_7, %swap3A_8] : memref<1x1000x128xf32, #tpu.memory_space<vmem>>, vector<1x1000x128xf32>
    %swap3A_10 = vector.shape_cast %swap3A_9 : vector<1x1000x128xf32> to vector<1000x128xf32>
    %swap3A_11 = vector.shape_cast %slice3A : vector<1000x128xf32> to vector<1x1000x128xf32>
    tpu.vector_store %arg4[%swap3A, %swap3A_7, %swap3A_8], %swap3A_11 {strides = array<i32>} : memref<1x1000x128xf32, #tpu.memory_space<vmem>>, vector<1x1000x128xf32>,
    return
  }
  func.func @transform_0(%arg0: i32, %arg1: i32) -> (i32, i32, i32, i32, i32, i32) {
    %c0_i32 = arith.constant 0 : i32
    %c0_i32_0 = arith.constant 0 : i32
    %c0_i32_1 = arith.constant 0 : i32
    %c0_i32_2 = arith.constant 0 : i32
    %c0_i32_3 = arith.constant 0 : i32
    return %arg0, %arg1, %c0_i32, %c0_i32_0, %c0_i32_1, %c0_i32_2 : i32, i32, i32, i32, i32, i32
  }
  func.func @transform_2(%arg0: i32, %arg1: i32) -> (i32, i32, i32) {
    %add3A = arith.constant 12 : i32
    %add3A_0 = arith.addi %add3A, %arg0 : i32
    %c0_i32 = arith.constant 0 : i32
    %c0_i32_1 = arith.constant 0 : i32
    return %add3A_0, %c0_i32, %arg1 : i32, i32, i32
  }
}

module attributes {stable_mosaic.version = 14 : i64} {
  func.func @_tc_transpose_alias_body(%arg0: i32, %arg1: i32, %arg2: memref<1x1x4x2x128x128xf32, #tpu.memory_space<vmem>>, %arg3: memref<50x1000x1024xf32, #tpu.memory_space<any>>, %arg4: memref<1x1000x128xf32, #tpu.memory_space<vmem>>) attributes {dimension_semantics = [#tpu.dimension_semantics<arbitrary>, #tpu.dimension_semantics<arbitrary>], iteration_bounds = array<i64: 12, 8>, scalar_prefetch = 0 : i64, scratch_operands = 0 : i64, tpu.core_type = #tpu.core_type<tc>, window_params = [{transform_indices = @transform_0, window_bounds = array<i64: 1, 1, 4, 2, 128, 128>}, {}, {transform_indices = @transform_2, window_bounds = array<i64: 1, 1000, 128>}]} {
    %get3A = arith.constant 0 : index
    %get3A_0 = arith.constant 0 : index
    %get3A_1 = arith.constant 0 : index
    %get3A_2 = arith.constant 0 : index
    %get3A_3 = arith.constant 0 : index
    %get3A_4 = arith.constant 0 : index
    %get3A_5 = vector.load %arg2[%get3A, %get3A_0, %get3A_1, %get3A_2, %get3A_3, %get3A_4] : memref<1x1x4x2x128x128xf32, #tpu.memory_space<vmem>>, vector<1x1x4x2x128x128xf32>
    %get3A_6 = vector.shape_cast %get3A_5 : vector<1x1x4x2x128x128xf32> to vector<4x2x128x128xf32>
    %transpose3A = tpu.transpose %get3A_6, [0, 1, 3, 2] : vector<4x2x128x128xf32> -> vector<4x2x128x128xf32>
    %reshape3A = vector.shape_cast %transpose3A : vector<4x2x128x128xf32> to vector<1024x128xf32>
    %slice3A = vector.extract_strided_slice %reshape3A {offsets = [0, 0], sizes = [1000, 128], strides = [1, 1]} : vector<1024x128xf32> to vector<1000x128xf32>
    %swap3A = arith.constant 0 : index
    %swap3A_7 = arith.constant 0 : index
    %swap3A_8 = arith.constant 0 : index
    %swap3A_9 = vector.load %arg4[%swap3A, %swap3A_7, %swap3A_8] : memref<1x1000x128xf32, #tpu.memory_space<vmem>>, vector<1x1000x128xf32>
    %swap3A_10 = vector.shape_cast %swap3A_9 : vector<1x1000x128xf32> to vector<1000x128xf32>
    %swap3A_11 = vector.shape_cast %slice3A : vector<1000x128xf32> to vector<1x1000x128xf32>
    tpu.vector_store %arg4[%swap3A, %swap3A_7, %swap3A_8], %swap3A_11 {strides = array<i32>} : memref<1x1000x128xf32, #tpu.memory_space<vmem>>, vector<1x1000x128xf32>,
    return
  }
  func.func @transform_0(%arg0: i32, %arg1: i32) -> (i32, i32, i32, i32, i32, i32) {
    %c0_i32 = arith.constant 0 : i32
    %c0_i32_0 = arith.constant 0 : i32
    %c0_i32_1 = arith.constant 0 : i32
    %c0_i32_2 = arith.constant 0 : i32
    %c0_i32_3 = arith.constant 0 : i32
    return %arg0, %arg1, %c0_i32, %c0_i32_0, %c0_i32_1, %c0_i32_2 : i32, i32, i32, i32, i32, i32
  }
  func.func @transform_2(%arg0: i32, %arg1: i32) -> (i32, i32, i32) {
    %add3A = arith.constant 24 : i32
    %add3A_0 = arith.addi %add3A, %arg0 : i32
    %c0_i32 = arith.constant 0 : i32
    %c0_i32_1 = arith.constant 0 : i32
    return %add3A_0, %c0_i32, %arg1 : i32, i32, i32
  }
}

module attributes {stable_mosaic.version = 14 : i64} {
  func.func @_tc_transpose_alias_body(%arg0: i32, %arg1: i32, %arg2: memref<1x1x4x2x128x128xf32, #tpu.memory_space<vmem>>, %arg3: memref<50x1000x1024xf32, #tpu.memory_space<any>>, %arg4: memref<1x1000x128xf32, #tpu.memory_space<vmem>>) attributes {dimension_semantics = [#tpu.dimension_semantics<arbitrary>, #tpu.dimension_semantics<arbitrary>], iteration_bounds = array<i64: 14, 8>, scalar_prefetch = 0 : i64, scratch_operands = 0 : i64, tpu.core_type = #tpu.core_type<tc>, window_params = [{transform_indices = @transform_0, window_bounds = array<i64: 1, 1, 4, 2, 128, 128>}, {}, {transform_indices = @transform_2, window_bounds = array<i64: 1, 1000, 128>}]} {
    %get3A = arith.constant 0 : index
    %get3A_0 = arith.constant 0 : index
    %get3A_1 = arith.constant 0 : index
    %get3A_2 = arith.constant 0 : index
    %get3A_3 = arith.constant 0 : index
    %get3A_4 = arith.constant 0 : index
    %get3A_5 = vector.load %arg2[%get3A, %get3A_0, %get3A_1, %get3A_2, %get3A_3, %get3A_4] : memref<1x1x4x2x128x128xf32, #tpu.memory_space<vmem>>, vector<1x1x4x2x128x128xf32>
    %get3A_6 = vector.shape_cast %get3A_5 : vector<1x1x4x2x128x128xf32> to vector<4x2x128x128xf32>
    %transpose3A = tpu.transpose %get3A_6, [0, 1, 3, 2] : vector<4x2x128x128xf32> -> vector<4x2x128x128xf32>
    %reshape3A = vector.shape_cast %transpose3A : vector<4x2x128x128xf32> to vector<1024x128xf32>
    %slice3A = vector.extract_strided_slice %reshape3A {offsets = [0, 0], sizes = [1000, 128], strides = [1, 1]} : vector<1024x128xf32> to vector<1000x128xf32>
    %swap3A = arith.constant 0 : index
    %swap3A_7 = arith.constant 0 : index
    %swap3A_8 = arith.constant 0 : index
    %swap3A_9 = vector.load %arg4[%swap3A, %swap3A_7, %swap3A_8] : memref<1x1000x128xf32, #tpu.memory_space<vmem>>, vector<1x1000x128xf32>
    %swap3A_10 = vector.shape_cast %swap3A_9 : vector<1x1000x128xf32> to vector<1000x128xf32>
    %swap3A_11 = vector.shape_cast %slice3A : vector<1000x128xf32> to vector<1x1000x128xf32>
    tpu.vector_store %arg4[%swap3A, %swap3A_7, %swap3A_8], %swap3A_11 {strides = array<i32>} : memref<1x1000x128xf32, #tpu.memory_space<vmem>>, vector<1x1000x128xf32>,
    return
  }
  func.func @transform_0(%arg0: i32, %arg1: i32) -> (i32, i32, i32, i32, i32, i32) {
    %c0_i32 = arith.constant 0 : i32
    %c0_i32_0 = arith.constant 0 : i32
    %c0_i32_1 = arith.constant 0 : i32
    %c0_i32_2 = arith.constant 0 : i32
    %c0_i32_3 = arith.constant 0 : i32
    return %arg0, %arg1, %c0_i32, %c0_i32_0, %c0_i32_1, %c0_i32_2 : i32, i32, i32, i32, i32, i32
  }
  func.func @transform_2(%arg0: i32, %arg1: i32) -> (i32, i32, i32) {
    %add3A = arith.constant 36 : i32
    %add3A_0 = arith.addi %add3A, %arg0 : i32
    %c0_i32 = arith.constant 0 : i32
    %c0_i32_1 = arith.constant 0 : i32
    return %add3A_0, %c0_i32, %arg1 : i32, i32, i32
  }
}

</mosaic_0001>

<sc_bundles>
// kernel: kernel.10.cloned.1.call-start
scs
__scs_entry_jumppad:
0x0: {  	(pc) =	sbr.rel $0x88, $3  }
0x1: {  	(tag) =	ssettag $0x0;
	lr =	simm.s32 $0x1  }
0x2: {  	[smem:$0x3F9F] =	sst lr;
	_ =	strace $0xD0000000  }
0x3: {  	_ = 	snop  }
0x4: {  	_ = 	snop  }
0x5: {  	_ = 	snop  }
0x6: {  	_ = 	snop  }
0x7: {  	_ = 	snop  }
__scs_overlays_trampoline_lowered:
0x8: {  	[smem:$0x3FAE] =	sst s0  }
0x9: {  	[smem:$0x3FAF] =	sst s1  }
0xa: {  	[smem:$0x3FB0] =	sst s2  }
0xb: {  	[smem:$0x3FB1] =	sst s3  }
0xc: {  	[smem:$0x3FB2] =	sst s4  }
0xd: {  	[smem:$0x3FB3] =	sst s5  }
0xe: {  	[smem:$0x3FB4] =	sst s6  }
0xf: {  	[smem:$0x3FB5] =	sst s7  }
0x10: {  	[smem:$0x3FB6] =	sst s8  }
0x11: {  	[smem:$0x3FB7] =	sst s9;
	s0 =	simm.s32 @!p0 $0x0  }
0x12: {  	s1 =	sld [smem:$0x3F9D];
	s0 =	simm.s32 @p0 $0x1  }
0x13: {  	[smem:$0x3FB8] =	sst s0;
	s0 =	simm.s32 @!p1 $0x0  }
0x14: {  	s2 =	sld [smem:$0x3F9C];
	s0 =	simm.s32 @p1 $0x1  }
0x15: {  	[smem:$0x3FB9] =	sst s0;
	s0 =	simm.s32 @!p2 $0x0  }
0x16: {  	s3 =	sld [smem:$0x3FDB];
	s0 =	simm.s32 @p2 $0x1  }
0x17: {  	s4 =	simm.s32 $0x1BF5;
	[smem:$0x3FBB] =	sst s0  }
0x18: {  	s0 =	sld [smem:$0x3F9E];
	_ =	swait.ge [sflag:s4], $0x0  }
0x19: {  	s7 =	sld [smem:$0x3F9F]  }
0x1a: {  	s8 =	sadd.s32 $0xFFFFE003, lr  }
0x1b: {  	s9 =	sadd.s32 $0xFFFFFEF7, lr;
	s5 =	simm.s32 $0xFFFFFFFF;
	p2 =	slt.u32 s8, $0xFFFFF086  }
0x1c: {  	p1 =	slt.u32 s9, $0xF7A;
	s5 =	simm.s32 @!p2 $0x0  }
0x1d: {  	s5 =	simm.s32 @p1 $0x1;
	p0 =	seq.s32 s7, s2  }
0x1e: {  	s7 =	smul.u32 @!p0 $0xF7A, s2;
	p2 =	seq.s32 @!p0 s5, $0x0  }
0x1f: {  	s9 =	smul.u32 $0xF7A, s1;
	s8 =	simm.s32 @!p0 $0x1BF5;
	p2 =	por !p2, p0  }
0x20: {  	[sflag:s8] =	ssyncset.s32 @!p0 $0xFFFFF086;
	s6 =	sadd.s32 @!p0 s3, s7;
	s7 =	simm.s32 @!p0 $0x108  }
0x21: {  	s3 =	sadd.s32 s3, s9;
	s6 =	sadd.s32 @!p0 $0x88, s6;
	s7 =	simm.s32 @p2 $0x1082  }
0x22: {  	[simem:s7], [sflag:s8] =	dma.local @!p0 [hbm:s6], $0xF7A  }
0x23: {  	s9 =	sor.u32 $0xD0000000, s2;
	s6 =	simm.s32 $0x108;
	_ =	swait.ge @!p0 [sflag:s8], $0x0  }
0x24: {  	s3 =	sadd.s32 $0x88, s3;
	s6 =	simm.s32 @!p1 $0x1082;
	[sflag:s4] =	ssyncset.s32 $0xFFFFF086  }
0x25: {  	[simem:s6], [sflag:s4] =	dma.local [hbm:s3], $0xF7A  }
0x26: {  	[smem:$0x3F9F] =	sst s1;
	(tag) =	ssettag s2;
	_ =	strace s9  }
0x27: {  	s1 =	sld [smem:$0x3FAF]  }
0x28: {  	s2 =	sld [smem:$0x3FB0]  }
0x29: {  	s4 =	sld [smem:$0x3FB2]  }
0x2a: {  	p0 =	seq.s32 s5, $0x0;
	s5 =	sld [smem:$0x3FB3]  }
0x2b: {  	s6 =	sld [smem:$0x3FB4]  }
0x2c: {  	s7 =	sld [smem:$0x3FB5]  }
0x2d: {  	s3 =	simm.s32 $0x108;
	s8 =	sld [smem:$0x3FB6]  }
0x2e: {  	s3 =	simm.s32 @!p0 $0x1082;
	s9 =	sld [smem:$0x3FB7]  }
0x2f: {  	lr =	sadd.s32 s0, s3;
	s0 =	sld [smem:$0x3FAE]  }
0x30: {  	s3 =	sld [smem:$0x3FB1]  }
0x31: {  	[smem:$0x3FBA] =	sst s10  }
0x32: {  	s10 =	sld [smem:$0x3FB8];
	_ =	sdelay $0x3  }
0x33: {  	p0 =	seq.s32 s10, $0x1;
	s10 =	sld [smem:$0x3FBA];
	_ =	sdelay $0x3  }
0x34: {  	[smem:$0x3FBA] =	sst s10  }
0x35: {  	s10 =	sld [smem:$0x3FB9];
	_ =	sdelay $0x3  }
0x36: {  	p1 =	seq.s32 s10, $0x1;
	s10 =	sld [smem:$0x3FBA];
	_ =	sdelay $0x3  }
0x37: {  	[smem:$0x3FBA] =	sst s10  }
0x38: {  	s10 =	sld [smem:$0x3FBB]  }
0x39: {  	_ = 	snop;
	(pc) =	sbr.ind lr, $3  }
0x3a: {  	_ = 	snop  }
0x3b: {  	_ = 	snop  }
0x3c: {  	p2 =	seq.s32 s10, $0x1;
	s10 =	sld [smem:$0x3FBA]  }
0x3d: {  	_ =	shalt  }
0x3e: {  	_ =	shalt  }
0x3f: {  	_ =	shalt  }
0x40: {  	_ =	shalt  }
0x41: {  	_ =	shalt  }
0x42: {  	_ =	shalt  }
0x43: {  	_ =	shalt  }
0x44: {  	_ =	shalt  }
0x45: {  	_ =	shalt  }
0x46: {  	_ =	shalt  }
0x47: {  	_ =	shalt  }
0x48: {  	_ =	shalt  }
0x49: {  	_ =	shalt  }
0x4a: {  	_ =	shalt  }
0x4b: {  	_ =	shalt  }
0x4c: {  	_ =	shalt  }
0x4d: {  	_ =	shalt  }
0x4e: {  	_ =	shalt  }
0x4f: {  	_ =	shalt  }
0x50: {  	_ =	shalt  }
0x51: {  	_ =	shalt  }
0x52: {  	_ =	shalt  }
0x53: {  	_ =	shalt  }
0x54: {  	_ =	shalt  }
0x55: {  	_ =	shalt  }
0x56: {  	_ =	shalt  }
0x57: {  	_ =	shalt  }
0x58: {  	_ =	shalt  }
0x59: {  	_ =	shalt  }
0x5a: {  	_ =	shalt  }
0x5b: {  	_ =	shalt  }
0x5c: {  	_ =	shalt  }
0x5d: {  	_ =	shalt  }
0x5e: {  	_ =	shalt  }
0x5f: {  	_ =	shalt  }
0x60: {  	_ =	shalt  }
0x61: {  	_ =	shalt  }
0x62: {  	_ =	shalt  }
0x63: {  	_ =	shalt  }
0x64: {  	_ =	shalt  }
0x65: {  	_ =	shalt  }
0x66: {  	_ =	shalt  }
0x67: {  	_ =	shalt  }
0x68: {  	_ =	shalt  }
0x69: {  	_ =	shalt  }
0x6a: {  	_ =	shalt  }
0x6b: {  	_ =	shalt  }
0x6c: {  	_ =	shalt  }
0x6d: {  	_ =	shalt  }
0x6e: {  	_ =	shalt  }
0x6f: {  	_ =	shalt  }
0x70: {  	_ =	shalt  }
0x71: {  	_ =	shalt  }
0x72: {  	_ =	shalt  }
0x73: {  	_ =	shalt  }
0x74: {  	_ =	shalt  }
0x75: {  	_ =	shalt  }
0x76: {  	_ =	shalt  }
0x77: {  	_ =	shalt  }
0x78: {  	_ =	shalt  }
0x79: {  	_ =	shalt  }
0x7a: {  	_ =	shalt  }
0x7b: {  	_ =	shalt  }
0x7c: {  	_ =	shalt  }
0x7d: {  	_ =	shalt  }
0x7e: {  	_ =	shalt  }
0x7f: {  	_ =	shalt  }
0x80: {  	_ =	shalt  }
0x81: {  	_ =	shalt  }
0x82: {  	_ =	shalt  }
0x83: {  	_ =	shalt  }
0x84: {  	_ =	shalt  }
0x85: {  	_ =	shalt  }
0x86: {  	_ =	shalt  }
0x87: {  	_ =	shalt  }
.Lfunc_end0:
.L_simem_size_0:
called_computation_lowered:
.L_overlay_start_0:
0x88: {  	s2 =	sld [smem:$0x3FD9]  }
0x89: {  	s3 =	sld [smem:$0x3FFE];
	_ =	sdelay $0x1  }
0x8a: {  	s1 =	srdreg.scid  }
0x8b: {  	s0 =	sand.u32 $0x1, s1  }
0x8c: {  	s16 =	sshll.u32 s0, $0xA;
	s2 =	sadd.s32 s3, s2  }
0x8d: {  	s2 =	sadd.s32 s2, s16  }
0x8e: {  	[smem:$0x3FC6] =	sst s2  }
0x8f: {  	_ = 	snop  }
0x90: {  	(tm) =	ssettm $0x1  }
0x91: {  	s17 =	sld [smem:$0x3FFB];
	_ =	sdelay $0x3  }
0x92: {  	_ =	strace s17  }
0x93: {  	s2 =	sld [smem:$0x3FFC];
	_ =	sdelay $0x3  }
0x94: {  	_ =	strace s2  }
0x95: {  	s2 =	sld [smem:$0x3FFD];
	_ =	sdelay $0x3  }
0x96: {  	_ =	strace s2  }
0x97: {  	_ =	strace $0x8FFFFFFF  }
0x98: {  	s18 =	sld [smem:$0x3FDB];
	_ =	sdelay $0x1  }
0x99: {  	s19 =	simm.s32 $_scs_section_size  }
0x9a: {  	s4 =	simm.s32 $_size__tile_overlayer_lowered;
	s5 =	simm.s32 $_tile_overlayer_lowered  }
0x9b: {  	s22 =	simm.s32 $0x1BFF;
	s21 =	sshll.u32 s5, $0x1;
	s2 =	sadd.s32 s19, s18  }
0x9c: {  	s6 =	simm.s32 $0x0;
	s20 =	sshll.u32 s4, $0x1;
	s4 =	sadd.s32 s21, s2  }
0x9d: {  	[timem:s6], [sflag:s22] =	dma.local [hbm:s4], s20  }
0x9e: {  	_ =	swait.ge [sflag:s22], s20  }
0x9f: {  	s3 =	ssub.s32 $0x0, s20;
	[sflag:s22] =	ssyncset.done $0x0  }
0xa0: {  	[sflag:s22] =	ssyncadd.s32 s3;
	_ =	sdelay $0x1  }
0xa1: {  	s23 =	simm.s32 $0x1B8B  }
0xa2: {  	_ =	swait.ge [sflag:s23], $0x1  }
0xa3: {  	[sflag:s23] =	ssyncset.done $0x0  }
0xa4: {  	s25 =	simm.s32 $0x1B8E;
	s24 =	sld [smem:$0x3FFE];
	[sflag:s23] =	ssyncadd.s32 $0xFFFFFFFF  }
0xa5: {  	s26 =	simm.s32 $execute0_lowered;
	[smem:$0x3FD2] =	sst s25  }
0xa6: {  	s4 =	sshll.u32 s26, $0x1;
	_ =	strace $0x80000046;
	[dreg:$0x1] =	wrdreg $0xFFFFFFFF  }
0xa7: {  	s28 =	simm.s32 $_size_execute0_lowered;
	s2 =	sadd.s32 s2, s4;
	[dreg:$0x0] =	wrdreg $0x0  }
0xa8: {  	s4 =	sshll.u32 s28, $0x1;
	[dreg:$0x2] =	wrdreg s2  }
0xa9: {  	[dreg:$0x3] =	wrdreg s4  }
0xaa: {  	[dreg:$0x4] =	wrdreg $0xC0  }
0xab: {  	_ =	task [dreg:s6], $0x5FFFF  }
0xac: {  	[dreg:$0x1] =	wrdreg $0xFFFFFFFF  }
0xad: {  	[dreg:$0x0] =	wrdreg $0x60  }
0xae: {  	[dreg:$0x2] =	wrdreg s24  }
0xaf: {  	[dreg:$0x3] =	wrdreg $0x9  }
0xb0: {  	_ =	task.clear_ibuf [dreg:s6], $0x4FFFF;
	_ =	strace $0x90000046  }
0xb1: {  	s29 =	simm.s32 $0x9;
	_ =	strace $0x80000048  }
0xb2: {  	_ =	swait.ge [sflag:s29], $0x1  }
0xb3: {  	[sflag:s29] =	ssyncadd.s32 $0xFFFFFFFF  }
0xb4: {  	_ =	strace $0x90000048  }
0xb5: {  	_ =	sfence  }
0xb6: {  	s30 =	sld [smem:$0x0];
	_ =	sdelay $0x2  }
0xb7: {  	s31 =	sshll.u32 s1, $0xD;
	s1 =	sshrl.u32 s1, $0x2  }
0xb8: {  	s3 =	sand.u32 $0x4000, s31;
	s1 =	sadd.s32 s1, s30  }
0xb9: {  	s0 =	sor.u32 s3, s0;
	s1 =	sshll.u32 s1, $0x11  }
0xba: {  	s0 =	sor.u32 s1, s0  }
0xbb: {  	s0 =	sadd.s32 $0x8F2B, s0  }
0xbc: {  	[sflag:s0] =	ssyncadd.remote.s32 $0x1  }
0xbd: {  	_ =	sfence.sel $0xFFFF  }
0xbe: {  	[dreg:$0x0] =	wrdreg $0xFFFFFFFF;
	(pc) =	sbr.abs _section_cstart, $3  }
0xbf: {  	[dreg:$0x1] =	wrdreg $0xFFFFFFFF  }
0xc0: {  	_ =	task.clear_ibuf [dreg:s6], $0x2FFFF;
	_ =	strace $0x9FFFFFFF  }
0xc1: {  	(tm) =	ssettm $0x7FFFFFFF  }
tec
execute0_lowered:
.L_overlay_start_1:
0x0: {  	(tag) =	ssettag $0x1  }
0x1: {  	s0 =	rddreg [dreg:$0x0]  }
0x2: {  	s2 =	simm.s32 $0x0;
	s1 =	stileid.u32;
	s4 =	srdreg.scid  }
0x3: {  	s14 =	simm.s32 $0x80;
	s15 =	simm.s32 $0x11000;
	s16 =	simm.s32 $0x1000  }
0x4: {  	s17 =	simm.s32 $0x11080;
	s18 =	simm.s32 $0x9000;
	s19 =	simm.s32 $0x1  }
0x5: {  	s20 =	simm.s32 $0x2;
	s23 =	simm.s32 $0x0;
	s8 =	sand.u32 $0x7, s1  }
0x6: {  	[smem:$0x7FF] =	sst s2;
	s7 =	sshrl.u32 s1, $0x3;
	s3 =	smul.u32 $0x380, s8  }
0x7: {  	s9 =	sand.u32 $0x1, s4;
	s4 =	sadd.s32 $0x22000, s0;
	s11 =	smul.u32 $0xC00, s7  }
0x8: {  	_ =	strace $0x80000047;
	s5 =	ssub.s32 $0x2, s9;
	s21 =	smul.u32 $0x7D0, s9  }
0x9: {  	s29 =	sshllo.u32 s9, $0x1;
	s30 =	sshll.u32 s8, $0x11;
	s31 =	sshll.u32 s9, $0x10  }
0xa: {  	s9 =	sadd.s32 $0x22800, s0;
	s10 =	sshrl.u32 s5, $0x1;
	s22 =	smul.u32 $0x3E8, s29  }
.Ltmp0:
0xb: {  	s8 =	sor.u32 s30, s31;
	s13 =	sshll.u32 s29, $0xF;
	(pc) =	sbr.rel .LBB2_1-.Ltmp0, $4  }
0xc: {  	s6 =	sadd.s32 s3, s0;
	s3 =	sadd.s32 $0x1000, s0;
	s12 =	ssub.s32 s5, s10  }
0xd: {  	s5 =	smul.u32 $0x6, s7;
	s7 =	sshrl.u32 s11, $0x2;
	s11 =	sor.u32 s30, s13  }
0xe: {  	s13 =	simm.s32 $0x5;
	v0 =	vmov s21;
	s21 =	simm.s32 $0x3;
	s6 =	sadd.s32 $0x20400, s6  }
0xf: {  	s12 =	smax.u32 s12, $0x1;
	v1 =	vmov s22;
	s22 =	simm.s32 $0x4;
	s10 =	sor.u32 $0x1, s5  }
.LBB2_12:
0x10: {  	_ =	swait.ge [sflag:s21], $0x4000  }
0x11: {  	[sflag:s21] =	ssyncset.done $0x0  }
0x12: {  	[sflag:s21] =	ssyncadd.s32 $0xFFFFC000  }
0x13: {  	_ =	swait.ge [sflag:s21], $0x4000  }
0x14: {  	[sflag:s21] =	ssyncset.done $0x0  }
0x15: {  	s23 =	sadd.s32 $0x1, s23;
	[sflag:s21] =	ssyncadd.s32 $0xFFFFC000  }
0x16: {  	p0 =	sne.s32 s23, s12;
	_ =	swait.ge [sflag:s22], $0x4000  }
.Ltmp1:
0x17: {  	[sflag:s22] =	ssyncset.done $0x0;
	(pc) =	sbr.rel @!p0 .LBB2_13-.Ltmp1, $4  }
0x18: {  	[sflag:s22] =	ssyncadd.s32 $0xFFFFC000  }
0x19: {  	_ =	swait.ge [sflag:s22], $0x4000  }
0x1a: {  	[sflag:s22] =	ssyncset.done $0x0  }
0x1b: {  	[sflag:s22] =	ssyncadd.s32 $0xFFFFC000  }
.LBB2_1:
0x1c: {  	[tilespmem:s2], [sflag:$0x5] =	stream.linear.gather [hbm4b:s6+s2], $0x1000, $0x38;
	[tilespmem:$0x11100] =	vst v63  }
0x1d: {  	_ =	swait.ge [sflag:s13], $0x1000  }
0x1e: {  	[sflag:s13] =	ssyncset.done $0x0  }
0x1f: {  	[sflag:s13] =	ssyncadd.s32 $0xFFFFF000  }
0x20: {  	v2 =	vld [tilespmem:s7+$0x0];
	_ =	sdelay $0x4  }
0x21: {  	v2 =	vadd.s32 v0, v2  }
0x22: {  	[tilespmem:$0x11000] =	vst v2  }
0x23: {  	v2 =	vld [tilespmem:s7+$0x10];
	_ =	sdelay $0x4  }
0x24: {  	v2 =	vadd.s32 v0, v2  }
0x25: {  	[tilespmem:$0x11010] =	vst v2  }
0x26: {  	v2 =	vld [tilespmem:s7+$0x20];
	_ =	sdelay $0x4  }
0x27: {  	v2 =	vadd.s32 v0, v2  }
0x28: {  	[tilespmem:$0x11020] =	vst v2  }
0x29: {  	v2 =	vld [tilespmem:s7+$0x30];
	_ =	sdelay $0x4  }
0x2a: {  	v2 =	vadd.s32 v0, v2  }
0x2b: {  	[tilespmem:$0x11030] =	vst v2  }
0x2c: {  	v2 =	vld [tilespmem:s7+$0x40];
	_ =	sdelay $0x4  }
0x2d: {  	v2 =	vadd.s32 v0, v2  }
0x2e: {  	[tilespmem:$0x11040] =	vst v2  }
0x2f: {  	v2 =	vld [tilespmem:s7+$0x50];
	_ =	sdelay $0x4  }
0x30: {  	v2 =	vadd.s32 v0, v2  }
0x31: {  	[tilespmem:$0x11050] =	vst v2  }
0x32: {  	v2 =	vld [tilespmem:s7+$0x60];
	_ =	sdelay $0x4  }
0x33: {  	v2 =	vadd.s32 v0, v2  }
0x34: {  	[tilespmem:$0x11060] =	vst v2  }
0x35: {  	v2 =	vld [tilespmem:s7+$0x70];
	_ =	sdelay $0x4  }
0x36: {  	v2 =	vadd.s32 v0, v2  }
0x37: {  	[tilespmem:$0x11070] =	vst v2  }
0x38: {  	[tilespmem:s16], [sflag:$0x1] =	stream.indirect.gather [hbm4b:s3+s14], $0x100, s15, s14, $0xb8;
	[tilespmem:$0x11100] =	vst v63  }
0x39: {  	v2 =	vld [tilespmem:s7+$0x0];
	_ =	sdelay $0x4  }
0x3a: {  	v2 =	vadd.s32 v1, v2  }
0x3b: {  	[tilespmem:$0x11080] =	vst v2  }
0x3c: {  	v2 =	vld [tilespmem:s7+$0x10];
	_ =	sdelay $0x4  }
0x3d: {  	v2 =	vadd.s32 v1, v2  }
0x3e: {  	[tilespmem:$0x11090] =	vst v2  }
0x3f: {  	v2 =	vld [tilespmem:s7+$0x20];
	_ =	sdelay $0x4  }
0x40: {  	v2 =	vadd.s32 v1, v2  }
0x41: {  	[tilespmem:$0x110A0] =	vst v2  }
0x42: {  	v2 =	vld [tilespmem:s7+$0x30];
	_ =	sdelay $0x4  }
0x43: {  	v2 =	vadd.s32 v1, v2  }
0x44: {  	[tilespmem:$0x110B0] =	vst v2  }
0x45: {  	v2 =	vld [tilespmem:s7+$0x40];
	_ =	sdelay $0x4  }
0x46: {  	v2 =	vadd.s32 v1, v2  }
0x47: {  	[tilespmem:$0x110C0] =	vst v2  }
0x48: {  	v2 =	vld [tilespmem:s7+$0x50];
	_ =	sdelay $0x4  }
0x49: {  	v2 =	vadd.s32 v1, v2  }
0x4a: {  	[tilespmem:$0x110D0] =	vst v2  }
0x4b: {  	v2 =	vld [tilespmem:s7+$0x60];
	_ =	sdelay $0x4  }
0x4c: {  	v2 =	vadd.s32 v1, v2  }
0x4d: {  	[tilespmem:$0x110E0] =	vst v2  }
0x4e: {  	v2 =	vld [tilespmem:s7+$0x70];
	_ =	sdelay $0x4  }
0x4f: {  	v2 =	vadd.s32 v1, v2  }
0x50: {  	s24 =	simm.s32 $0x0;
	[tilespmem:$0x110F0] =	vst v2  }
0x51: {  	[tilespmem:s18], [sflag:$0x2] =	stream.indirect.gather [hbm4b:s3+s14], $0x100, s17, s14, $0xb8;
	[tilespmem:$0x11100] =	vst v63  }
.LBB2_2:
0x52: {  	s0 =	sadd.s32 s5, s24  }
0x53: {  	s25 =	sshll.u32 s0, $0x14  }
0x54: {  	s0 =	sor.u32 s8, s25  }
0x55: {  	_ =	swait.ge [sflag:s19], $0x8000;
	s29 =	simm.s32 $0x1000;
	s26 =	sshrl.u32 s0, $0x3  }
0x56: {  	s30 =	simm.s32 $0x10;
	[sflag:s19] =	ssyncset.done $0x0;
	s28 =	sadd.s32 s4, s26  }
0x57: {  	s31 =	simm.s32 $0x1100;
	[sflag:s19] =	ssyncadd.s32 $0xFFFF8000;
	s0 =	sadd.s32 $0x0, s28  }
.LBB2_3:
0x58: {  	[hbm4b:s0+s2] =	stream.linear.scatter [tilespmem:s29], [sflag:$0x3], $0x80, $0x38;
	[tilespmem:$0x11100] =	vst v63  }
0x59: {  	s0 =	smov.u32 s30;
	s29 =	smov.u32 s31;
	p0 =	sne.s32 s30, $0x7F0  }
.Ltmp2:
0x5a: {  	s30 =	sadd.s32 $0x10, s30;
	(pc) =	sbr.rel @p0 .LBB2_3-.Ltmp2, $2  }
0x5b: {  	_ =	sdelay $0x2  }
0x5c: {  	s31 =	sadd.s32 $0x100, s31;
	s0 =	sadd.s32 s0, s28  }
0x5d: {  	[hbm4b:s0+s2] =	stream.linear.scatter [tilespmem:s29], [sflag:$0x3], $0x80, $0x38;
	[tilespmem:$0x11100] =	vst v63  }
0x5e: {  	s26 =	sadd.s32 s26, s9;
	s28 =	simm.s32 $0x1080  }
0x5f: {  	s29 =	simm.s32 $0x10;
	s30 =	simm.s32 $0x1180;
	s0 =	sadd.s32 $0x0, s26  }
.LBB2_5:
0x60: {  	[hbm4b:s0+s2] =	stream.linear.scatter [tilespmem:s28], [sflag:$0x3], $0x80, $0x38;
	[tilespmem:$0x11100] =	vst v63  }
0x61: {  	s0 =	smov.u32 s29;
	s28 =	smov.u32 s30;
	p0 =	sne.s32 s29, $0x7F0  }
.Ltmp3:
0x62: {  	s29 =	sadd.s32 $0x10, s29;
	(pc) =	sbr.rel @p0 .LBB2_5-.Ltmp3, $2  }
0x63: {  	_ =	sdelay $0x2  }
0x64: {  	s30 =	sadd.s32 $0x100, s30;
	s0 =	sadd.s32 s0, s26  }
0x65: {  	[hbm4b:s0+s2] =	stream.linear.scatter [tilespmem:s28], [sflag:$0x3], $0x80, $0x38;
	[tilespmem:$0x11100] =	vst v63  }
0x66: {  	p0 =	seq.s32 s24, $0x5  }
0x67: {  	s0 =	simm.s32 @!p0 $0x3  }
0x68: {  	_ =	swait.ge @!p0 [sflag:s0], $0x4000  }
0x69: {  	[sflag:s0] =	ssyncset.done @!p0 $0x0  }
0x6a: {  	[sflag:s0] =	ssyncadd.s32 @!p0 $0xFFFFC000  }
0x6b: {  	s26 =	sadd.s32 @!p0 s24, s10;
	_ =	swait.ge @!p0 [sflag:s0], $0x4000  }
0x6c: {  	s26 =	sshll.u32 @!p0 s26, $0x7;
	[sflag:s0] =	ssyncset.done @!p0 $0x0  }
0x6d: {  	[sflag:s0] =	ssyncadd.s32 @!p0 $0xFFFFC000;
	s0 =	sand.u32 @!p0 $0x3FFFFF80, s26  }
0x6e: {  	v2 =	vld @!p0 [tilespmem:s0+$0x0];
	_ =	sdelay $0x4  }
0x6f: {  	v2 =	vadd.s32 @!p0 v0, v2  }
0x70: {  	[tilespmem:$0x11000] =	vst @!p0 v2  }
0x71: {  	v2 =	vld @!p0 [tilespmem:s0+$0x10];
	_ =	sdelay $0x4  }
0x72: {  	v2 =	vadd.s32 @!p0 v0, v2  }
0x73: {  	[tilespmem:$0x11010] =	vst @!p0 v2  }
0x74: {  	v2 =	vld @!p0 [tilespmem:s0+$0x20];
	_ =	sdelay $0x4  }
0x75: {  	v2 =	vadd.s32 @!p0 v0, v2  }
0x76: {  	[tilespmem:$0x11020] =	vst @!p0 v2  }
0x77: {  	v2 =	vld @!p0 [tilespmem:s0+$0x30];
	_ =	sdelay $0x4  }
0x78: {  	v2 =	vadd.s32 @!p0 v0, v2  }
0x79: {  	[tilespmem:$0x11030] =	vst @!p0 v2  }
0x7a: {  	v2 =	vld @!p0 [tilespmem:s0+$0x40];
	_ =	sdelay $0x4  }
0x7b: {  	v2 =	vadd.s32 @!p0 v0, v2  }
0x7c: {  	[tilespmem:$0x11040] =	vst @!p0 v2  }
0x7d: {  	v2 =	vld @!p0 [tilespmem:s0+$0x50];
	_ =	sdelay $0x4  }
0x7e: {  	v2 =	vadd.s32 @!p0 v0, v2  }
0x7f: {  	[tilespmem:$0x11050] =	vst @!p0 v2  }
0x80: {  	v2 =	vld @!p0 [tilespmem:s0+$0x60];
	_ =	sdelay $0x4  }
0x81: {  	v2 =	vadd.s32 @!p0 v0, v2  }
0x82: {  	[tilespmem:$0x11060] =	vst @!p0 v2  }
0x83: {  	v2 =	vld @!p0 [tilespmem:s0+$0x70];
	_ =	sdelay $0x4  }
0x84: {  	s31 =	sor.u32 s11, s25;
	v2 =	vadd.s32 @!p0 v0, v2  }
0x85: {  	s28 =	simm.s32 @!p0 $0x1000;
	s26 =	simm.s32 @!p0 $0x11000;
	s0 =	simm.s32 @!p0 $0x80;
	[tilespmem:$0x11070] =	vst @!p0 v2  }
0x86: {  	[tilespmem:s28], [sflag:$0x1] =	stream.indirect.gather @!p0 [hbm4b:s3+s0], $0x100, s26, s0, $0xb8;
	[tilespmem:$0x11100] =	vst v63  }
0x87: {  	s29 =	simm.s32 $0x10;
	s25 =	sshrl.u32 s31, $0x3;
	_ =	swait.ge [sflag:s20], $0x8000  }
0x88: {  	s30 =	simm.s32 $0x9100;
	s26 =	sadd.s32 s4, s25;
	[sflag:s20] =	ssyncset.done $0x0  }
0x89: {  	s28 =	simm.s32 $0x9000;
	s0 =	sadd.s32 $0x0, s26;
	[sflag:s20] =	ssyncadd.s32 $0xFFFF8000  }
.LBB2_7:
0x8a: {  	[hbm4b:s0+s2] =	stream.linear.scatter [tilespmem:s28], [sflag:$0x4], $0x80, $0x38;
	[tilespmem:$0x11100] =	vst v63  }
0x8b: {  	s0 =	smov.u32 s29;
	s28 =	smov.u32 s30;
	p1 =	sne.s32 s29, $0x7F0  }
.Ltmp4:
0x8c: {  	s29 =	sadd.s32 $0x10, s29;
	(pc) =	sbr.rel @p1 .LBB2_7-.Ltmp4, $2  }
0x8d: {  	_ =	sdelay $0x2  }
0x8e: {  	s30 =	sadd.s32 $0x100, s30;
	s0 =	sadd.s32 s0, s26  }
0x8f: {  	[hbm4b:s0+s2] =	stream.linear.scatter [tilespmem:s28], [sflag:$0x4], $0x80, $0x38;
	[tilespmem:$0x11100] =	vst v63  }
0x90: {  	s25 =	sadd.s32 s25, s9;
	s26 =	simm.s32 $0x9080  }
0x91: {  	s28 =	simm.s32 $0x10;
	s29 =	simm.s32 $0x9180;
	s0 =	sadd.s32 $0x0, s25  }
.LBB2_9:
0x92: {  	[hbm4b:s0+s2] =	stream.linear.scatter [tilespmem:s26], [sflag:$0x4], $0x80, $0x38;
	[tilespmem:$0x11100] =	vst v63  }
0x93: {  	s0 =	smov.u32 s28;
	s26 =	smov.u32 s29;
	p1 =	sne.s32 s28, $0x7F0  }
.Ltmp5:
0x94: {  	s28 =	sadd.s32 $0x10, s28;
	(pc) =	sbr.rel @p1 .LBB2_9-.Ltmp5, $2  }
0x95: {  	_ =	sdelay $0x2  }
0x96: {  	s29 =	sadd.s32 $0x100, s29;
	s0 =	sadd.s32 s0, s25  }
.Ltmp6:
0x97: {  	(pc) =	sbr.rel @p0 .LBB2_12-.Ltmp6, $2  }
0x98: {  	_ =	sdelay $0x2  }
0x99: {  	[hbm4b:s0+s2] =	stream.linear.scatter [tilespmem:s26], [sflag:$0x4], $0x80, $0x38;
	[tilespmem:$0x11100] =	vst v63  }
0x9a: {  	_ =	swait.ge [sflag:s22], $0x4000  }
0x9b: {  	[sflag:s22] =	ssyncset.done $0x0  }
0x9c: {  	[sflag:s22] =	ssyncadd.s32 $0xFFFFC000  }
0x9d: {  	s0 =	sadd.s32 s24, s10;
	_ =	swait.ge [sflag:s22], $0x4000  }
0x9e: {  	s0 =	sshll.u32 s0, $0x7;
	[sflag:s22] =	ssyncset.done $0x0  }
0x9f: {  	s0 =	sand.u32 $0x3FFFFF80, s0;
	[sflag:s22] =	ssyncadd.s32 $0xFFFFC000  }
0xa0: {  	v2 =	vld [tilespmem:s0+$0x0];
	_ =	sdelay $0x4  }
0xa1: {  	v2 =	vadd.s32 v1, v2  }
0xa2: {  	[tilespmem:$0x11080] =	vst v2  }
0xa3: {  	v2 =	vld [tilespmem:s0+$0x10];
	_ =	sdelay $0x4  }
0xa4: {  	v2 =	vadd.s32 v1, v2  }
0xa5: {  	[tilespmem:$0x11090] =	vst v2  }
0xa6: {  	v2 =	vld [tilespmem:s0+$0x20];
	_ =	sdelay $0x4  }
0xa7: {  	v2 =	vadd.s32 v1, v2  }
0xa8: {  	[tilespmem:$0x110A0] =	vst v2  }
0xa9: {  	v2 =	vld [tilespmem:s0+$0x30];
	_ =	sdelay $0x4  }
0xaa: {  	v2 =	vadd.s32 v1, v2  }
0xab: {  	[tilespmem:$0x110B0] =	vst v2  }
0xac: {  	v2 =	vld [tilespmem:s0+$0x40];
	_ =	sdelay $0x4  }
0xad: {  	v2 =	vadd.s32 v1, v2  }
0xae: {  	[tilespmem:$0x110C0] =	vst v2  }
0xaf: {  	v2 =	vld [tilespmem:s0+$0x50];
	_ =	sdelay $0x4  }
0xb0: {  	v2 =	vadd.s32 v1, v2  }
0xb1: {  	[tilespmem:$0x110D0] =	vst v2  }
0xb2: {  	v2 =	vld [tilespmem:s0+$0x60];
	_ =	sdelay $0x4  }
0xb3: {  	v2 =	vadd.s32 v1, v2  }
0xb4: {  	[tilespmem:$0x110E0] =	vst v2  }
0xb5: {  	v2 =	vld [tilespmem:s0+$0x70];
	_ =	sdelay $0x2  }
.Ltmp7:
0xb6: {  	_ = 	snop;
	(pc) =	sbr.rel .LBB2_2-.Ltmp7, $4  }
0xb7: {  	_ = 	snop  }
0xb8: {  	v2 =	vadd.s32 v1, v2  }
0xb9: {  	s24 =	sadd.s32 $0x1, s24;
	[tilespmem:$0x110F0] =	vst v2  }
0xba: {  	[tilespmem:s18], [sflag:$0x2] =	stream.indirect.gather [hbm4b:s3+s14], $0x100, s17, s14, $0xb8;
	[tilespmem:$0x11100] =	vst v63  }
.LBB2_13:
0xbb: {  	_ =	sfence.sel $0x180000  }
0xbc: {  	[bflag:$0x0] =	sbarrier.arrive $0xFFFF  }
0xbd: {  	_ =	strace $0x90000047  }
0xbe: {  	[bflag:$0x2] =	sbarrier.arrive $0xFFFF  }
0xbf: {  	p0 =	sne.s32 s1, $0x0;
	s0 =	rddreg [dreg:$0x1]  }
0xc0: {  	s0 =	sadd.s32 @!p0 $0x100000, s0  }
0xc1: {  	[sflag:s0] =	ssyncadd.tile.s32 @!p0 $0x1;
	_ =	shalt  }
.Lfunc_end2:
_tile_overlayer_lowered:
.L_overlay_start_2:
0xc2: {  	(tag) =	ssettag $0x2  }
0xc3: {  	s0 =	rddreg [dreg:$0x0];
	s2 =	stileid.u32  }
0xc4: {  	s1 =	rddreg [dreg:$0x1];
	p0 =	sne.s32 s2, $0x0  }
0xc5: {  	s3 =	rddreg [dreg:$0x2];
	[bflag:$0x3] =	sbarrier.arrive $0xFFFF;
	s2 =	simm.s32 @!p0 $0x1C05  }
0xc6: {  	[timem:s3], [sflag:s2] =	dma.local @!p0 [hbm:s0], s1  }
0xc7: {  	s0 =	simm.s32 @!p0 $0x5  }
0xc8: {  	_ =	swait.ge @!p0 [sflag:s0], s1  }
0xc9: {  	s1 =	ssub.s32 @!p0 $0x0, s1;
	[sflag:s0] =	ssyncset.done @!p0 $0x0  }
0xca: {  	[sflag:s0] =	ssyncadd.s32 @!p0 s1  }
0xcb: {  	[bflag:$0x3] =	sbarrier.arrive $0xFFFF  }
0xcc: {  	_ =	shalt  }

// kernel: kernel.13.cloned.1.call-start
scs
__scs_entry_jumppad:
0x0: {  	(pc) =	sbr.rel $0x88, $3  }
0x1: {  	(tag) =	ssettag $0x0;
	lr =	simm.s32 $0x1  }
0x2: {  	[smem:$0x3F9F] =	sst lr;
	_ =	strace $0xD0000000  }
0x3: {  	_ = 	snop  }
0x4: {  	_ = 	snop  }
0x5: {  	_ = 	snop  }
0x6: {  	_ = 	snop  }
0x7: {  	_ = 	snop  }
__scs_overlays_trampoline_lowered:
0x8: {  	[smem:$0x3FAE] =	sst s0  }
0x9: {  	[smem:$0x3FAF] =	sst s1  }
0xa: {  	[smem:$0x3FB0] =	sst s2  }
0xb: {  	[smem:$0x3FB1] =	sst s3  }
0xc: {  	[smem:$0x3FB2] =	sst s4  }
0xd: {  	[smem:$0x3FB3] =	sst s5  }
0xe: {  	[smem:$0x3FB4] =	sst s6  }
0xf: {  	[smem:$0x3FB5] =	sst s7  }
0x10: {  	[smem:$0x3FB6] =	sst s8  }
0x11: {  	[smem:$0x3FB7] =	sst s9;
	s0 =	simm.s32 @!p0 $0x0  }
0x12: {  	s1 =	sld [smem:$0x3F9D];
	s0 =	simm.s32 @p0 $0x1  }
0x13: {  	[smem:$0x3FB8] =	sst s0;
	s0 =	simm.s32 @!p1 $0x0  }
0x14: {  	s2 =	sld [smem:$0x3F9C];
	s0 =	simm.s32 @p1 $0x1  }
0x15: {  	[smem:$0x3FB9] =	sst s0;
	s0 =	simm.s32 @!p2 $0x0  }
0x16: {  	s3 =	sld [smem:$0x3FDB];
	s0 =	simm.s32 @p2 $0x1  }
0x17: {  	s4 =	simm.s32 $0x1BF5;
	[smem:$0x3FBB] =	sst s0  }
0x18: {  	s0 =	sld [smem:$0x3F9E];
	_ =	swait.ge [sflag:s4], $0x0  }
0x19: {  	s7 =	sld [smem:$0x3F9F]  }
0x1a: {  	s8 =	sadd.s32 $0xFFFFE003, lr  }
0x1b: {  	s9 =	sadd.s32 $0xFFFFFEF7, lr;
	s5 =	simm.s32 $0xFFFFFFFF;
	p2 =	slt.u32 s8, $0xFFFFF086  }
0x1c: {  	p1 =	slt.u32 s9, $0xF7A;
	s5 =	simm.s32 @!p2 $0x0  }
0x1d: {  	s5 =	simm.s32 @p1 $0x1;
	p0 =	seq.s32 s7, s2  }
0x1e: {  	s7 =	smul.u32 @!p0 $0xF7A, s2;
	p2 =	seq.s32 @!p0 s5, $0x0  }
0x1f: {  	s9 =	smul.u32 $0xF7A, s1;
	s8 =	simm.s32 @!p0 $0x1BF5;
	p2 =	por !p2, p0  }
0x20: {  	[sflag:s8] =	ssyncset.s32 @!p0 $0xFFFFF086;
	s6 =	sadd.s32 @!p0 s3, s7;
	s7 =	simm.s32 @!p0 $0x108  }
0x21: {  	s3 =	sadd.s32 s3, s9;
	s6 =	sadd.s32 @!p0 $0x88, s6;
	s7 =	simm.s32 @p2 $0x1082  }
0x22: {  	[simem:s7], [sflag:s8] =	dma.local @!p0 [hbm:s6], $0xF7A  }
0x23: {  	s9 =	sor.u32 $0xD0000000, s2;
	s6 =	simm.s32 $0x108;
	_ =	swait.ge @!p0 [sflag:s8], $0x0  }
0x24: {  	s3 =	sadd.s32 $0x88, s3;
	s6 =	simm.s32 @!p1 $0x1082;
	[sflag:s4] =	ssyncset.s32 $0xFFFFF086  }
0x25: {  	[simem:s6], [sflag:s4] =	dma.local [hbm:s3], $0xF7A  }
0x26: {  	[smem:$0x3F9F] =	sst s1;
	(tag) =	ssettag s2;
	_ =	strace s9  }
0x27: {  	s1 =	sld [smem:$0x3FAF]  }
0x28: {  	s2 =	sld [smem:$0x3FB0]  }
0x29: {  	s4 =	sld [smem:$0x3FB2]  }
0x2a: {  	p0 =	seq.s32 s5, $0x0;
	s5 =	sld [smem:$0x3FB3]  }
0x2b: {  	s6 =	sld [smem:$0x3FB4]  }
0x2c: {  	s7 =	sld [smem:$0x3FB5]  }
0x2d: {  	s3 =	simm.s32 $0x108;
	s8 =	sld [smem:$0x3FB6]  }
0x2e: {  	s3 =	simm.s32 @!p0 $0x1082;
	s9 =	sld [smem:$0x3FB7]  }
0x2f: {  	lr =	sadd.s32 s0, s3;
	s0 =	sld [smem:$0x3FAE]  }
0x30: {  	s3 =	sld [smem:$0x3FB1]  }
0x31: {  	[smem:$0x3FBA] =	sst s10  }
0x32: {  	s10 =	sld [smem:$0x3FB8];
	_ =	sdelay $0x3  }
0x33: {  	p0 =	seq.s32 s10, $0x1;
	s10 =	sld [smem:$0x3FBA];
	_ =	sdelay $0x3  }
0x34: {  	[smem:$0x3FBA] =	sst s10  }
0x35: {  	s10 =	sld [smem:$0x3FB9];
	_ =	sdelay $0x3  }
0x36: {  	p1 =	seq.s32 s10, $0x1;
	s10 =	sld [smem:$0x3FBA];
	_ =	sdelay $0x3  }
0x37: {  	[smem:$0x3FBA] =	sst s10  }
0x38: {  	s10 =	sld [smem:$0x3FBB]  }
0x39: {  	_ = 	snop;
	(pc) =	sbr.ind lr, $3  }
0x3a: {  	_ = 	snop  }
0x3b: {  	_ = 	snop  }
0x3c: {  	p2 =	seq.s32 s10, $0x1;
	s10 =	sld [smem:$0x3FBA]  }
0x3d: {  	_ =	shalt  }
0x3e: {  	_ =	shalt  }
0x3f: {  	_ =	shalt  }
0x40: {  	_ =	shalt  }
0x41: {  	_ =	shalt  }
0x42: {  	_ =	shalt  }
0x43: {  	_ =	shalt  }
0x44: {  	_ =	shalt  }
0x45: {  	_ =	shalt  }
0x46: {  	_ =	shalt  }
0x47: {  	_ =	shalt  }
0x48: {  	_ =	shalt  }
0x49: {  	_ =	shalt  }
0x4a: {  	_ =	shalt  }
0x4b: {  	_ =	shalt  }
0x4c: {  	_ =	shalt  }
0x4d: {  	_ =	shalt  }
0x4e: {  	_ =	shalt  }
0x4f: {  	_ =	shalt  }
0x50: {  	_ =	shalt  }
0x51: {  	_ =	shalt  }
0x52: {  	_ =	shalt  }
0x53: {  	_ =	shalt  }
0x54: {  	_ =	shalt  }
0x55: {  	_ =	shalt  }
0x56: {  	_ =	shalt  }
0x57: {  	_ =	shalt  }
0x58: {  	_ =	shalt  }
0x59: {  	_ =	shalt  }
0x5a: {  	_ =	shalt  }
0x5b: {  	_ =	shalt  }
0x5c: {  	_ =	shalt  }
0x5d: {  	_ =	shalt  }
0x5e: {  	_ =	shalt  }
0x5f: {  	_ =	shalt  }
0x60: {  	_ =	shalt  }
0x61: {  	_ =	shalt  }
0x62: {  	_ =	shalt  }
0x63: {  	_ =	shalt  }
0x64: {  	_ =	shalt  }
0x65: {  	_ =	shalt  }
0x66: {  	_ =	shalt  }
0x67: {  	_ =	shalt  }
0x68: {  	_ =	shalt  }
0x69: {  	_ =	shalt  }
0x6a: {  	_ =	shalt  }
0x6b: {  	_ =	shalt  }
0x6c: {  	_ =	shalt  }
0x6d: {  	_ =	shalt  }
0x6e: {  	_ =	shalt  }
0x6f: {  	_ =	shalt  }
0x70: {  	_ =	shalt  }
0x71: {  	_ =	shalt  }
0x72: {  	_ =	shalt  }
0x73: {  	_ =	shalt  }
0x74: {  	_ =	shalt  }
0x75: {  	_ =	shalt  }
0x76: {  	_ =	shalt  }
0x77: {  	_ =	shalt  }
0x78: {  	_ =	shalt  }
0x79: {  	_ =	shalt  }
0x7a: {  	_ =	shalt  }
0x7b: {  	_ =	shalt  }
0x7c: {  	_ =	shalt  }
0x7d: {  	_ =	shalt  }
0x7e: {  	_ =	shalt  }
0x7f: {  	_ =	shalt  }
0x80: {  	_ =	shalt  }
0x81: {  	_ =	shalt  }
0x82: {  	_ =	shalt  }
0x83: {  	_ =	shalt  }
0x84: {  	_ =	shalt  }
0x85: {  	_ =	shalt  }
0x86: {  	_ =	shalt  }
0x87: {  	_ =	shalt  }
.Lfunc_end0:
.L_simem_size_0:
called_computation.1_lowered:
.L_overlay_start_0:
0x88: {  	s2 =	sld [smem:$0x3FD9]  }
0x89: {  	s3 =	sld [smem:$0x3FFE];
	_ =	sdelay $0x1  }
0x8a: {  	s1 =	srdreg.scid  }
0x8b: {  	s0 =	sand.u32 $0x1, s1  }
0x8c: {  	s17 =	sshll.u32 s0, $0xA;
	s2 =	sadd.s32 s3, s2  }
0x8d: {  	s2 =	sadd.s32 s2, s17  }
0x8e: {  	[smem:$0x3FC6] =	sst s2  }
0x8f: {  	_ = 	snop  }
0x90: {  	(tm) =	ssettm $0x1  }
0x91: {  	s18 =	sld [smem:$0x3FFB];
	_ =	sdelay $0x3  }
0x92: {  	_ =	strace s18  }
0x93: {  	s2 =	sld [smem:$0x3FFC];
	_ =	sdelay $0x3  }
0x94: {  	_ =	strace s2  }
0x95: {  	s2 =	sld [smem:$0x3FFD];
	_ =	sdelay $0x3  }
0x96: {  	_ =	strace s2  }
0x97: {  	_ =	strace $0x8FFFFFFF  }
0x98: {  	s19 =	sld [smem:$0x3FDB];
	_ =	sdelay $0x1  }
0x99: {  	s20 =	simm.s32 $_scs_section_size  }
0x9a: {  	s4 =	simm.s32 $_size__tile_overlayer_lowered;
	s5 =	simm.s32 $_tile_overlayer_lowered  }
0x9b: {  	s6 =	simm.s32 $0x1BFF;
	s21 =	sshll.u32 s5, $0x1;
	s3 =	sadd.s32 s20, s19  }
0x9c: {  	s22 =	simm.s32 $0x0;
	s4 =	sshll.u32 s4, $0x1;
	s5 =	sadd.s32 s21, s3  }
0x9d: {  	[timem:s22], [sflag:s6] =	dma.local [hbm:s5], s4  }
0x9e: {  	_ =	swait.ge [sflag:s6], s4  }
0x9f: {  	s4 =	ssub.s32 $0x0, s4;
	[sflag:s6] =	ssyncset.done $0x0  }
0xa0: {  	[sflag:s6] =	ssyncadd.s32 s4;
	_ =	sdelay $0x1  }
0xa1: {  	s23 =	simm.s32 $0x1B8B  }
0xa2: {  	_ =	swait.ge [sflag:s23], $0x1  }
0xa3: {  	[sflag:s23] =	ssyncset.done $0x0  }
0xa4: {  	[sflag:s23] =	ssyncadd.s32 $0xFFFFFFFF  }
0xa5: {  	s4 =	sld [smem:$0x0]  }
0xa6: {  	s5 =	sand.u32 $0xFFFFFFFE, s1  }
0xa7: {  	p0 =	sne.s32 s1, s5  }
0xa8: {  	s5 =	sshll.u32 @p0 s5, $0xE  }
0xa9: {  	s5 =	sadd.s32 @p0 $0x11B8D, s5;
	s6 =	sshll.u32 @p0 s4, $0x11  }
0xaa: {  	s5 =	sor.u32 @p0 s6, s5  }
0xab: {  	[sflag:s5] =	ssyncadd.remote.s32 @p0 $0x1;
	_ =	sdelay $0x1  }
0xac: {  	s5 =	simm.s32 @p0 $0x1B8D  }
0xad: {  	_ =	swait.eq @p0 [sflag:s5], $0x1  }
0xae: {  	[sflag:s5] =	ssyncadd.s32 @p0 $0xFFFFFFFF  }
0xaf: {  	s6 =	sshll.u32 @!p0 s1, $0xE  }
0xb0: {  	s6 =	sor.u32 @!p0 $0x4000, s6;
	s5 =	simm.s32 @!p0 $0x1B8D  }
0xb1: {  	s4 =	sshll.u32 @!p0 s4, $0x11;
	s6 =	sadd.s32 @!p0 $0x11B8D, s6;
	_ =	swait.eq @!p0 [sflag:s5], $0x1  }
0xb2: {  	s4 =	sor.u32 @!p0 s4, s6;
	[sflag:s5] =	ssyncadd.s32 @!p0 $0xFFFFFFFF  }
0xb3: {  	s25 =	simm.s32 $0x1B8E;
	s24 =	sld [smem:$0x3FFE];
	[sflag:s4] =	ssyncadd.remote.s32 @!p0 $0x1  }
0xb4: {  	s26 =	simm.s32 $execute0_lowered;
	[smem:$0x3FD2] =	sst s25  }
0xb5: {  	s5 =	sshll.u32 s26, $0x1;
	_ =	strace $0x80000049;
	[dreg:$0x1] =	wrdreg $0xFFFFFFFF  }
0xb6: {  	s28 =	simm.s32 $_size_execute0_lowered;
	s3 =	sadd.s32 s3, s5;
	[dreg:$0x0] =	wrdreg $0x0  }
0xb7: {  	s5 =	sshll.u32 s28, $0x1;
	[dreg:$0x2] =	wrdreg s3  }
0xb8: {  	[dreg:$0x3] =	wrdreg s5  }
0xb9: {  	[dreg:$0x4] =	wrdreg $0xC0  }
0xba: {  	_ =	task [dreg:s22], $0x5FFFF  }
0xbb: {  	[dreg:$0x1] =	wrdreg $0xFFFFFFFF  }
0xbc: {  	[dreg:$0x0] =	wrdreg $0x60  }
0xbd: {  	[dreg:$0x2] =	wrdreg s24  }
0xbe: {  	[dreg:$0x3] =	wrdreg $0xA  }
0xbf: {  	_ =	task.clear_ibuf [dreg:s22], $0x4FFFF;
	_ =	strace $0x90000049  }
0xc0: {  	s29 =	simm.s32 $0xA;
	_ =	strace $0x8000004B  }
0xc1: {  	_ =	swait.ge [sflag:s29], $0x1  }
0xc2: {  	[sflag:s29] =	ssyncadd.s32 $0xFFFFFFFF  }
0xc3: {  	_ =	strace $0x9000004B  }
0xc4: {  	_ =	sfence  }
0xc5: {  	s30 =	sld [smem:$0x0];
	_ =	sdelay $0x2  }
0xc6: {  	s31 =	sshll.u32 s1, $0xD;
	s1 =	sshrl.u32 s1, $0x2  }
0xc7: {  	s4 =	sand.u32 $0x4000, s31;
	s1 =	sadd.s32 s1, s30  }
0xc8: {  	s0 =	sor.u32 s4, s0;
	s1 =	sshll.u32 s1, $0x11  }
0xc9: {  	s0 =	sor.u32 s1, s0  }
0xca: {  	s0 =	sadd.s32 $0x8F2B, s0  }
0xcb: {  	[sflag:s0] =	ssyncadd.remote.s32 $0x1  }
0xcc: {  	_ =	sfence.sel $0xFFFF  }
0xcd: {  	[dreg:$0x0] =	wrdreg $0xFFFFFFFF;
	(pc) =	sbr.abs _section_cstart, $3  }
0xce: {  	[dreg:$0x1] =	wrdreg $0xFFFFFFFF  }
0xcf: {  	_ =	task.clear_ibuf [dreg:s22], $0x2FFFF;
	_ =	strace $0x9FFFFFFF  }
0xd0: {  	(tm) =	ssettm $0x7FFFFFFF  }
0xd1: {  	_ =	shalt  }
tec
execute0_lowered:
.L_overlay_start_1:
0x0: {  	(tag) =	ssettag $0x1  }
0x1: {  	s0 =	stileid.u32;
	s28 =	rddreg [dreg:$0x0];
	s3 =	simm.s32 $0x0  }
0x2: {  	s7 =	srdreg.scid;
	s15 =	simm.s32 $0x11000;
	s16 =	simm.s32 $0x1000  }
0x3: {  	s17 =	simm.s32 $0x11080;
	s18 =	simm.s32 $0x9000;
	s19 =	simm.s32 $0x1  }
0x4: {  	s20 =	simm.s32 $0x2;
	s23 =	simm.s32 $0x0;
	s1 =	sshrl.u32 s0, $0x3  }
0x5: {  	s8 =	sand.u32 $0x7, s0;
	[smem:$0x7FF] =	sst s3;
	s2 =	smul.u32 $0x6, s1  }
0x6: {  	s9 =	sand.u32 $0x1, s7;
	s4 =	smul.u32 $0x1C00, s8;
	_ =	strace $0x8000004A  }
0x7: {  	s7 =	ssub.s32 $0x2, s9;
	s21 =	smul.u32 $0x7D0, s9;
	s30 =	sshllo.u32 s9, $0x1  }
0x8: {  	s13 =	sshll.u32 s8, $0x11;
	s31 =	sshll.u32 s9, $0x10;
	s9 =	sadd.s32 $0x1A2800, s28  }
0x9: {  	s11 =	sshrl.u32 s7, $0x1;
	s22 =	smul.u32 $0x3E8, s30;
	s8 =	sor.u32 s13, s31  }
0xa: {  	s14 =	sshll.u32 s30, $0xF;
	s6 =	sadd.s32 $0xC, s2;
	s12 =	ssub.s32 s7, s11  }
0xb: {  	s11 =	sor.u32 s13, s14;
	s13 =	simm.s32 $0x5;
	s5 =	sshll.u32 s6, $0x7  }
.Ltmp0:
0xc: {  	s14 =	simm.s32 $0x80;
	s5 =	sand.u32 $0xC00, s5;
	(pc) =	sbr.rel .LBB2_1-.Ltmp0, $4  }
0xd: {  	v0 =	vmov s21;
	s21 =	simm.s32 $0x3;
	s29 =	sand.u32 $0x6, s6;
	s4 =	sadd.s32 s4, s5  }
0xe: {  	s12 =	smax.u32 s12, $0x1;
	v1 =	vmov s22;
	s22 =	simm.s32 $0x4;
	s4 =	sshrl.u32 s4, $0x3  }
0xf: {  	s7 =	sshll.u32 s29, $0x7;
	s5 =	sadd.s32 $0x1A2000, s28;
	s10 =	sadd.s32 s4, s28  }
0x10: {  	s4 =	sadd.s32 $0x1000, s28;
	s6 =	sadd.s32 $0x20400, s10;
	s10 =	sor.u32 $0x1, s29  }
.LBB2_12:
0x11: {  	_ =	swait.ge [sflag:s21], $0x4000  }
0x12: {  	[sflag:s21] =	ssyncset.done $0x0  }
0x13: {  	[sflag:s21] =	ssyncadd.s32 $0xFFFFC000  }
0x14: {  	_ =	swait.ge [sflag:s21], $0x4000  }
0x15: {  	[sflag:s21] =	ssyncset.done $0x0  }
0x16: {  	s23 =	sadd.s32 $0x1, s23;
	[sflag:s21] =	ssyncadd.s32 $0xFFFFC000  }
0x17: {  	p0 =	sne.s32 s23, s12;
	_ =	swait.ge [sflag:s22], $0x4000  }
.Ltmp1:
0x18: {  	[sflag:s22] =	ssyncset.done $0x0;
	(pc) =	sbr.rel @!p0 .LBB2_13-.Ltmp1, $4  }
0x19: {  	[sflag:s22] =	ssyncadd.s32 $0xFFFFC000  }
0x1a: {  	_ =	swait.ge [sflag:s22], $0x4000  }
0x1b: {  	[sflag:s22] =	ssyncset.done $0x0  }
0x1c: {  	[sflag:s22] =	ssyncadd.s32 $0xFFFFC000  }
.LBB2_1:
0x1d: {  	[tilespmem:s3], [sflag:$0x5] =	stream.linear.gather [hbm4b:s6+s3], $0x1000, $0x38;
	[tilespmem:$0x11100] =	vst v63  }
0x1e: {  	_ =	swait.ge [sflag:s13], $0x1000  }
0x1f: {  	[sflag:s13] =	ssyncset.done $0x0  }
0x20: {  	[sflag:s13] =	ssyncadd.s32 $0xFFFFF000  }
0x21: {  	v2 =	vld [tilespmem:s7+$0x0];
	_ =	sdelay $0x4  }
0x22: {  	v2 =	vadd.s32 v0, v2  }
0x23: {  	[tilespmem:$0x11000] =	vst v2  }
0x24: {  	v2 =	vld [tilespmem:s7+$0x10];
	_ =	sdelay $0x4  }
0x25: {  	v2 =	vadd.s32 v0, v2  }
0x26: {  	[tilespmem:$0x11010] =	vst v2  }
0x27: {  	v2 =	vld [tilespmem:s7+$0x20];
	_ =	sdelay $0x4  }
0x28: {  	v2 =	vadd.s32 v0, v2  }
0x29: {  	[tilespmem:$0x11020] =	vst v2  }
0x2a: {  	v2 =	vld [tilespmem:s7+$0x30];
	_ =	sdelay $0x4  }
0x2b: {  	v2 =	vadd.s32 v0, v2  }
0x2c: {  	[tilespmem:$0x11030] =	vst v2  }
0x2d: {  	v2 =	vld [tilespmem:s7+$0x40];
	_ =	sdelay $0x4  }
0x2e: {  	v2 =	vadd.s32 v0, v2  }
0x2f: {  	[tilespmem:$0x11040] =	vst v2  }
0x30: {  	v2 =	vld [tilespmem:s7+$0x50];
	_ =	sdelay $0x4  }
0x31: {  	v2 =	vadd.s32 v0, v2  }
0x32: {  	[tilespmem:$0x11050] =	vst v2  }
0x33: {  	v2 =	vld [tilespmem:s7+$0x60];
	_ =	sdelay $0x4  }
0x34: {  	v2 =	vadd.s32 v0, v2  }
0x35: {  	[tilespmem:$0x11060] =	vst v2  }
0x36: {  	v2 =	vld [tilespmem:s7+$0x70];
	_ =	sdelay $0x4  }
0x37: {  	v2 =	vadd.s32 v0, v2  }
0x38: {  	[tilespmem:$0x11070] =	vst v2  }
0x39: {  	[tilespmem:s16], [sflag:$0x1] =	stream.indirect.gather [hbm4b:s4+s14], $0x100, s15, s14, $0xb8;
	[tilespmem:$0x11100] =	vst v63  }
0x3a: {  	v2 =	vld [tilespmem:s7+$0x0];
	_ =	sdelay $0x4  }
0x3b: {  	v2 =	vadd.s32 v1, v2  }
0x3c: {  	[tilespmem:$0x11080] =	vst v2  }
0x3d: {  	v2 =	vld [tilespmem:s7+$0x10];
	_ =	sdelay $0x4  }
0x3e: {  	v2 =	vadd.s32 v1, v2  }
0x3f: {  	[tilespmem:$0x11090] =	vst v2  }
0x40: {  	v2 =	vld [tilespmem:s7+$0x20];
	_ =	sdelay $0x4  }
0x41: {  	v2 =	vadd.s32 v1, v2  }
0x42: {  	[tilespmem:$0x110A0] =	vst v2  }
0x43: {  	v2 =	vld [tilespmem:s7+$0x30];
	_ =	sdelay $0x4  }
0x44: {  	v2 =	vadd.s32 v1, v2  }
0x45: {  	[tilespmem:$0x110B0] =	vst v2  }
0x46: {  	v2 =	vld [tilespmem:s7+$0x40];
	_ =	sdelay $0x4  }
0x47: {  	v2 =	vadd.s32 v1, v2  }
0x48: {  	[tilespmem:$0x110C0] =	vst v2  }
0x49: {  	v2 =	vld [tilespmem:s7+$0x50];
	_ =	sdelay $0x4  }
0x4a: {  	v2 =	vadd.s32 v1, v2  }
0x4b: {  	[tilespmem:$0x110D0] =	vst v2  }
0x4c: {  	v2 =	vld [tilespmem:s7+$0x60];
	_ =	sdelay $0x4  }
0x4d: {  	v2 =	vadd.s32 v1, v2  }
0x4e: {  	[tilespmem:$0x110E0] =	vst v2  }
0x4f: {  	v2 =	vld [tilespmem:s7+$0x70];
	_ =	sdelay $0x4  }
0x50: {  	v2 =	vadd.s32 v1, v2  }
0x51: {  	s24 =	simm.s32 $0x0;
	[tilespmem:$0x110F0] =	vst v2  }
0x52: {  	[tilespmem:s18], [sflag:$0x2] =	stream.indirect.gather [hbm4b:s4+s14], $0x100, s17, s14, $0xb8;
	[tilespmem:$0x11100] =	vst v63  }
.LBB2_2:
0x53: {  	s1 =	sadd.s32 s2, s24  }
0x54: {  	s25 =	sshll.u32 s1, $0x14  }
0x55: {  	s1 =	sor.u32 s8, s25  }
0x56: {  	_ =	swait.ge [sflag:s19], $0x8000;
	s29 =	simm.s32 $0x1000;
	s26 =	sshrl.u32 s1, $0x3  }
0x57: {  	s30 =	simm.s32 $0x10;
	[sflag:s19] =	ssyncset.done $0x0;
	s28 =	sadd.s32 s5, s26  }
0x58: {  	s31 =	simm.s32 $0x1100;
	[sflag:s19] =	ssyncadd.s32 $0xFFFF8000;
	s1 =	sadd.s32 $0x0, s28  }
.LBB2_3:
0x59: {  	[hbm4b:s1+s3] =	stream.linear.scatter [tilespmem:s29], [sflag:$0x3], $0x80, $0x38;
	[tilespmem:$0x11100] =	vst v63  }
0x5a: {  	s1 =	smov.u32 s30;
	s29 =	smov.u32 s31;
	p0 =	sne.s32 s30, $0x7F0  }
.Ltmp2:
0x5b: {  	s30 =	sadd.s32 $0x10, s30;
	(pc) =	sbr.rel @p0 .LBB2_3-.Ltmp2, $2  }
0x5c: {  	_ =	sdelay $0x2  }
0x5d: {  	s31 =	sadd.s32 $0x100, s31;
	s1 =	sadd.s32 s1, s28  }
0x5e: {  	[hbm4b:s1+s3] =	stream.linear.scatter [tilespmem:s29], [sflag:$0x3], $0x80, $0x38;
	[tilespmem:$0x11100] =	vst v63  }
0x5f: {  	s26 =	sadd.s32 s26, s9;
	s28 =	simm.s32 $0x1080  }
0x60: {  	s29 =	simm.s32 $0x10;
	s30 =	simm.s32 $0x1180;
	s1 =	sadd.s32 $0x0, s26  }
.LBB2_5:
0x61: {  	[hbm4b:s1+s3] =	stream.linear.scatter [tilespmem:s28], [sflag:$0x3], $0x80, $0x38;
	[tilespmem:$0x11100] =	vst v63  }
0x62: {  	s1 =	smov.u32 s29;
	s28 =	smov.u32 s30;
	p0 =	sne.s32 s29, $0x7F0  }
.Ltmp3:
0x63: {  	s29 =	sadd.s32 $0x10, s29;
	(pc) =	sbr.rel @p0 .LBB2_5-.Ltmp3, $2  }
0x64: {  	_ =	sdelay $0x2  }
0x65: {  	s30 =	sadd.s32 $0x100, s30;
	s1 =	sadd.s32 s1, s26  }
0x66: {  	[hbm4b:s1+s3] =	stream.linear.scatter [tilespmem:s28], [sflag:$0x3], $0x80, $0x38;
	[tilespmem:$0x11100] =	vst v63  }
0x67: {  	p0 =	seq.s32 s24, $0x5  }
0x68: {  	s1 =	simm.s32 @!p0 $0x3  }
0x69: {  	_ =	swait.ge @!p0 [sflag:s1], $0x4000  }
0x6a: {  	[sflag:s1] =	ssyncset.done @!p0 $0x0  }
0x6b: {  	[sflag:s1] =	ssyncadd.s32 @!p0 $0xFFFFC000  }
0x6c: {  	s26 =	sadd.s32 @!p0 s24, s10;
	_ =	swait.ge @!p0 [sflag:s1], $0x4000  }
0x6d: {  	s26 =	sshll.u32 @!p0 s26, $0x7;
	[sflag:s1] =	ssyncset.done @!p0 $0x0  }
0x6e: {  	[sflag:s1] =	ssyncadd.s32 @!p0 $0xFFFFC000;
	s1 =	sand.u32 @!p0 $0x3FFFFF80, s26  }
0x6f: {  	v2 =	vld @!p0 [tilespmem:s1+$0x0];
	_ =	sdelay $0x4  }
0x70: {  	v2 =	vadd.s32 @!p0 v0, v2  }
0x71: {  	[tilespmem:$0x11000] =	vst @!p0 v2  }
0x72: {  	v2 =	vld @!p0 [tilespmem:s1+$0x10];
	_ =	sdelay $0x4  }
0x73: {  	v2 =	vadd.s32 @!p0 v0, v2  }
0x74: {  	[tilespmem:$0x11010] =	vst @!p0 v2  }
0x75: {  	v2 =	vld @!p0 [tilespmem:s1+$0x20];
	_ =	sdelay $0x4  }
0x76: {  	v2 =	vadd.s32 @!p0 v0, v2  }
0x77: {  	[tilespmem:$0x11020] =	vst @!p0 v2  }
0x78: {  	v2 =	vld @!p0 [tilespmem:s1+$0x30];
	_ =	sdelay $0x4  }
0x79: {  	v2 =	vadd.s32 @!p0 v0, v2  }
0x7a: {  	[tilespmem:$0x11030] =	vst @!p0 v2  }
0x7b: {  	v2 =	vld @!p0 [tilespmem:s1+$0x40];
	_ =	sdelay $0x4  }
0x7c: {  	v2 =	vadd.s32 @!p0 v0, v2  }
0x7d: {  	[tilespmem:$0x11040] =	vst @!p0 v2  }
0x7e: {  	v2 =	vld @!p0 [tilespmem:s1+$0x50];
	_ =	sdelay $0x4  }
0x7f: {  	v2 =	vadd.s32 @!p0 v0, v2  }
0x80: {  	[tilespmem:$0x11050] =	vst @!p0 v2  }
0x81: {  	v2 =	vld @!p0 [tilespmem:s1+$0x60];
	_ =	sdelay $0x4  }
0x82: {  	v2 =	vadd.s32 @!p0 v0, v2  }
0x83: {  	[tilespmem:$0x11060] =	vst @!p0 v2  }
0x84: {  	v2 =	vld @!p0 [tilespmem:s1+$0x70];
	_ =	sdelay $0x4  }
0x85: {  	s31 =	sor.u32 s11, s25;
	v2 =	vadd.s32 @!p0 v0, v2  }
0x86: {  	s28 =	simm.s32 @!p0 $0x1000;
	s26 =	simm.s32 @!p0 $0x11000;
	s1 =	simm.s32 @!p0 $0x80;
	[tilespmem:$0x11070] =	vst @!p0 v2  }
0x87: {  	[tilespmem:s28], [sflag:$0x1] =	stream.indirect.gather @!p0 [hbm4b:s4+s1], $0x100, s26, s1, $0xb8;
	[tilespmem:$0x11100] =	vst v63  }
0x88: {  	s29 =	simm.s32 $0x10;
	s25 =	sshrl.u32 s31, $0x3;
	_ =	swait.ge [sflag:s20], $0x8000  }
0x89: {  	s30 =	simm.s32 $0x9100;
	s26 =	sadd.s32 s5, s25;
	[sflag:s20] =	ssyncset.done $0x0  }
0x8a: {  	s28 =	simm.s32 $0x9000;
	s1 =	sadd.s32 $0x0, s26;
	[sflag:s20] =	ssyncadd.s32 $0xFFFF8000  }
.LBB2_7:
0x8b: {  	[hbm4b:s1+s3] =	stream.linear.scatter [tilespmem:s28], [sflag:$0x4], $0x80, $0x38;
	[tilespmem:$0x11100] =	vst v63  }
0x8c: {  	s1 =	smov.u32 s29;
	s28 =	smov.u32 s30;
	p1 =	sne.s32 s29, $0x7F0  }
.Ltmp4:
0x8d: {  	s29 =	sadd.s32 $0x10, s29;
	(pc) =	sbr.rel @p1 .LBB2_7-.Ltmp4, $2  }
0x8e: {  	_ =	sdelay $0x2  }
0x8f: {  	s30 =	sadd.s32 $0x100, s30;
	s1 =	sadd.s32 s1, s26  }
0x90: {  	[hbm4b:s1+s3] =	stream.linear.scatter [tilespmem:s28], [sflag:$0x4], $0x80, $0x38;
	[tilespmem:$0x11100] =	vst v63  }
0x91: {  	s25 =	sadd.s32 s25, s9;
	s26 =	simm.s32 $0x9080  }
0x92: {  	s28 =	simm.s32 $0x10;
	s29 =	simm.s32 $0x9180;
	s1 =	sadd.s32 $0x0, s25  }
.LBB2_9:
0x93: {  	[hbm4b:s1+s3] =	stream.linear.scatter [tilespmem:s26], [sflag:$0x4], $0x80, $0x38;
	[tilespmem:$0x11100] =	vst v63  }
0x94: {  	s1 =	smov.u32 s28;
	s26 =	smov.u32 s29;
	p1 =	sne.s32 s28, $0x7F0  }
.Ltmp5:
0x95: {  	s28 =	sadd.s32 $0x10, s28;
	(pc) =	sbr.rel @p1 .LBB2_9-.Ltmp5, $2  }
0x96: {  	_ =	sdelay $0x2  }
0x97: {  	s29 =	sadd.s32 $0x100, s29;
	s1 =	sadd.s32 s1, s25  }
.Ltmp6:
0x98: {  	(pc) =	sbr.rel @p0 .LBB2_12-.Ltmp6, $2  }
0x99: {  	_ =	sdelay $0x2  }
0x9a: {  	[hbm4b:s1+s3] =	stream.linear.scatter [tilespmem:s26], [sflag:$0x4], $0x80, $0x38;
	[tilespmem:$0x11100] =	vst v63  }
0x9b: {  	_ =	swait.ge [sflag:s22], $0x4000  }
0x9c: {  	[sflag:s22] =	ssyncset.done $0x0  }
0x9d: {  	[sflag:s22] =	ssyncadd.s32 $0xFFFFC000  }
0x9e: {  	s1 =	sadd.s32 s24, s10;
	_ =	swait.ge [sflag:s22], $0x4000  }
0x9f: {  	s1 =	sshll.u32 s1, $0x7;
	[sflag:s22] =	ssyncset.done $0x0  }
0xa0: {  	s1 =	sand.u32 $0x3FFFFF80, s1;
	[sflag:s22] =	ssyncadd.s32 $0xFFFFC000  }
0xa1: {  	v2 =	vld [tilespmem:s1+$0x0];
	_ =	sdelay $0x4  }
0xa2: {  	v2 =	vadd.s32 v1, v2  }
0xa3: {  	[tilespmem:$0x11080] =	vst v2  }
0xa4: {  	v2 =	vld [tilespmem:s1+$0x10];
	_ =	sdelay $0x4  }
0xa5: {  	v2 =	vadd.s32 v1, v2  }
0xa6: {  	[tilespmem:$0x11090] =	vst v2  }
0xa7: {  	v2 =	vld [tilespmem:s1+$0x20];
	_ =	sdelay $0x4  }
0xa8: {  	v2 =	vadd.s32 v1, v2  }
0xa9: {  	[tilespmem:$0x110A0] =	vst v2  }
0xaa: {  	v2 =	vld [tilespmem:s1+$0x30];
	_ =	sdelay $0x4  }
0xab: {  	v2 =	vadd.s32 v1, v2  }
0xac: {  	[tilespmem:$0x110B0] =	vst v2  }
0xad: {  	v2 =	vld [tilespmem:s1+$0x40];
	_ =	sdelay $0x4  }
0xae: {  	v2 =	vadd.s32 v1, v2  }
0xaf: {  	[tilespmem:$0x110C0] =	vst v2  }
0xb0: {  	v2 =	vld [tilespmem:s1+$0x50];
	_ =	sdelay $0x4  }
0xb1: {  	v2 =	vadd.s32 v1, v2  }
0xb2: {  	[tilespmem:$0x110D0] =	vst v2  }
0xb3: {  	v2 =	vld [tilespmem:s1+$0x60];
	_ =	sdelay $0x4  }
0xb4: {  	v2 =	vadd.s32 v1, v2  }
0xb5: {  	[tilespmem:$0x110E0] =	vst v2  }
0xb6: {  	v2 =	vld [tilespmem:s1+$0x70];
	_ =	sdelay $0x2  }
.Ltmp7:
0xb7: {  	_ = 	snop;
	(pc) =	sbr.rel .LBB2_2-.Ltmp7, $4  }
0xb8: {  	_ = 	snop  }
0xb9: {  	v2 =	vadd.s32 v1, v2  }
0xba: {  	s24 =	sadd.s32 $0x1, s24;
	[tilespmem:$0x110F0] =	vst v2  }
0xbb: {  	[tilespmem:s18], [sflag:$0x2] =	stream.indirect.gather [hbm4b:s4+s14], $0x100, s17, s14, $0xb8;
	[tilespmem:$0x11100] =	vst v63  }
.LBB2_13:
0xbc: {  	_ =	sfence.sel $0x180000  }
0xbd: {  	[bflag:$0x0] =	sbarrier.arrive $0xFFFF  }
0xbe: {  	_ =	strace $0x9000004A  }
0xbf: {  	[bflag:$0x2] =	sbarrier.arrive $0xFFFF  }
0xc0: {  	p0 =	sne.s32 s0, $0x0;
	s0 =	rddreg [dreg:$0x1]  }
0xc1: {  	s0 =	sadd.s32 @!p0 $0x100000, s0  }
0xc2: {  	[sflag:s0] =	ssyncadd.tile.s32 @!p0 $0x1;
	_ =	shalt  }
.Lfunc_end2:
_tile_overlayer_lowered:
.L_overlay_start_2:
0xc3: {  	(tag) =	ssettag $0x2  }
0xc4: {  	s0 =	rddreg [dreg:$0x0];
	s2 =	stileid.u32  }
0xc5: {  	s1 =	rddreg [dreg:$0x1];
	p0 =	sne.s32 s2, $0x0  }
0xc6: {  	s3 =	rddreg [dreg:$0x2];
	[bflag:$0x3] =	sbarrier.arrive $0xFFFF;
	s2 =	simm.s32 @!p0 $0x1C05  }
0xc7: {  	[timem:s3], [sflag:s2] =	dma.local @!p0 [hbm:s0], s1  }
0xc8: {  	s0 =	simm.s32 @!p0 $0x5  }
0xc9: {  	_ =	swait.ge @!p0 [sflag:s0], s1  }
0xca: {  	s1 =	ssub.s32 @!p0 $0x0, s1;
	[sflag:s0] =	ssyncset.done @!p0 $0x0  }
0xcb: {  	[sflag:s0] =	ssyncadd.s32 @!p0 s1  }
0xcc: {  	[bflag:$0x3] =	sbarrier.arrive $0xFFFF  }
0xcd: {  	_ =	shalt  }

// kernel: kernel.16.cloned.1.call-start
scs
__scs_entry_jumppad:
0x0: {  	(pc) =	sbr.rel $0x88, $3  }
0x1: {  	(tag) =	ssettag $0x0;
	lr =	simm.s32 $0x1  }
0x2: {  	[smem:$0x3F9F] =	sst lr;
	_ =	strace $0xD0000000  }
0x3: {  	_ = 	snop  }
0x4: {  	_ = 	snop  }
0x5: {  	_ = 	snop  }
0x6: {  	_ = 	snop  }
0x7: {  	_ = 	snop  }
__scs_overlays_trampoline_lowered:
0x8: {  	[smem:$0x3FAE] =	sst s0  }
0x9: {  	[smem:$0x3FAF] =	sst s1  }
0xa: {  	[smem:$0x3FB0] =	sst s2  }
0xb: {  	[smem:$0x3FB1] =	sst s3  }
0xc: {  	[smem:$0x3FB2] =	sst s4  }
0xd: {  	[smem:$0x3FB3] =	sst s5  }
0xe: {  	[smem:$0x3FB4] =	sst s6  }
0xf: {  	[smem:$0x3FB5] =	sst s7  }
0x10: {  	[smem:$0x3FB6] =	sst s8  }
0x11: {  	[smem:$0x3FB7] =	sst s9;
	s0 =	simm.s32 @!p0 $0x0  }
0x12: {  	s1 =	sld [smem:$0x3F9D];
	s0 =	simm.s32 @p0 $0x1  }
0x13: {  	[smem:$0x3FB8] =	sst s0;
	s0 =	simm.s32 @!p1 $0x0  }
0x14: {  	s2 =	sld [smem:$0x3F9C];
	s0 =	simm.s32 @p1 $0x1  }
0x15: {  	[smem:$0x3FB9] =	sst s0;
	s0 =	simm.s32 @!p2 $0x0  }
0x16: {  	s3 =	sld [smem:$0x3FDB];
	s0 =	simm.s32 @p2 $0x1  }
0x17: {  	s4 =	simm.s32 $0x1BF5;
	[smem:$0x3FBB] =	sst s0  }
0x18: {  	s0 =	sld [smem:$0x3F9E];
	_ =	swait.ge [sflag:s4], $0x0  }
0x19: {  	s7 =	sld [smem:$0x3F9F]  }
0x1a: {  	s8 =	sadd.s32 $0xFFFFE003, lr  }
0x1b: {  	s9 =	sadd.s32 $0xFFFFFEF7, lr;
	s5 =	simm.s32 $0xFFFFFFFF;
	p2 =	slt.u32 s8, $0xFFFFF086  }
0x1c: {  	p1 =	slt.u32 s9, $0xF7A;
	s5 =	simm.s32 @!p2 $0x0  }
0x1d: {  	s5 =	simm.s32 @p1 $0x1;
	p0 =	seq.s32 s7, s2  }
0x1e: {  	s7 =	smul.u32 @!p0 $0xF7A, s2;
	p2 =	seq.s32 @!p0 s5, $0x0  }
0x1f: {  	s9 =	smul.u32 $0xF7A, s1;
	s8 =	simm.s32 @!p0 $0x1BF5;
	p2 =	por !p2, p0  }
0x20: {  	[sflag:s8] =	ssyncset.s32 @!p0 $0xFFFFF086;
	s6 =	sadd.s32 @!p0 s3, s7;
	s7 =	simm.s32 @!p0 $0x108  }
0x21: {  	s3 =	sadd.s32 s3, s9;
	s6 =	sadd.s32 @!p0 $0x88, s6;
	s7 =	simm.s32 @p2 $0x1082  }
0x22: {  	[simem:s7], [sflag:s8] =	dma.local @!p0 [hbm:s6], $0xF7A  }
0x23: {  	s9 =	sor.u32 $0xD0000000, s2;
	s6 =	simm.s32 $0x108;
	_ =	swait.ge @!p0 [sflag:s8], $0x0  }
0x24: {  	s3 =	sadd.s32 $0x88, s3;
	s6 =	simm.s32 @!p1 $0x1082;
	[sflag:s4] =	ssyncset.s32 $0xFFFFF086  }
0x25: {  	[simem:s6], [sflag:s4] =	dma.local [hbm:s3], $0xF7A  }
0x26: {  	[smem:$0x3F9F] =	sst s1;
	(tag) =	ssettag s2;
	_ =	strace s9  }
0x27: {  	s1 =	sld [smem:$0x3FAF]  }
0x28: {  	s2 =	sld [smem:$0x3FB0]  }
0x29: {  	s4 =	sld [smem:$0x3FB2]  }
0x2a: {  	p0 =	seq.s32 s5, $0x0;
	s5 =	sld [smem:$0x3FB3]  }
0x2b: {  	s6 =	sld [smem:$0x3FB4]  }
0x2c: {  	s7 =	sld [smem:$0x3FB5]  }
0x2d: {  	s3 =	simm.s32 $0x108;
	s8 =	sld [smem:$0x3FB6]  }
0x2e: {  	s3 =	simm.s32 @!p0 $0x1082;
	s9 =	sld [smem:$0x3FB7]  }
0x2f: {  	lr =	sadd.s32 s0, s3;
	s0 =	sld [smem:$0x3FAE]  }
0x30: {  	s3 =	sld [smem:$0x3FB1]  }
0x31: {  	[smem:$0x3FBA] =	sst s10  }
0x32: {  	s10 =	sld [smem:$0x3FB8];
	_ =	sdelay $0x3  }
0x33: {  	p0 =	seq.s32 s10, $0x1;
	s10 =	sld [smem:$0x3FBA];
	_ =	sdelay $0x3  }
0x34: {  	[smem:$0x3FBA] =	sst s10  }
0x35: {  	s10 =	sld [smem:$0x3FB9];
	_ =	sdelay $0x3  }
0x36: {  	p1 =	seq.s32 s10, $0x1;
	s10 =	sld [smem:$0x3FBA];
	_ =	sdelay $0x3  }
0x37: {  	[smem:$0x3FBA] =	sst s10  }
0x38: {  	s10 =	sld [smem:$0x3FBB]  }
0x39: {  	_ = 	snop;
	(pc) =	sbr.ind lr, $3  }
0x3a: {  	_ = 	snop  }
0x3b: {  	_ = 	snop  }
0x3c: {  	p2 =	seq.s32 s10, $0x1;
	s10 =	sld [smem:$0x3FBA]  }
0x3d: {  	_ =	shalt  }
0x3e: {  	_ =	shalt  }
0x3f: {  	_ =	shalt  }
0x40: {  	_ =	shalt  }
0x41: {  	_ =	shalt  }
0x42: {  	_ =	shalt  }
0x43: {  	_ =	shalt  }
0x44: {  	_ =	shalt  }
0x45: {  	_ =	shalt  }
0x46: {  	_ =	shalt  }
0x47: {  	_ =	shalt  }
0x48: {  	_ =	shalt  }
0x49: {  	_ =	shalt  }
0x4a: {  	_ =	shalt  }
0x4b: {  	_ =	shalt  }
0x4c: {  	_ =	shalt  }
0x4d: {  	_ =	shalt  }
0x4e: {  	_ =	shalt  }
0x4f: {  	_ =	shalt  }
0x50: {  	_ =	shalt  }
0x51: {  	_ =	shalt  }
0x52: {  	_ =	shalt  }
0x53: {  	_ =	shalt  }
0x54: {  	_ =	shalt  }
0x55: {  	_ =	shalt  }
0x56: {  	_ =	shalt  }
0x57: {  	_ =	shalt  }
0x58: {  	_ =	shalt  }
0x59: {  	_ =	shalt  }
0x5a: {  	_ =	shalt  }
0x5b: {  	_ =	shalt  }
0x5c: {  	_ =	shalt  }
0x5d: {  	_ =	shalt  }
0x5e: {  	_ =	shalt  }
0x5f: {  	_ =	shalt  }
0x60: {  	_ =	shalt  }
0x61: {  	_ =	shalt  }
0x62: {  	_ =	shalt  }
0x63: {  	_ =	shalt  }
0x64: {  	_ =	shalt  }
0x65: {  	_ =	shalt  }
0x66: {  	_ =	shalt  }
0x67: {  	_ =	shalt  }
0x68: {  	_ =	shalt  }
0x69: {  	_ =	shalt  }
0x6a: {  	_ =	shalt  }
0x6b: {  	_ =	shalt  }
0x6c: {  	_ =	shalt  }
0x6d: {  	_ =	shalt  }
0x6e: {  	_ =	shalt  }
0x6f: {  	_ =	shalt  }
0x70: {  	_ =	shalt  }
0x71: {  	_ =	shalt  }
0x72: {  	_ =	shalt  }
0x73: {  	_ =	shalt  }
0x74: {  	_ =	shalt  }
0x75: {  	_ =	shalt  }
0x76: {  	_ =	shalt  }
0x77: {  	_ =	shalt  }
0x78: {  	_ =	shalt  }
0x79: {  	_ =	shalt  }
0x7a: {  	_ =	shalt  }
0x7b: {  	_ =	shalt  }
0x7c: {  	_ =	shalt  }
0x7d: {  	_ =	shalt  }
0x7e: {  	_ =	shalt  }
0x7f: {  	_ =	shalt  }
0x80: {  	_ =	shalt  }
0x81: {  	_ =	shalt  }
0x82: {  	_ =	shalt  }
0x83: {  	_ =	shalt  }
0x84: {  	_ =	shalt  }
0x85: {  	_ =	shalt  }
0x86: {  	_ =	shalt  }
0x87: {  	_ =	shalt  }
.Lfunc_end0:
.L_simem_size_0:
called_computation.2_lowered:
.L_overlay_start_0:
0x88: {  	s2 =	sld [smem:$0x3FD9]  }
0x89: {  	s3 =	sld [smem:$0x3FFE];
	_ =	sdelay $0x1  }
0x8a: {  	s1 =	srdreg.scid  }
0x8b: {  	s0 =	sand.u32 $0x1, s1  }
0x8c: {  	s17 =	sshll.u32 s0, $0xA;
	s2 =	sadd.s32 s3, s2  }
0x8d: {  	s2 =	sadd.s32 s2, s17  }
0x8e: {  	[smem:$0x3FC6] =	sst s2  }
0x8f: {  	_ = 	snop  }
0x90: {  	(tm) =	ssettm $0x1  }
0x91: {  	s18 =	sld [smem:$0x3FFB];
	_ =	sdelay $0x3  }
0x92: {  	_ =	strace s18  }
0x93: {  	s2 =	sld [smem:$0x3FFC];
	_ =	sdelay $0x3  }
0x94: {  	_ =	strace s2  }
0x95: {  	s2 =	sld [smem:$0x3FFD];
	_ =	sdelay $0x3  }
0x96: {  	_ =	strace s2  }
0x97: {  	_ =	strace $0x8FFFFFFF  }
0x98: {  	s19 =	sld [smem:$0x3FDB];
	_ =	sdelay $0x1  }
0x99: {  	s20 =	simm.s32 $_scs_section_size  }
0x9a: {  	s4 =	simm.s32 $_size__tile_overlayer_lowered;
	s5 =	simm.s32 $_tile_overlayer_lowered  }
0x9b: {  	s6 =	simm.s32 $0x1BFF;
	s21 =	sshll.u32 s5, $0x1;
	s3 =	sadd.s32 s20, s19  }
0x9c: {  	s22 =	simm.s32 $0x0;
	s4 =	sshll.u32 s4, $0x1;
	s5 =	sadd.s32 s21, s3  }
0x9d: {  	[timem:s22], [sflag:s6] =	dma.local [hbm:s5], s4  }
0x9e: {  	_ =	swait.ge [sflag:s6], s4  }
0x9f: {  	s4 =	ssub.s32 $0x0, s4;
	[sflag:s6] =	ssyncset.done $0x0  }
0xa0: {  	[sflag:s6] =	ssyncadd.s32 s4;
	_ =	sdelay $0x1  }
0xa1: {  	s23 =	simm.s32 $0x1B8B  }
0xa2: {  	_ =	swait.ge [sflag:s23], $0x1  }
0xa3: {  	[sflag:s23] =	ssyncset.done $0x0  }
0xa4: {  	[sflag:s23] =	ssyncadd.s32 $0xFFFFFFFF  }
0xa5: {  	s4 =	sld [smem:$0x0]  }
0xa6: {  	s5 =	sand.u32 $0xFFFFFFFE, s1  }
0xa7: {  	p0 =	sne.s32 s1, s5  }
0xa8: {  	s5 =	sshll.u32 @p0 s5, $0xE  }
0xa9: {  	s5 =	sadd.s32 @p0 $0x11B8D, s5;
	s6 =	sshll.u32 @p0 s4, $0x11  }
0xaa: {  	s5 =	sor.u32 @p0 s6, s5  }
0xab: {  	[sflag:s5] =	ssyncadd.remote.s32 @p0 $0x1;
	_ =	sdelay $0x1  }
0xac: {  	s5 =	simm.s32 @p0 $0x1B8D  }
0xad: {  	_ =	swait.eq @p0 [sflag:s5], $0x1  }
0xae: {  	[sflag:s5] =	ssyncadd.s32 @p0 $0xFFFFFFFF  }
0xaf: {  	s6 =	sshll.u32 @!p0 s1, $0xE  }
0xb0: {  	s6 =	sor.u32 @!p0 $0x4000, s6;
	s5 =	simm.s32 @!p0 $0x1B8D  }
0xb1: {  	s4 =	sshll.u32 @!p0 s4, $0x11;
	s6 =	sadd.s32 @!p0 $0x11B8D, s6;
	_ =	swait.eq @!p0 [sflag:s5], $0x1  }
0xb2: {  	s4 =	sor.u32 @!p0 s4, s6;
	[sflag:s5] =	ssyncadd.s32 @!p0 $0xFFFFFFFF  }
0xb3: {  	s25 =	simm.s32 $0x1B8E;
	s24 =	sld [smem:$0x3FFE];
	[sflag:s4] =	ssyncadd.remote.s32 @!p0 $0x1  }
0xb4: {  	s26 =	simm.s32 $execute0_lowered;
	[smem:$0x3FD2] =	sst s25  }
0xb5: {  	s5 =	sshll.u32 s26, $0x1;
	_ =	strace $0x8000004C;
	[dreg:$0x1] =	wrdreg $0xFFFFFFFF  }
0xb6: {  	s28 =	simm.s32 $_size_execute0_lowered;
	s3 =	sadd.s32 s3, s5;
	[dreg:$0x0] =	wrdreg $0x0  }
0xb7: {  	s5 =	sshll.u32 s28, $0x1;
	[dreg:$0x2] =	wrdreg s3  }
0xb8: {  	[dreg:$0x3] =	wrdreg s5  }
0xb9: {  	[dreg:$0x4] =	wrdreg $0xC0  }
0xba: {  	_ =	task [dreg:s22], $0x5FFFF  }
0xbb: {  	[dreg:$0x1] =	wrdreg $0xFFFFFFFF  }
0xbc: {  	[dreg:$0x0] =	wrdreg $0x60  }
0xbd: {  	[dreg:$0x2] =	wrdreg s24  }
0xbe: {  	[dreg:$0x3] =	wrdreg $0xB  }
0xbf: {  	_ =	task.clear_ibuf [dreg:s22], $0x4FFFF;
	_ =	strace $0x9000004C  }
0xc0: {  	s29 =	simm.s32 $0xB;
	_ =	strace $0x8000004E  }
0xc1: {  	_ =	swait.ge [sflag:s29], $0x1  }
0xc2: {  	[sflag:s29] =	ssyncadd.s32 $0xFFFFFFFF  }
0xc3: {  	_ =	strace $0x9000004E  }
0xc4: {  	_ =	sfence  }
0xc5: {  	s30 =	sld [smem:$0x0];
	_ =	sdelay $0x2  }
0xc6: {  	s31 =	sshll.u32 s1, $0xD;
	s1 =	sshrl.u32 s1, $0x2  }
0xc7: {  	s4 =	sand.u32 $0x4000, s31;
	s1 =	sadd.s32 s1, s30  }
0xc8: {  	s0 =	sor.u32 s4, s0;
	s1 =	sshll.u32 s1, $0x11  }
0xc9: {  	s0 =	sor.u32 s1, s0  }
0xca: {  	s0 =	sadd.s32 $0x8F2B, s0  }
0xcb: {  	[sflag:s0] =	ssyncadd.remote.s32 $0x1  }
0xcc: {  	_ =	sfence.sel $0xFFFF  }
0xcd: {  	[dreg:$0x0] =	wrdreg $0xFFFFFFFF;
	(pc) =	sbr.abs _section_cstart, $3  }
0xce: {  	[dreg:$0x1] =	wrdreg $0xFFFFFFFF  }
0xcf: {  	_ =	task.clear_ibuf [dreg:s22], $0x2FFFF;
	_ =	strace $0x9FFFFFFF  }
0xd0: {  	(tm) =	ssettm $0x7FFFFFFF  }
0xd1: {  	_ =	shalt  }
tec
execute0_lowered:
.L_overlay_start_1:
0x0: {  	(tag) =	ssettag $0x1  }
0x1: {  	s0 =	rddreg [dreg:$0x0];
	s2 =	simm.s32 $0x0  }
0x2: {  	s1 =	stileid.u32;
	s4 =	srdreg.scid;
	s14 =	simm.s32 $0x80  }
0x3: {  	s15 =	simm.s32 $0x11000;
	s16 =	simm.s32 $0x1000;
	s17 =	simm.s32 $0x11080  }
0x4: {  	s18 =	simm.s32 $0x9000;
	s19 =	simm.s32 $0x1;
	s20 =	simm.s32 $0x2  }
0x5: {  	s23 =	simm.s32 $0x0;
	[smem:$0x7FF] =	sst s2;
	s8 =	sand.u32 $0x7, s1  }
0x6: {  	s3 =	sadd.s32 $0x1000, s0;
	s7 =	sshrl.u32 s1, $0x3;
	s5 =	smul.u32 $0x1C00, s8  }
0x7: {  	s9 =	sand.u32 $0x1, s4;
	s4 =	sadd.s32 $0x322000, s0;
	s12 =	smul.u32 $0xC00, s7  }
0x8: {  	_ =	strace $0x8000004D;
	s6 =	ssub.s32 $0x2, s9;
	s21 =	smul.u32 $0x7D0, s9  }
0x9: {  	s28 =	sshllo.u32 s9, $0x1;
	s29 =	sshll.u32 s8, $0x11;
	s30 =	sshll.u32 s9, $0x10  }
0xa: {  	s9 =	sadd.s32 $0x322800, s0;
	s10 =	sshrl.u32 s6, $0x1;
	s22 =	smul.u32 $0x3E8, s28  }
.Ltmp0:
0xb: {  	s8 =	sor.u32 s29, s30;
	s31 =	sshll.u32 s28, $0xF;
	(pc) =	sbr.rel .LBB2_1-.Ltmp0, $4  }
0xc: {  	s11 =	sshrl.u32 s5, $0x3;
	s13 =	ssub.s32 s6, s10;
	s5 =	smul.u32 $0x6, s7  }
0xd: {  	s7 =	sshrl.u32 s12, $0x2;
	v0 =	vmov s21;
	s21 =	simm.s32 $0x3;
	s26 =	sadd.s32 s0, s11  }
0xe: {  	s11 =	sor.u32 s29, s31;
	s12 =	smax.u32 s13, $0x1;
	s13 =	simm.s32 $0x5  }
0xf: {  	v1 =	vmov s22;
	s22 =	simm.s32 $0x4;
	s6 =	sadd.s32 $0x20580, s26;
	s10 =	sor.u32 $0x1, s5  }
.LBB2_12:
0x10: {  	_ =	swait.ge [sflag:s21], $0x4000  }
0x11: {  	[sflag:s21] =	ssyncset.done $0x0  }
0x12: {  	[sflag:s21] =	ssyncadd.s32 $0xFFFFC000  }
0x13: {  	_ =	swait.ge [sflag:s21], $0x4000  }
0x14: {  	[sflag:s21] =	ssyncset.done $0x0  }
0x15: {  	s23 =	sadd.s32 $0x1, s23;
	[sflag:s21] =	ssyncadd.s32 $0xFFFFC000  }
0x16: {  	p0 =	sne.s32 s23, s12;
	_ =	swait.ge [sflag:s22], $0x4000  }
.Ltmp1:
0x17: {  	[sflag:s22] =	ssyncset.done $0x0;
	(pc) =	sbr.rel @!p0 .LBB2_13-.Ltmp1, $4  }
0x18: {  	[sflag:s22] =	ssyncadd.s32 $0xFFFFC000  }
0x19: {  	_ =	swait.ge [sflag:s22], $0x4000  }
0x1a: {  	[sflag:s22] =	ssyncset.done $0x0  }
0x1b: {  	[sflag:s22] =	ssyncadd.s32 $0xFFFFC000  }
.LBB2_1:
0x1c: {  	[tilespmem:s2], [sflag:$0x5] =	stream.linear.gather [hbm4b:s6+s2], $0x1000, $0x38;
	[tilespmem:$0x11100] =	vst v63  }
0x1d: {  	_ =	swait.ge [sflag:s13], $0x1000  }
0x1e: {  	[sflag:s13] =	ssyncset.done $0x0  }
0x1f: {  	[sflag:s13] =	ssyncadd.s32 $0xFFFFF000  }
0x20: {  	v2 =	vld [tilespmem:s7+$0x0];
	_ =	sdelay $0x4  }
0x21: {  	v2 =	vadd.s32 v0, v2  }
0x22: {  	[tilespmem:$0x11000] =	vst v2  }
0x23: {  	v2 =	vld [tilespmem:s7+$0x10];
	_ =	sdelay $0x4  }
0x24: {  	v2 =	vadd.s32 v0, v2  }
0x25: {  	[tilespmem:$0x11010] =	vst v2  }
0x26: {  	v2 =	vld [tilespmem:s7+$0x20];
	_ =	sdelay $0x4  }
0x27: {  	v2 =	vadd.s32 v0, v2  }
0x28: {  	[tilespmem:$0x11020] =	vst v2  }
0x29: {  	v2 =	vld [tilespmem:s7+$0x30];
	_ =	sdelay $0x4  }
0x2a: {  	v2 =	vadd.s32 v0, v2  }
0x2b: {  	[tilespmem:$0x11030] =	vst v2  }
0x2c: {  	v2 =	vld [tilespmem:s7+$0x40];
	_ =	sdelay $0x4  }
0x2d: {  	v2 =	vadd.s32 v0, v2  }
0x2e: {  	[tilespmem:$0x11040] =	vst v2  }
0x2f: {  	v2 =	vld [tilespmem:s7+$0x50];
	_ =	sdelay $0x4  }
0x30: {  	v2 =	vadd.s32 v0, v2  }
0x31: {  	[tilespmem:$0x11050] =	vst v2  }
0x32: {  	v2 =	vld [tilespmem:s7+$0x60];
	_ =	sdelay $0x4  }
0x33: {  	v2 =	vadd.s32 v0, v2  }
0x34: {  	[tilespmem:$0x11060] =	vst v2  }
0x35: {  	v2 =	vld [tilespmem:s7+$0x70];
	_ =	sdelay $0x4  }
0x36: {  	v2 =	vadd.s32 v0, v2  }
0x37: {  	[tilespmem:$0x11070] =	vst v2  }
0x38: {  	[tilespmem:s16], [sflag:$0x1] =	stream.indirect.gather [hbm4b:s3+s14], $0x100, s15, s14, $0xb8;
	[tilespmem:$0x11100] =	vst v63  }
0x39: {  	v2 =	vld [tilespmem:s7+$0x0];
	_ =	sdelay $0x4  }
0x3a: {  	v2 =	vadd.s32 v1, v2  }
0x3b: {  	[tilespmem:$0x11080] =	vst v2  }
0x3c: {  	v2 =	vld [tilespmem:s7+$0x10];
	_ =	sdelay $0x4  }
0x3d: {  	v2 =	vadd.s32 v1, v2  }
0x3e: {  	[tilespmem:$0x11090] =	vst v2  }
0x3f: {  	v2 =	vld [tilespmem:s7+$0x20];
	_ =	sdelay $0x4  }
0x40: {  	v2 =	vadd.s32 v1, v2  }
0x41: {  	[tilespmem:$0x110A0] =	vst v2  }
0x42: {  	v2 =	vld [tilespmem:s7+$0x30];
	_ =	sdelay $0x4  }
0x43: {  	v2 =	vadd.s32 v1, v2  }
0x44: {  	[tilespmem:$0x110B0] =	vst v2  }
0x45: {  	v2 =	vld [tilespmem:s7+$0x40];
	_ =	sdelay $0x4  }
0x46: {  	v2 =	vadd.s32 v1, v2  }
0x47: {  	[tilespmem:$0x110C0] =	vst v2  }
0x48: {  	v2 =	vld [tilespmem:s7+$0x50];
	_ =	sdelay $0x4  }
0x49: {  	v2 =	vadd.s32 v1, v2  }
0x4a: {  	[tilespmem:$0x110D0] =	vst v2  }
0x4b: {  	v2 =	vld [tilespmem:s7+$0x60];
	_ =	sdelay $0x4  }
0x4c: {  	v2 =	vadd.s32 v1, v2  }
0x4d: {  	[tilespmem:$0x110E0] =	vst v2  }
0x4e: {  	v2 =	vld [tilespmem:s7+$0x70];
	_ =	sdelay $0x4  }
0x4f: {  	v2 =	vadd.s32 v1, v2  }
0x50: {  	s24 =	simm.s32 $0x0;
	[tilespmem:$0x110F0] =	vst v2  }
0x51: {  	[tilespmem:s18], [sflag:$0x2] =	stream.indirect.gather [hbm4b:s3+s14], $0x100, s17, s14, $0xb8;
	[tilespmem:$0x11100] =	vst v63  }
.LBB2_2:
0x52: {  	s0 =	sadd.s32 s5, s24  }
0x53: {  	s25 =	sshll.u32 s0, $0x14  }
0x54: {  	s0 =	sor.u32 s8, s25  }
0x55: {  	_ =	swait.ge [sflag:s19], $0x8000;
	s29 =	simm.s32 $0x1000;
	s26 =	sshrl.u32 s0, $0x3  }
0x56: {  	s30 =	simm.s32 $0x10;
	[sflag:s19] =	ssyncset.done $0x0;
	s28 =	sadd.s32 s4, s26  }
0x57: {  	s31 =	simm.s32 $0x1100;
	[sflag:s19] =	ssyncadd.s32 $0xFFFF8000;
	s0 =	sadd.s32 $0x0, s28  }
.LBB2_3:
0x58: {  	[hbm4b:s0+s2] =	stream.linear.scatter [tilespmem:s29], [sflag:$0x3], $0x80, $0x38;
	[tilespmem:$0x11100] =	vst v63  }
0x59: {  	s0 =	smov.u32 s30;
	s29 =	smov.u32 s31;
	p0 =	sne.s32 s30, $0x7F0  }
.Ltmp2:
0x5a: {  	s30 =	sadd.s32 $0x10, s30;
	(pc) =	sbr.rel @p0 .LBB2_3-.Ltmp2, $2  }
0x5b: {  	_ =	sdelay $0x2  }
0x5c: {  	s31 =	sadd.s32 $0x100, s31;
	s0 =	sadd.s32 s0, s28  }
0x5d: {  	[hbm4b:s0+s2] =	stream.linear.scatter [tilespmem:s29], [sflag:$0x3], $0x80, $0x38;
	[tilespmem:$0x11100] =	vst v63  }
0x5e: {  	s26 =	sadd.s32 s26, s9;
	s28 =	simm.s32 $0x1080  }
0x5f: {  	s29 =	simm.s32 $0x10;
	s30 =	simm.s32 $0x1180;
	s0 =	sadd.s32 $0x0, s26  }
.LBB2_5:
0x60: {  	[hbm4b:s0+s2] =	stream.linear.scatter [tilespmem:s28], [sflag:$0x3], $0x80, $0x38;
	[tilespmem:$0x11100] =	vst v63  }
0x61: {  	s0 =	smov.u32 s29;
	s28 =	smov.u32 s30;
	p0 =	sne.s32 s29, $0x7F0  }
.Ltmp3:
0x62: {  	s29 =	sadd.s32 $0x10, s29;
	(pc) =	sbr.rel @p0 .LBB2_5-.Ltmp3, $2  }
0x63: {  	_ =	sdelay $0x2  }
0x64: {  	s30 =	sadd.s32 $0x100, s30;
	s0 =	sadd.s32 s0, s26  }
0x65: {  	[hbm4b:s0+s2] =	stream.linear.scatter [tilespmem:s28], [sflag:$0x3], $0x80, $0x38;
	[tilespmem:$0x11100] =	vst v63  }
0x66: {  	p0 =	seq.s32 s24, $0x5  }
0x67: {  	s0 =	simm.s32 @!p0 $0x3  }
0x68: {  	_ =	swait.ge @!p0 [sflag:s0], $0x4000  }
0x69: {  	[sflag:s0] =	ssyncset.done @!p0 $0x0  }
0x6a: {  	[sflag:s0] =	ssyncadd.s32 @!p0 $0xFFFFC000  }
0x6b: {  	s26 =	sadd.s32 @!p0 s24, s10;
	_ =	swait.ge @!p0 [sflag:s0], $0x4000  }
0x6c: {  	s26 =	sshll.u32 @!p0 s26, $0x7;
	[sflag:s0] =	ssyncset.done @!p0 $0x0  }
0x6d: {  	[sflag:s0] =	ssyncadd.s32 @!p0 $0xFFFFC000;
	s0 =	sand.u32 @!p0 $0x3FFFFF80, s26  }
0x6e: {  	v2 =	vld @!p0 [tilespmem:s0+$0x0];
	_ =	sdelay $0x4  }
0x6f: {  	v2 =	vadd.s32 @!p0 v0, v2  }
0x70: {  	[tilespmem:$0x11000] =	vst @!p0 v2  }
0x71: {  	v2 =	vld @!p0 [tilespmem:s0+$0x10];
	_ =	sdelay $0x4  }
0x72: {  	v2 =	vadd.s32 @!p0 v0, v2  }
0x73: {  	[tilespmem:$0x11010] =	vst @!p0 v2  }
0x74: {  	v2 =	vld @!p0 [tilespmem:s0+$0x20];
	_ =	sdelay $0x4  }
0x75: {  	v2 =	vadd.s32 @!p0 v0, v2  }
0x76: {  	[tilespmem:$0x11020] =	vst @!p0 v2  }
0x77: {  	v2 =	vld @!p0 [tilespmem:s0+$0x30];
	_ =	sdelay $0x4  }
0x78: {  	v2 =	vadd.s32 @!p0 v0, v2  }
0x79: {  	[tilespmem:$0x11030] =	vst @!p0 v2  }
0x7a: {  	v2 =	vld @!p0 [tilespmem:s0+$0x40];
	_ =	sdelay $0x4  }
0x7b: {  	v2 =	vadd.s32 @!p0 v0, v2  }
0x7c: {  	[tilespmem:$0x11040] =	vst @!p0 v2  }
0x7d: {  	v2 =	vld @!p0 [tilespmem:s0+$0x50];
	_ =	sdelay $0x4  }
0x7e: {  	v2 =	vadd.s32 @!p0 v0, v2  }
0x7f: {  	[tilespmem:$0x11050] =	vst @!p0 v2  }
0x80: {  	v2 =	vld @!p0 [tilespmem:s0+$0x60];
	_ =	sdelay $0x4  }
0x81: {  	v2 =	vadd.s32 @!p0 v0, v2  }
0x82: {  	[tilespmem:$0x11060] =	vst @!p0 v2  }
0x83: {  	v2 =	vld @!p0 [tilespmem:s0+$0x70];
	_ =	sdelay $0x4  }
0x84: {  	s31 =	sor.u32 s11, s25;
	v2 =	vadd.s32 @!p0 v0, v2  }
0x85: {  	s28 =	simm.s32 @!p0 $0x1000;
	s26 =	simm.s32 @!p0 $0x11000;
	s0 =	simm.s32 @!p0 $0x80;
	[tilespmem:$0x11070] =	vst @!p0 v2  }
0x86: {  	[tilespmem:s28], [sflag:$0x1] =	stream.indirect.gather @!p0 [hbm4b:s3+s0], $0x100, s26, s0, $0xb8;
	[tilespmem:$0x11100] =	vst v63  }
0x87: {  	s29 =	simm.s32 $0x10;
	s25 =	sshrl.u32 s31, $0x3;
	_ =	swait.ge [sflag:s20], $0x8000  }
0x88: {  	s30 =	simm.s32 $0x9100;
	s26 =	sadd.s32 s4, s25;
	[sflag:s20] =	ssyncset.done $0x0  }
0x89: {  	s28 =	simm.s32 $0x9000;
	s0 =	sadd.s32 $0x0, s26;
	[sflag:s20] =	ssyncadd.s32 $0xFFFF8000  }
.LBB2_7:
0x8a: {  	[hbm4b:s0+s2] =	stream.linear.scatter [tilespmem:s28], [sflag:$0x4], $0x80, $0x38;
	[tilespmem:$0x11100] =	vst v63  }
0x8b: {  	s0 =	smov.u32 s29;
	s28 =	smov.u32 s30;
	p1 =	sne.s32 s29, $0x7F0  }
.Ltmp4:
0x8c: {  	s29 =	sadd.s32 $0x10, s29;
	(pc) =	sbr.rel @p1 .LBB2_7-.Ltmp4, $2  }
0x8d: {  	_ =	sdelay $0x2  }
0x8e: {  	s30 =	sadd.s32 $0x100, s30;
	s0 =	sadd.s32 s0, s26  }
0x8f: {  	[hbm4b:s0+s2] =	stream.linear.scatter [tilespmem:s28], [sflag:$0x4], $0x80, $0x38;
	[tilespmem:$0x11100] =	vst v63  }
0x90: {  	s25 =	sadd.s32 s25, s9;
	s26 =	simm.s32 $0x9080  }
0x91: {  	s28 =	simm.s32 $0x10;
	s29 =	simm.s32 $0x9180;
	s0 =	sadd.s32 $0x0, s25  }
.LBB2_9:
0x92: {  	[hbm4b:s0+s2] =	stream.linear.scatter [tilespmem:s26], [sflag:$0x4], $0x80, $0x38;
	[tilespmem:$0x11100] =	vst v63  }
0x93: {  	s0 =	smov.u32 s28;
	s26 =	smov.u32 s29;
	p1 =	sne.s32 s28, $0x7F0  }
.Ltmp5:
0x94: {  	s28 =	sadd.s32 $0x10, s28;
	(pc) =	sbr.rel @p1 .LBB2_9-.Ltmp5, $2  }
0x95: {  	_ =	sdelay $0x2  }
0x96: {  	s29 =	sadd.s32 $0x100, s29;
	s0 =	sadd.s32 s0, s25  }
.Ltmp6:
0x97: {  	(pc) =	sbr.rel @p0 .LBB2_12-.Ltmp6, $2  }
0x98: {  	_ =	sdelay $0x2  }
0x99: {  	[hbm4b:s0+s2] =	stream.linear.scatter [tilespmem:s26], [sflag:$0x4], $0x80, $0x38;
	[tilespmem:$0x11100] =	vst v63  }
0x9a: {  	_ =	swait.ge [sflag:s22], $0x4000  }
0x9b: {  	[sflag:s22] =	ssyncset.done $0x0  }
0x9c: {  	[sflag:s22] =	ssyncadd.s32 $0xFFFFC000  }
0x9d: {  	s0 =	sadd.s32 s24, s10;
	_ =	swait.ge [sflag:s22], $0x4000  }
0x9e: {  	s0 =	sshll.u32 s0, $0x7;
	[sflag:s22] =	ssyncset.done $0x0  }
0x9f: {  	s0 =	sand.u32 $0x3FFFFF80, s0;
	[sflag:s22] =	ssyncadd.s32 $0xFFFFC000  }
0xa0: {  	v2 =	vld [tilespmem:s0+$0x0];
	_ =	sdelay $0x4  }
0xa1: {  	v2 =	vadd.s32 v1, v2  }
0xa2: {  	[tilespmem:$0x11080] =	vst v2  }
0xa3: {  	v2 =	vld [tilespmem:s0+$0x10];
	_ =	sdelay $0x4  }
0xa4: {  	v2 =	vadd.s32 v1, v2  }
0xa5: {  	[tilespmem:$0x11090] =	vst v2  }
0xa6: {  	v2 =	vld [tilespmem:s0+$0x20];
	_ =	sdelay $0x4  }
0xa7: {  	v2 =	vadd.s32 v1, v2  }
0xa8: {  	[tilespmem:$0x110A0] =	vst v2  }
0xa9: {  	v2 =	vld [tilespmem:s0+$0x30];
	_ =	sdelay $0x4  }
0xaa: {  	v2 =	vadd.s32 v1, v2  }
0xab: {  	[tilespmem:$0x110B0] =	vst v2  }
0xac: {  	v2 =	vld [tilespmem:s0+$0x40];
	_ =	sdelay $0x4  }
0xad: {  	v2 =	vadd.s32 v1, v2  }
0xae: {  	[tilespmem:$0x110C0] =	vst v2  }
0xaf: {  	v2 =	vld [tilespmem:s0+$0x50];
	_ =	sdelay $0x4  }
0xb0: {  	v2 =	vadd.s32 v1, v2  }
0xb1: {  	[tilespmem:$0x110D0] =	vst v2  }
0xb2: {  	v2 =	vld [tilespmem:s0+$0x60];
	_ =	sdelay $0x4  }
0xb3: {  	v2 =	vadd.s32 v1, v2  }
0xb4: {  	[tilespmem:$0x110E0] =	vst v2  }
0xb5: {  	v2 =	vld [tilespmem:s0+$0x70];
	_ =	sdelay $0x2  }
.Ltmp7:
0xb6: {  	_ = 	snop;
	(pc) =	sbr.rel .LBB2_2-.Ltmp7, $4  }
0xb7: {  	_ = 	snop  }
0xb8: {  	v2 =	vadd.s32 v1, v2  }
0xb9: {  	s24 =	sadd.s32 $0x1, s24;
	[tilespmem:$0x110F0] =	vst v2  }
0xba: {  	[tilespmem:s18], [sflag:$0x2] =	stream.indirect.gather [hbm4b:s3+s14], $0x100, s17, s14, $0xb8;
	[tilespmem:$0x11100] =	vst v63  }
.LBB2_13:
0xbb: {  	_ =	sfence.sel $0x180000  }
0xbc: {  	[bflag:$0x0] =	sbarrier.arrive $0xFFFF  }
0xbd: {  	_ =	strace $0x9000004D  }
0xbe: {  	[bflag:$0x2] =	sbarrier.arrive $0xFFFF  }
0xbf: {  	p0 =	sne.s32 s1, $0x0;
	s0 =	rddreg [dreg:$0x1]  }
0xc0: {  	s0 =	sadd.s32 @!p0 $0x100000, s0  }
0xc1: {  	[sflag:s0] =	ssyncadd.tile.s32 @!p0 $0x1;
	_ =	shalt  }
.Lfunc_end2:
_tile_overlayer_lowered:
.L_overlay_start_2:
0xc2: {  	(tag) =	ssettag $0x2  }
0xc3: {  	s0 =	rddreg [dreg:$0x0];
	s2 =	stileid.u32  }
0xc4: {  	s1 =	rddreg [dreg:$0x1];
	p0 =	sne.s32 s2, $0x0  }
0xc5: {  	s3 =	rddreg [dreg:$0x2];
	[bflag:$0x3] =	sbarrier.arrive $0xFFFF;
	s2 =	simm.s32 @!p0 $0x1C05  }
0xc6: {  	[timem:s3], [sflag:s2] =	dma.local @!p0 [hbm:s0], s1  }
0xc7: {  	s0 =	simm.s32 @!p0 $0x5  }
0xc8: {  	_ =	swait.ge @!p0 [sflag:s0], s1  }
0xc9: {  	s1 =	ssub.s32 @!p0 $0x0, s1;
	[sflag:s0] =	ssyncset.done @!p0 $0x0  }
0xca: {  	[sflag:s0] =	ssyncadd.s32 @!p0 s1  }
0xcb: {  	[bflag:$0x3] =	sbarrier.arrive $0xFFFF  }
0xcc: {  	_ =	shalt  }

// kernel: kernel.19.cloned.1.call-start
scs
__scs_entry_jumppad:
0x0: {  	(pc) =	sbr.rel $0x88, $3  }
0x1: {  	(tag) =	ssettag $0x0;
	lr =	simm.s32 $0x1  }
0x2: {  	[smem:$0x3F9F] =	sst lr;
	_ =	strace $0xD0000000  }
0x3: {  	_ = 	snop  }
0x4: {  	_ = 	snop  }
0x5: {  	_ = 	snop  }
0x6: {  	_ = 	snop  }
0x7: {  	_ = 	snop  }
__scs_overlays_trampoline_lowered:
0x8: {  	[smem:$0x3FAE] =	sst s0  }
0x9: {  	[smem:$0x3FAF] =	sst s1  }
0xa: {  	[smem:$0x3FB0] =	sst s2  }
0xb: {  	[smem:$0x3FB1] =	sst s3  }
0xc: {  	[smem:$0x3FB2] =	sst s4  }
0xd: {  	[smem:$0x3FB3] =	sst s5  }
0xe: {  	[smem:$0x3FB4] =	sst s6  }
0xf: {  	[smem:$0x3FB5] =	sst s7  }
0x10: {  	[smem:$0x3FB6] =	sst s8  }
0x11: {  	[smem:$0x3FB7] =	sst s9;
	s0 =	simm.s32 @!p0 $0x0  }
0x12: {  	s1 =	sld [smem:$0x3F9D];
	s0 =	simm.s32 @p0 $0x1  }
0x13: {  	[smem:$0x3FB8] =	sst s0;
	s0 =	simm.s32 @!p1 $0x0  }
0x14: {  	s2 =	sld [smem:$0x3F9C];
	s0 =	simm.s32 @p1 $0x1  }
0x15: {  	[smem:$0x3FB9] =	sst s0;
	s0 =	simm.s32 @!p2 $0x0  }
0x16: {  	s3 =	sld [smem:$0x3FDB];
	s0 =	simm.s32 @p2 $0x1  }
0x17: {  	s4 =	simm.s32 $0x1BF5;
	[smem:$0x3FBB] =	sst s0  }
0x18: {  	s0 =	sld [smem:$0x3F9E];
	_ =	swait.ge [sflag:s4], $0x0  }
0x19: {  	s7 =	sld [smem:$0x3F9F]  }
0x1a: {  	s8 =	sadd.s32 $0xFFFFE003, lr  }
0x1b: {  	s9 =	sadd.s32 $0xFFFFFEF7, lr;
	s5 =	simm.s32 $0xFFFFFFFF;
	p2 =	slt.u32 s8, $0xFFFFF086  }
0x1c: {  	p1 =	slt.u32 s9, $0xF7A;
	s5 =	simm.s32 @!p2 $0x0  }
0x1d: {  	s5 =	simm.s32 @p1 $0x1;
	p0 =	seq.s32 s7, s2  }
0x1e: {  	s7 =	smul.u32 @!p0 $0xF7A, s2;
	p2 =	seq.s32 @!p0 s5, $0x0  }
0x1f: {  	s9 =	smul.u32 $0xF7A, s1;
	s8 =	simm.s32 @!p0 $0x1BF5;
	p2 =	por !p2, p0  }
0x20: {  	[sflag:s8] =	ssyncset.s32 @!p0 $0xFFFFF086;
	s6 =	sadd.s32 @!p0 s3, s7;
	s7 =	simm.s32 @!p0 $0x108  }
0x21: {  	s3 =	sadd.s32 s3, s9;
	s6 =	sadd.s32 @!p0 $0x88, s6;
	s7 =	simm.s32 @p2 $0x1082  }
0x22: {  	[simem:s7], [sflag:s8] =	dma.local @!p0 [hbm:s6], $0xF7A  }
0x23: {  	s9 =	sor.u32 $0xD0000000, s2;
	s6 =	simm.s32 $0x108;
	_ =	swait.ge @!p0 [sflag:s8], $0x0  }
0x24: {  	s3 =	sadd.s32 $0x88, s3;
	s6 =	simm.s32 @!p1 $0x1082;
	[sflag:s4] =	ssyncset.s32 $0xFFFFF086  }
0x25: {  	[simem:s6], [sflag:s4] =	dma.local [hbm:s3], $0xF7A  }
0x26: {  	[smem:$0x3F9F] =	sst s1;
	(tag) =	ssettag s2;
	_ =	strace s9  }
0x27: {  	s1 =	sld [smem:$0x3FAF]  }
0x28: {  	s2 =	sld [smem:$0x3FB0]  }
0x29: {  	s4 =	sld [smem:$0x3FB2]  }
0x2a: {  	p0 =	seq.s32 s5, $0x0;
	s5 =	sld [smem:$0x3FB3]  }
0x2b: {  	s6 =	sld [smem:$0x3FB4]  }
0x2c: {  	s7 =	sld [smem:$0x3FB5]  }
0x2d: {  	s3 =	simm.s32 $0x108;
	s8 =	sld [smem:$0x3FB6]  }
0x2e: {  	s3 =	simm.s32 @!p0 $0x1082;
	s9 =	sld [smem:$0x3FB7]  }
0x2f: {  	lr =	sadd.s32 s0, s3;
	s0 =	sld [smem:$0x3FAE]  }
0x30: {  	s3 =	sld [smem:$0x3FB1]  }
0x31: {  	[smem:$0x3FBA] =	sst s10  }
0x32: {  	s10 =	sld [smem:$0x3FB8];
	_ =	sdelay $0x3  }
0x33: {  	p0 =	seq.s32 s10, $0x1;
	s10 =	sld [smem:$0x3FBA];
	_ =	sdelay $0x3  }
0x34: {  	[smem:$0x3FBA] =	sst s10  }
0x35: {  	s10 =	sld [smem:$0x3FB9];
	_ =	sdelay $0x3  }
0x36: {  	p1 =	seq.s32 s10, $0x1;
	s10 =	sld [smem:$0x3FBA];
	_ =	sdelay $0x3  }
0x37: {  	[smem:$0x3FBA] =	sst s10  }
0x38: {  	s10 =	sld [smem:$0x3FBB]  }
0x39: {  	_ = 	snop;
	(pc) =	sbr.ind lr, $3  }
0x3a: {  	_ = 	snop  }
0x3b: {  	_ = 	snop  }
0x3c: {  	p2 =	seq.s32 s10, $0x1;
	s10 =	sld [smem:$0x3FBA]  }
0x3d: {  	_ =	shalt  }
0x3e: {  	_ =	shalt  }
0x3f: {  	_ =	shalt  }
0x40: {  	_ =	shalt  }
0x41: {  	_ =	shalt  }
0x42: {  	_ =	shalt  }
0x43: {  	_ =	shalt  }
0x44: {  	_ =	shalt  }
0x45: {  	_ =	shalt  }
0x46: {  	_ =	shalt  }
0x47: {  	_ =	shalt  }
0x48: {  	_ =	shalt  }
0x49: {  	_ =	shalt  }
0x4a: {  	_ =	shalt  }
0x4b: {  	_ =	shalt  }
0x4c: {  	_ =	shalt  }
0x4d: {  	_ =	shalt  }
0x4e: {  	_ =	shalt  }
0x4f: {  	_ =	shalt  }
0x50: {  	_ =	shalt  }
0x51: {  	_ =	shalt  }
0x52: {  	_ =	shalt  }
0x53: {  	_ =	shalt  }
0x54: {  	_ =	shalt  }
0x55: {  	_ =	shalt  }
0x56: {  	_ =	shalt  }
0x57: {  	_ =	shalt  }
0x58: {  	_ =	shalt  }
0x59: {  	_ =	shalt  }
0x5a: {  	_ =	shalt  }
0x5b: {  	_ =	shalt  }
0x5c: {  	_ =	shalt  }
0x5d: {  	_ =	shalt  }
0x5e: {  	_ =	shalt  }
0x5f: {  	_ =	shalt  }
0x60: {  	_ =	shalt  }
0x61: {  	_ =	shalt  }
0x62: {  	_ =	shalt  }
0x63: {  	_ =	shalt  }
0x64: {  	_ =	shalt  }
0x65: {  	_ =	shalt  }
0x66: {  	_ =	shalt  }
0x67: {  	_ =	shalt  }
0x68: {  	_ =	shalt  }
0x69: {  	_ =	shalt  }
0x6a: {  	_ =	shalt  }
0x6b: {  	_ =	shalt  }
0x6c: {  	_ =	shalt  }
0x6d: {  	_ =	shalt  }
0x6e: {  	_ =	shalt  }
0x6f: {  	_ =	shalt  }
0x70: {  	_ =	shalt  }
0x71: {  	_ =	shalt  }
0x72: {  	_ =	shalt  }
0x73: {  	_ =	shalt  }
0x74: {  	_ =	shalt  }
0x75: {  	_ =	shalt  }
0x76: {  	_ =	shalt  }
0x77: {  	_ =	shalt  }
0x78: {  	_ =	shalt  }
0x79: {  	_ =	shalt  }
0x7a: {  	_ =	shalt  }
0x7b: {  	_ =	shalt  }
0x7c: {  	_ =	shalt  }
0x7d: {  	_ =	shalt  }
0x7e: {  	_ =	shalt  }
0x7f: {  	_ =	shalt  }
0x80: {  	_ =	shalt  }
0x81: {  	_ =	shalt  }
0x82: {  	_ =	shalt  }
0x83: {  	_ =	shalt  }
0x84: {  	_ =	shalt  }
0x85: {  	_ =	shalt  }
0x86: {  	_ =	shalt  }
0x87: {  	_ =	shalt  }
.Lfunc_end0:
.L_simem_size_0:
called_computation.3_lowered:
.L_overlay_start_0:
0x88: {  	s2 =	sld [smem:$0x3FD9]  }
0x89: {  	s3 =	sld [smem:$0x3FFE];
	_ =	sdelay $0x1  }
0x8a: {  	s1 =	srdreg.scid  }
0x8b: {  	s0 =	sand.u32 $0x1, s1  }
0x8c: {  	s17 =	sshll.u32 s0, $0xA;
	s2 =	sadd.s32 s3, s2  }
0x8d: {  	s2 =	sadd.s32 s2, s17  }
0x8e: {  	[smem:$0x3FC6] =	sst s2  }
0x8f: {  	_ = 	snop  }
0x90: {  	(tm) =	ssettm $0x1  }
0x91: {  	s18 =	sld [smem:$0x3FFB];
	_ =	sdelay $0x3  }
0x92: {  	_ =	strace s18  }
0x93: {  	s2 =	sld [smem:$0x3FFC];
	_ =	sdelay $0x3  }
0x94: {  	_ =	strace s2  }
0x95: {  	s2 =	sld [smem:$0x3FFD];
	_ =	sdelay $0x3  }
0x96: {  	_ =	strace s2  }
0x97: {  	_ =	strace $0x8FFFFFFF  }
0x98: {  	s19 =	sld [smem:$0x3FDB];
	_ =	sdelay $0x1  }
0x99: {  	s20 =	simm.s32 $_scs_section_size  }
0x9a: {  	s4 =	simm.s32 $_size__tile_overlayer_lowered;
	s5 =	simm.s32 $_tile_overlayer_lowered  }
0x9b: {  	s6 =	simm.s32 $0x1BFF;
	s21 =	sshll.u32 s5, $0x1;
	s3 =	sadd.s32 s20, s19  }
0x9c: {  	s22 =	simm.s32 $0x0;
	s4 =	sshll.u32 s4, $0x1;
	s5 =	sadd.s32 s21, s3  }
0x9d: {  	[timem:s22], [sflag:s6] =	dma.local [hbm:s5], s4  }
0x9e: {  	_ =	swait.ge [sflag:s6], s4  }
0x9f: {  	s4 =	ssub.s32 $0x0, s4;
	[sflag:s6] =	ssyncset.done $0x0  }
0xa0: {  	[sflag:s6] =	ssyncadd.s32 s4;
	_ =	sdelay $0x1  }
0xa1: {  	s23 =	simm.s32 $0x1B8B  }
0xa2: {  	_ =	swait.ge [sflag:s23], $0x1  }
0xa3: {  	[sflag:s23] =	ssyncset.done $0x0  }
0xa4: {  	[sflag:s23] =	ssyncadd.s32 $0xFFFFFFFF  }
0xa5: {  	s4 =	sld [smem:$0x0]  }
0xa6: {  	s5 =	sand.u32 $0xFFFFFFFE, s1  }
0xa7: {  	p0 =	sne.s32 s1, s5  }
0xa8: {  	s5 =	sshll.u32 @p0 s5, $0xE  }
0xa9: {  	s5 =	sadd.s32 @p0 $0x11B8D, s5;
	s6 =	sshll.u32 @p0 s4, $0x11  }
0xaa: {  	s5 =	sor.u32 @p0 s6, s5  }
0xab: {  	[sflag:s5] =	ssyncadd.remote.s32 @p0 $0x1;
	_ =	sdelay $0x1  }
0xac: {  	s5 =	simm.s32 @p0 $0x1B8D  }
0xad: {  	_ =	swait.eq @p0 [sflag:s5], $0x1  }
0xae: {  	[sflag:s5] =	ssyncadd.s32 @p0 $0xFFFFFFFF  }
0xaf: {  	s6 =	sshll.u32 @!p0 s1, $0xE  }
0xb0: {  	s6 =	sor.u32 @!p0 $0x4000, s6;
	s5 =	simm.s32 @!p0 $0x1B8D  }
0xb1: {  	s4 =	sshll.u32 @!p0 s4, $0x11;
	s6 =	sadd.s32 @!p0 $0x11B8D, s6;
	_ =	swait.eq @!p0 [sflag:s5], $0x1  }
0xb2: {  	s4 =	sor.u32 @!p0 s4, s6;
	[sflag:s5] =	ssyncadd.s32 @!p0 $0xFFFFFFFF  }
0xb3: {  	s25 =	simm.s32 $0x1B8E;
	s24 =	sld [smem:$0x3FFE];
	[sflag:s4] =	ssyncadd.remote.s32 @!p0 $0x1  }
0xb4: {  	s26 =	simm.s32 $execute0_lowered;
	[smem:$0x3FD2] =	sst s25  }
0xb5: {  	s5 =	sshll.u32 s26, $0x1;
	_ =	strace $0x8000004F;
	[dreg:$0x1] =	wrdreg $0xFFFFFFFF  }
0xb6: {  	s28 =	simm.s32 $_size_execute0_lowered;
	s3 =	sadd.s32 s3, s5;
	[dreg:$0x0] =	wrdreg $0x0  }
0xb7: {  	s5 =	sshll.u32 s28, $0x1;
	[dreg:$0x2] =	wrdreg s3  }
0xb8: {  	[dreg:$0x3] =	wrdreg s5  }
0xb9: {  	[dreg:$0x4] =	wrdreg $0xC0  }
0xba: {  	_ =	task [dreg:s22], $0x5FFFF  }
0xbb: {  	[dreg:$0x1] =	wrdreg $0xFFFFFFFF  }
0xbc: {  	[dreg:$0x0] =	wrdreg $0x60  }
0xbd: {  	[dreg:$0x2] =	wrdreg s24  }
0xbe: {  	[dreg:$0x3] =	wrdreg $0xC  }
0xbf: {  	_ =	task.clear_ibuf [dreg:s22], $0x4FFFF;
	_ =	strace $0x9000004F  }
0xc0: {  	s29 =	simm.s32 $0xC;
	_ =	strace $0x80000051  }
0xc1: {  	_ =	swait.ge [sflag:s29], $0x1  }
0xc2: {  	[sflag:s29] =	ssyncadd.s32 $0xFFFFFFFF  }
0xc3: {  	_ =	strace $0x90000051  }
0xc4: {  	_ =	sfence  }
0xc5: {  	s30 =	sld [smem:$0x0];
	_ =	sdelay $0x2  }
0xc6: {  	s31 =	sshll.u32 s1, $0xD;
	s1 =	sshrl.u32 s1, $0x2  }
0xc7: {  	s4 =	sand.u32 $0x4000, s31;
	s1 =	sadd.s32 s1, s30  }
0xc8: {  	s0 =	sor.u32 s4, s0;
	s1 =	sshll.u32 s1, $0x11  }
0xc9: {  	s0 =	sor.u32 s1, s0  }
0xca: {  	s0 =	sadd.s32 $0x8F2B, s0  }
0xcb: {  	[sflag:s0] =	ssyncadd.remote.s32 $0x1  }
0xcc: {  	_ =	sfence.sel $0xFFFF  }
0xcd: {  	[dreg:$0x0] =	wrdreg $0xFFFFFFFF;
	(pc) =	sbr.abs _section_cstart, $3  }
0xce: {  	[dreg:$0x1] =	wrdreg $0xFFFFFFFF  }
0xcf: {  	_ =	task.clear_ibuf [dreg:s22], $0x2FFFF;
	_ =	strace $0x9FFFFFFF  }
0xd0: {  	(tm) =	ssettm $0x7FFFFFFF  }
0xd1: {  	_ =	shalt  }
tec
execute0_lowered:
.L_overlay_start_1:
0x0: {  	(tag) =	ssettag $0x1  }
0x1: {  	s0 =	stileid.u32;
	s28 =	rddreg [dreg:$0x0];
	s3 =	simm.s32 $0x0  }
0x2: {  	s7 =	srdreg.scid;
	s15 =	simm.s32 $0x11000;
	s16 =	simm.s32 $0x1000  }
0x3: {  	s17 =	simm.s32 $0x11080;
	s18 =	simm.s32 $0x9000;
	s19 =	simm.s32 $0x1  }
0x4: {  	s20 =	simm.s32 $0x2;
	s23 =	simm.s32 $0x0;
	s1 =	sshrl.u32 s0, $0x3  }
0x5: {  	s8 =	sand.u32 $0x7, s0;
	[smem:$0x7FF] =	sst s3;
	s2 =	smul.u32 $0x7, s1  }
0x6: {  	s9 =	sand.u32 $0x1, s7;
	s4 =	smul.u32 $0x1C00, s8;
	_ =	strace $0x80000050  }
0x7: {  	s7 =	ssub.s32 $0x2, s9;
	s21 =	smul.u32 $0x7D0, s9;
	s30 =	sshllo.u32 s9, $0x1  }
0x8: {  	s13 =	sshll.u32 s8, $0x11;
	s31 =	sshll.u32 s9, $0x10;
	s9 =	sadd.s32 $0x4A2800, s28  }
0x9: {  	s11 =	sshrl.u32 s7, $0x1;
	s22 =	smul.u32 $0x3E8, s30;
	s8 =	sor.u32 s13, s31  }
0xa: {  	s14 =	sshll.u32 s30, $0xF;
	s6 =	sadd.s32 $0x24, s2;
	s12 =	ssub.s32 s7, s11  }
0xb: {  	s11 =	sor.u32 s13, s14;
	s13 =	simm.s32 $0x5;
	s5 =	sshll.u32 s6, $0x7  }
.Ltmp0:
0xc: {  	s14 =	simm.s32 $0x80;
	s5 =	sand.u32 $0x1400, s5;
	(pc) =	sbr.rel .LBB2_1-.Ltmp0, $4  }
0xd: {  	v0 =	vmov s21;
	s21 =	simm.s32 $0x3;
	s29 =	sand.u32 $0x7, s6;
	s4 =	sadd.s32 s4, s5  }
0xe: {  	s12 =	smax.u32 s12, $0x1;
	v1 =	vmov s22;
	s22 =	simm.s32 $0x4;
	s4 =	sshrl.u32 s4, $0x3  }
0xf: {  	s7 =	sshll.u32 s29, $0x7;
	s5 =	sadd.s32 $0x4A2000, s28;
	s10 =	sadd.s32 s4, s28  }
0x10: {  	s4 =	sadd.s32 $0x1000, s28;
	s6 =	sadd.s32 $0x20400, s10;
	s10 =	sadd.s32 $0x1, s29  }
.LBB2_12:
0x11: {  	_ =	swait.ge [sflag:s21], $0x4000  }
0x12: {  	[sflag:s21] =	ssyncset.done $0x0  }
0x13: {  	[sflag:s21] =	ssyncadd.s32 $0xFFFFC000  }
0x14: {  	_ =	swait.ge [sflag:s21], $0x4000  }
0x15: {  	[sflag:s21] =	ssyncset.done $0x0  }
0x16: {  	s23 =	sadd.s32 $0x1, s23;
	[sflag:s21] =	ssyncadd.s32 $0xFFFFC000  }
0x17: {  	p0 =	sne.s32 s23, s12;
	_ =	swait.ge [sflag:s22], $0x4000  }
.Ltmp1:
0x18: {  	[sflag:s22] =	ssyncset.done $0x0;
	(pc) =	sbr.rel @!p0 .LBB2_13-.Ltmp1, $4  }
0x19: {  	[sflag:s22] =	ssyncadd.s32 $0xFFFFC000  }
0x1a: {  	_ =	swait.ge [sflag:s22], $0x4000  }
0x1b: {  	[sflag:s22] =	ssyncset.done $0x0  }
0x1c: {  	[sflag:s22] =	ssyncadd.s32 $0xFFFFC000  }
.LBB2_1:
0x1d: {  	[tilespmem:s3], [sflag:$0x5] =	stream.linear.gather [hbm4b:s6+s3], $0x1000, $0x38;
	[tilespmem:$0x11100] =	vst v63  }
0x1e: {  	_ =	swait.ge [sflag:s13], $0x1000  }
0x1f: {  	[sflag:s13] =	ssyncset.done $0x0  }
0x20: {  	[sflag:s13] =	ssyncadd.s32 $0xFFFFF000  }
0x21: {  	v2 =	vld [tilespmem:s7+$0x0];
	_ =	sdelay $0x4  }
0x22: {  	v2 =	vadd.s32 v0, v2  }
0x23: {  	[tilespmem:$0x11000] =	vst v2  }
0x24: {  	v2 =	vld [tilespmem:s7+$0x10];
	_ =	sdelay $0x4  }
0x25: {  	v2 =	vadd.s32 v0, v2  }
0x26: {  	[tilespmem:$0x11010] =	vst v2  }
0x27: {  	v2 =	vld [tilespmem:s7+$0x20];
	_ =	sdelay $0x4  }
0x28: {  	v2 =	vadd.s32 v0, v2  }
0x29: {  	[tilespmem:$0x11020] =	vst v2  }
0x2a: {  	v2 =	vld [tilespmem:s7+$0x30];
	_ =	sdelay $0x4  }
0x2b: {  	v2 =	vadd.s32 v0, v2  }
0x2c: {  	[tilespmem:$0x11030] =	vst v2  }
0x2d: {  	v2 =	vld [tilespmem:s7+$0x40];
	_ =	sdelay $0x4  }
0x2e: {  	v2 =	vadd.s32 v0, v2  }
0x2f: {  	[tilespmem:$0x11040] =	vst v2  }
0x30: {  	v2 =	vld [tilespmem:s7+$0x50];
	_ =	sdelay $0x4  }
0x31: {  	v2 =	vadd.s32 v0, v2  }
0x32: {  	[tilespmem:$0x11050] =	vst v2  }
0x33: {  	v2 =	vld [tilespmem:s7+$0x60];
	_ =	sdelay $0x4  }
0x34: {  	v2 =	vadd.s32 v0, v2  }
0x35: {  	[tilespmem:$0x11060] =	vst v2  }
0x36: {  	v2 =	vld [tilespmem:s7+$0x70];
	_ =	sdelay $0x4  }
0x37: {  	v2 =	vadd.s32 v0, v2  }
0x38: {  	[tilespmem:$0x11070] =	vst v2  }
0x39: {  	[tilespmem:s16], [sflag:$0x1] =	stream.indirect.gather [hbm4b:s4+s14], $0x100, s15, s14, $0xb8;
	[tilespmem:$0x11100] =	vst v63  }
0x3a: {  	v2 =	vld [tilespmem:s7+$0x0];
	_ =	sdelay $0x4  }
0x3b: {  	v2 =	vadd.s32 v1, v2  }
0x3c: {  	[tilespmem:$0x11080] =	vst v2  }
0x3d: {  	v2 =	vld [tilespmem:s7+$0x10];
	_ =	sdelay $0x4  }
0x3e: {  	v2 =	vadd.s32 v1, v2  }
0x3f: {  	[tilespmem:$0x11090] =	vst v2  }
0x40: {  	v2 =	vld [tilespmem:s7+$0x20];
	_ =	sdelay $0x4  }
0x41: {  	v2 =	vadd.s32 v1, v2  }
0x42: {  	[tilespmem:$0x110A0] =	vst v2  }
0x43: {  	v2 =	vld [tilespmem:s7+$0x30];
	_ =	sdelay $0x4  }
0x44: {  	v2 =	vadd.s32 v1, v2  }
0x45: {  	[tilespmem:$0x110B0] =	vst v2  }
0x46: {  	v2 =	vld [tilespmem:s7+$0x40];
	_ =	sdelay $0x4  }
0x47: {  	v2 =	vadd.s32 v1, v2  }
0x48: {  	[tilespmem:$0x110C0] =	vst v2  }
0x49: {  	v2 =	vld [tilespmem:s7+$0x50];
	_ =	sdelay $0x4  }
0x4a: {  	v2 =	vadd.s32 v1, v2  }
0x4b: {  	[tilespmem:$0x110D0] =	vst v2  }
0x4c: {  	v2 =	vld [tilespmem:s7+$0x60];
	_ =	sdelay $0x4  }
0x4d: {  	v2 =	vadd.s32 v1, v2  }
0x4e: {  	[tilespmem:$0x110E0] =	vst v2  }
0x4f: {  	v2 =	vld [tilespmem:s7+$0x70];
	_ =	sdelay $0x4  }
0x50: {  	v2 =	vadd.s32 v1, v2  }
0x51: {  	s24 =	simm.s32 $0x0;
	[tilespmem:$0x110F0] =	vst v2  }
0x52: {  	[tilespmem:s18], [sflag:$0x2] =	stream.indirect.gather [hbm4b:s4+s14], $0x100, s17, s14, $0xb8;
	[tilespmem:$0x11100] =	vst v63  }
.LBB2_2:
0x53: {  	s1 =	sadd.s32 s2, s24  }
0x54: {  	s25 =	sshll.u32 s1, $0x14  }
0x55: {  	s1 =	sor.u32 s8, s25  }
0x56: {  	_ =	swait.ge [sflag:s19], $0x8000;
	s29 =	simm.s32 $0x1000;
	s26 =	sshrl.u32 s1, $0x3  }
0x57: {  	s30 =	simm.s32 $0x10;
	[sflag:s19] =	ssyncset.done $0x0;
	s28 =	sadd.s32 s5, s26  }
0x58: {  	s31 =	simm.s32 $0x1100;
	[sflag:s19] =	ssyncadd.s32 $0xFFFF8000;
	s1 =	sadd.s32 $0x0, s28  }
.LBB2_3:
0x59: {  	[hbm4b:s1+s3] =	stream.linear.scatter [tilespmem:s29], [sflag:$0x3], $0x80, $0x38;
	[tilespmem:$0x11100] =	vst v63  }
0x5a: {  	s1 =	smov.u32 s30;
	s29 =	smov.u32 s31;
	p0 =	sne.s32 s30, $0x7F0  }
.Ltmp2:
0x5b: {  	s30 =	sadd.s32 $0x10, s30;
	(pc) =	sbr.rel @p0 .LBB2_3-.Ltmp2, $2  }
0x5c: {  	_ =	sdelay $0x2  }
0x5d: {  	s31 =	sadd.s32 $0x100, s31;
	s1 =	sadd.s32 s1, s28  }
0x5e: {  	[hbm4b:s1+s3] =	stream.linear.scatter [tilespmem:s29], [sflag:$0x3], $0x80, $0x38;
	[tilespmem:$0x11100] =	vst v63  }
0x5f: {  	s26 =	sadd.s32 s26, s9;
	s28 =	simm.s32 $0x1080  }
0x60: {  	s29 =	simm.s32 $0x10;
	s30 =	simm.s32 $0x1180;
	s1 =	sadd.s32 $0x0, s26  }
.LBB2_5:
0x61: {  	[hbm4b:s1+s3] =	stream.linear.scatter [tilespmem:s28], [sflag:$0x3], $0x80, $0x38;
	[tilespmem:$0x11100] =	vst v63  }
0x62: {  	s1 =	smov.u32 s29;
	s28 =	smov.u32 s30;
	p0 =	sne.s32 s29, $0x7F0  }
.Ltmp3:
0x63: {  	s29 =	sadd.s32 $0x10, s29;
	(pc) =	sbr.rel @p0 .LBB2_5-.Ltmp3, $2  }
0x64: {  	_ =	sdelay $0x2  }
0x65: {  	s30 =	sadd.s32 $0x100, s30;
	s1 =	sadd.s32 s1, s26  }
0x66: {  	[hbm4b:s1+s3] =	stream.linear.scatter [tilespmem:s28], [sflag:$0x3], $0x80, $0x38;
	[tilespmem:$0x11100] =	vst v63  }
0x67: {  	p0 =	seq.s32 s24, $0x6  }
0x68: {  	s1 =	simm.s32 @!p0 $0x3  }
0x69: {  	_ =	swait.ge @!p0 [sflag:s1], $0x4000  }
0x6a: {  	[sflag:s1] =	ssyncset.done @!p0 $0x0  }
0x6b: {  	[sflag:s1] =	ssyncadd.s32 @!p0 $0xFFFFC000  }
0x6c: {  	s26 =	sadd.s32 @!p0 s24, s10;
	_ =	swait.ge @!p0 [sflag:s1], $0x4000  }
0x6d: {  	s26 =	sshll.u32 @!p0 s26, $0x7;
	[sflag:s1] =	ssyncset.done @!p0 $0x0  }
0x6e: {  	[sflag:s1] =	ssyncadd.s32 @!p0 $0xFFFFC000;
	s1 =	sand.u32 @!p0 $0x3FFFFF80, s26  }
0x6f: {  	v2 =	vld @!p0 [tilespmem:s1+$0x0];
	_ =	sdelay $0x4  }
0x70: {  	v2 =	vadd.s32 @!p0 v0, v2  }
0x71: {  	[tilespmem:$0x11000] =	vst @!p0 v2  }
0x72: {  	v2 =	vld @!p0 [tilespmem:s1+$0x10];
	_ =	sdelay $0x4  }
0x73: {  	v2 =	vadd.s32 @!p0 v0, v2  }
0x74: {  	[tilespmem:$0x11010] =	vst @!p0 v2  }
0x75: {  	v2 =	vld @!p0 [tilespmem:s1+$0x20];
	_ =	sdelay $0x4  }
0x76: {  	v2 =	vadd.s32 @!p0 v0, v2  }
0x77: {  	[tilespmem:$0x11020] =	vst @!p0 v2  }
0x78: {  	v2 =	vld @!p0 [tilespmem:s1+$0x30];
	_ =	sdelay $0x4  }
0x79: {  	v2 =	vadd.s32 @!p0 v0, v2  }
0x7a: {  	[tilespmem:$0x11030] =	vst @!p0 v2  }
0x7b: {  	v2 =	vld @!p0 [tilespmem:s1+$0x40];
	_ =	sdelay $0x4  }
0x7c: {  	v2 =	vadd.s32 @!p0 v0, v2  }
0x7d: {  	[tilespmem:$0x11040] =	vst @!p0 v2  }
0x7e: {  	v2 =	vld @!p0 [tilespmem:s1+$0x50];
	_ =	sdelay $0x4  }
0x7f: {  	v2 =	vadd.s32 @!p0 v0, v2  }
0x80: {  	[tilespmem:$0x11050] =	vst @!p0 v2  }
0x81: {  	v2 =	vld @!p0 [tilespmem:s1+$0x60];
	_ =	sdelay $0x4  }
0x82: {  	v2 =	vadd.s32 @!p0 v0, v2  }
0x83: {  	[tilespmem:$0x11060] =	vst @!p0 v2  }
0x84: {  	v2 =	vld @!p0 [tilespmem:s1+$0x70];
	_ =	sdelay $0x4  }
0x85: {  	s31 =	sor.u32 s11, s25;
	v2 =	vadd.s32 @!p0 v0, v2  }
0x86: {  	s28 =	simm.s32 @!p0 $0x1000;
	s26 =	simm.s32 @!p0 $0x11000;
	s1 =	simm.s32 @!p0 $0x80;
	[tilespmem:$0x11070] =	vst @!p0 v2  }
0x87: {  	[tilespmem:s28], [sflag:$0x1] =	stream.indirect.gather @!p0 [hbm4b:s4+s1], $0x100, s26, s1, $0xb8;
	[tilespmem:$0x11100] =	vst v63  }
0x88: {  	s29 =	simm.s32 $0x10;
	s25 =	sshrl.u32 s31, $0x3;
	_ =	swait.ge [sflag:s20], $0x8000  }
0x89: {  	s30 =	simm.s32 $0x9100;
	s26 =	sadd.s32 s5, s25;
	[sflag:s20] =	ssyncset.done $0x0  }
0x8a: {  	s28 =	simm.s32 $0x9000;
	s1 =	sadd.s32 $0x0, s26;
	[sflag:s20] =	ssyncadd.s32 $0xFFFF8000  }
.LBB2_7:
0x8b: {  	[hbm4b:s1+s3] =	stream.linear.scatter [tilespmem:s28], [sflag:$0x4], $0x80, $0x38;
	[tilespmem:$0x11100] =	vst v63  }
0x8c: {  	s1 =	smov.u32 s29;
	s28 =	smov.u32 s30;
	p1 =	sne.s32 s29, $0x7F0  }
.Ltmp4:
0x8d: {  	s29 =	sadd.s32 $0x10, s29;
	(pc) =	sbr.rel @p1 .LBB2_7-.Ltmp4, $2  }
0x8e: {  	_ =	sdelay $0x2  }
0x8f: {  	s30 =	sadd.s32 $0x100, s30;
	s1 =	sadd.s32 s1, s26  }
0x90: {  	[hbm4b:s1+s3] =	stream.linear.scatter [tilespmem:s28], [sflag:$0x4], $0x80, $0x38;
	[tilespmem:$0x11100] =	vst v63  }
0x91: {  	s25 =	sadd.s32 s25, s9;
	s26 =	simm.s32 $0x9080  }
0x92: {  	s28 =	simm.s32 $0x10;
	s29 =	simm.s32 $0x9180;
	s1 =	sadd.s32 $0x0, s25  }
.LBB2_9:
0x93: {  	[hbm4b:s1+s3] =	stream.linear.scatter [tilespmem:s26], [sflag:$0x4], $0x80, $0x38;
	[tilespmem:$0x11100] =	vst v63  }
0x94: {  	s1 =	smov.u32 s28;
	s26 =	smov.u32 s29;
	p1 =	sne.s32 s28, $0x7F0  }
.Ltmp5:
0x95: {  	s28 =	sadd.s32 $0x10, s28;
	(pc) =	sbr.rel @p1 .LBB2_9-.Ltmp5, $2  }
0x96: {  	_ =	sdelay $0x2  }
0x97: {  	s29 =	sadd.s32 $0x100, s29;
	s1 =	sadd.s32 s1, s25  }
.Ltmp6:
0x98: {  	(pc) =	sbr.rel @p0 .LBB2_12-.Ltmp6, $2  }
0x99: {  	_ =	sdelay $0x2  }
0x9a: {  	[hbm4b:s1+s3] =	stream.linear.scatter [tilespmem:s26], [sflag:$0x4], $0x80, $0x38;
	[tilespmem:$0x11100] =	vst v63  }
0x9b: {  	_ =	swait.ge [sflag:s22], $0x4000  }
0x9c: {  	[sflag:s22] =	ssyncset.done $0x0  }
0x9d: {  	[sflag:s22] =	ssyncadd.s32 $0xFFFFC000  }
0x9e: {  	s1 =	sadd.s32 s24, s10;
	_ =	swait.ge [sflag:s22], $0x4000  }
0x9f: {  	s1 =	sshll.u32 s1, $0x7;
	[sflag:s22] =	ssyncset.done $0x0  }
0xa0: {  	s1 =	sand.u32 $0x3FFFFF80, s1;
	[sflag:s22] =	ssyncadd.s32 $0xFFFFC000  }
0xa1: {  	v2 =	vld [tilespmem:s1+$0x0];
	_ =	sdelay $0x4  }
0xa2: {  	v2 =	vadd.s32 v1, v2  }
0xa3: {  	[tilespmem:$0x11080] =	vst v2  }
0xa4: {  	v2 =	vld [tilespmem:s1+$0x10];
	_ =	sdelay $0x4  }
0xa5: {  	v2 =	vadd.s32 v1, v2  }
0xa6: {  	[tilespmem:$0x11090] =	vst v2  }
0xa7: {  	v2 =	vld [tilespmem:s1+$0x20];
	_ =	sdelay $0x4  }
0xa8: {  	v2 =	vadd.s32 v1, v2  }
0xa9: {  	[tilespmem:$0x110A0] =	vst v2  }
0xaa: {  	v2 =	vld [tilespmem:s1+$0x30];
	_ =	sdelay $0x4  }
0xab: {  	v2 =	vadd.s32 v1, v2  }
0xac: {  	[tilespmem:$0x110B0] =	vst v2  }
0xad: {  	v2 =	vld [tilespmem:s1+$0x40];
	_ =	sdelay $0x4  }
0xae: {  	v2 =	vadd.s32 v1, v2  }
0xaf: {  	[tilespmem:$0x110C0] =	vst v2  }
0xb0: {  	v2 =	vld [tilespmem:s1+$0x50];
	_ =	sdelay $0x4  }
0xb1: {  	v2 =	vadd.s32 v1, v2  }
0xb2: {  	[tilespmem:$0x110D0] =	vst v2  }
0xb3: {  	v2 =	vld [tilespmem:s1+$0x60];
	_ =	sdelay $0x4  }
0xb4: {  	v2 =	vadd.s32 v1, v2  }
0xb5: {  	[tilespmem:$0x110E0] =	vst v2  }
0xb6: {  	v2 =	vld [tilespmem:s1+$0x70];
	_ =	sdelay $0x2  }
.Ltmp7:
0xb7: {  	_ = 	snop;
	(pc) =	sbr.rel .LBB2_2-.Ltmp7, $4  }
0xb8: {  	_ = 	snop  }
0xb9: {  	v2 =	vadd.s32 v1, v2  }
0xba: {  	s24 =	sadd.s32 $0x1, s24;
	[tilespmem:$0x110F0] =	vst v2  }
0xbb: {  	[tilespmem:s18], [sflag:$0x2] =	stream.indirect.gather [hbm4b:s4+s14], $0x100, s17, s14, $0xb8;
	[tilespmem:$0x11100] =	vst v63  }
.LBB2_13:
0xbc: {  	_ =	sfence.sel $0x180000  }
0xbd: {  	[bflag:$0x0] =	sbarrier.arrive $0xFFFF  }
0xbe: {  	_ =	strace $0x90000050  }
0xbf: {  	[bflag:$0x2] =	sbarrier.arrive $0xFFFF  }
0xc0: {  	p0 =	sne.s32 s0, $0x0;
	s0 =	rddreg [dreg:$0x1]  }
0xc1: {  	s0 =	sadd.s32 @!p0 $0x100000, s0  }
0xc2: {  	[sflag:s0] =	ssyncadd.tile.s32 @!p0 $0x1;
	_ =	shalt  }
.Lfunc_end2:
_tile_overlayer_lowered:
.L_overlay_start_2:
0xc3: {  	(tag) =	ssettag $0x2  }
0xc4: {  	s0 =	rddreg [dreg:$0x0];
	s2 =	stileid.u32  }
0xc5: {  	s1 =	rddreg [dreg:$0x1];
	p0 =	sne.s32 s2, $0x0  }
0xc6: {  	s3 =	rddreg [dreg:$0x2];
	[bflag:$0x3] =	sbarrier.arrive $0xFFFF;
	s2 =	simm.s32 @!p0 $0x1C05  }
0xc7: {  	[timem:s3], [sflag:s2] =	dma.local @!p0 [hbm:s0], s1  }
0xc8: {  	s0 =	simm.s32 @!p0 $0x5  }
0xc9: {  	_ =	swait.ge @!p0 [sflag:s0], s1  }
0xca: {  	s1 =	ssub.s32 @!p0 $0x0, s1;
	[sflag:s0] =	ssyncset.done @!p0 $0x0  }
0xcb: {  	[sflag:s0] =	ssyncadd.s32 @!p0 s1  }
0xcc: {  	[bflag:$0x3] =	sbarrier.arrive $0xFFFF  }
0xcd: {  	_ =	shalt  }

</sc_bundles>
